<compile_context>
chip_gen: v7x
topology: tpu7x:2x2x1
jax: 0.10.2.dev20260603
libtpu: 0.0.44.dev20260713+nightly
codegen_flags: <defaults>
</compile_context>

<pallas_src>
import functools

import jax
import jax.numpy as jnp
from jax import lax
from jax.experimental import pallas as pl
from jax.experimental.pallas import tpu as pltpu
from jax.experimental.pallas import tpu_sc as plsc

NA = 5000
NC = 5000
D = 128
TH = 0.045
NP = 5120
ECAP = 196608
NCORE = 2
NSUB = 16
NW = NCORE * NSUB
ETILE = ECAP // NW
GCHUNK = 128
GTILE = ECAP // NSUB
NGCH = GTILE // GCHUNK
SCHUNK = 128
NSCH = ETILE // SCHUNK
NSLOT = 3
ROWS = NP // NSUB
EB = 512

_HIGH = jax.lax.Precision.HIGHEST
_EDGEP = jax.lax.Precision.DEFAULT


def _gn(x, w, b):
    m = jnp.mean(x, axis=1, keepdims=True)
    v = jnp.mean((x - m) ** 2, axis=1, keepdims=True)
    return (x - m) * jax.lax.rsqrt(v + 1e-5) * w + b



def _mask_body(actr_ref, cctr_ref, out_ref):
    ax = actr_ref[:, 0:1]
    ay = actr_ref[:, 1:2]
    cx = cctr_ref[0:1, :]
    cy = cctr_ref[1:2, :]
    dx = ax - cx
    dy = ay - cy
    out_ref[...] = (dx * dx + dy * dy <= TH * TH).astype(jnp.int8)


def _mask_call(actr2, cctr2):
    return pl.pallas_call(
        _mask_body,
        grid=(NP // 256, NP // 512),
        in_specs=[
            pl.BlockSpec((256, 128), lambda i, j: (i, 0)),
            pl.BlockSpec((8, 512), lambda i, j: (0, j)),
        ],
        out_specs=pl.BlockSpec((256, 512), lambda i, j: (i, j)),
        out_shape=jax.ShapeDtypeStruct((NP, NP), jnp.int8),
    )(actr2, cctr2)



def _pre_body(agts_ref, actr_ref, nodes_ref, nctr_ref, wqt_ref, qgw_ref,
              qgb_ref, w1pt_ref, bt_ref, ct_ref, b1_ref,
              ua0_ref, ua1_ref, vc0_ref, vc1_ref):
    agts = agts_ref[...]
    q = jnp.maximum(
        _gn(jnp.dot(agts, wqt_ref[...], precision=_HIGH),
            qgw_ref[...], qgb_ref[...]), 0.0)
    ua0_ref[...] = jnp.dot(actr_ref[...], w1pt_ref[...], precision=_HIGH)
    ua1_ref[...] = jnp.dot(q, bt_ref[...], precision=_HIGH)
    vc0_ref[...] = b1_ref[...] - jnp.dot(nctr_ref[...], w1pt_ref[...],
                                         precision=_HIGH)
    vc1_ref[...] = jnp.dot(nodes_ref[...], ct_ref[...], precision=_HIGH)


def _pre_call(agts, actr2, nodes_p, nctr2, wqt, qgw, qgb, w1pt, bt, ct, b1):
    full = lambda i: (0, 0)
    row = lambda i: (i, 0)
    return pl.pallas_call(
        _pre_body,
        grid=(NP // 512,),
        in_specs=[
            pl.BlockSpec((512, D), row),
            pl.BlockSpec((512, D), row),
            pl.BlockSpec((512, D), row),
            pl.BlockSpec((512, D), row),
            pl.BlockSpec((D, D), full),
            pl.BlockSpec((1, D), full),
            pl.BlockSpec((1, D), full),
            pl.BlockSpec((D, D), full),
            pl.BlockSpec((D, D), full),
            pl.BlockSpec((D, D), full),
            pl.BlockSpec((1, D), full),
        ],
        out_specs=[pl.BlockSpec((512, D), row)] * 4,
        out_shape=[jax.ShapeDtypeStruct((NP, D), jnp.float32)] * 4,
    )(agts, actr2, nodes_p, nctr2, wqt, qgw, qgb, w1pt, bt, ct, b1)



def _sc_gather(ua0, ua1, vc0, vc1, ei2, ej2):
    mesh = plsc.VectorSubcoreMesh(core_axis_name="c", subcore_axis_name="s")

    @functools.partial(
        pl.kernel,
        mesh=mesh,
        name="scgather",
        out_type=jax.ShapeDtypeStruct((4, ECAP, D), jnp.float32),
        scratch_types=[
            pltpu.VMEM((NGCH, GCHUNK), jnp.int32),
            pltpu.VMEM((NGCH, GCHUNK), jnp.int32),
            [pltpu.VMEM((GCHUNK, D), jnp.float32)] * NSLOT,
            pltpu.VMEM_SHARED((NP, D), jnp.float32),
            [pltpu.SemaphoreType.DMA] * NSLOT,
        ],
    )
    def k(ua0_hbm, ua1_hbm, vc0_hbm, vc1_hbm, ei_hbm, ej_hbm, g_hbm,
          ixe, ixj, bufs, tbl, sg):
        cid = lax.axis_index("c")
        sid = lax.axis_index("s")
        rows = pl.ds(sid * ROWS, ROWS)
        pltpu.sync_copy(ei_hbm.at[pl.ds(sid * NGCH, NGCH)], ixe)
        pltpu.sync_copy(ej_hbm.at[pl.ds(sid * NGCH, NGCH)], ixj)
        ebase = sid * GTILE

        for r in range(2):
            src0, src1 = (ua0_hbm, ua1_hbm) if r == 0 else (vc0_hbm, vc1_hbm)
            ix = ixe if r == 0 else ixj
            if r == 1:
                plsc.subcore_barrier()

            @pl.when(cid == 0)
            def _():
                pltpu.sync_copy(src0.at[rows], tbl.at[rows])

            @pl.when(cid == 1)
            def _():
                pltpu.sync_copy(src1.at[rows], tbl.at[rows])

            plsc.subcore_barrier()
            t = 2 * r + cid

            def fire(c, s):
                pltpu.async_copy(tbl.at[ix.at[c]], bufs[s], sg[s])

            def drain(c, s):
                pltpu.make_async_copy(tbl.at[ix.at[c]], bufs[s],
                                      sg[s]).wait()

            for s in range(NSLOT - 1):
                fire(s, s)

            def group(jg, carry):
                for b in range(NSLOT):
                    c = jg * NSLOT + b
                    drain(c, b)
                    pltpu.sync_copy(
                        bufs[b], g_hbm.at[t, pl.ds(ebase + c * GCHUNK,
                                                   GCHUNK)])
                    f = c + (NSLOT - 1)
                    b2 = (b + NSLOT - 1) % NSLOT

                    @pl.when(f < NGCH)
                    def _():
                        fire(f, b2)

                return carry

            lax.fori_loop(0, NGCH // NSLOT, group, 0)

    return k(ua0, ua1, vc0, vc1, ei2, ej2)



def _edge_body(g_ref, w2t_ref, at_ref, c2t_ref, dgw_ref, dgb_ref,
               cgw_ref, cgb_ref, out_ref):
    def part(t):
        return g_ref[t]

    e1 = jnp.maximum(part(0) + part(2), 0.0)
    z = jnp.dot(e1, w2t_ref[...], precision=_EDGEP)
    e2 = jnp.maximum(_gn(z, dgw_ref[...], dgb_ref[...]), 0.0)
    h = jnp.dot(e2, at_ref[...], precision=_EDGEP) + part(1) + part(3)
    cc = jnp.maximum(_gn(h, cgw_ref[...], cgb_ref[...]), 0.0)
    out_ref[...] = jnp.dot(cc, c2t_ref[...], precision=_EDGEP)


def _edge_call(g, w2t, at, c2t, dgw, dgb, cgw, cgb):
    full2 = lambda i: (0, 0)
    return pl.pallas_call(
        _edge_body,
        grid=(ECAP // EB,),
        in_specs=[
            pl.BlockSpec((4, EB, D), lambda i: (0, i, 0)),
            pl.BlockSpec((D, D), full2),
            pl.BlockSpec((D, D), full2),
            pl.BlockSpec((D, D), full2),
            pl.BlockSpec((1, D), full2),
            pl.BlockSpec((1, D), full2),
            pl.BlockSpec((1, D), full2),
            pl.BlockSpec((1, D), full2),
        ],
        out_specs=pl.BlockSpec((EB, D), lambda i: (i, 0)),
        out_shape=jax.ShapeDtypeStruct((ECAP, D), jnp.float32),
    )(g, w2t, at, c2t, dgw, dgb, cgw, cgb)



def _sc_scatter(oute, sidx2, zrows):
    mesh = plsc.VectorSubcoreMesh(core_axis_name="c", subcore_axis_name="s")

    @functools.partial(
        pl.kernel,
        mesh=mesh,
        name="scscatter",
        out_type=jax.ShapeDtypeStruct((NCORE, NP, D), jnp.float32),
        scratch_types=[
            pltpu.VMEM((NSCH, SCHUNK), jnp.int32),
            [pltpu.VMEM((SCHUNK, D), jnp.float32)] * NSLOT,
            pltpu.VMEM_SHARED((NP, D), jnp.float32),
            [pltpu.SemaphoreType.DMA] * NSLOT,
        ],
    )
    def k(oute_hbm, sidx_hbm, zrows_hbm, acc_hbm, ix, buf, shared, sl):
        cid = lax.axis_index("c")
        sid = lax.axis_index("s")
        wid = sid * NCORE + cid
        pltpu.sync_copy(zrows_hbm, shared.at[pl.ds(sid * ROWS, ROWS)])
        pltpu.sync_copy(sidx_hbm.at[pl.ds(wid * NSCH, NSCH)], ix)
        plsc.subcore_barrier()

        ebase = wid * ETILE
        for s in range(NSLOT):
            pltpu.async_copy(oute_hbm.at[pl.ds(ebase + s * SCHUNK, SCHUNK)],
                             buf[s], sl[s])

        def group(jg, carry):
            for b in range(NSLOT):
                c = jg * NSLOT + b
                pltpu.make_async_copy(
                    oute_hbm.at[pl.ds(ebase + c * SCHUNK, SCHUNK)], buf[b],
                    sl[b]).wait()
                pltpu.sync_copy(buf[b], shared.at[ix.at[c]], add=True)
                f = c + NSLOT

                @pl.when(f < NSCH)
                def _():
                    pltpu.async_copy(
                        oute_hbm.at[pl.ds(ebase + f * SCHUNK, SCHUNK)],
                        buf[b], sl[b])

            return carry

        lax.fori_loop(0, NSCH // NSLOT, group, 0)
        plsc.subcore_barrier()
        pltpu.sync_copy(shared.at[pl.ds(sid * ROWS, ROWS)],
                        acc_hbm.at[cid, pl.ds(sid * ROWS, ROWS)])

    return k(oute, sidx2, zrows)



def _post_body(agts_ref, a0_ref, a1_ref, awt_ref, nw_ref, nb_ref, lwt_ref,
               lgw_ref, lgb_ref, out_ref):
    agts = agts_ref[...]
    a = jnp.dot(agts, awt_ref[...], precision=_HIGH) + a0_ref[...] + a1_ref[...]
    a = jnp.maximum(_gn(a, nw_ref[...], nb_ref[...]), 0.0)
    a = _gn(jnp.dot(a, lwt_ref[...], precision=_HIGH), lgw_ref[...],
            lgb_ref[...])
    out_ref[...] = jnp.maximum(a + agts, 0.0)


def _post_call(agts, a0, a1, awt, nw, nb, lwt, lgw, lgb):
    full = lambda i: (0, 0)
    row = lambda i: (i, 0)
    return pl.pallas_call(
        _post_body,
        grid=(NP // 512,),
        in_specs=[
            pl.BlockSpec((512, D), row),
            pl.BlockSpec((512, D), row),
            pl.BlockSpec((512, D), row),
            pl.BlockSpec((D, D), full),
            pl.BlockSpec((1, D), full),
            pl.BlockSpec((1, D), full),
            pl.BlockSpec((D, D), full),
            pl.BlockSpec((1, D), full),
            pl.BlockSpec((1, D), full),
        ],
        out_specs=pl.BlockSpec((512, D), row),
        out_shape=jax.ShapeDtypeStruct((NP, D), jnp.float32),
    )(agts, a0, a1, awt, nw, nb, lwt, lgw, lgb)



def kernel(actors, actor_idcs, actor_ctrs, nodes, node_idcs, node_ctrs,
           params):
    f32 = jnp.float32
    agt_ctrs = actor_ctrs.reshape(-1, 2)
    ctx_ctrs = node_ctrs.reshape(-1, 2)

    actr2 = jnp.full((NP, D), 9.0, f32).at[:NA, :2].set(agt_ctrs)
    actr2 = actr2.at[:NA, 2:].set(0.0)
    cctr2 = jnp.full((8, NP), 9.0, f32).at[:2, :NC].set(ctx_ctrs.T)
    cctr2 = cctr2.at[2:, :].set(0.0)

    mask = _mask_call(actr2, cctr2)
    flat = jnp.nonzero(mask.reshape(-1), size=ECAP,
                       fill_value=NP * NP)[0].astype(jnp.int32)
    valid = flat < NP * NP
    ei = flat // NP
    ej = flat - ei * NP
    ei2 = jnp.where(valid, ei, 0).reshape(ECAP // GCHUNK, GCHUNK)
    ej2 = jnp.where(valid, ej, 0).reshape(ECAP // GCHUNK, GCHUNK)
    sidx2 = jnp.where(valid, ei, NP - 1).reshape(ECAP // SCHUNK, SCHUNK)

    agts = jnp.zeros((NP, D), f32).at[:NA].set(actors)
    nodes_p = jnp.zeros((NP, D), f32).at[:NC].set(nodes)
    nctr2 = jnp.zeros((NP, D), f32).at[:NC, :2].set(ctx_ctrs)
    zrows = jnp.zeros((ROWS, D), f32)

    for i in range(2):
        p = {k: v[i] for k, v in params.items()}
        w1p = jnp.zeros((D, D), f32).at[:, :2].set(p['dist_w1'])
        ua0, ua1, vc0, vc1 = _pre_call(
            agts, actr2, nodes_p, nctr2,
            p['query_w'].T, p['query_gnw'][None], p['query_gnb'][None],
            w1p.T, p['ctx_w1'][:, D:2 * D].T, p['ctx_w1'][:, 2 * D:].T,
            p['dist_b1'][None])
        g = _sc_gather(ua0, ua1, vc0, vc1, ei2, ej2)
        oute = _edge_call(
            g, p['dist_w2'].T, p['ctx_w1'][:, :D].T, p['ctx_w2'].T,
            p['dist_gnw'][None], p['dist_gnb'][None],
            p['ctx_gnw'][None], p['ctx_gnb'][None])
        acc = _sc_scatter(oute, sidx2, zrows)
        agts = _post_call(
            agts, acc[0], acc[1], p['agt_w'].T, p['norm_w'][None],
            p['norm_b'][None], p['lin_w'].T, p['lin_gnw'][None],
            p['lin_gnb'][None])
    return agts[:NA]

# --- scband reference (transcript-rebuilt; emitter-appended) ---
"""Pipeline reference for scband-m2-a-4604204941664 (READ-ONLY COPY).

The authoritative reference and input builder live on the scoring server;
editing this copy changes nothing except your own understanding.
"""

import jax, jax.numpy as jnp
import numpy as np

N_AGT = 5000
N_CTX = 5000
D = 128
DIST_TH = 0.045


def _gn(x, w, b, eps=1e-5):
    # GroupNorm with ng=1 over channel dim of a [N, C] tensor (torch biased var)
    m = x.mean(axis=1, keepdims=True)
    v = ((x - m) ** 2).mean(axis=1, keepdims=True)
    return (x - m) / jnp.sqrt(v + eps) * w + b


def _make_params(key):
    ks = jax.random.split(key, 8)
    def w(k, shape):
        return jax.random.normal(k, shape, dtype=jnp.float32) * 0.02
    ones = jnp.ones((2, D), jnp.float32)
    zeros = jnp.zeros((2, D), jnp.float32)
    return {
        'dist_w1': w(ks[0], (2, D, 2)), 'dist_b1': zeros,
        'dist_w2': w(ks[1], (2, D, D)), 'dist_gnw': ones, 'dist_gnb': zeros,
        'query_w': w(ks[2], (2, D, D)), 'query_gnw': ones, 'query_gnb': zeros,
        'ctx_w1': w(ks[3], (2, D, 3 * D)), 'ctx_gnw': ones, 'ctx_gnb': zeros,
        'ctx_w2': w(ks[4], (2, D, D)),
        'agt_w': w(ks[5], (2, D, D)),
        'norm_w': ones, 'norm_b': zeros,
        'lin_w': w(ks[6], (2, D, D)), 'lin_gnw': ones, 'lin_gnb': zeros,
    }


def _edges(agt_ctrs, ctx_ctrs):
    d = agt_ctrs.reshape(-1, 1, 2) - ctx_ctrs.reshape(1, -1, 2)
    dist = jnp.sqrt((d ** 2).sum(2))
    return dist <= DIST_TH


def _att(agts, agt_ctrs, ctx_feat, ctx_ctrs, mask, p):
    res = agts
    q = jax.nn.relu(_gn(agts @ p['query_w'].T, p['query_gnw'], p['query_gnb']))

    def body(carry, x):
        ctr_i, q_i, m_i = x
        d = ctr_i[None, :] - ctx_ctrs
        d = jax.nn.relu(d @ p['dist_w1'].T + p['dist_b1'])
        d = jax.nn.relu(_gn(d @ p['dist_w2'].T, p['dist_gnw'], p['dist_gnb']))
        qb = jnp.broadcast_to(q_i[None, :], (ctx_feat.shape[0], q_i.shape[0]))
        c = jnp.concatenate([d, qb, ctx_feat], axis=1)
        c = jax.nn.relu(_gn(c @ p['ctx_w1'].T, p['ctx_gnw'], p['ctx_gnb']))
        c = c @ p['ctx_w2'].T
        add_i = jnp.where(m_i[:, None], c, jnp.zeros_like(c)).sum(axis=0)
        return carry, add_i

    _, add = jax.lax.scan(body, None, (agt_ctrs, q, mask))
    a = agts @ p['agt_w'].T + add
    a = jax.nn.relu(_gn(a, p['norm_w'], p['norm_b']))
    a = _gn(a @ p['lin_w'].T, p['lin_gnw'], p['lin_gnb'])
    return jax.nn.relu(a + res)


def setup_inputs(seed: int = 0):
    key = jax.random.key(seed)
    actors = jax.random.normal(jax.random.fold_in(key, 1), (N_AGT, D), dtype=jnp.float32)
    actor_idcs = jnp.arange(N_AGT, dtype=jnp.int32).reshape(1, N_AGT)
    actor_ctrs = jax.random.uniform(jax.random.fold_in(key, 2), (1, N_AGT, 2), dtype=jnp.float32)
    nodes = jax.random.normal(jax.random.fold_in(key, 3), (N_CTX, D), dtype=jnp.float32)
    node_idcs = jnp.arange(N_CTX, dtype=jnp.int32).reshape(1, N_CTX)
    node_ctrs = jax.random.uniform(jax.random.fold_in(key, 4), (1, N_CTX, 2), dtype=jnp.float32)
    params = _make_params(jax.random.fold_in(key, 9))
    return {'actors': actors, 'actor_idcs': actor_idcs, 'actor_ctrs': actor_ctrs,
            'nodes': nodes, 'node_idcs': node_idcs, 'node_ctrs': node_ctrs, 'params': params}


def reference(actors, actor_idcs, actor_ctrs, nodes, node_idcs, node_ctrs, params):
    # batch_size = 1: the list-of-tensors args collapse to their single element
    agt_ctrs = actor_ctrs.reshape(-1, 2)
    ctx_ctrs = node_ctrs.reshape(-1, 2)
    mask = _edges(agt_ctrs, ctx_ctrs)
    agts = actors
    for i in range(2):
        p = {k: v[i] for k, v in params.items()}
        agts = _att(agts, agt_ctrs, nodes, ctx_ctrs, mask, p)
    return agts

if __name__ == "__main__":
    import jax
    _d = setup_inputs()
    print(jax.jit(kernel)(*tuple(_d.values())))

</pallas_src>

<mosaic_0001>
#map = affine_map<(d0, d1) -> (0, 0)>
#map1 = affine_map<(d0, d1) -> (0, 0, 0)>
module attributes {stable_mosaic.version = 14 : i64} {
  func.func @scgather(%arg0: i32, %arg1: i32, %arg2: memref<5120x128xf32, #tpu.memory_space<hbm>>, %arg3: memref<5120x128xf32, #tpu.memory_space<hbm>>, %arg4: memref<5120x128xf32, #tpu.memory_space<hbm>>, %arg5: memref<5120x128xf32, #tpu.memory_space<hbm>>, %arg6: memref<1536x128xi32, #tpu.memory_space<hbm>>, %arg7: memref<1536x128xi32, #tpu.memory_space<hbm>>, %arg8: memref<4x196608x128xf32, #tpu.memory_space<hbm>>, %arg9: memref<96x128xi32, #tpu.memory_space<vmem>>, %arg10: memref<96x128xi32, #tpu.memory_space<vmem>>, %arg11: memref<128x128xf32, #tpu.memory_space<vmem>>, %arg12: memref<128x128xf32, #tpu.memory_space<vmem>>, %arg13: memref<128x128xf32, #tpu.memory_space<vmem>>, %arg14: memref<5120x128xf32, #tpu.memory_space<vmem_shared>>, %arg15: memref<!tpu.dma_semaphore, #tpu.memory_space<semaphore_mem>>, %arg16: memref<!tpu.dma_semaphore, #tpu.memory_space<semaphore_mem>>, %arg17: memref<!tpu.dma_semaphore, #tpu.memory_space<semaphore_mem>>) attributes {dimension_semantics = [#tpu.dimension_semantics<core_parallel>, #tpu.dimension_semantics<subcore_parallel>], iteration_bounds = array<i64: 2, 16>, scalar_prefetch = 0 : i64, scratch_operands = 9 : i64, tpu.core_type = #tpu.core_type<sc_vector_subcore>, window_params = [{transform_indices = #map}, {transform_indices = #map}, {transform_indices = #map}, {transform_indices = #map}, {transform_indices = #map}, {transform_indices = #map}, {transform_indices = #map1}]} {
    %mul3A = arith.constant 320 : i32
    %mul3A_0 = arith.muli %arg1, %mul3A : i32
    %mul3A_1 = arith.constant 96 : i32
    %mul3A_2 = arith.muli %arg1, %mul3A_1 : i32
    "tpu.region"() ({
      %run_scoped3A = tpu.sem_alloc : memref<!tpu.dma_semaphore, #tpu.memory_space<semaphore_mem>>
      %dma_start3A_67 = arith.constant 0 : i32
      %dma_start3A_68 = tpu.memref_slice %arg6[%mul3A_2, %dma_start3A_67] : memref<1536x128xi32, #tpu.memory_space<hbm>> -> memref<96x128xi32, #tpu.memory_space<hbm>>
      %dma_start3A_69 = arith.constant 0 : i32
      %dma_start3A_70 = tpu.memref_slice %arg6[%mul3A_2, %dma_start3A_69] : memref<1536x128xi32, #tpu.memory_space<hbm>> -> memref<96x128xi32, #tpu.memory_space<hbm>>
      tpu.enqueue_dma source(%dma_start3A_70 : memref<96x128xi32, #tpu.memory_space<hbm>>) target(%arg9 : memref<96x128xi32, #tpu.memory_space<vmem>>) target_semaphore(%run_scoped3A : memref<!tpu.dma_semaphore, #tpu.memory_space<semaphore_mem>>)
      %dma_wait3A = arith.constant 0 : i32
      %dma_wait3A_71 = tpu.memref_slice %arg6[%mul3A_2, %dma_wait3A] : memref<1536x128xi32, #tpu.memory_space<hbm>> -> memref<96x128xi32, #tpu.memory_space<hbm>>
      %dma_wait3A_72 = arith.constant 0 : i32
      %dma_wait3A_73 = tpu.memref_slice %arg6[%mul3A_2, %dma_wait3A_72] : memref<1536x128xi32, #tpu.memory_space<hbm>> -> memref<96x128xi32, #tpu.memory_space<hbm>>
      tpu.wait_dma2 semaphore(%run_scoped3A : memref<!tpu.dma_semaphore, #tpu.memory_space<semaphore_mem>>) src(%dma_wait3A_73 : memref<96x128xi32, #tpu.memory_space<hbm>>) dst(%arg9 : memref<96x128xi32, #tpu.memory_space<vmem>>)
      tpu.yield
    }) : () -> ()
    %mul3A_3 = arith.constant 96 : i32
    %mul3A_4 = arith.muli %arg1, %mul3A_3 : i32
    "tpu.region"() ({
      %run_scoped3A = tpu.sem_alloc : memref<!tpu.dma_semaphore, #tpu.memory_space<semaphore_mem>>
      %dma_start3A_67 = arith.constant 0 : i32
      %dma_start3A_68 = tpu.memref_slice %arg7[%mul3A_4, %dma_start3A_67] : memref<1536x128xi32, #tpu.memory_space<hbm>> -> memref<96x128xi32, #tpu.memory_space<hbm>>
      %dma_start3A_69 = arith.constant 0 : i32
      %dma_start3A_70 = tpu.memref_slice %arg7[%mul3A_4, %dma_start3A_69] : memref<1536x128xi32, #tpu.memory_space<hbm>> -> memref<96x128xi32, #tpu.memory_space<hbm>>
      tpu.enqueue_dma source(%dma_start3A_70 : memref<96x128xi32, #tpu.memory_space<hbm>>) target(%arg10 : memref<96x128xi32, #tpu.memory_space<vmem>>) target_semaphore(%run_scoped3A : memref<!tpu.dma_semaphore, #tpu.memory_space<semaphore_mem>>)
      %dma_wait3A = arith.constant 0 : i32
      %dma_wait3A_71 = tpu.memref_slice %arg7[%mul3A_4, %dma_wait3A] : memref<1536x128xi32, #tpu.memory_space<hbm>> -> memref<96x128xi32, #tpu.memory_space<hbm>>
      %dma_wait3A_72 = arith.constant 0 : i32
      %dma_wait3A_73 = tpu.memref_slice %arg7[%mul3A_4, %dma_wait3A_72] : memref<1536x128xi32, #tpu.memory_space<hbm>> -> memref<96x128xi32, #tpu.memory_space<hbm>>
      tpu.wait_dma2 semaphore(%run_scoped3A : memref<!tpu.dma_semaphore, #tpu.memory_space<semaphore_mem>>) src(%dma_wait3A_73 : memref<96x128xi32, #tpu.memory_space<hbm>>) dst(%arg10 : memref<96x128xi32, #tpu.memory_space<vmem>>)
      tpu.yield
    }) : () -> ()
    %mul3A_5 = arith.constant 12288 : i32
    %mul3A_6 = arith.muli %arg1, %mul3A_5 : i32
    %eq3A = arith.constant 0 : i32
    %eq3A_7 = arith.cmpi eq, %arg0, %eq3A : i32
    %convert_element_type3A = arith.extui %eq3A_7 : i1 to i32
    %cond3A = arith.constant 0 : i32
    %cond3A_8 = arith.cmpi ne, %convert_element_type3A, %cond3A : i32
    scf.if %cond3A_8 {
      "tpu.region"() ({
        %run_scoped3A = tpu.sem_alloc : memref<!tpu.dma_semaphore, #tpu.memory_space<semaphore_mem>>
        %dma_start3A_67 = arith.constant 0 : i32
        %dma_start3A_68 = tpu.memref_slice %arg14[%mul3A_0, %dma_start3A_67] : memref<5120x128xf32, #tpu.memory_space<vmem_shared>> -> memref<320x128xf32, #tpu.memory_space<vmem_shared>>
        %dma_start3A_69 = arith.constant 0 : i32
        %dma_start3A_70 = tpu.memref_slice %arg2[%mul3A_0, %dma_start3A_69] : memref<5120x128xf32, #tpu.memory_space<hbm>> -> memref<320x128xf32, #tpu.memory_space<hbm>>
        tpu.enqueue_dma source(%dma_start3A_70 : memref<320x128xf32, #tpu.memory_space<hbm>>) target(%dma_start3A_68 : memref<320x128xf32, #tpu.memory_space<vmem_shared>>) target_semaphore(%run_scoped3A : memref<!tpu.dma_semaphore, #tpu.memory_space<semaphore_mem>>)
        %dma_wait3A = arith.constant 0 : i32
        %dma_wait3A_71 = tpu.memref_slice %arg14[%mul3A_0, %dma_wait3A] : memref<5120x128xf32, #tpu.memory_space<vmem_shared>> -> memref<320x128xf32, #tpu.memory_space<vmem_shared>>
        %dma_wait3A_72 = arith.constant 0 : i32
        %dma_wait3A_73 = tpu.memref_slice %arg2[%mul3A_0, %dma_wait3A_72] : memref<5120x128xf32, #tpu.memory_space<hbm>> -> memref<320x128xf32, #tpu.memory_space<hbm>>
        tpu.wait_dma2 semaphore(%run_scoped3A : memref<!tpu.dma_semaphore, #tpu.memory_space<semaphore_mem>>) src(%dma_wait3A_73 : memref<320x128xf32, #tpu.memory_space<hbm>>) dst(%dma_wait3A_71 : memref<320x128xf32, #tpu.memory_space<vmem_shared>>)
        tpu.yield
      }) : () -> ()
    } else {
    }
    %eq3A_9 = arith.constant 1 : i32
    %eq3A_10 = arith.cmpi eq, %arg0, %eq3A_9 : i32
    %convert_element_type3A_11 = arith.extui %eq3A_10 : i1 to i32
    %cond3A_12 = arith.constant 0 : i32
    %cond3A_13 = arith.cmpi ne, %convert_element_type3A_11, %cond3A_12 : i32
    scf.if %cond3A_13 {
      "tpu.region"() ({
        %run_scoped3A = tpu.sem_alloc : memref<!tpu.dma_semaphore, #tpu.memory_space<semaphore_mem>>
        %dma_start3A_67 = arith.constant 0 : i32
        %dma_start3A_68 = tpu.memref_slice %arg14[%mul3A_0, %dma_start3A_67] : memref<5120x128xf32, #tpu.memory_space<vmem_shared>> -> memref<320x128xf32, #tpu.memory_space<vmem_shared>>
        %dma_start3A_69 = arith.constant 0 : i32
        %dma_start3A_70 = tpu.memref_slice %arg3[%mul3A_0, %dma_start3A_69] : memref<5120x128xf32, #tpu.memory_space<hbm>> -> memref<320x128xf32, #tpu.memory_space<hbm>>
        tpu.enqueue_dma source(%dma_start3A_70 : memref<320x128xf32, #tpu.memory_space<hbm>>) target(%dma_start3A_68 : memref<320x128xf32, #tpu.memory_space<vmem_shared>>) target_semaphore(%run_scoped3A : memref<!tpu.dma_semaphore, #tpu.memory_space<semaphore_mem>>)
        %dma_wait3A = arith.constant 0 : i32
        %dma_wait3A_71 = tpu.memref_slice %arg14[%mul3A_0, %dma_wait3A] : memref<5120x128xf32, #tpu.memory_space<vmem_shared>> -> memref<320x128xf32, #tpu.memory_space<vmem_shared>>
        %dma_wait3A_72 = arith.constant 0 : i32
        %dma_wait3A_73 = tpu.memref_slice %arg3[%mul3A_0, %dma_wait3A_72] : memref<5120x128xf32, #tpu.memory_space<hbm>> -> memref<320x128xf32, #tpu.memory_space<hbm>>
        tpu.wait_dma2 semaphore(%run_scoped3A : memref<!tpu.dma_semaphore, #tpu.memory_space<semaphore_mem>>) src(%dma_wait3A_73 : memref<320x128xf32, #tpu.memory_space<hbm>>) dst(%dma_wait3A_71 : memref<320x128xf32, #tpu.memory_space<vmem_shared>>)
        tpu.yield
      }) : () -> ()
    } else {
    }
    %barrier3A = arith.constant 0 : index
    tpu.barrier barrier_id(%barrier3A)
    %add3A = arith.constant 0 : i32
    %add3A_14 = arith.addi %add3A, %arg0 : i32
    %dma_start3A = arith.constant 0 : i32
    %dma_start3A_15 = arith.constant 0 : i32
    %dma_start3A_16 = tpu.memref_slice %arg9[%dma_start3A, %dma_start3A_15] : memref<96x128xi32, #tpu.memory_space<vmem>> -> memref<1x128xi32, #tpu.memory_space<vmem>>
    %dma_start3A_17 = tpu.memref_squeeze %dma_start3A_16 : memref<1x128xi32, #tpu.memory_space<vmem>> -> memref<128xi32, #tpu.memory_space<vmem>>
    %dma_start3A_18 = arith.constant 0 : i32
    %dma_start3A_19 = arith.constant 0 : i32
    %dma_start3A_20 = tpu.memref_slice %arg14[%dma_start3A_18, %dma_start3A_19] : memref<5120x128xf32, #tpu.memory_space<vmem_shared>> -> memref<5120x128xf32, #tpu.memory_space<vmem_shared>>
    tpu.enqueue_indirect_dma source(%dma_start3A_20 : memref<5120x128xf32, #tpu.memory_space<vmem_shared>>) target(%arg11 : memref<128x128xf32, #tpu.memory_space<vmem>>) offsets(%dma_start3A_17 : memref<128xi32, #tpu.memory_space<vmem>>) semaphore(%arg15 : memref<!tpu.dma_semaphore, #tpu.memory_space<semaphore_mem>>)
    %dma_start3A_21 = arith.constant 1 : i32
    %dma_start3A_22 = arith.constant 0 : i32
    %dma_start3A_23 = tpu.memref_slice %arg9[%dma_start3A_21, %dma_start3A_22] : memref<96x128xi32, #tpu.memory_space<vmem>> -> memref<1x128xi32, #tpu.memory_space<vmem>>
    %dma_start3A_24 = tpu.memref_squeeze %dma_start3A_23 : memref<1x128xi32, #tpu.memory_space<vmem>> -> memref<128xi32, #tpu.memory_space<vmem>>
    %dma_start3A_25 = arith.constant 0 : i32
    %dma_start3A_26 = arith.constant 0 : i32
    %dma_start3A_27 = tpu.memref_slice %arg14[%dma_start3A_25, %dma_start3A_26] : memref<5120x128xf32, #tpu.memory_space<vmem_shared>> -> memref<5120x128xf32, #tpu.memory_space<vmem_shared>>
    tpu.enqueue_indirect_dma source(%dma_start3A_27 : memref<5120x128xf32, #tpu.memory_space<vmem_shared>>) target(%arg12 : memref<128x128xf32, #tpu.memory_space<vmem>>) offsets(%dma_start3A_24 : memref<128xi32, #tpu.memory_space<vmem>>) semaphore(%arg16 : memref<!tpu.dma_semaphore, #tpu.memory_space<semaphore_mem>>)
    %scan3A = arith.constant 0 : i32
    %scan3A_28 = arith.constant 0 : i32
    %scan3A_29 = arith.constant 32 : i32
    %scan3A_30 = arith.addi %scan3A_28, %scan3A_29 : i32
    %scan3A_31 = arith.constant 1 : i32
    scf.for %scan3A_67 = %scan3A_28 to %scan3A_30 step %scan3A_31  : i32 {
      %mul3A_68 = arith.constant 3 : i32
      %mul3A_69 = arith.muli %scan3A_67, %mul3A_68 : i32
      %add3A_70 = arith.constant 0 : i32
      %add3A_71 = arith.addi %mul3A_69, %add3A_70 : i32
      %dma_wait3A = arith.constant 0 : i32
      %dma_wait3A_72 = tpu.memref_slice %arg9[%add3A_71, %dma_wait3A] : memref<96x128xi32, #tpu.memory_space<vmem>> -> memref<1x128xi32, #tpu.memory_space<vmem>>
      %dma_wait3A_73 = tpu.memref_squeeze %dma_wait3A_72 : memref<1x128xi32, #tpu.memory_space<vmem>> -> memref<128xi32, #tpu.memory_space<vmem>>
      %dma_wait3A_74 = arith.constant 0 : i32
      %dma_wait3A_75 = arith.constant 0 : i32
      %dma_wait3A_76 = tpu.memref_slice %arg14[%dma_wait3A_74, %dma_wait3A_75] : memref<5120x128xf32, #tpu.memory_space<vmem_shared>> -> memref<5120x128xf32, #tpu.memory_space<vmem_shared>>
      tpu.wait_indirect_dma semaphore(%arg15 : memref<!tpu.dma_semaphore, #tpu.memory_space<semaphore_mem>>) src(%dma_wait3A_76 : memref<5120x128xf32, #tpu.memory_space<vmem_shared>>) dst(%arg11 : memref<128x128xf32, #tpu.memory_space<vmem>>)
      %mul3A_77 = arith.constant 128 : i32
      %mul3A_78 = arith.muli %add3A_71, %mul3A_77 : i32
      %add3A_79 = arith.addi %mul3A_6, %mul3A_78 : i32
      "tpu.region"() ({
        %run_scoped3A = tpu.sem_alloc : memref<!tpu.dma_semaphore, #tpu.memory_space<semaphore_mem>>
        %dma_start3A_126 = arith.constant 0 : i32
        %dma_start3A_127 = tpu.memref_slice %arg8[%add3A_14, %add3A_79, %dma_start3A_126] : memref<4x196608x128xf32, #tpu.memory_space<hbm>> -> memref<1x128x128xf32, #tpu.memory_space<hbm>>
        %dma_start3A_128 = tpu.memref_squeeze %dma_start3A_127 : memref<1x128x128xf32, #tpu.memory_space<hbm>> -> memref<128x128xf32, #tpu.memory_space<hbm>>
        %dma_start3A_129 = arith.constant 0 : i32
        %dma_start3A_130 = tpu.memref_slice %arg8[%add3A_14, %add3A_79, %dma_start3A_129] : memref<4x196608x128xf32, #tpu.memory_space<hbm>> -> memref<1x128x128xf32, #tpu.memory_space<hbm>>
        %dma_start3A_131 = tpu.memref_squeeze %dma_start3A_130 : memref<1x128x128xf32, #tpu.memory_space<hbm>> -> memref<128x128xf32, #tpu.memory_space<hbm>>
        tpu.enqueue_dma source(%arg11 : memref<128x128xf32, #tpu.memory_space<vmem>>) target(%dma_start3A_131 : memref<128x128xf32, #tpu.memory_space<hbm>>) target_semaphore(%run_scoped3A : memref<!tpu.dma_semaphore, #tpu.memory_space<semaphore_mem>>)
        %dma_wait3A_132 = arith.constant 0 : i32
        %dma_wait3A_133 = tpu.memref_slice %arg8[%add3A_14, %add3A_79, %dma_wait3A_132] : memref<4x196608x128xf32, #tpu.memory_space<hbm>> -> memref<1x128x128xf32, #tpu.memory_space<hbm>>
        %dma_wait3A_134 = tpu.memref_squeeze %dma_wait3A_133 : memref<1x128x128xf32, #tpu.memory_space<hbm>> -> memref<128x128xf32, #tpu.memory_space<hbm>>
        %dma_wait3A_135 = arith.constant 0 : i32
        %dma_wait3A_136 = tpu.memref_slice %arg8[%add3A_14, %add3A_79, %dma_wait3A_135] : memref<4x196608x128xf32, #tpu.memory_space<hbm>> -> memref<1x128x128xf32, #tpu.memory_space<hbm>>
        %dma_wait3A_137 = tpu.memref_squeeze %dma_wait3A_136 : memref<1x128x128xf32, #tpu.memory_space<hbm>> -> memref<128x128xf32, #tpu.memory_space<hbm>>
        tpu.wait_dma2 semaphore(%run_scoped3A : memref<!tpu.dma_semaphore, #tpu.memory_space<semaphore_mem>>) src(%arg11 : memref<128x128xf32, #tpu.memory_space<vmem>>) dst(%dma_wait3A_137 : memref<128x128xf32, #tpu.memory_space<hbm>>)
        tpu.yield
      }) : () -> ()
      %add3A_80 = arith.constant 2 : i32
      %add3A_81 = arith.addi %add3A_71, %add3A_80 : i32
      %lt3A = arith.constant 96 : i32
      %lt3A_82 = arith.cmpi slt, %add3A_81, %lt3A : i32
      %convert_element_type3A_83 = arith.extui %lt3A_82 : i1 to i32
      %cond3A_84 = arith.constant 0 : i32
      %cond3A_85 = arith.cmpi ne, %convert_element_type3A_83, %cond3A_84 : i32
      scf.if %cond3A_85 {
        %dma_start3A_126 = arith.constant 0 : i32
        %dma_start3A_127 = tpu.memref_slice %arg9[%add3A_81, %dma_start3A_126] : memref<96x128xi32, #tpu.memory_space<vmem>> -> memref<1x128xi32, #tpu.memory_space<vmem>>
        %dma_start3A_128 = tpu.memref_squeeze %dma_start3A_127 : memref<1x128xi32, #tpu.memory_space<vmem>> -> memref<128xi32, #tpu.memory_space<vmem>>
        %dma_start3A_129 = arith.constant 0 : i32
        %dma_start3A_130 = arith.constant 0 : i32
        %dma_start3A_131 = tpu.memref_slice %arg14[%dma_start3A_129, %dma_start3A_130] : memref<5120x128xf32, #tpu.memory_space<vmem_shared>> -> memref<5120x128xf32, #tpu.memory_space<vmem_shared>>
        tpu.enqueue_indirect_dma source(%dma_start3A_131 : memref<5120x128xf32, #tpu.memory_space<vmem_shared>>) target(%arg13 : memref<128x128xf32, #tpu.memory_space<vmem>>) offsets(%dma_start3A_128 : memref<128xi32, #tpu.memory_space<vmem>>) semaphore(%arg17 : memref<!tpu.dma_semaphore, #tpu.memory_space<semaphore_mem>>)
      } else {
      }
      %mul3A_86 = arith.constant 3 : i32
      %mul3A_87 = arith.muli %scan3A_67, %mul3A_86 : i32
      %add3A_88 = arith.constant 1 : i32
      %add3A_89 = arith.addi %mul3A_87, %add3A_88 : i32
      %dma_wait3A_90 = arith.constant 0 : i32
      %dma_wait3A_91 = tpu.memref_slice %arg9[%add3A_89, %dma_wait3A_90] : memref<96x128xi32, #tpu.memory_space<vmem>> -> memref<1x128xi32, #tpu.memory_space<vmem>>
      %dma_wait3A_92 = tpu.memref_squeeze %dma_wait3A_91 : memref<1x128xi32, #tpu.memory_space<vmem>> -> memref<128xi32, #tpu.memory_space<vmem>>
      %dma_wait3A_93 = arith.constant 0 : i32
      %dma_wait3A_94 = arith.constant 0 : i32
      %dma_wait3A_95 = tpu.memref_slice %arg14[%dma_wait3A_93, %dma_wait3A_94] : memref<5120x128xf32, #tpu.memory_space<vmem_shared>> -> memref<5120x128xf32, #tpu.memory_space<vmem_shared>>
      tpu.wait_indirect_dma semaphore(%arg16 : memref<!tpu.dma_semaphore, #tpu.memory_space<semaphore_mem>>) src(%dma_wait3A_95 : memref<5120x128xf32, #tpu.memory_space<vmem_shared>>) dst(%arg12 : memref<128x128xf32, #tpu.memory_space<vmem>>)
      %mul3A_96 = arith.constant 128 : i32
      %mul3A_97 = arith.muli %add3A_89, %mul3A_96 : i32
      %add3A_98 = arith.addi %mul3A_6, %mul3A_97 : i32
      "tpu.region"() ({
        %run_scoped3A = tpu.sem_alloc : memref<!tpu.dma_semaphore, #tpu.memory_space<semaphore_mem>>
        %dma_start3A_126 = arith.constant 0 : i32
        %dma_start3A_127 = tpu.memref_slice %arg8[%add3A_14, %add3A_98, %dma_start3A_126] : memref<4x196608x128xf32, #tpu.memory_space<hbm>> -> memref<1x128x128xf32, #tpu.memory_space<hbm>>
        %dma_start3A_128 = tpu.memref_squeeze %dma_start3A_127 : memref<1x128x128xf32, #tpu.memory_space<hbm>> -> memref<128x128xf32, #tpu.memory_space<hbm>>
        %dma_start3A_129 = arith.constant 0 : i32
        %dma_start3A_130 = tpu.memref_slice %arg8[%add3A_14, %add3A_98, %dma_start3A_129] : memref<4x196608x128xf32, #tpu.memory_space<hbm>> -> memref<1x128x128xf32, #tpu.memory_space<hbm>>
        %dma_start3A_131 = tpu.memref_squeeze %dma_start3A_130 : memref<1x128x128xf32, #tpu.memory_space<hbm>> -> memref<128x128xf32, #tpu.memory_space<hbm>>
        tpu.enqueue_dma source(%arg12 : memref<128x128xf32, #tpu.memory_space<vmem>>) target(%dma_start3A_131 : memref<128x128xf32, #tpu.memory_space<hbm>>) target_semaphore(%run_scoped3A : memref<!tpu.dma_semaphore, #tpu.memory_space<semaphore_mem>>)
        %dma_wait3A_132 = arith.constant 0 : i32
        %dma_wait3A_133 = tpu.memref_slice %arg8[%add3A_14, %add3A_98, %dma_wait3A_132] : memref<4x196608x128xf32, #tpu.memory_space<hbm>> -> memref<1x128x128xf32, #tpu.memory_space<hbm>>
        %dma_wait3A_134 = tpu.memref_squeeze %dma_wait3A_133 : memref<1x128x128xf32, #tpu.memory_space<hbm>> -> memref<128x128xf32, #tpu.memory_space<hbm>>
        %dma_wait3A_135 = arith.constant 0 : i32
        %dma_wait3A_136 = tpu.memref_slice %arg8[%add3A_14, %add3A_98, %dma_wait3A_135] : memref<4x196608x128xf32, #tpu.memory_space<hbm>> -> memref<1x128x128xf32, #tpu.memory_space<hbm>>
        %dma_wait3A_137 = tpu.memref_squeeze %dma_wait3A_136 : memref<1x128x128xf32, #tpu.memory_space<hbm>> -> memref<128x128xf32, #tpu.memory_space<hbm>>
        tpu.wait_dma2 semaphore(%run_scoped3A : memref<!tpu.dma_semaphore, #tpu.memory_space<semaphore_mem>>) src(%arg12 : memref<128x128xf32, #tpu.memory_space<vmem>>) dst(%dma_wait3A_137 : memref<128x128xf32, #tpu.memory_space<hbm>>)
        tpu.yield
      }) : () -> ()
      %add3A_99 = arith.constant 2 : i32
      %add3A_100 = arith.addi %add3A_89, %add3A_99 : i32
      %lt3A_101 = arith.constant 96 : i32
      %lt3A_102 = arith.cmpi slt, %add3A_100, %lt3A_101 : i32
      %convert_element_type3A_103 = arith.extui %lt3A_102 : i1 to i32
      %cond3A_104 = arith.constant 0 : i32
      %cond3A_105 = arith.cmpi ne, %convert_element_type3A_103, %cond3A_104 : i32
      scf.if %cond3A_105 {
        %dma_start3A_126 = arith.constant 0 : i32
        %dma_start3A_127 = tpu.memref_slice %arg9[%add3A_100, %dma_start3A_126] : memref<96x128xi32, #tpu.memory_space<vmem>> -> memref<1x128xi32, #tpu.memory_space<vmem>>
        %dma_start3A_128 = tpu.memref_squeeze %dma_start3A_127 : memref<1x128xi32, #tpu.memory_space<vmem>> -> memref<128xi32, #tpu.memory_space<vmem>>
        %dma_start3A_129 = arith.constant 0 : i32
        %dma_start3A_130 = arith.constant 0 : i32
        %dma_start3A_131 = tpu.memref_slice %arg14[%dma_start3A_129, %dma_start3A_130] : memref<5120x128xf32, #tpu.memory_space<vmem_shared>> -> memref<5120x128xf32, #tpu.memory_space<vmem_shared>>
        tpu.enqueue_indirect_dma source(%dma_start3A_131 : memref<5120x128xf32, #tpu.memory_space<vmem_shared>>) target(%arg11 : memref<128x128xf32, #tpu.memory_space<vmem>>) offsets(%dma_start3A_128 : memref<128xi32, #tpu.memory_space<vmem>>) semaphore(%arg15 : memref<!tpu.dma_semaphore, #tpu.memory_space<semaphore_mem>>)
      } else {
      }
      %mul3A_106 = arith.constant 3 : i32
      %mul3A_107 = arith.muli %scan3A_67, %mul3A_106 : i32
      %add3A_108 = arith.constant 2 : i32
      %add3A_109 = arith.addi %mul3A_107, %add3A_108 : i32
      %dma_wait3A_110 = arith.constant 0 : i32
      %dma_wait3A_111 = tpu.memref_slice %arg9[%add3A_109, %dma_wait3A_110] : memref<96x128xi32, #tpu.memory_space<vmem>> -> memref<1x128xi32, #tpu.memory_space<vmem>>
      %dma_wait3A_112 = tpu.memref_squeeze %dma_wait3A_111 : memref<1x128xi32, #tpu.memory_space<vmem>> -> memref<128xi32, #tpu.memory_space<vmem>>
      %dma_wait3A_113 = arith.constant 0 : i32
      %dma_wait3A_114 = arith.constant 0 : i32
      %dma_wait3A_115 = tpu.memref_slice %arg14[%dma_wait3A_113, %dma_wait3A_114] : memref<5120x128xf32, #tpu.memory_space<vmem_shared>> -> memref<5120x128xf32, #tpu.memory_space<vmem_shared>>
      tpu.wait_indirect_dma semaphore(%arg17 : memref<!tpu.dma_semaphore, #tpu.memory_space<semaphore_mem>>) src(%dma_wait3A_115 : memref<5120x128xf32, #tpu.memory_space<vmem_shared>>) dst(%arg13 : memref<128x128xf32, #tpu.memory_space<vmem>>)
      %mul3A_116 = arith.constant 128 : i32
      %mul3A_117 = arith.muli %add3A_109, %mul3A_116 : i32
      %add3A_118 = arith.addi %mul3A_6, %mul3A_117 : i32
      "tpu.region"() ({
        %run_scoped3A = tpu.sem_alloc : memref<!tpu.dma_semaphore, #tpu.memory_space<semaphore_mem>>
        %dma_start3A_126 = arith.constant 0 : i32
        %dma_start3A_127 = tpu.memref_slice %arg8[%add3A_14, %add3A_118, %dma_start3A_126] : memref<4x196608x128xf32, #tpu.memory_space<hbm>> -> memref<1x128x128xf32, #tpu.memory_space<hbm>>
        %dma_start3A_128 = tpu.memref_squeeze %dma_start3A_127 : memref<1x128x128xf32, #tpu.memory_space<hbm>> -> memref<128x128xf32, #tpu.memory_space<hbm>>
        %dma_start3A_129 = arith.constant 0 : i32
        %dma_start3A_130 = tpu.memref_slice %arg8[%add3A_14, %add3A_118, %dma_start3A_129] : memref<4x196608x128xf32, #tpu.memory_space<hbm>> -> memref<1x128x128xf32, #tpu.memory_space<hbm>>
        %dma_start3A_131 = tpu.memref_squeeze %dma_start3A_130 : memref<1x128x128xf32, #tpu.memory_space<hbm>> -> memref<128x128xf32, #tpu.memory_space<hbm>>
        tpu.enqueue_dma source(%arg13 : memref<128x128xf32, #tpu.memory_space<vmem>>) target(%dma_start3A_131 : memref<128x128xf32, #tpu.memory_space<hbm>>) target_semaphore(%run_scoped3A : memref<!tpu.dma_semaphore, #tpu.memory_space<semaphore_mem>>)
        %dma_wait3A_132 = arith.constant 0 : i32
        %dma_wait3A_133 = tpu.memref_slice %arg8[%add3A_14, %add3A_118, %dma_wait3A_132] : memref<4x196608x128xf32, #tpu.memory_space<hbm>> -> memref<1x128x128xf32, #tpu.memory_space<hbm>>
        %dma_wait3A_134 = tpu.memref_squeeze %dma_wait3A_133 : memref<1x128x128xf32, #tpu.memory_space<hbm>> -> memref<128x128xf32, #tpu.memory_space<hbm>>
        %dma_wait3A_135 = arith.constant 0 : i32
        %dma_wait3A_136 = tpu.memref_slice %arg8[%add3A_14, %add3A_118, %dma_wait3A_135] : memref<4x196608x128xf32, #tpu.memory_space<hbm>> -> memref<1x128x128xf32, #tpu.memory_space<hbm>>
        %dma_wait3A_137 = tpu.memref_squeeze %dma_wait3A_136 : memref<1x128x128xf32, #tpu.memory_space<hbm>> -> memref<128x128xf32, #tpu.memory_space<hbm>>
        tpu.wait_dma2 semaphore(%run_scoped3A : memref<!tpu.dma_semaphore, #tpu.memory_space<semaphore_mem>>) src(%arg13 : memref<128x128xf32, #tpu.memory_space<vmem>>) dst(%dma_wait3A_137 : memref<128x128xf32, #tpu.memory_space<hbm>>)
        tpu.yield
      }) : () -> ()
      %add3A_119 = arith.constant 2 : i32
      %add3A_120 = arith.addi %add3A_109, %add3A_119 : i32
      %lt3A_121 = arith.constant 96 : i32
      %lt3A_122 = arith.cmpi slt, %add3A_120, %lt3A_121 : i32
      %convert_element_type3A_123 = arith.extui %lt3A_122 : i1 to i32
      %cond3A_124 = arith.constant 0 : i32
      %cond3A_125 = arith.cmpi ne, %convert_element_type3A_123, %cond3A_124 : i32
      scf.if %cond3A_125 {
        %dma_start3A_126 = arith.constant 0 : i32
        %dma_start3A_127 = tpu.memref_slice %arg9[%add3A_120, %dma_start3A_126] : memref<96x128xi32, #tpu.memory_space<vmem>> -> memref<1x128xi32, #tpu.memory_space<vmem>>
        %dma_start3A_128 = tpu.memref_squeeze %dma_start3A_127 : memref<1x128xi32, #tpu.memory_space<vmem>> -> memref<128xi32, #tpu.memory_space<vmem>>
        %dma_start3A_129 = arith.constant 0 : i32
        %dma_start3A_130 = arith.constant 0 : i32
        %dma_start3A_131 = tpu.memref_slice %arg14[%dma_start3A_129, %dma_start3A_130] : memref<5120x128xf32, #tpu.memory_space<vmem_shared>> -> memref<5120x128xf32, #tpu.memory_space<vmem_shared>>
        tpu.enqueue_indirect_dma source(%dma_start3A_131 : memref<5120x128xf32, #tpu.memory_space<vmem_shared>>) target(%arg12 : memref<128x128xf32, #tpu.memory_space<vmem>>) offsets(%dma_start3A_128 : memref<128xi32, #tpu.memory_space<vmem>>) semaphore(%arg16 : memref<!tpu.dma_semaphore, #tpu.memory_space<semaphore_mem>>)
      } else {
      }
    }
    %scan3A_32 = arith.constant 32 : i32
    %barrier3A_33 = arith.constant 0 : index
    tpu.barrier barrier_id(%barrier3A_33)
    %eq3A_34 = arith.constant 0 : i32
    %eq3A_35 = arith.cmpi eq, %arg0, %eq3A_34 : i32
    %convert_element_type3A_36 = arith.extui %eq3A_35 : i1 to i32
    %cond3A_37 = arith.constant 0 : i32
    %cond3A_38 = arith.cmpi ne, %convert_element_type3A_36, %cond3A_37 : i32
    scf.if %cond3A_38 {
      "tpu.region"() ({
        %run_scoped3A = tpu.sem_alloc : memref<!tpu.dma_semaphore, #tpu.memory_space<semaphore_mem>>
        %dma_start3A_67 = arith.constant 0 : i32
        %dma_start3A_68 = tpu.memref_slice %arg14[%mul3A_0, %dma_start3A_67] : memref<5120x128xf32, #tpu.memory_space<vmem_shared>> -> memref<320x128xf32, #tpu.memory_space<vmem_shared>>
        %dma_start3A_69 = arith.constant 0 : i32
        %dma_start3A_70 = tpu.memref_slice %arg4[%mul3A_0, %dma_start3A_69] : memref<5120x128xf32, #tpu.memory_space<hbm>> -> memref<320x128xf32, #tpu.memory_space<hbm>>
        tpu.enqueue_dma source(%dma_start3A_70 : memref<320x128xf32, #tpu.memory_space<hbm>>) target(%dma_start3A_68 : memref<320x128xf32, #tpu.memory_space<vmem_shared>>) target_semaphore(%run_scoped3A : memref<!tpu.dma_semaphore, #tpu.memory_space<semaphore_mem>>)
        %dma_wait3A = arith.constant 0 : i32
        %dma_wait3A_71 = tpu.memref_slice %arg14[%mul3A_0, %dma_wait3A] : memref<5120x128xf32, #tpu.memory_space<vmem_shared>> -> memref<320x128xf32, #tpu.memory_space<vmem_shared>>
        %dma_wait3A_72 = arith.constant 0 : i32
        %dma_wait3A_73 = tpu.memref_slice %arg4[%mul3A_0, %dma_wait3A_72] : memref<5120x128xf32, #tpu.memory_space<hbm>> -> memref<320x128xf32, #tpu.memory_space<hbm>>
        tpu.wait_dma2 semaphore(%run_scoped3A : memref<!tpu.dma_semaphore, #tpu.memory_space<semaphore_mem>>) src(%dma_wait3A_73 : memref<320x128xf32, #tpu.memory_space<hbm>>) dst(%dma_wait3A_71 : memref<320x128xf32, #tpu.memory_space<vmem_shared>>)
        tpu.yield
      }) : () -> ()
    } else {
    }
    %eq3A_39 = arith.constant 1 : i32
    %eq3A_40 = arith.cmpi eq, %arg0, %eq3A_39 : i32
    %convert_element_type3A_41 = arith.extui %eq3A_40 : i1 to i32
    %cond3A_42 = arith.constant 0 : i32
    %cond3A_43 = arith.cmpi ne, %convert_element_type3A_41, %cond3A_42 : i32
    scf.if %cond3A_43 {
      "tpu.region"() ({
        %run_scoped3A = tpu.sem_alloc : memref<!tpu.dma_semaphore, #tpu.memory_space<semaphore_mem>>
        %dma_start3A_67 = arith.constant 0 : i32
        %dma_start3A_68 = tpu.memref_slice %arg14[%mul3A_0, %dma_start3A_67] : memref<5120x128xf32, #tpu.memory_space<vmem_shared>> -> memref<320x128xf32, #tpu.memory_space<vmem_shared>>
        %dma_start3A_69 = arith.constant 0 : i32
        %dma_start3A_70 = tpu.memref_slice %arg5[%mul3A_0, %dma_start3A_69] : memref<5120x128xf32, #tpu.memory_space<hbm>> -> memref<320x128xf32, #tpu.memory_space<hbm>>
        tpu.enqueue_dma source(%dma_start3A_70 : memref<320x128xf32, #tpu.memory_space<hbm>>) target(%dma_start3A_68 : memref<320x128xf32, #tpu.memory_space<vmem_shared>>) target_semaphore(%run_scoped3A : memref<!tpu.dma_semaphore, #tpu.memory_space<semaphore_mem>>)
        %dma_wait3A = arith.constant 0 : i32
        %dma_wait3A_71 = tpu.memref_slice %arg14[%mul3A_0, %dma_wait3A] : memref<5120x128xf32, #tpu.memory_space<vmem_shared>> -> memref<320x128xf32, #tpu.memory_space<vmem_shared>>
        %dma_wait3A_72 = arith.constant 0 : i32
        %dma_wait3A_73 = tpu.memref_slice %arg5[%mul3A_0, %dma_wait3A_72] : memref<5120x128xf32, #tpu.memory_space<hbm>> -> memref<320x128xf32, #tpu.memory_space<hbm>>
        tpu.wait_dma2 semaphore(%run_scoped3A : memref<!tpu.dma_semaphore, #tpu.memory_space<semaphore_mem>>) src(%dma_wait3A_73 : memref<320x128xf32, #tpu.memory_space<hbm>>) dst(%dma_wait3A_71 : memref<320x128xf32, #tpu.memory_space<vmem_shared>>)
        tpu.yield
      }) : () -> ()
    } else {
    }
    %barrier3A_44 = arith.constant 0 : index
    tpu.barrier barrier_id(%barrier3A_44)
    %add3A_45 = arith.constant 2 : i32
    %add3A_46 = arith.addi %add3A_45, %arg0 : i32
    %dma_start3A_47 = arith.constant 0 : i32
    %dma_start3A_48 = arith.constant 0 : i32
    %dma_start3A_49 = tpu.memref_slice %arg10[%dma_start3A_47, %dma_start3A_48] : memref<96x128xi32, #tpu.memory_space<vmem>> -> memref<1x128xi32, #tpu.memory_space<vmem>>
    %dma_start3A_50 = tpu.memref_squeeze %dma_start3A_49 : memref<1x128xi32, #tpu.memory_space<vmem>> -> memref<128xi32, #tpu.memory_space<vmem>>
    %dma_start3A_51 = arith.constant 0 : i32
    %dma_start3A_52 = arith.constant 0 : i32
    %dma_start3A_53 = tpu.memref_slice %arg14[%dma_start3A_51, %dma_start3A_52] : memref<5120x128xf32, #tpu.memory_space<vmem_shared>> -> memref<5120x128xf32, #tpu.memory_space<vmem_shared>>
    tpu.enqueue_indirect_dma source(%dma_start3A_53 : memref<5120x128xf32, #tpu.memory_space<vmem_shared>>) target(%arg11 : memref<128x128xf32, #tpu.memory_space<vmem>>) offsets(%dma_start3A_50 : memref<128xi32, #tpu.memory_space<vmem>>) semaphore(%arg15 : memref<!tpu.dma_semaphore, #tpu.memory_space<semaphore_mem>>)
    %dma_start3A_54 = arith.constant 1 : i32
    %dma_start3A_55 = arith.constant 0 : i32
    %dma_start3A_56 = tpu.memref_slice %arg10[%dma_start3A_54, %dma_start3A_55] : memref<96x128xi32, #tpu.memory_space<vmem>> -> memref<1x128xi32, #tpu.memory_space<vmem>>
    %dma_start3A_57 = tpu.memref_squeeze %dma_start3A_56 : memref<1x128xi32, #tpu.memory_space<vmem>> -> memref<128xi32, #tpu.memory_space<vmem>>
    %dma_start3A_58 = arith.constant 0 : i32
    %dma_start3A_59 = arith.constant 0 : i32
    %dma_start3A_60 = tpu.memref_slice %arg14[%dma_start3A_58, %dma_start3A_59] : memref<5120x128xf32, #tpu.memory_space<vmem_shared>> -> memref<5120x128xf32, #tpu.memory_space<vmem_shared>>
    tpu.enqueue_indirect_dma source(%dma_start3A_60 : memref<5120x128xf32, #tpu.memory_space<vmem_shared>>) target(%arg12 : memref<128x128xf32, #tpu.memory_space<vmem>>) offsets(%dma_start3A_57 : memref<128xi32, #tpu.memory_space<vmem>>) semaphore(%arg16 : memref<!tpu.dma_semaphore, #tpu.memory_space<semaphore_mem>>)
    %scan3A_61 = arith.constant 0 : i32
    %scan3A_62 = arith.constant 0 : i32
    %scan3A_63 = arith.constant 32 : i32
    %scan3A_64 = arith.addi %scan3A_62, %scan3A_63 : i32
    %scan3A_65 = arith.constant 1 : i32
    scf.for %scan3A_67 = %scan3A_62 to %scan3A_64 step %scan3A_65  : i32 {
      %mul3A_68 = arith.constant 3 : i32
      %mul3A_69 = arith.muli %scan3A_67, %mul3A_68 : i32
      %add3A_70 = arith.constant 0 : i32
      %add3A_71 = arith.addi %mul3A_69, %add3A_70 : i32
      %dma_wait3A = arith.constant 0 : i32
      %dma_wait3A_72 = tpu.memref_slice %arg10[%add3A_71, %dma_wait3A] : memref<96x128xi32, #tpu.memory_space<vmem>> -> memref<1x128xi32, #tpu.memory_space<vmem>>
      %dma_wait3A_73 = tpu.memref_squeeze %dma_wait3A_72 : memref<1x128xi32, #tpu.memory_space<vmem>> -> memref<128xi32, #tpu.memory_space<vmem>>
      %dma_wait3A_74 = arith.constant 0 : i32
      %dma_wait3A_75 = arith.constant 0 : i32
      %dma_wait3A_76 = tpu.memref_slice %arg14[%dma_wait3A_74, %dma_wait3A_75] : memref<5120x128xf32, #tpu.memory_space<vmem_shared>> -> memref<5120x128xf32, #tpu.memory_space<vmem_shared>>
      tpu.wait_indirect_dma semaphore(%arg15 : memref<!tpu.dma_semaphore, #tpu.memory_space<semaphore_mem>>) src(%dma_wait3A_76 : memref<5120x128xf32, #tpu.memory_space<vmem_shared>>) dst(%arg11 : memref<128x128xf32, #tpu.memory_space<vmem>>)
      %mul3A_77 = arith.constant 128 : i32
      %mul3A_78 = arith.muli %add3A_71, %mul3A_77 : i32
      %add3A_79 = arith.addi %mul3A_6, %mul3A_78 : i32
      "tpu.region"() ({
        %run_scoped3A = tpu.sem_alloc : memref<!tpu.dma_semaphore, #tpu.memory_space<semaphore_mem>>
        %dma_start3A_126 = arith.constant 0 : i32
        %dma_start3A_127 = tpu.memref_slice %arg8[%add3A_46, %add3A_79, %dma_start3A_126] : memref<4x196608x128xf32, #tpu.memory_space<hbm>> -> memref<1x128x128xf32, #tpu.memory_space<hbm>>
        %dma_start3A_128 = tpu.memref_squeeze %dma_start3A_127 : memref<1x128x128xf32, #tpu.memory_space<hbm>> -> memref<128x128xf32, #tpu.memory_space<hbm>>
        %dma_start3A_129 = arith.constant 0 : i32
        %dma_start3A_130 = tpu.memref_slice %arg8[%add3A_46, %add3A_79, %dma_start3A_129] : memref<4x196608x128xf32, #tpu.memory_space<hbm>> -> memref<1x128x128xf32, #tpu.memory_space<hbm>>
        %dma_start3A_131 = tpu.memref_squeeze %dma_start3A_130 : memref<1x128x128xf32, #tpu.memory_space<hbm>> -> memref<128x128xf32, #tpu.memory_space<hbm>>
        tpu.enqueue_dma source(%arg11 : memref<128x128xf32, #tpu.memory_space<vmem>>) target(%dma_start3A_131 : memref<128x128xf32, #tpu.memory_space<hbm>>) target_semaphore(%run_scoped3A : memref<!tpu.dma_semaphore, #tpu.memory_space<semaphore_mem>>)
        %dma_wait3A_132 = arith.constant 0 : i32
        %dma_wait3A_133 = tpu.memref_slice %arg8[%add3A_46, %add3A_79, %dma_wait3A_132] : memref<4x196608x128xf32, #tpu.memory_space<hbm>> -> memref<1x128x128xf32, #tpu.memory_space<hbm>>
        %dma_wait3A_134 = tpu.memref_squeeze %dma_wait3A_133 : memref<1x128x128xf32, #tpu.memory_space<hbm>> -> memref<128x128xf32, #tpu.memory_space<hbm>>
        %dma_wait3A_135 = arith.constant 0 : i32
        %dma_wait3A_136 = tpu.memref_slice %arg8[%add3A_46, %add3A_79, %dma_wait3A_135] : memref<4x196608x128xf32, #tpu.memory_space<hbm>> -> memref<1x128x128xf32, #tpu.memory_space<hbm>>
        %dma_wait3A_137 = tpu.memref_squeeze %dma_wait3A_136 : memref<1x128x128xf32, #tpu.memory_space<hbm>> -> memref<128x128xf32, #tpu.memory_space<hbm>>
        tpu.wait_dma2 semaphore(%run_scoped3A : memref<!tpu.dma_semaphore, #tpu.memory_space<semaphore_mem>>) src(%arg11 : memref<128x128xf32, #tpu.memory_space<vmem>>) dst(%dma_wait3A_137 : memref<128x128xf32, #tpu.memory_space<hbm>>)
        tpu.yield
      }) : () -> ()
      %add3A_80 = arith.constant 2 : i32
      %add3A_81 = arith.addi %add3A_71, %add3A_80 : i32
      %lt3A = arith.constant 96 : i32
      %lt3A_82 = arith.cmpi slt, %add3A_81, %lt3A : i32
      %convert_element_type3A_83 = arith.extui %lt3A_82 : i1 to i32
      %cond3A_84 = arith.constant 0 : i32
      %cond3A_85 = arith.cmpi ne, %convert_element_type3A_83, %cond3A_84 : i32
      scf.if %cond3A_85 {
        %dma_start3A_126 = arith.constant 0 : i32
        %dma_start3A_127 = tpu.memref_slice %arg10[%add3A_81, %dma_start3A_126] : memref<96x128xi32, #tpu.memory_space<vmem>> -> memref<1x128xi32, #tpu.memory_space<vmem>>
        %dma_start3A_128 = tpu.memref_squeeze %dma_start3A_127 : memref<1x128xi32, #tpu.memory_space<vmem>> -> memref<128xi32, #tpu.memory_space<vmem>>
        %dma_start3A_129 = arith.constant 0 : i32
        %dma_start3A_130 = arith.constant 0 : i32
        %dma_start3A_131 = tpu.memref_slice %arg14[%dma_start3A_129, %dma_start3A_130] : memref<5120x128xf32, #tpu.memory_space<vmem_shared>> -> memref<5120x128xf32, #tpu.memory_space<vmem_shared>>
        tpu.enqueue_indirect_dma source(%dma_start3A_131 : memref<5120x128xf32, #tpu.memory_space<vmem_shared>>) target(%arg13 : memref<128x128xf32, #tpu.memory_space<vmem>>) offsets(%dma_start3A_128 : memref<128xi32, #tpu.memory_space<vmem>>) semaphore(%arg17 : memref<!tpu.dma_semaphore, #tpu.memory_space<semaphore_mem>>)
      } else {
      }
      %mul3A_86 = arith.constant 3 : i32
      %mul3A_87 = arith.muli %scan3A_67, %mul3A_86 : i32
      %add3A_88 = arith.constant 1 : i32
      %add3A_89 = arith.addi %mul3A_87, %add3A_88 : i32
      %dma_wait3A_90 = arith.constant 0 : i32
      %dma_wait3A_91 = tpu.memref_slice %arg10[%add3A_89, %dma_wait3A_90] : memref<96x128xi32, #tpu.memory_space<vmem>> -> memref<1x128xi32, #tpu.memory_space<vmem>>
      %dma_wait3A_92 = tpu.memref_squeeze %dma_wait3A_91 : memref<1x128xi32, #tpu.memory_space<vmem>> -> memref<128xi32, #tpu.memory_space<vmem>>
      %dma_wait3A_93 = arith.constant 0 : i32
      %dma_wait3A_94 = arith.constant 0 : i32
      %dma_wait3A_95 = tpu.memref_slice %arg14[%dma_wait3A_93, %dma_wait3A_94] : memref<5120x128xf32, #tpu.memory_space<vmem_shared>> -> memref<5120x128xf32, #tpu.memory_space<vmem_shared>>
      tpu.wait_indirect_dma semaphore(%arg16 : memref<!tpu.dma_semaphore, #tpu.memory_space<semaphore_mem>>) src(%dma_wait3A_95 : memref<5120x128xf32, #tpu.memory_space<vmem_shared>>) dst(%arg12 : memref<128x128xf32, #tpu.memory_space<vmem>>)
      %mul3A_96 = arith.constant 128 : i32
      %mul3A_97 = arith.muli %add3A_89, %mul3A_96 : i32
      %add3A_98 = arith.addi %mul3A_6, %mul3A_97 : i32
      "tpu.region"() ({
        %run_scoped3A = tpu.sem_alloc : memref<!tpu.dma_semaphore, #tpu.memory_space<semaphore_mem>>
        %dma_start3A_126 = arith.constant 0 : i32
        %dma_start3A_127 = tpu.memref_slice %arg8[%add3A_46, %add3A_98, %dma_start3A_126] : memref<4x196608x128xf32, #tpu.memory_space<hbm>> -> memref<1x128x128xf32, #tpu.memory_space<hbm>>
        %dma_start3A_128 = tpu.memref_squeeze %dma_start3A_127 : memref<1x128x128xf32, #tpu.memory_space<hbm>> -> memref<128x128xf32, #tpu.memory_space<hbm>>
        %dma_start3A_129 = arith.constant 0 : i32
        %dma_start3A_130 = tpu.memref_slice %arg8[%add3A_46, %add3A_98, %dma_start3A_129] : memref<4x196608x128xf32, #tpu.memory_space<hbm>> -> memref<1x128x128xf32, #tpu.memory_space<hbm>>
        %dma_start3A_131 = tpu.memref_squeeze %dma_start3A_130 : memref<1x128x128xf32, #tpu.memory_space<hbm>> -> memref<128x128xf32, #tpu.memory_space<hbm>>
        tpu.enqueue_dma source(%arg12 : memref<128x128xf32, #tpu.memory_space<vmem>>) target(%dma_start3A_131 : memref<128x128xf32, #tpu.memory_space<hbm>>) target_semaphore(%run_scoped3A : memref<!tpu.dma_semaphore, #tpu.memory_space<semaphore_mem>>)
        %dma_wait3A_132 = arith.constant 0 : i32
        %dma_wait3A_133 = tpu.memref_slice %arg8[%add3A_46, %add3A_98, %dma_wait3A_132] : memref<4x196608x128xf32, #tpu.memory_space<hbm>> -> memref<1x128x128xf32, #tpu.memory_space<hbm>>
        %dma_wait3A_134 = tpu.memref_squeeze %dma_wait3A_133 : memref<1x128x128xf32, #tpu.memory_space<hbm>> -> memref<128x128xf32, #tpu.memory_space<hbm>>
        %dma_wait3A_135 = arith.constant 0 : i32
        %dma_wait3A_136 = tpu.memref_slice %arg8[%add3A_46, %add3A_98, %dma_wait3A_135] : memref<4x196608x128xf32, #tpu.memory_space<hbm>> -> memref<1x128x128xf32, #tpu.memory_space<hbm>>
        %dma_wait3A_137 = tpu.memref_squeeze %dma_wait3A_136 : memref<1x128x128xf32, #tpu.memory_space<hbm>> -> memref<128x128xf32, #tpu.memory_space<hbm>>
        tpu.wait_dma2 semaphore(%run_scoped3A : memref<!tpu.dma_semaphore, #tpu.memory_space<semaphore_mem>>) src(%arg12 : memref<128x128xf32, #tpu.memory_space<vmem>>) dst(%dma_wait3A_137 : memref<128x128xf32, #tpu.memory_space<hbm>>)
        tpu.yield
      }) : () -> ()
      %add3A_99 = arith.constant 2 : i32
      %add3A_100 = arith.addi %add3A_89, %add3A_99 : i32
      %lt3A_101 = arith.constant 96 : i32
      %lt3A_102 = arith.cmpi slt, %add3A_100, %lt3A_101 : i32
      %convert_element_type3A_103 = arith.extui %lt3A_102 : i1 to i32
      %cond3A_104 = arith.constant 0 : i32
      %cond3A_105 = arith.cmpi ne, %convert_element_type3A_103, %cond3A_104 : i32
      scf.if %cond3A_105 {
        %dma_start3A_126 = arith.constant 0 : i32
        %dma_start3A_127 = tpu.memref_slice %arg10[%add3A_100, %dma_start3A_126] : memref<96x128xi32, #tpu.memory_space<vmem>> -> memref<1x128xi32, #tpu.memory_space<vmem>>
        %dma_start3A_128 = tpu.memref_squeeze %dma_start3A_127 : memref<1x128xi32, #tpu.memory_space<vmem>> -> memref<128xi32, #tpu.memory_space<vmem>>
        %dma_start3A_129 = arith.constant 0 : i32
        %dma_start3A_130 = arith.constant 0 : i32
        %dma_start3A_131 = tpu.memref_slice %arg14[%dma_start3A_129, %dma_start3A_130] : memref<5120x128xf32, #tpu.memory_space<vmem_shared>> -> memref<5120x128xf32, #tpu.memory_space<vmem_shared>>
        tpu.enqueue_indirect_dma source(%dma_start3A_131 : memref<5120x128xf32, #tpu.memory_space<vmem_shared>>) target(%arg11 : memref<128x128xf32, #tpu.memory_space<vmem>>) offsets(%dma_start3A_128 : memref<128xi32, #tpu.memory_space<vmem>>) semaphore(%arg15 : memref<!tpu.dma_semaphore, #tpu.memory_space<semaphore_mem>>)
      } else {
      }
      %mul3A_106 = arith.constant 3 : i32
      %mul3A_107 = arith.muli %scan3A_67, %mul3A_106 : i32
      %add3A_108 = arith.constant 2 : i32
      %add3A_109 = arith.addi %mul3A_107, %add3A_108 : i32
      %dma_wait3A_110 = arith.constant 0 : i32
      %dma_wait3A_111 = tpu.memref_slice %arg10[%add3A_109, %dma_wait3A_110] : memref<96x128xi32, #tpu.memory_space<vmem>> -> memref<1x128xi32, #tpu.memory_space<vmem>>
      %dma_wait3A_112 = tpu.memref_squeeze %dma_wait3A_111 : memref<1x128xi32, #tpu.memory_space<vmem>> -> memref<128xi32, #tpu.memory_space<vmem>>
      %dma_wait3A_113 = arith.constant 0 : i32
      %dma_wait3A_114 = arith.constant 0 : i32
      %dma_wait3A_115 = tpu.memref_slice %arg14[%dma_wait3A_113, %dma_wait3A_114] : memref<5120x128xf32, #tpu.memory_space<vmem_shared>> -> memref<5120x128xf32, #tpu.memory_space<vmem_shared>>
      tpu.wait_indirect_dma semaphore(%arg17 : memref<!tpu.dma_semaphore, #tpu.memory_space<semaphore_mem>>) src(%dma_wait3A_115 : memref<5120x128xf32, #tpu.memory_space<vmem_shared>>) dst(%arg13 : memref<128x128xf32, #tpu.memory_space<vmem>>)
      %mul3A_116 = arith.constant 128 : i32
      %mul3A_117 = arith.muli %add3A_109, %mul3A_116 : i32
      %add3A_118 = arith.addi %mul3A_6, %mul3A_117 : i32
      "tpu.region"() ({
        %run_scoped3A = tpu.sem_alloc : memref<!tpu.dma_semaphore, #tpu.memory_space<semaphore_mem>>
        %dma_start3A_126 = arith.constant 0 : i32
        %dma_start3A_127 = tpu.memref_slice %arg8[%add3A_46, %add3A_118, %dma_start3A_126] : memref<4x196608x128xf32, #tpu.memory_space<hbm>> -> memref<1x128x128xf32, #tpu.memory_space<hbm>>
        %dma_start3A_128 = tpu.memref_squeeze %dma_start3A_127 : memref<1x128x128xf32, #tpu.memory_space<hbm>> -> memref<128x128xf32, #tpu.memory_space<hbm>>
        %dma_start3A_129 = arith.constant 0 : i32
        %dma_start3A_130 = tpu.memref_slice %arg8[%add3A_46, %add3A_118, %dma_start3A_129] : memref<4x196608x128xf32, #tpu.memory_space<hbm>> -> memref<1x128x128xf32, #tpu.memory_space<hbm>>
        %dma_start3A_131 = tpu.memref_squeeze %dma_start3A_130 : memref<1x128x128xf32, #tpu.memory_space<hbm>> -> memref<128x128xf32, #tpu.memory_space<hbm>>
        tpu.enqueue_dma source(%arg13 : memref<128x128xf32, #tpu.memory_space<vmem>>) target(%dma_start3A_131 : memref<128x128xf32, #tpu.memory_space<hbm>>) target_semaphore(%run_scoped3A : memref<!tpu.dma_semaphore, #tpu.memory_space<semaphore_mem>>)
        %dma_wait3A_132 = arith.constant 0 : i32
        %dma_wait3A_133 = tpu.memref_slice %arg8[%add3A_46, %add3A_118, %dma_wait3A_132] : memref<4x196608x128xf32, #tpu.memory_space<hbm>> -> memref<1x128x128xf32, #tpu.memory_space<hbm>>
        %dma_wait3A_134 = tpu.memref_squeeze %dma_wait3A_133 : memref<1x128x128xf32, #tpu.memory_space<hbm>> -> memref<128x128xf32, #tpu.memory_space<hbm>>
        %dma_wait3A_135 = arith.constant 0 : i32
        %dma_wait3A_136 = tpu.memref_slice %arg8[%add3A_46, %add3A_118, %dma_wait3A_135] : memref<4x196608x128xf32, #tpu.memory_space<hbm>> -> memref<1x128x128xf32, #tpu.memory_space<hbm>>
        %dma_wait3A_137 = tpu.memref_squeeze %dma_wait3A_136 : memref<1x128x128xf32, #tpu.memory_space<hbm>> -> memref<128x128xf32, #tpu.memory_space<hbm>>
        tpu.wait_dma2 semaphore(%run_scoped3A : memref<!tpu.dma_semaphore, #tpu.memory_space<semaphore_mem>>) src(%arg13 : memref<128x128xf32, #tpu.memory_space<vmem>>) dst(%dma_wait3A_137 : memref<128x128xf32, #tpu.memory_space<hbm>>)
        tpu.yield
      }) : () -> ()
      %add3A_119 = arith.constant 2 : i32
      %add3A_120 = arith.addi %add3A_109, %add3A_119 : i32
      %lt3A_121 = arith.constant 96 : i32
      %lt3A_122 = arith.cmpi slt, %add3A_120, %lt3A_121 : i32
      %convert_element_type3A_123 = arith.extui %lt3A_122 : i1 to i32
      %cond3A_124 = arith.constant 0 : i32
      %cond3A_125 = arith.cmpi ne, %convert_element_type3A_123, %cond3A_124 : i32
      scf.if %cond3A_125 {
        %dma_start3A_126 = arith.constant 0 : i32
        %dma_start3A_127 = tpu.memref_slice %arg10[%add3A_120, %dma_start3A_126] : memref<96x128xi32, #tpu.memory_space<vmem>> -> memref<1x128xi32, #tpu.memory_space<vmem>>
        %dma_start3A_128 = tpu.memref_squeeze %dma_start3A_127 : memref<1x128xi32, #tpu.memory_space<vmem>> -> memref<128xi32, #tpu.memory_space<vmem>>
        %dma_start3A_129 = arith.constant 0 : i32
        %dma_start3A_130 = arith.constant 0 : i32
        %dma_start3A_131 = tpu.memref_slice %arg14[%dma_start3A_129, %dma_start3A_130] : memref<5120x128xf32, #tpu.memory_space<vmem_shared>> -> memref<5120x128xf32, #tpu.memory_space<vmem_shared>>
        tpu.enqueue_indirect_dma source(%dma_start3A_131 : memref<5120x128xf32, #tpu.memory_space<vmem_shared>>) target(%arg12 : memref<128x128xf32, #tpu.memory_space<vmem>>) offsets(%dma_start3A_128 : memref<128xi32, #tpu.memory_space<vmem>>) semaphore(%arg16 : memref<!tpu.dma_semaphore, #tpu.memory_space<semaphore_mem>>)
      } else {
      }
    }
    %scan3A_66 = arith.constant 32 : i32
    return
  }
}

#map = affine_map<(d0, d1) -> (0, 0)>
#map1 = affine_map<(d0, d1) -> (0, 0, 0)>
module attributes {stable_mosaic.version = 14 : i64} {
  func.func @scgather(%arg0: i32, %arg1: i32, %arg2: memref<5120x128xf32, #tpu.memory_space<hbm>>, %arg3: memref<5120x128xf32, #tpu.memory_space<hbm>>, %arg4: memref<5120x128xf32, #tpu.memory_space<hbm>>, %arg5: memref<5120x128xf32, #tpu.memory_space<hbm>>, %arg6: memref<1536x128xi32, #tpu.memory_space<hbm>>, %arg7: memref<1536x128xi32, #tpu.memory_space<hbm>>, %arg8: memref<4x196608x128xf32, #tpu.memory_space<hbm>>, %arg9: memref<96x128xi32, #tpu.memory_space<vmem>>, %arg10: memref<96x128xi32, #tpu.memory_space<vmem>>, %arg11: memref<128x128xf32, #tpu.memory_space<vmem>>, %arg12: memref<128x128xf32, #tpu.memory_space<vmem>>, %arg13: memref<128x128xf32, #tpu.memory_space<vmem>>, %arg14: memref<5120x128xf32, #tpu.memory_space<vmem_shared>>, %arg15: memref<!tpu.dma_semaphore, #tpu.memory_space<semaphore_mem>>, %arg16: memref<!tpu.dma_semaphore, #tpu.memory_space<semaphore_mem>>, %arg17: memref<!tpu.dma_semaphore, #tpu.memory_space<semaphore_mem>>) attributes {dimension_semantics = [#tpu.dimension_semantics<core_parallel>, #tpu.dimension_semantics<subcore_parallel>], iteration_bounds = array<i64: 2, 16>, scalar_prefetch = 0 : i64, scratch_operands = 9 : i64, tpu.core_type = #tpu.core_type<sc_vector_subcore>, window_params = [{transform_indices = #map}, {transform_indices = #map}, {transform_indices = #map}, {transform_indices = #map}, {transform_indices = #map}, {transform_indices = #map}, {transform_indices = #map1}]} {
    %mul3A = arith.constant 320 : i32
    %mul3A_0 = arith.muli %arg1, %mul3A : i32
    %mul3A_1 = arith.constant 96 : i32
    %mul3A_2 = arith.muli %arg1, %mul3A_1 : i32
    "tpu.region"() ({
      %run_scoped3A = tpu.sem_alloc : memref<!tpu.dma_semaphore, #tpu.memory_space<semaphore_mem>>
      %dma_start3A_67 = arith.constant 0 : i32
      %dma_start3A_68 = tpu.memref_slice %arg6[%mul3A_2, %dma_start3A_67] : memref<1536x128xi32, #tpu.memory_space<hbm>> -> memref<96x128xi32, #tpu.memory_space<hbm>>
      %dma_start3A_69 = arith.constant 0 : i32
      %dma_start3A_70 = tpu.memref_slice %arg6[%mul3A_2, %dma_start3A_69] : memref<1536x128xi32, #tpu.memory_space<hbm>> -> memref<96x128xi32, #tpu.memory_space<hbm>>
      tpu.enqueue_dma source(%dma_start3A_70 : memref<96x128xi32, #tpu.memory_space<hbm>>) target(%arg9 : memref<96x128xi32, #tpu.memory_space<vmem>>) target_semaphore(%run_scoped3A : memref<!tpu.dma_semaphore, #tpu.memory_space<semaphore_mem>>)
      %dma_wait3A = arith.constant 0 : i32
      %dma_wait3A_71 = tpu.memref_slice %arg6[%mul3A_2, %dma_wait3A] : memref<1536x128xi32, #tpu.memory_space<hbm>> -> memref<96x128xi32, #tpu.memory_space<hbm>>
      %dma_wait3A_72 = arith.constant 0 : i32
      %dma_wait3A_73 = tpu.memref_slice %arg6[%mul3A_2, %dma_wait3A_72] : memref<1536x128xi32, #tpu.memory_space<hbm>> -> memref<96x128xi32, #tpu.memory_space<hbm>>
      tpu.wait_dma2 semaphore(%run_scoped3A : memref<!tpu.dma_semaphore, #tpu.memory_space<semaphore_mem>>) src(%dma_wait3A_73 : memref<96x128xi32, #tpu.memory_space<hbm>>) dst(%arg9 : memref<96x128xi32, #tpu.memory_space<vmem>>)
      tpu.yield
    }) : () -> ()
    %mul3A_3 = arith.constant 96 : i32
    %mul3A_4 = arith.muli %arg1, %mul3A_3 : i32
    "tpu.region"() ({
      %run_scoped3A = tpu.sem_alloc : memref<!tpu.dma_semaphore, #tpu.memory_space<semaphore_mem>>
      %dma_start3A_67 = arith.constant 0 : i32
      %dma_start3A_68 = tpu.memref_slice %arg7[%mul3A_4, %dma_start3A_67] : memref<1536x128xi32, #tpu.memory_space<hbm>> -> memref<96x128xi32, #tpu.memory_space<hbm>>
      %dma_start3A_69 = arith.constant 0 : i32
      %dma_start3A_70 = tpu.memref_slice %arg7[%mul3A_4, %dma_start3A_69] : memref<1536x128xi32, #tpu.memory_space<hbm>> -> memref<96x128xi32, #tpu.memory_space<hbm>>
      tpu.enqueue_dma source(%dma_start3A_70 : memref<96x128xi32, #tpu.memory_space<hbm>>) target(%arg10 : memref<96x128xi32, #tpu.memory_space<vmem>>) target_semaphore(%run_scoped3A : memref<!tpu.dma_semaphore, #tpu.memory_space<semaphore_mem>>)
      %dma_wait3A = arith.constant 0 : i32
      %dma_wait3A_71 = tpu.memref_slice %arg7[%mul3A_4, %dma_wait3A] : memref<1536x128xi32, #tpu.memory_space<hbm>> -> memref<96x128xi32, #tpu.memory_space<hbm>>
      %dma_wait3A_72 = arith.constant 0 : i32
      %dma_wait3A_73 = tpu.memref_slice %arg7[%mul3A_4, %dma_wait3A_72] : memref<1536x128xi32, #tpu.memory_space<hbm>> -> memref<96x128xi32, #tpu.memory_space<hbm>>
      tpu.wait_dma2 semaphore(%run_scoped3A : memref<!tpu.dma_semaphore, #tpu.memory_space<semaphore_mem>>) src(%dma_wait3A_73 : memref<96x128xi32, #tpu.memory_space<hbm>>) dst(%arg10 : memref<96x128xi32, #tpu.memory_space<vmem>>)
      tpu.yield
    }) : () -> ()
    %mul3A_5 = arith.constant 12288 : i32
    %mul3A_6 = arith.muli %arg1, %mul3A_5 : i32
    %eq3A = arith.constant 0 : i32
    %eq3A_7 = arith.cmpi eq, %arg0, %eq3A : i32
    %convert_element_type3A = arith.extui %eq3A_7 : i1 to i32
    %cond3A = arith.constant 0 : i32
    %cond3A_8 = arith.cmpi ne, %convert_element_type3A, %cond3A : i32
    scf.if %cond3A_8 {
      "tpu.region"() ({
        %run_scoped3A = tpu.sem_alloc : memref<!tpu.dma_semaphore, #tpu.memory_space<semaphore_mem>>
        %dma_start3A_67 = arith.constant 0 : i32
        %dma_start3A_68 = tpu.memref_slice %arg14[%mul3A_0, %dma_start3A_67] : memref<5120x128xf32, #tpu.memory_space<vmem_shared>> -> memref<320x128xf32, #tpu.memory_space<vmem_shared>>
        %dma_start3A_69 = arith.constant 0 : i32
        %dma_start3A_70 = tpu.memref_slice %arg2[%mul3A_0, %dma_start3A_69] : memref<5120x128xf32, #tpu.memory_space<hbm>> -> memref<320x128xf32, #tpu.memory_space<hbm>>
        tpu.enqueue_dma source(%dma_start3A_70 : memref<320x128xf32, #tpu.memory_space<hbm>>) target(%dma_start3A_68 : memref<320x128xf32, #tpu.memory_space<vmem_shared>>) target_semaphore(%run_scoped3A : memref<!tpu.dma_semaphore, #tpu.memory_space<semaphore_mem>>)
        %dma_wait3A = arith.constant 0 : i32
        %dma_wait3A_71 = tpu.memref_slice %arg14[%mul3A_0, %dma_wait3A] : memref<5120x128xf32, #tpu.memory_space<vmem_shared>> -> memref<320x128xf32, #tpu.memory_space<vmem_shared>>
        %dma_wait3A_72 = arith.constant 0 : i32
        %dma_wait3A_73 = tpu.memref_slice %arg2[%mul3A_0, %dma_wait3A_72] : memref<5120x128xf32, #tpu.memory_space<hbm>> -> memref<320x128xf32, #tpu.memory_space<hbm>>
        tpu.wait_dma2 semaphore(%run_scoped3A : memref<!tpu.dma_semaphore, #tpu.memory_space<semaphore_mem>>) src(%dma_wait3A_73 : memref<320x128xf32, #tpu.memory_space<hbm>>) dst(%dma_wait3A_71 : memref<320x128xf32, #tpu.memory_space<vmem_shared>>)
        tpu.yield
      }) : () -> ()
    } else {
    }
    %eq3A_9 = arith.constant 1 : i32
    %eq3A_10 = arith.cmpi eq, %arg0, %eq3A_9 : i32
    %convert_element_type3A_11 = arith.extui %eq3A_10 : i1 to i32
    %cond3A_12 = arith.constant 0 : i32
    %cond3A_13 = arith.cmpi ne, %convert_element_type3A_11, %cond3A_12 : i32
    scf.if %cond3A_13 {
      "tpu.region"() ({
        %run_scoped3A = tpu.sem_alloc : memref<!tpu.dma_semaphore, #tpu.memory_space<semaphore_mem>>
        %dma_start3A_67 = arith.constant 0 : i32
        %dma_start3A_68 = tpu.memref_slice %arg14[%mul3A_0, %dma_start3A_67] : memref<5120x128xf32, #tpu.memory_space<vmem_shared>> -> memref<320x128xf32, #tpu.memory_space<vmem_shared>>
        %dma_start3A_69 = arith.constant 0 : i32
        %dma_start3A_70 = tpu.memref_slice %arg3[%mul3A_0, %dma_start3A_69] : memref<5120x128xf32, #tpu.memory_space<hbm>> -> memref<320x128xf32, #tpu.memory_space<hbm>>
        tpu.enqueue_dma source(%dma_start3A_70 : memref<320x128xf32, #tpu.memory_space<hbm>>) target(%dma_start3A_68 : memref<320x128xf32, #tpu.memory_space<vmem_shared>>) target_semaphore(%run_scoped3A : memref<!tpu.dma_semaphore, #tpu.memory_space<semaphore_mem>>)
        %dma_wait3A = arith.constant 0 : i32
        %dma_wait3A_71 = tpu.memref_slice %arg14[%mul3A_0, %dma_wait3A] : memref<5120x128xf32, #tpu.memory_space<vmem_shared>> -> memref<320x128xf32, #tpu.memory_space<vmem_shared>>
        %dma_wait3A_72 = arith.constant 0 : i32
        %dma_wait3A_73 = tpu.memref_slice %arg3[%mul3A_0, %dma_wait3A_72] : memref<5120x128xf32, #tpu.memory_space<hbm>> -> memref<320x128xf32, #tpu.memory_space<hbm>>
        tpu.wait_dma2 semaphore(%run_scoped3A : memref<!tpu.dma_semaphore, #tpu.memory_space<semaphore_mem>>) src(%dma_wait3A_73 : memref<320x128xf32, #tpu.memory_space<hbm>>) dst(%dma_wait3A_71 : memref<320x128xf32, #tpu.memory_space<vmem_shared>>)
        tpu.yield
      }) : () -> ()
    } else {
    }
    %barrier3A = arith.constant 0 : index
    tpu.barrier barrier_id(%barrier3A)
    %add3A = arith.constant 0 : i32
    %add3A_14 = arith.addi %add3A, %arg0 : i32
    %dma_start3A = arith.constant 0 : i32
    %dma_start3A_15 = arith.constant 0 : i32
    %dma_start3A_16 = tpu.memref_slice %arg9[%dma_start3A, %dma_start3A_15] : memref<96x128xi32, #tpu.memory_space<vmem>> -> memref<1x128xi32, #tpu.memory_space<vmem>>
    %dma_start3A_17 = tpu.memref_squeeze %dma_start3A_16 : memref<1x128xi32, #tpu.memory_space<vmem>> -> memref<128xi32, #tpu.memory_space<vmem>>
    %dma_start3A_18 = arith.constant 0 : i32
    %dma_start3A_19 = arith.constant 0 : i32
    %dma_start3A_20 = tpu.memref_slice %arg14[%dma_start3A_18, %dma_start3A_19] : memref<5120x128xf32, #tpu.memory_space<vmem_shared>> -> memref<5120x128xf32, #tpu.memory_space<vmem_shared>>
    tpu.enqueue_indirect_dma source(%dma_start3A_20 : memref<5120x128xf32, #tpu.memory_space<vmem_shared>>) target(%arg11 : memref<128x128xf32, #tpu.memory_space<vmem>>) offsets(%dma_start3A_17 : memref<128xi32, #tpu.memory_space<vmem>>) semaphore(%arg15 : memref<!tpu.dma_semaphore, #tpu.memory_space<semaphore_mem>>)
    %dma_start3A_21 = arith.constant 1 : i32
    %dma_start3A_22 = arith.constant 0 : i32
    %dma_start3A_23 = tpu.memref_slice %arg9[%dma_start3A_21, %dma_start3A_22] : memref<96x128xi32, #tpu.memory_space<vmem>> -> memref<1x128xi32, #tpu.memory_space<vmem>>
    %dma_start3A_24 = tpu.memref_squeeze %dma_start3A_23 : memref<1x128xi32, #tpu.memory_space<vmem>> -> memref<128xi32, #tpu.memory_space<vmem>>
    %dma_start3A_25 = arith.constant 0 : i32
    %dma_start3A_26 = arith.constant 0 : i32
    %dma_start3A_27 = tpu.memref_slice %arg14[%dma_start3A_25, %dma_start3A_26] : memref<5120x128xf32, #tpu.memory_space<vmem_shared>> -> memref<5120x128xf32, #tpu.memory_space<vmem_shared>>
    tpu.enqueue_indirect_dma source(%dma_start3A_27 : memref<5120x128xf32, #tpu.memory_space<vmem_shared>>) target(%arg12 : memref<128x128xf32, #tpu.memory_space<vmem>>) offsets(%dma_start3A_24 : memref<128xi32, #tpu.memory_space<vmem>>) semaphore(%arg16 : memref<!tpu.dma_semaphore, #tpu.memory_space<semaphore_mem>>)
    %scan3A = arith.constant 0 : i32
    %scan3A_28 = arith.constant 0 : i32
    %scan3A_29 = arith.constant 32 : i32
    %scan3A_30 = arith.addi %scan3A_28, %scan3A_29 : i32
    %scan3A_31 = arith.constant 1 : i32
    scf.for %scan3A_67 = %scan3A_28 to %scan3A_30 step %scan3A_31  : i32 {
      %mul3A_68 = arith.constant 3 : i32
      %mul3A_69 = arith.muli %scan3A_67, %mul3A_68 : i32
      %add3A_70 = arith.constant 0 : i32
      %add3A_71 = arith.addi %mul3A_69, %add3A_70 : i32
      %dma_wait3A = arith.constant 0 : i32
      %dma_wait3A_72 = tpu.memref_slice %arg9[%add3A_71, %dma_wait3A] : memref<96x128xi32, #tpu.memory_space<vmem>> -> memref<1x128xi32, #tpu.memory_space<vmem>>
      %dma_wait3A_73 = tpu.memref_squeeze %dma_wait3A_72 : memref<1x128xi32, #tpu.memory_space<vmem>> -> memref<128xi32, #tpu.memory_space<vmem>>
      %dma_wait3A_74 = arith.constant 0 : i32
      %dma_wait3A_75 = arith.constant 0 : i32
      %dma_wait3A_76 = tpu.memref_slice %arg14[%dma_wait3A_74, %dma_wait3A_75] : memref<5120x128xf32, #tpu.memory_space<vmem_shared>> -> memref<5120x128xf32, #tpu.memory_space<vmem_shared>>
      tpu.wait_indirect_dma semaphore(%arg15 : memref<!tpu.dma_semaphore, #tpu.memory_space<semaphore_mem>>) src(%dma_wait3A_76 : memref<5120x128xf32, #tpu.memory_space<vmem_shared>>) dst(%arg11 : memref<128x128xf32, #tpu.memory_space<vmem>>)
      %mul3A_77 = arith.constant 128 : i32
      %mul3A_78 = arith.muli %add3A_71, %mul3A_77 : i32
      %add3A_79 = arith.addi %mul3A_6, %mul3A_78 : i32
      "tpu.region"() ({
        %run_scoped3A = tpu.sem_alloc : memref<!tpu.dma_semaphore, #tpu.memory_space<semaphore_mem>>
        %dma_start3A_126 = arith.constant 0 : i32
        %dma_start3A_127 = tpu.memref_slice %arg8[%add3A_14, %add3A_79, %dma_start3A_126] : memref<4x196608x128xf32, #tpu.memory_space<hbm>> -> memref<1x128x128xf32, #tpu.memory_space<hbm>>
        %dma_start3A_128 = tpu.memref_squeeze %dma_start3A_127 : memref<1x128x128xf32, #tpu.memory_space<hbm>> -> memref<128x128xf32, #tpu.memory_space<hbm>>
        %dma_start3A_129 = arith.constant 0 : i32
        %dma_start3A_130 = tpu.memref_slice %arg8[%add3A_14, %add3A_79, %dma_start3A_129] : memref<4x196608x128xf32, #tpu.memory_space<hbm>> -> memref<1x128x128xf32, #tpu.memory_space<hbm>>
        %dma_start3A_131 = tpu.memref_squeeze %dma_start3A_130 : memref<1x128x128xf32, #tpu.memory_space<hbm>> -> memref<128x128xf32, #tpu.memory_space<hbm>>
        tpu.enqueue_dma source(%arg11 : memref<128x128xf32, #tpu.memory_space<vmem>>) target(%dma_start3A_131 : memref<128x128xf32, #tpu.memory_space<hbm>>) target_semaphore(%run_scoped3A : memref<!tpu.dma_semaphore, #tpu.memory_space<semaphore_mem>>)
        %dma_wait3A_132 = arith.constant 0 : i32
        %dma_wait3A_133 = tpu.memref_slice %arg8[%add3A_14, %add3A_79, %dma_wait3A_132] : memref<4x196608x128xf32, #tpu.memory_space<hbm>> -> memref<1x128x128xf32, #tpu.memory_space<hbm>>
        %dma_wait3A_134 = tpu.memref_squeeze %dma_wait3A_133 : memref<1x128x128xf32, #tpu.memory_space<hbm>> -> memref<128x128xf32, #tpu.memory_space<hbm>>
        %dma_wait3A_135 = arith.constant 0 : i32
        %dma_wait3A_136 = tpu.memref_slice %arg8[%add3A_14, %add3A_79, %dma_wait3A_135] : memref<4x196608x128xf32, #tpu.memory_space<hbm>> -> memref<1x128x128xf32, #tpu.memory_space<hbm>>
        %dma_wait3A_137 = tpu.memref_squeeze %dma_wait3A_136 : memref<1x128x128xf32, #tpu.memory_space<hbm>> -> memref<128x128xf32, #tpu.memory_space<hbm>>
        tpu.wait_dma2 semaphore(%run_scoped3A : memref<!tpu.dma_semaphore, #tpu.memory_space<semaphore_mem>>) src(%arg11 : memref<128x128xf32, #tpu.memory_space<vmem>>) dst(%dma_wait3A_137 : memref<128x128xf32, #tpu.memory_space<hbm>>)
        tpu.yield
      }) : () -> ()
      %add3A_80 = arith.constant 2 : i32
      %add3A_81 = arith.addi %add3A_71, %add3A_80 : i32
      %lt3A = arith.constant 96 : i32
      %lt3A_82 = arith.cmpi slt, %add3A_81, %lt3A : i32
      %convert_element_type3A_83 = arith.extui %lt3A_82 : i1 to i32
      %cond3A_84 = arith.constant 0 : i32
      %cond3A_85 = arith.cmpi ne, %convert_element_type3A_83, %cond3A_84 : i32
      scf.if %cond3A_85 {
        %dma_start3A_126 = arith.constant 0 : i32
        %dma_start3A_127 = tpu.memref_slice %arg9[%add3A_81, %dma_start3A_126] : memref<96x128xi32, #tpu.memory_space<vmem>> -> memref<1x128xi32, #tpu.memory_space<vmem>>
        %dma_start3A_128 = tpu.memref_squeeze %dma_start3A_127 : memref<1x128xi32, #tpu.memory_space<vmem>> -> memref<128xi32, #tpu.memory_space<vmem>>
        %dma_start3A_129 = arith.constant 0 : i32
        %dma_start3A_130 = arith.constant 0 : i32
        %dma_start3A_131 = tpu.memref_slice %arg14[%dma_start3A_129, %dma_start3A_130] : memref<5120x128xf32, #tpu.memory_space<vmem_shared>> -> memref<5120x128xf32, #tpu.memory_space<vmem_shared>>
        tpu.enqueue_indirect_dma source(%dma_start3A_131 : memref<5120x128xf32, #tpu.memory_space<vmem_shared>>) target(%arg13 : memref<128x128xf32, #tpu.memory_space<vmem>>) offsets(%dma_start3A_128 : memref<128xi32, #tpu.memory_space<vmem>>) semaphore(%arg17 : memref<!tpu.dma_semaphore, #tpu.memory_space<semaphore_mem>>)
      } else {
      }
      %mul3A_86 = arith.constant 3 : i32
      %mul3A_87 = arith.muli %scan3A_67, %mul3A_86 : i32
      %add3A_88 = arith.constant 1 : i32
      %add3A_89 = arith.addi %mul3A_87, %add3A_88 : i32
      %dma_wait3A_90 = arith.constant 0 : i32
      %dma_wait3A_91 = tpu.memref_slice %arg9[%add3A_89, %dma_wait3A_90] : memref<96x128xi32, #tpu.memory_space<vmem>> -> memref<1x128xi32, #tpu.memory_space<vmem>>
      %dma_wait3A_92 = tpu.memref_squeeze %dma_wait3A_91 : memref<1x128xi32, #tpu.memory_space<vmem>> -> memref<128xi32, #tpu.memory_space<vmem>>
      %dma_wait3A_93 = arith.constant 0 : i32
      %dma_wait3A_94 = arith.constant 0 : i32
      %dma_wait3A_95 = tpu.memref_slice %arg14[%dma_wait3A_93, %dma_wait3A_94] : memref<5120x128xf32, #tpu.memory_space<vmem_shared>> -> memref<5120x128xf32, #tpu.memory_space<vmem_shared>>
      tpu.wait_indirect_dma semaphore(%arg16 : memref<!tpu.dma_semaphore, #tpu.memory_space<semaphore_mem>>) src(%dma_wait3A_95 : memref<5120x128xf32, #tpu.memory_space<vmem_shared>>) dst(%arg12 : memref<128x128xf32, #tpu.memory_space<vmem>>)
      %mul3A_96 = arith.constant 128 : i32
      %mul3A_97 = arith.muli %add3A_89, %mul3A_96 : i32
      %add3A_98 = arith.addi %mul3A_6, %mul3A_97 : i32
      "tpu.region"() ({
        %run_scoped3A = tpu.sem_alloc : memref<!tpu.dma_semaphore, #tpu.memory_space<semaphore_mem>>
        %dma_start3A_126 = arith.constant 0 : i32
        %dma_start3A_127 = tpu.memref_slice %arg8[%add3A_14, %add3A_98, %dma_start3A_126] : memref<4x196608x128xf32, #tpu.memory_space<hbm>> -> memref<1x128x128xf32, #tpu.memory_space<hbm>>
        %dma_start3A_128 = tpu.memref_squeeze %dma_start3A_127 : memref<1x128x128xf32, #tpu.memory_space<hbm>> -> memref<128x128xf32, #tpu.memory_space<hbm>>
        %dma_start3A_129 = arith.constant 0 : i32
        %dma_start3A_130 = tpu.memref_slice %arg8[%add3A_14, %add3A_98, %dma_start3A_129] : memref<4x196608x128xf32, #tpu.memory_space<hbm>> -> memref<1x128x128xf32, #tpu.memory_space<hbm>>
        %dma_start3A_131 = tpu.memref_squeeze %dma_start3A_130 : memref<1x128x128xf32, #tpu.memory_space<hbm>> -> memref<128x128xf32, #tpu.memory_space<hbm>>
        tpu.enqueue_dma source(%arg12 : memref<128x128xf32, #tpu.memory_space<vmem>>) target(%dma_start3A_131 : memref<128x128xf32, #tpu.memory_space<hbm>>) target_semaphore(%run_scoped3A : memref<!tpu.dma_semaphore, #tpu.memory_space<semaphore_mem>>)
        %dma_wait3A_132 = arith.constant 0 : i32
        %dma_wait3A_133 = tpu.memref_slice %arg8[%add3A_14, %add3A_98, %dma_wait3A_132] : memref<4x196608x128xf32, #tpu.memory_space<hbm>> -> memref<1x128x128xf32, #tpu.memory_space<hbm>>
        %dma_wait3A_134 = tpu.memref_squeeze %dma_wait3A_133 : memref<1x128x128xf32, #tpu.memory_space<hbm>> -> memref<128x128xf32, #tpu.memory_space<hbm>>
        %dma_wait3A_135 = arith.constant 0 : i32
        %dma_wait3A_136 = tpu.memref_slice %arg8[%add3A_14, %add3A_98, %dma_wait3A_135] : memref<4x196608x128xf32, #tpu.memory_space<hbm>> -> memref<1x128x128xf32, #tpu.memory_space<hbm>>
        %dma_wait3A_137 = tpu.memref_squeeze %dma_wait3A_136 : memref<1x128x128xf32, #tpu.memory_space<hbm>> -> memref<128x128xf32, #tpu.memory_space<hbm>>
        tpu.wait_dma2 semaphore(%run_scoped3A : memref<!tpu.dma_semaphore, #tpu.memory_space<semaphore_mem>>) src(%arg12 : memref<128x128xf32, #tpu.memory_space<vmem>>) dst(%dma_wait3A_137 : memref<128x128xf32, #tpu.memory_space<hbm>>)
        tpu.yield
      }) : () -> ()
      %add3A_99 = arith.constant 2 : i32
      %add3A_100 = arith.addi %add3A_89, %add3A_99 : i32
      %lt3A_101 = arith.constant 96 : i32
      %lt3A_102 = arith.cmpi slt, %add3A_100, %lt3A_101 : i32
      %convert_element_type3A_103 = arith.extui %lt3A_102 : i1 to i32
      %cond3A_104 = arith.constant 0 : i32
      %cond3A_105 = arith.cmpi ne, %convert_element_type3A_103, %cond3A_104 : i32
      scf.if %cond3A_105 {
        %dma_start3A_126 = arith.constant 0 : i32
        %dma_start3A_127 = tpu.memref_slice %arg9[%add3A_100, %dma_start3A_126] : memref<96x128xi32, #tpu.memory_space<vmem>> -> memref<1x128xi32, #tpu.memory_space<vmem>>
        %dma_start3A_128 = tpu.memref_squeeze %dma_start3A_127 : memref<1x128xi32, #tpu.memory_space<vmem>> -> memref<128xi32, #tpu.memory_space<vmem>>
        %dma_start3A_129 = arith.constant 0 : i32
        %dma_start3A_130 = arith.constant 0 : i32
        %dma_start3A_131 = tpu.memref_slice %arg14[%dma_start3A_129, %dma_start3A_130] : memref<5120x128xf32, #tpu.memory_space<vmem_shared>> -> memref<5120x128xf32, #tpu.memory_space<vmem_shared>>
        tpu.enqueue_indirect_dma source(%dma_start3A_131 : memref<5120x128xf32, #tpu.memory_space<vmem_shared>>) target(%arg11 : memref<128x128xf32, #tpu.memory_space<vmem>>) offsets(%dma_start3A_128 : memref<128xi32, #tpu.memory_space<vmem>>) semaphore(%arg15 : memref<!tpu.dma_semaphore, #tpu.memory_space<semaphore_mem>>)
      } else {
      }
      %mul3A_106 = arith.constant 3 : i32
      %mul3A_107 = arith.muli %scan3A_67, %mul3A_106 : i32
      %add3A_108 = arith.constant 2 : i32
      %add3A_109 = arith.addi %mul3A_107, %add3A_108 : i32
      %dma_wait3A_110 = arith.constant 0 : i32
      %dma_wait3A_111 = tpu.memref_slice %arg9[%add3A_109, %dma_wait3A_110] : memref<96x128xi32, #tpu.memory_space<vmem>> -> memref<1x128xi32, #tpu.memory_space<vmem>>
      %dma_wait3A_112 = tpu.memref_squeeze %dma_wait3A_111 : memref<1x128xi32, #tpu.memory_space<vmem>> -> memref<128xi32, #tpu.memory_space<vmem>>
      %dma_wait3A_113 = arith.constant 0 : i32
      %dma_wait3A_114 = arith.constant 0 : i32
      %dma_wait3A_115 = tpu.memref_slice %arg14[%dma_wait3A_113, %dma_wait3A_114] : memref<5120x128xf32, #tpu.memory_space<vmem_shared>> -> memref<5120x128xf32, #tpu.memory_space<vmem_shared>>
      tpu.wait_indirect_dma semaphore(%arg17 : memref<!tpu.dma_semaphore, #tpu.memory_space<semaphore_mem>>) src(%dma_wait3A_115 : memref<5120x128xf32, #tpu.memory_space<vmem_shared>>) dst(%arg13 : memref<128x128xf32, #tpu.memory_space<vmem>>)
      %mul3A_116 = arith.constant 128 : i32
      %mul3A_117 = arith.muli %add3A_109, %mul3A_116 : i32
      %add3A_118 = arith.addi %mul3A_6, %mul3A_117 : i32
      "tpu.region"() ({
        %run_scoped3A = tpu.sem_alloc : memref<!tpu.dma_semaphore, #tpu.memory_space<semaphore_mem>>
        %dma_start3A_126 = arith.constant 0 : i32
        %dma_start3A_127 = tpu.memref_slice %arg8[%add3A_14, %add3A_118, %dma_start3A_126] : memref<4x196608x128xf32, #tpu.memory_space<hbm>> -> memref<1x128x128xf32, #tpu.memory_space<hbm>>
        %dma_start3A_128 = tpu.memref_squeeze %dma_start3A_127 : memref<1x128x128xf32, #tpu.memory_space<hbm>> -> memref<128x128xf32, #tpu.memory_space<hbm>>
        %dma_start3A_129 = arith.constant 0 : i32
        %dma_start3A_130 = tpu.memref_slice %arg8[%add3A_14, %add3A_118, %dma_start3A_129] : memref<4x196608x128xf32, #tpu.memory_space<hbm>> -> memref<1x128x128xf32, #tpu.memory_space<hbm>>
        %dma_start3A_131 = tpu.memref_squeeze %dma_start3A_130 : memref<1x128x128xf32, #tpu.memory_space<hbm>> -> memref<128x128xf32, #tpu.memory_space<hbm>>
        tpu.enqueue_dma source(%arg13 : memref<128x128xf32, #tpu.memory_space<vmem>>) target(%dma_start3A_131 : memref<128x128xf32, #tpu.memory_space<hbm>>) target_semaphore(%run_scoped3A : memref<!tpu.dma_semaphore, #tpu.memory_space<semaphore_mem>>)
        %dma_wait3A_132 = arith.constant 0 : i32
        %dma_wait3A_133 = tpu.memref_slice %arg8[%add3A_14, %add3A_118, %dma_wait3A_132] : memref<4x196608x128xf32, #tpu.memory_space<hbm>> -> memref<1x128x128xf32, #tpu.memory_space<hbm>>
        %dma_wait3A_134 = tpu.memref_squeeze %dma_wait3A_133 : memref<1x128x128xf32, #tpu.memory_space<hbm>> -> memref<128x128xf32, #tpu.memory_space<hbm>>
        %dma_wait3A_135 = arith.constant 0 : i32
        %dma_wait3A_136 = tpu.memref_slice %arg8[%add3A_14, %add3A_118, %dma_wait3A_135] : memref<4x196608x128xf32, #tpu.memory_space<hbm>> -> memref<1x128x128xf32, #tpu.memory_space<hbm>>
        %dma_wait3A_137 = tpu.memref_squeeze %dma_wait3A_136 : memref<1x128x128xf32, #tpu.memory_space<hbm>> -> memref<128x128xf32, #tpu.memory_space<hbm>>
        tpu.wait_dma2 semaphore(%run_scoped3A : memref<!tpu.dma_semaphore, #tpu.memory_space<semaphore_mem>>) src(%arg13 : memref<128x128xf32, #tpu.memory_space<vmem>>) dst(%dma_wait3A_137 : memref<128x128xf32, #tpu.memory_space<hbm>>)
        tpu.yield
      }) : () -> ()
      %add3A_119 = arith.constant 2 : i32
      %add3A_120 = arith.addi %add3A_109, %add3A_119 : i32
      %lt3A_121 = arith.constant 96 : i32
      %lt3A_122 = arith.cmpi slt, %add3A_120, %lt3A_121 : i32
      %convert_element_type3A_123 = arith.extui %lt3A_122 : i1 to i32
      %cond3A_124 = arith.constant 0 : i32
      %cond3A_125 = arith.cmpi ne, %convert_element_type3A_123, %cond3A_124 : i32
      scf.if %cond3A_125 {
        %dma_start3A_126 = arith.constant 0 : i32
        %dma_start3A_127 = tpu.memref_slice %arg9[%add3A_120, %dma_start3A_126] : memref<96x128xi32, #tpu.memory_space<vmem>> -> memref<1x128xi32, #tpu.memory_space<vmem>>
        %dma_start3A_128 = tpu.memref_squeeze %dma_start3A_127 : memref<1x128xi32, #tpu.memory_space<vmem>> -> memref<128xi32, #tpu.memory_space<vmem>>
        %dma_start3A_129 = arith.constant 0 : i32
        %dma_start3A_130 = arith.constant 0 : i32
        %dma_start3A_131 = tpu.memref_slice %arg14[%dma_start3A_129, %dma_start3A_130] : memref<5120x128xf32, #tpu.memory_space<vmem_shared>> -> memref<5120x128xf32, #tpu.memory_space<vmem_shared>>
        tpu.enqueue_indirect_dma source(%dma_start3A_131 : memref<5120x128xf32, #tpu.memory_space<vmem_shared>>) target(%arg12 : memref<128x128xf32, #tpu.memory_space<vmem>>) offsets(%dma_start3A_128 : memref<128xi32, #tpu.memory_space<vmem>>) semaphore(%arg16 : memref<!tpu.dma_semaphore, #tpu.memory_space<semaphore_mem>>)
      } else {
      }
    }
    %scan3A_32 = arith.constant 32 : i32
    %barrier3A_33 = arith.constant 0 : index
    tpu.barrier barrier_id(%barrier3A_33)
    %eq3A_34 = arith.constant 0 : i32
    %eq3A_35 = arith.cmpi eq, %arg0, %eq3A_34 : i32
    %convert_element_type3A_36 = arith.extui %eq3A_35 : i1 to i32
    %cond3A_37 = arith.constant 0 : i32
    %cond3A_38 = arith.cmpi ne, %convert_element_type3A_36, %cond3A_37 : i32
    scf.if %cond3A_38 {
      "tpu.region"() ({
        %run_scoped3A = tpu.sem_alloc : memref<!tpu.dma_semaphore, #tpu.memory_space<semaphore_mem>>
        %dma_start3A_67 = arith.constant 0 : i32
        %dma_start3A_68 = tpu.memref_slice %arg14[%mul3A_0, %dma_start3A_67] : memref<5120x128xf32, #tpu.memory_space<vmem_shared>> -> memref<320x128xf32, #tpu.memory_space<vmem_shared>>
        %dma_start3A_69 = arith.constant 0 : i32
        %dma_start3A_70 = tpu.memref_slice %arg4[%mul3A_0, %dma_start3A_69] : memref<5120x128xf32, #tpu.memory_space<hbm>> -> memref<320x128xf32, #tpu.memory_space<hbm>>
        tpu.enqueue_dma source(%dma_start3A_70 : memref<320x128xf32, #tpu.memory_space<hbm>>) target(%dma_start3A_68 : memref<320x128xf32, #tpu.memory_space<vmem_shared>>) target_semaphore(%run_scoped3A : memref<!tpu.dma_semaphore, #tpu.memory_space<semaphore_mem>>)
        %dma_wait3A = arith.constant 0 : i32
        %dma_wait3A_71 = tpu.memref_slice %arg14[%mul3A_0, %dma_wait3A] : memref<5120x128xf32, #tpu.memory_space<vmem_shared>> -> memref<320x128xf32, #tpu.memory_space<vmem_shared>>
        %dma_wait3A_72 = arith.constant 0 : i32
        %dma_wait3A_73 = tpu.memref_slice %arg4[%mul3A_0, %dma_wait3A_72] : memref<5120x128xf32, #tpu.memory_space<hbm>> -> memref<320x128xf32, #tpu.memory_space<hbm>>
        tpu.wait_dma2 semaphore(%run_scoped3A : memref<!tpu.dma_semaphore, #tpu.memory_space<semaphore_mem>>) src(%dma_wait3A_73 : memref<320x128xf32, #tpu.memory_space<hbm>>) dst(%dma_wait3A_71 : memref<320x128xf32, #tpu.memory_space<vmem_shared>>)
        tpu.yield
      }) : () -> ()
    } else {
    }
    %eq3A_39 = arith.constant 1 : i32
    %eq3A_40 = arith.cmpi eq, %arg0, %eq3A_39 : i32
    %convert_element_type3A_41 = arith.extui %eq3A_40 : i1 to i32
    %cond3A_42 = arith.constant 0 : i32
    %cond3A_43 = arith.cmpi ne, %convert_element_type3A_41, %cond3A_42 : i32
    scf.if %cond3A_43 {
      "tpu.region"() ({
        %run_scoped3A = tpu.sem_alloc : memref<!tpu.dma_semaphore, #tpu.memory_space<semaphore_mem>>
        %dma_start3A_67 = arith.constant 0 : i32
        %dma_start3A_68 = tpu.memref_slice %arg14[%mul3A_0, %dma_start3A_67] : memref<5120x128xf32, #tpu.memory_space<vmem_shared>> -> memref<320x128xf32, #tpu.memory_space<vmem_shared>>
        %dma_start3A_69 = arith.constant 0 : i32
        %dma_start3A_70 = tpu.memref_slice %arg5[%mul3A_0, %dma_start3A_69] : memref<5120x128xf32, #tpu.memory_space<hbm>> -> memref<320x128xf32, #tpu.memory_space<hbm>>
        tpu.enqueue_dma source(%dma_start3A_70 : memref<320x128xf32, #tpu.memory_space<hbm>>) target(%dma_start3A_68 : memref<320x128xf32, #tpu.memory_space<vmem_shared>>) target_semaphore(%run_scoped3A : memref<!tpu.dma_semaphore, #tpu.memory_space<semaphore_mem>>)
        %dma_wait3A = arith.constant 0 : i32
        %dma_wait3A_71 = tpu.memref_slice %arg14[%mul3A_0, %dma_wait3A] : memref<5120x128xf32, #tpu.memory_space<vmem_shared>> -> memref<320x128xf32, #tpu.memory_space<vmem_shared>>
        %dma_wait3A_72 = arith.constant 0 : i32
        %dma_wait3A_73 = tpu.memref_slice %arg5[%mul3A_0, %dma_wait3A_72] : memref<5120x128xf32, #tpu.memory_space<hbm>> -> memref<320x128xf32, #tpu.memory_space<hbm>>
        tpu.wait_dma2 semaphore(%run_scoped3A : memref<!tpu.dma_semaphore, #tpu.memory_space<semaphore_mem>>) src(%dma_wait3A_73 : memref<320x128xf32, #tpu.memory_space<hbm>>) dst(%dma_wait3A_71 : memref<320x128xf32, #tpu.memory_space<vmem_shared>>)
        tpu.yield
      }) : () -> ()
    } else {
    }
    %barrier3A_44 = arith.constant 0 : index
    tpu.barrier barrier_id(%barrier3A_44)
    %add3A_45 = arith.constant 2 : i32
    %add3A_46 = arith.addi %add3A_45, %arg0 : i32
    %dma_start3A_47 = arith.constant 0 : i32
    %dma_start3A_48 = arith.constant 0 : i32
    %dma_start3A_49 = tpu.memref_slice %arg10[%dma_start3A_47, %dma_start3A_48] : memref<96x128xi32, #tpu.memory_space<vmem>> -> memref<1x128xi32, #tpu.memory_space<vmem>>
    %dma_start3A_50 = tpu.memref_squeeze %dma_start3A_49 : memref<1x128xi32, #tpu.memory_space<vmem>> -> memref<128xi32, #tpu.memory_space<vmem>>
    %dma_start3A_51 = arith.constant 0 : i32
    %dma_start3A_52 = arith.constant 0 : i32
    %dma_start3A_53 = tpu.memref_slice %arg14[%dma_start3A_51, %dma_start3A_52] : memref<5120x128xf32, #tpu.memory_space<vmem_shared>> -> memref<5120x128xf32, #tpu.memory_space<vmem_shared>>
    tpu.enqueue_indirect_dma source(%dma_start3A_53 : memref<5120x128xf32, #tpu.memory_space<vmem_shared>>) target(%arg11 : memref<128x128xf32, #tpu.memory_space<vmem>>) offsets(%dma_start3A_50 : memref<128xi32, #tpu.memory_space<vmem>>) semaphore(%arg15 : memref<!tpu.dma_semaphore, #tpu.memory_space<semaphore_mem>>)
    %dma_start3A_54 = arith.constant 1 : i32
    %dma_start3A_55 = arith.constant 0 : i32
    %dma_start3A_56 = tpu.memref_slice %arg10[%dma_start3A_54, %dma_start3A_55] : memref<96x128xi32, #tpu.memory_space<vmem>> -> memref<1x128xi32, #tpu.memory_space<vmem>>
    %dma_start3A_57 = tpu.memref_squeeze %dma_start3A_56 : memref<1x128xi32, #tpu.memory_space<vmem>> -> memref<128xi32, #tpu.memory_space<vmem>>
    %dma_start3A_58 = arith.constant 0 : i32
    %dma_start3A_59 = arith.constant 0 : i32
    %dma_start3A_60 = tpu.memref_slice %arg14[%dma_start3A_58, %dma_start3A_59] : memref<5120x128xf32, #tpu.memory_space<vmem_shared>> -> memref<5120x128xf32, #tpu.memory_space<vmem_shared>>
    tpu.enqueue_indirect_dma source(%dma_start3A_60 : memref<5120x128xf32, #tpu.memory_space<vmem_shared>>) target(%arg12 : memref<128x128xf32, #tpu.memory_space<vmem>>) offsets(%dma_start3A_57 : memref<128xi32, #tpu.memory_space<vmem>>) semaphore(%arg16 : memref<!tpu.dma_semaphore, #tpu.memory_space<semaphore_mem>>)
    %scan3A_61 = arith.constant 0 : i32
    %scan3A_62 = arith.constant 0 : i32
    %scan3A_63 = arith.constant 32 : i32
    %scan3A_64 = arith.addi %scan3A_62, %scan3A_63 : i32
    %scan3A_65 = arith.constant 1 : i32
    scf.for %scan3A_67 = %scan3A_62 to %scan3A_64 step %scan3A_65  : i32 {
      %mul3A_68 = arith.constant 3 : i32
      %mul3A_69 = arith.muli %scan3A_67, %mul3A_68 : i32
      %add3A_70 = arith.constant 0 : i32
      %add3A_71 = arith.addi %mul3A_69, %add3A_70 : i32
      %dma_wait3A = arith.constant 0 : i32
      %dma_wait3A_72 = tpu.memref_slice %arg10[%add3A_71, %dma_wait3A] : memref<96x128xi32, #tpu.memory_space<vmem>> -> memref<1x128xi32, #tpu.memory_space<vmem>>
      %dma_wait3A_73 = tpu.memref_squeeze %dma_wait3A_72 : memref<1x128xi32, #tpu.memory_space<vmem>> -> memref<128xi32, #tpu.memory_space<vmem>>
      %dma_wait3A_74 = arith.constant 0 : i32
      %dma_wait3A_75 = arith.constant 0 : i32
      %dma_wait3A_76 = tpu.memref_slice %arg14[%dma_wait3A_74, %dma_wait3A_75] : memref<5120x128xf32, #tpu.memory_space<vmem_shared>> -> memref<5120x128xf32, #tpu.memory_space<vmem_shared>>
      tpu.wait_indirect_dma semaphore(%arg15 : memref<!tpu.dma_semaphore, #tpu.memory_space<semaphore_mem>>) src(%dma_wait3A_76 : memref<5120x128xf32, #tpu.memory_space<vmem_shared>>) dst(%arg11 : memref<128x128xf32, #tpu.memory_space<vmem>>)
      %mul3A_77 = arith.constant 128 : i32
      %mul3A_78 = arith.muli %add3A_71, %mul3A_77 : i32
      %add3A_79 = arith.addi %mul3A_6, %mul3A_78 : i32
      "tpu.region"() ({
        %run_scoped3A = tpu.sem_alloc : memref<!tpu.dma_semaphore, #tpu.memory_space<semaphore_mem>>
        %dma_start3A_126 = arith.constant 0 : i32
        %dma_start3A_127 = tpu.memref_slice %arg8[%add3A_46, %add3A_79, %dma_start3A_126] : memref<4x196608x128xf32, #tpu.memory_space<hbm>> -> memref<1x128x128xf32, #tpu.memory_space<hbm>>
        %dma_start3A_128 = tpu.memref_squeeze %dma_start3A_127 : memref<1x128x128xf32, #tpu.memory_space<hbm>> -> memref<128x128xf32, #tpu.memory_space<hbm>>
        %dma_start3A_129 = arith.constant 0 : i32
        %dma_start3A_130 = tpu.memref_slice %arg8[%add3A_46, %add3A_79, %dma_start3A_129] : memref<4x196608x128xf32, #tpu.memory_space<hbm>> -> memref<1x128x128xf32, #tpu.memory_space<hbm>>
        %dma_start3A_131 = tpu.memref_squeeze %dma_start3A_130 : memref<1x128x128xf32, #tpu.memory_space<hbm>> -> memref<128x128xf32, #tpu.memory_space<hbm>>
        tpu.enqueue_dma source(%arg11 : memref<128x128xf32, #tpu.memory_space<vmem>>) target(%dma_start3A_131 : memref<128x128xf32, #tpu.memory_space<hbm>>) target_semaphore(%run_scoped3A : memref<!tpu.dma_semaphore, #tpu.memory_space<semaphore_mem>>)
        %dma_wait3A_132 = arith.constant 0 : i32
        %dma_wait3A_133 = tpu.memref_slice %arg8[%add3A_46, %add3A_79, %dma_wait3A_132] : memref<4x196608x128xf32, #tpu.memory_space<hbm>> -> memref<1x128x128xf32, #tpu.memory_space<hbm>>
        %dma_wait3A_134 = tpu.memref_squeeze %dma_wait3A_133 : memref<1x128x128xf32, #tpu.memory_space<hbm>> -> memref<128x128xf32, #tpu.memory_space<hbm>>
        %dma_wait3A_135 = arith.constant 0 : i32
        %dma_wait3A_136 = tpu.memref_slice %arg8[%add3A_46, %add3A_79, %dma_wait3A_135] : memref<4x196608x128xf32, #tpu.memory_space<hbm>> -> memref<1x128x128xf32, #tpu.memory_space<hbm>>
        %dma_wait3A_137 = tpu.memref_squeeze %dma_wait3A_136 : memref<1x128x128xf32, #tpu.memory_space<hbm>> -> memref<128x128xf32, #tpu.memory_space<hbm>>
        tpu.wait_dma2 semaphore(%run_scoped3A : memref<!tpu.dma_semaphore, #tpu.memory_space<semaphore_mem>>) src(%arg11 : memref<128x128xf32, #tpu.memory_space<vmem>>) dst(%dma_wait3A_137 : memref<128x128xf32, #tpu.memory_space<hbm>>)
        tpu.yield
      }) : () -> ()
      %add3A_80 = arith.constant 2 : i32
      %add3A_81 = arith.addi %add3A_71, %add3A_80 : i32
      %lt3A = arith.constant 96 : i32
      %lt3A_82 = arith.cmpi slt, %add3A_81, %lt3A : i32
      %convert_element_type3A_83 = arith.extui %lt3A_82 : i1 to i32
      %cond3A_84 = arith.constant 0 : i32
      %cond3A_85 = arith.cmpi ne, %convert_element_type3A_83, %cond3A_84 : i32
      scf.if %cond3A_85 {
        %dma_start3A_126 = arith.constant 0 : i32
        %dma_start3A_127 = tpu.memref_slice %arg10[%add3A_81, %dma_start3A_126] : memref<96x128xi32, #tpu.memory_space<vmem>> -> memref<1x128xi32, #tpu.memory_space<vmem>>
        %dma_start3A_128 = tpu.memref_squeeze %dma_start3A_127 : memref<1x128xi32, #tpu.memory_space<vmem>> -> memref<128xi32, #tpu.memory_space<vmem>>
        %dma_start3A_129 = arith.constant 0 : i32
        %dma_start3A_130 = arith.constant 0 : i32
        %dma_start3A_131 = tpu.memref_slice %arg14[%dma_start3A_129, %dma_start3A_130] : memref<5120x128xf32, #tpu.memory_space<vmem_shared>> -> memref<5120x128xf32, #tpu.memory_space<vmem_shared>>
        tpu.enqueue_indirect_dma source(%dma_start3A_131 : memref<5120x128xf32, #tpu.memory_space<vmem_shared>>) target(%arg13 : memref<128x128xf32, #tpu.memory_space<vmem>>) offsets(%dma_start3A_128 : memref<128xi32, #tpu.memory_space<vmem>>) semaphore(%arg17 : memref<!tpu.dma_semaphore, #tpu.memory_space<semaphore_mem>>)
      } else {
      }
      %mul3A_86 = arith.constant 3 : i32
      %mul3A_87 = arith.muli %scan3A_67, %mul3A_86 : i32
      %add3A_88 = arith.constant 1 : i32
      %add3A_89 = arith.addi %mul3A_87, %add3A_88 : i32
      %dma_wait3A_90 = arith.constant 0 : i32
      %dma_wait3A_91 = tpu.memref_slice %arg10[%add3A_89, %dma_wait3A_90] : memref<96x128xi32, #tpu.memory_space<vmem>> -> memref<1x128xi32, #tpu.memory_space<vmem>>
      %dma_wait3A_92 = tpu.memref_squeeze %dma_wait3A_91 : memref<1x128xi32, #tpu.memory_space<vmem>> -> memref<128xi32, #tpu.memory_space<vmem>>
      %dma_wait3A_93 = arith.constant 0 : i32
      %dma_wait3A_94 = arith.constant 0 : i32
      %dma_wait3A_95 = tpu.memref_slice %arg14[%dma_wait3A_93, %dma_wait3A_94] : memref<5120x128xf32, #tpu.memory_space<vmem_shared>> -> memref<5120x128xf32, #tpu.memory_space<vmem_shared>>
      tpu.wait_indirect_dma semaphore(%arg16 : memref<!tpu.dma_semaphore, #tpu.memory_space<semaphore_mem>>) src(%dma_wait3A_95 : memref<5120x128xf32, #tpu.memory_space<vmem_shared>>) dst(%arg12 : memref<128x128xf32, #tpu.memory_space<vmem>>)
      %mul3A_96 = arith.constant 128 : i32
      %mul3A_97 = arith.muli %add3A_89, %mul3A_96 : i32
      %add3A_98 = arith.addi %mul3A_6, %mul3A_97 : i32
      "tpu.region"() ({
        %run_scoped3A = tpu.sem_alloc : memref<!tpu.dma_semaphore, #tpu.memory_space<semaphore_mem>>
        %dma_start3A_126 = arith.constant 0 : i32
        %dma_start3A_127 = tpu.memref_slice %arg8[%add3A_46, %add3A_98, %dma_start3A_126] : memref<4x196608x128xf32, #tpu.memory_space<hbm>> -> memref<1x128x128xf32, #tpu.memory_space<hbm>>
        %dma_start3A_128 = tpu.memref_squeeze %dma_start3A_127 : memref<1x128x128xf32, #tpu.memory_space<hbm>> -> memref<128x128xf32, #tpu.memory_space<hbm>>
        %dma_start3A_129 = arith.constant 0 : i32
        %dma_start3A_130 = tpu.memref_slice %arg8[%add3A_46, %add3A_98, %dma_start3A_129] : memref<4x196608x128xf32, #tpu.memory_space<hbm>> -> memref<1x128x128xf32, #tpu.memory_space<hbm>>
        %dma_start3A_131 = tpu.memref_squeeze %dma_start3A_130 : memref<1x128x128xf32, #tpu.memory_space<hbm>> -> memref<128x128xf32, #tpu.memory_space<hbm>>
        tpu.enqueue_dma source(%arg12 : memref<128x128xf32, #tpu.memory_space<vmem>>) target(%dma_start3A_131 : memref<128x128xf32, #tpu.memory_space<hbm>>) target_semaphore(%run_scoped3A : memref<!tpu.dma_semaphore, #tpu.memory_space<semaphore_mem>>)
        %dma_wait3A_132 = arith.constant 0 : i32
        %dma_wait3A_133 = tpu.memref_slice %arg8[%add3A_46, %add3A_98, %dma_wait3A_132] : memref<4x196608x128xf32, #tpu.memory_space<hbm>> -> memref<1x128x128xf32, #tpu.memory_space<hbm>>
        %dma_wait3A_134 = tpu.memref_squeeze %dma_wait3A_133 : memref<1x128x128xf32, #tpu.memory_space<hbm>> -> memref<128x128xf32, #tpu.memory_space<hbm>>
        %dma_wait3A_135 = arith.constant 0 : i32
        %dma_wait3A_136 = tpu.memref_slice %arg8[%add3A_46, %add3A_98, %dma_wait3A_135] : memref<4x196608x128xf32, #tpu.memory_space<hbm>> -> memref<1x128x128xf32, #tpu.memory_space<hbm>>
        %dma_wait3A_137 = tpu.memref_squeeze %dma_wait3A_136 : memref<1x128x128xf32, #tpu.memory_space<hbm>> -> memref<128x128xf32, #tpu.memory_space<hbm>>
        tpu.wait_dma2 semaphore(%run_scoped3A : memref<!tpu.dma_semaphore, #tpu.memory_space<semaphore_mem>>) src(%arg12 : memref<128x128xf32, #tpu.memory_space<vmem>>) dst(%dma_wait3A_137 : memref<128x128xf32, #tpu.memory_space<hbm>>)
        tpu.yield
      }) : () -> ()
      %add3A_99 = arith.constant 2 : i32
      %add3A_100 = arith.addi %add3A_89, %add3A_99 : i32
      %lt3A_101 = arith.constant 96 : i32
      %lt3A_102 = arith.cmpi slt, %add3A_100, %lt3A_101 : i32
      %convert_element_type3A_103 = arith.extui %lt3A_102 : i1 to i32
      %cond3A_104 = arith.constant 0 : i32
      %cond3A_105 = arith.cmpi ne, %convert_element_type3A_103, %cond3A_104 : i32
      scf.if %cond3A_105 {
        %dma_start3A_126 = arith.constant 0 : i32
        %dma_start3A_127 = tpu.memref_slice %arg10[%add3A_100, %dma_start3A_126] : memref<96x128xi32, #tpu.memory_space<vmem>> -> memref<1x128xi32, #tpu.memory_space<vmem>>
        %dma_start3A_128 = tpu.memref_squeeze %dma_start3A_127 : memref<1x128xi32, #tpu.memory_space<vmem>> -> memref<128xi32, #tpu.memory_space<vmem>>
        %dma_start3A_129 = arith.constant 0 : i32
        %dma_start3A_130 = arith.constant 0 : i32
        %dma_start3A_131 = tpu.memref_slice %arg14[%dma_start3A_129, %dma_start3A_130] : memref<5120x128xf32, #tpu.memory_space<vmem_shared>> -> memref<5120x128xf32, #tpu.memory_space<vmem_shared>>
        tpu.enqueue_indirect_dma source(%dma_start3A_131 : memref<5120x128xf32, #tpu.memory_space<vmem_shared>>) target(%arg11 : memref<128x128xf32, #tpu.memory_space<vmem>>) offsets(%dma_start3A_128 : memref<128xi32, #tpu.memory_space<vmem>>) semaphore(%arg15 : memref<!tpu.dma_semaphore, #tpu.memory_space<semaphore_mem>>)
      } else {
      }
      %mul3A_106 = arith.constant 3 : i32
      %mul3A_107 = arith.muli %scan3A_67, %mul3A_106 : i32
      %add3A_108 = arith.constant 2 : i32
      %add3A_109 = arith.addi %mul3A_107, %add3A_108 : i32
      %dma_wait3A_110 = arith.constant 0 : i32
      %dma_wait3A_111 = tpu.memref_slice %arg10[%add3A_109, %dma_wait3A_110] : memref<96x128xi32, #tpu.memory_space<vmem>> -> memref<1x128xi32, #tpu.memory_space<vmem>>
      %dma_wait3A_112 = tpu.memref_squeeze %dma_wait3A_111 : memref<1x128xi32, #tpu.memory_space<vmem>> -> memref<128xi32, #tpu.memory_space<vmem>>
      %dma_wait3A_113 = arith.constant 0 : i32
      %dma_wait3A_114 = arith.constant 0 : i32
      %dma_wait3A_115 = tpu.memref_slice %arg14[%dma_wait3A_113, %dma_wait3A_114] : memref<5120x128xf32, #tpu.memory_space<vmem_shared>> -> memref<5120x128xf32, #tpu.memory_space<vmem_shared>>
      tpu.wait_indirect_dma semaphore(%arg17 : memref<!tpu.dma_semaphore, #tpu.memory_space<semaphore_mem>>) src(%dma_wait3A_115 : memref<5120x128xf32, #tpu.memory_space<vmem_shared>>) dst(%arg13 : memref<128x128xf32, #tpu.memory_space<vmem>>)
      %mul3A_116 = arith.constant 128 : i32
      %mul3A_117 = arith.muli %add3A_109, %mul3A_116 : i32
      %add3A_118 = arith.addi %mul3A_6, %mul3A_117 : i32
      "tpu.region"() ({
        %run_scoped3A = tpu.sem_alloc : memref<!tpu.dma_semaphore, #tpu.memory_space<semaphore_mem>>
        %dma_start3A_126 = arith.constant 0 : i32
        %dma_start3A_127 = tpu.memref_slice %arg8[%add3A_46, %add3A_118, %dma_start3A_126] : memref<4x196608x128xf32, #tpu.memory_space<hbm>> -> memref<1x128x128xf32, #tpu.memory_space<hbm>>
        %dma_start3A_128 = tpu.memref_squeeze %dma_start3A_127 : memref<1x128x128xf32, #tpu.memory_space<hbm>> -> memref<128x128xf32, #tpu.memory_space<hbm>>
        %dma_start3A_129 = arith.constant 0 : i32
        %dma_start3A_130 = tpu.memref_slice %arg8[%add3A_46, %add3A_118, %dma_start3A_129] : memref<4x196608x128xf32, #tpu.memory_space<hbm>> -> memref<1x128x128xf32, #tpu.memory_space<hbm>>
        %dma_start3A_131 = tpu.memref_squeeze %dma_start3A_130 : memref<1x128x128xf32, #tpu.memory_space<hbm>> -> memref<128x128xf32, #tpu.memory_space<hbm>>
        tpu.enqueue_dma source(%arg13 : memref<128x128xf32, #tpu.memory_space<vmem>>) target(%dma_start3A_131 : memref<128x128xf32, #tpu.memory_space<hbm>>) target_semaphore(%run_scoped3A : memref<!tpu.dma_semaphore, #tpu.memory_space<semaphore_mem>>)
        %dma_wait3A_132 = arith.constant 0 : i32
        %dma_wait3A_133 = tpu.memref_slice %arg8[%add3A_46, %add3A_118, %dma_wait3A_132] : memref<4x196608x128xf32, #tpu.memory_space<hbm>> -> memref<1x128x128xf32, #tpu.memory_space<hbm>>
        %dma_wait3A_134 = tpu.memref_squeeze %dma_wait3A_133 : memref<1x128x128xf32, #tpu.memory_space<hbm>> -> memref<128x128xf32, #tpu.memory_space<hbm>>
        %dma_wait3A_135 = arith.constant 0 : i32
        %dma_wait3A_136 = tpu.memref_slice %arg8[%add3A_46, %add3A_118, %dma_wait3A_135] : memref<4x196608x128xf32, #tpu.memory_space<hbm>> -> memref<1x128x128xf32, #tpu.memory_space<hbm>>
        %dma_wait3A_137 = tpu.memref_squeeze %dma_wait3A_136 : memref<1x128x128xf32, #tpu.memory_space<hbm>> -> memref<128x128xf32, #tpu.memory_space<hbm>>
        tpu.wait_dma2 semaphore(%run_scoped3A : memref<!tpu.dma_semaphore, #tpu.memory_space<semaphore_mem>>) src(%arg13 : memref<128x128xf32, #tpu.memory_space<vmem>>) dst(%dma_wait3A_137 : memref<128x128xf32, #tpu.memory_space<hbm>>)
        tpu.yield
      }) : () -> ()
      %add3A_119 = arith.constant 2 : i32
      %add3A_120 = arith.addi %add3A_109, %add3A_119 : i32
      %lt3A_121 = arith.constant 96 : i32
      %lt3A_122 = arith.cmpi slt, %add3A_120, %lt3A_121 : i32
      %convert_element_type3A_123 = arith.extui %lt3A_122 : i1 to i32
      %cond3A_124 = arith.constant 0 : i32
      %cond3A_125 = arith.cmpi ne, %convert_element_type3A_123, %cond3A_124 : i32
      scf.if %cond3A_125 {
        %dma_start3A_126 = arith.constant 0 : i32
        %dma_start3A_127 = tpu.memref_slice %arg10[%add3A_120, %dma_start3A_126] : memref<96x128xi32, #tpu.memory_space<vmem>> -> memref<1x128xi32, #tpu.memory_space<vmem>>
        %dma_start3A_128 = tpu.memref_squeeze %dma_start3A_127 : memref<1x128xi32, #tpu.memory_space<vmem>> -> memref<128xi32, #tpu.memory_space<vmem>>
        %dma_start3A_129 = arith.constant 0 : i32
        %dma_start3A_130 = arith.constant 0 : i32
        %dma_start3A_131 = tpu.memref_slice %arg14[%dma_start3A_129, %dma_start3A_130] : memref<5120x128xf32, #tpu.memory_space<vmem_shared>> -> memref<5120x128xf32, #tpu.memory_space<vmem_shared>>
        tpu.enqueue_indirect_dma source(%dma_start3A_131 : memref<5120x128xf32, #tpu.memory_space<vmem_shared>>) target(%arg12 : memref<128x128xf32, #tpu.memory_space<vmem>>) offsets(%dma_start3A_128 : memref<128xi32, #tpu.memory_space<vmem>>) semaphore(%arg16 : memref<!tpu.dma_semaphore, #tpu.memory_space<semaphore_mem>>)
      } else {
      }
    }
    %scan3A_66 = arith.constant 32 : i32
    return
  }
}

#map = affine_map<(d0, d1) -> (0, 0)>
#map1 = affine_map<(d0, d1) -> (0, 0, 0)>
module attributes {stable_mosaic.version = 14 : i64} {
  func.func @scscatter(%arg0: i32, %arg1: i32, %arg2: memref<196608x128xf32, #tpu.memory_space<hbm>>, %arg3: memref<1536x128xi32, #tpu.memory_space<hbm>>, %arg4: memref<320x128xf32, #tpu.memory_space<hbm>>, %arg5: memref<2x5120x128xf32, #tpu.memory_space<hbm>>, %arg6: memref<48x128xi32, #tpu.memory_space<vmem>>, %arg7: memref<128x128xf32, #tpu.memory_space<vmem>>, %arg8: memref<128x128xf32, #tpu.memory_space<vmem>>, %arg9: memref<128x128xf32, #tpu.memory_space<vmem>>, %arg10: memref<5120x128xf32, #tpu.memory_space<vmem_shared>>, %arg11: memref<!tpu.dma_semaphore, #tpu.memory_space<semaphore_mem>>, %arg12: memref<!tpu.dma_semaphore, #tpu.memory_space<semaphore_mem>>, %arg13: memref<!tpu.dma_semaphore, #tpu.memory_space<semaphore_mem>>) attributes {dimension_semantics = [#tpu.dimension_semantics<core_parallel>, #tpu.dimension_semantics<subcore_parallel>], iteration_bounds = array<i64: 2, 16>, scalar_prefetch = 0 : i64, scratch_operands = 8 : i64, tpu.core_type = #tpu.core_type<sc_vector_subcore>, window_params = [{transform_indices = #map}, {transform_indices = #map}, {transform_indices = #map}, {transform_indices = #map1}]} {
    %mul3A = arith.constant 2 : i32
    %mul3A_0 = arith.muli %arg1, %mul3A : i32
    %add3A = arith.addi %mul3A_0, %arg0 : i32
    %mul3A_1 = arith.constant 320 : i32
    %mul3A_2 = arith.muli %arg1, %mul3A_1 : i32
    "tpu.region"() ({
      %run_scoped3A = tpu.sem_alloc : memref<!tpu.dma_semaphore, #tpu.memory_space<semaphore_mem>>
      %dma_start3A_34 = arith.constant 0 : i32
      %dma_start3A_35 = tpu.memref_slice %arg10[%mul3A_2, %dma_start3A_34] : memref<5120x128xf32, #tpu.memory_space<vmem_shared>> -> memref<320x128xf32, #tpu.memory_space<vmem_shared>>
      tpu.enqueue_dma source(%arg4 : memref<320x128xf32, #tpu.memory_space<hbm>>) target(%dma_start3A_35 : memref<320x128xf32, #tpu.memory_space<vmem_shared>>) target_semaphore(%run_scoped3A : memref<!tpu.dma_semaphore, #tpu.memory_space<semaphore_mem>>)
      %dma_wait3A = arith.constant 0 : i32
      %dma_wait3A_36 = tpu.memref_slice %arg10[%mul3A_2, %dma_wait3A] : memref<5120x128xf32, #tpu.memory_space<vmem_shared>> -> memref<320x128xf32, #tpu.memory_space<vmem_shared>>
      tpu.wait_dma2 semaphore(%run_scoped3A : memref<!tpu.dma_semaphore, #tpu.memory_space<semaphore_mem>>) src(%arg4 : memref<320x128xf32, #tpu.memory_space<hbm>>) dst(%dma_wait3A_36 : memref<320x128xf32, #tpu.memory_space<vmem_shared>>)
      tpu.yield
    }) : () -> ()
    %mul3A_3 = arith.constant 48 : i32
    %mul3A_4 = arith.muli %add3A, %mul3A_3 : i32
    "tpu.region"() ({
      %run_scoped3A = tpu.sem_alloc : memref<!tpu.dma_semaphore, #tpu.memory_space<semaphore_mem>>
      %dma_start3A_34 = arith.constant 0 : i32
      %dma_start3A_35 = tpu.memref_slice %arg3[%mul3A_4, %dma_start3A_34] : memref<1536x128xi32, #tpu.memory_space<hbm>> -> memref<48x128xi32, #tpu.memory_space<hbm>>
      %dma_start3A_36 = arith.constant 0 : i32
      %dma_start3A_37 = tpu.memref_slice %arg3[%mul3A_4, %dma_start3A_36] : memref<1536x128xi32, #tpu.memory_space<hbm>> -> memref<48x128xi32, #tpu.memory_space<hbm>>
      tpu.enqueue_dma source(%dma_start3A_37 : memref<48x128xi32, #tpu.memory_space<hbm>>) target(%arg6 : memref<48x128xi32, #tpu.memory_space<vmem>>) target_semaphore(%run_scoped3A : memref<!tpu.dma_semaphore, #tpu.memory_space<semaphore_mem>>)
      %dma_wait3A = arith.constant 0 : i32
      %dma_wait3A_38 = tpu.memref_slice %arg3[%mul3A_4, %dma_wait3A] : memref<1536x128xi32, #tpu.memory_space<hbm>> -> memref<48x128xi32, #tpu.memory_space<hbm>>
      %dma_wait3A_39 = arith.constant 0 : i32
      %dma_wait3A_40 = tpu.memref_slice %arg3[%mul3A_4, %dma_wait3A_39] : memref<1536x128xi32, #tpu.memory_space<hbm>> -> memref<48x128xi32, #tpu.memory_space<hbm>>
      tpu.wait_dma2 semaphore(%run_scoped3A : memref<!tpu.dma_semaphore, #tpu.memory_space<semaphore_mem>>) src(%dma_wait3A_40 : memref<48x128xi32, #tpu.memory_space<hbm>>) dst(%arg6 : memref<48x128xi32, #tpu.memory_space<vmem>>)
      tpu.yield
    }) : () -> ()
    %barrier3A = arith.constant 0 : index
    tpu.barrier barrier_id(%barrier3A)
    %mul3A_5 = arith.constant 6144 : i32
    %mul3A_6 = arith.muli %add3A, %mul3A_5 : i32
    %add3A_7 = arith.constant 0 : i32
    %add3A_8 = arith.addi %mul3A_6, %add3A_7 : i32
    %dma_start3A = arith.constant 0 : i32
    %dma_start3A_9 = tpu.memref_slice %arg2[%add3A_8, %dma_start3A] : memref<196608x128xf32, #tpu.memory_space<hbm>> -> memref<128x128xf32, #tpu.memory_space<hbm>>
    %dma_start3A_10 = arith.constant 0 : i32
    %dma_start3A_11 = tpu.memref_slice %arg2[%add3A_8, %dma_start3A_10] : memref<196608x128xf32, #tpu.memory_space<hbm>> -> memref<128x128xf32, #tpu.memory_space<hbm>>
    tpu.enqueue_dma source(%dma_start3A_11 : memref<128x128xf32, #tpu.memory_space<hbm>>) target(%arg7 : memref<128x128xf32, #tpu.memory_space<vmem>>) target_semaphore(%arg11 : memref<!tpu.dma_semaphore, #tpu.memory_space<semaphore_mem>>)
    %add3A_12 = arith.constant 128 : i32
    %add3A_13 = arith.addi %mul3A_6, %add3A_12 : i32
    %dma_start3A_14 = arith.constant 0 : i32
    %dma_start3A_15 = tpu.memref_slice %arg2[%add3A_13, %dma_start3A_14] : memref<196608x128xf32, #tpu.memory_space<hbm>> -> memref<128x128xf32, #tpu.memory_space<hbm>>
    %dma_start3A_16 = arith.constant 0 : i32
    %dma_start3A_17 = tpu.memref_slice %arg2[%add3A_13, %dma_start3A_16] : memref<196608x128xf32, #tpu.memory_space<hbm>> -> memref<128x128xf32, #tpu.memory_space<hbm>>
    tpu.enqueue_dma source(%dma_start3A_17 : memref<128x128xf32, #tpu.memory_space<hbm>>) target(%arg8 : memref<128x128xf32, #tpu.memory_space<vmem>>) target_semaphore(%arg12 : memref<!tpu.dma_semaphore, #tpu.memory_space<semaphore_mem>>)
    %add3A_18 = arith.constant 256 : i32
    %add3A_19 = arith.addi %mul3A_6, %add3A_18 : i32
    %dma_start3A_20 = arith.constant 0 : i32
    %dma_start3A_21 = tpu.memref_slice %arg2[%add3A_19, %dma_start3A_20] : memref<196608x128xf32, #tpu.memory_space<hbm>> -> memref<128x128xf32, #tpu.memory_space<hbm>>
    %dma_start3A_22 = arith.constant 0 : i32
    %dma_start3A_23 = tpu.memref_slice %arg2[%add3A_19, %dma_start3A_22] : memref<196608x128xf32, #tpu.memory_space<hbm>> -> memref<128x128xf32, #tpu.memory_space<hbm>>
    tpu.enqueue_dma source(%dma_start3A_23 : memref<128x128xf32, #tpu.memory_space<hbm>>) target(%arg9 : memref<128x128xf32, #tpu.memory_space<vmem>>) target_semaphore(%arg13 : memref<!tpu.dma_semaphore, #tpu.memory_space<semaphore_mem>>)
    %scan3A = arith.constant 0 : i32
    %scan3A_24 = arith.constant 0 : i32
    %scan3A_25 = arith.constant 16 : i32
    %scan3A_26 = arith.addi %scan3A_24, %scan3A_25 : i32
    %scan3A_27 = arith.constant 1 : i32
    scf.for %scan3A_34 = %scan3A_24 to %scan3A_26 step %scan3A_27  : i32 {
      %mul3A_35 = arith.constant 3 : i32
      %mul3A_36 = arith.muli %scan3A_34, %mul3A_35 : i32
      %add3A_37 = arith.constant 0 : i32
      %add3A_38 = arith.addi %mul3A_36, %add3A_37 : i32
      %mul3A_39 = arith.constant 128 : i32
      %mul3A_40 = arith.muli %add3A_38, %mul3A_39 : i32
      %add3A_41 = arith.addi %mul3A_6, %mul3A_40 : i32
      %dma_wait3A = arith.constant 0 : i32
      %dma_wait3A_42 = tpu.memref_slice %arg2[%add3A_41, %dma_wait3A] : memref<196608x128xf32, #tpu.memory_space<hbm>> -> memref<128x128xf32, #tpu.memory_space<hbm>>
      %dma_wait3A_43 = arith.constant 0 : i32
      %dma_wait3A_44 = tpu.memref_slice %arg2[%add3A_41, %dma_wait3A_43] : memref<196608x128xf32, #tpu.memory_space<hbm>> -> memref<128x128xf32, #tpu.memory_space<hbm>>
      tpu.wait_dma2 semaphore(%arg11 : memref<!tpu.dma_semaphore, #tpu.memory_space<semaphore_mem>>) src(%dma_wait3A_44 : memref<128x128xf32, #tpu.memory_space<hbm>>) dst(%arg7 : memref<128x128xf32, #tpu.memory_space<vmem>>)
      "tpu.region"() ({
        %run_scoped3A = tpu.sem_alloc : memref<!tpu.dma_semaphore, #tpu.memory_space<semaphore_mem>>
        %dma_start3A_85 = arith.constant 0 : i32
        %dma_start3A_86 = tpu.memref_slice %arg6[%add3A_38, %dma_start3A_85] : memref<48x128xi32, #tpu.memory_space<vmem>> -> memref<1x128xi32, #tpu.memory_space<vmem>>
        %dma_start3A_87 = tpu.memref_squeeze %dma_start3A_86 : memref<1x128xi32, #tpu.memory_space<vmem>> -> memref<128xi32, #tpu.memory_space<vmem>>
        %dma_start3A_88 = arith.constant 0 : i32
        %dma_start3A_89 = arith.constant 0 : i32
        %dma_start3A_90 = tpu.memref_slice %arg10[%dma_start3A_88, %dma_start3A_89] : memref<5120x128xf32, #tpu.memory_space<vmem_shared>> -> memref<5120x128xf32, #tpu.memory_space<vmem_shared>>
        tpu.enqueue_indirect_dma source(%arg7 : memref<128x128xf32, #tpu.memory_space<vmem>>) target(%dma_start3A_90 : memref<5120x128xf32, #tpu.memory_space<vmem_shared>>) offsets(%dma_start3A_87 : memref<128xi32, #tpu.memory_space<vmem>>) semaphore(%run_scoped3A : memref<!tpu.dma_semaphore, #tpu.memory_space<semaphore_mem>>) {add = true}
        %dma_wait3A_91 = arith.constant 0 : i32
        %dma_wait3A_92 = tpu.memref_slice %arg6[%add3A_38, %dma_wait3A_91] : memref<48x128xi32, #tpu.memory_space<vmem>> -> memref<1x128xi32, #tpu.memory_space<vmem>>
        %dma_wait3A_93 = tpu.memref_squeeze %dma_wait3A_92 : memref<1x128xi32, #tpu.memory_space<vmem>> -> memref<128xi32, #tpu.memory_space<vmem>>
        %dma_wait3A_94 = arith.constant 0 : i32
        %dma_wait3A_95 = arith.constant 0 : i32
        %dma_wait3A_96 = tpu.memref_slice %arg10[%dma_wait3A_94, %dma_wait3A_95] : memref<5120x128xf32, #tpu.memory_space<vmem_shared>> -> memref<5120x128xf32, #tpu.memory_space<vmem_shared>>
        tpu.wait_indirect_dma semaphore(%run_scoped3A : memref<!tpu.dma_semaphore, #tpu.memory_space<semaphore_mem>>) src(%arg7 : memref<128x128xf32, #tpu.memory_space<vmem>>) dst(%dma_wait3A_96 : memref<5120x128xf32, #tpu.memory_space<vmem_shared>>)
        tpu.yield
      }) : () -> ()
      %add3A_45 = arith.constant 3 : i32
      %add3A_46 = arith.addi %add3A_38, %add3A_45 : i32
      %lt3A = arith.constant 48 : i32
      %lt3A_47 = arith.cmpi slt, %add3A_46, %lt3A : i32
      %convert_element_type3A = arith.extui %lt3A_47 : i1 to i32
      %cond3A = arith.constant 0 : i32
      %cond3A_48 = arith.cmpi ne, %convert_element_type3A, %cond3A : i32
      scf.if %cond3A_48 {
        %mul3A_85 = arith.constant 128 : i32
        %mul3A_86 = arith.muli %add3A_46, %mul3A_85 : i32
        %add3A_87 = arith.addi %mul3A_6, %mul3A_86 : i32
        %dma_start3A_88 = arith.constant 0 : i32
        %dma_start3A_89 = tpu.memref_slice %arg2[%add3A_87, %dma_start3A_88] : memref<196608x128xf32, #tpu.memory_space<hbm>> -> memref<128x128xf32, #tpu.memory_space<hbm>>
        %dma_start3A_90 = arith.constant 0 : i32
        %dma_start3A_91 = tpu.memref_slice %arg2[%add3A_87, %dma_start3A_90] : memref<196608x128xf32, #tpu.memory_space<hbm>> -> memref<128x128xf32, #tpu.memory_space<hbm>>
        tpu.enqueue_dma source(%dma_start3A_91 : memref<128x128xf32, #tpu.memory_space<hbm>>) target(%arg7 : memref<128x128xf32, #tpu.memory_space<vmem>>) target_semaphore(%arg11 : memref<!tpu.dma_semaphore, #tpu.memory_space<semaphore_mem>>)
      } else {
      }
      %mul3A_49 = arith.constant 3 : i32
      %mul3A_50 = arith.muli %scan3A_34, %mul3A_49 : i32
      %add3A_51 = arith.constant 1 : i32
      %add3A_52 = arith.addi %mul3A_50, %add3A_51 : i32
      %mul3A_53 = arith.constant 128 : i32
      %mul3A_54 = arith.muli %add3A_52, %mul3A_53 : i32
      %add3A_55 = arith.addi %mul3A_6, %mul3A_54 : i32
      %dma_wait3A_56 = arith.constant 0 : i32
      %dma_wait3A_57 = tpu.memref_slice %arg2[%add3A_55, %dma_wait3A_56] : memref<196608x128xf32, #tpu.memory_space<hbm>> -> memref<128x128xf32, #tpu.memory_space<hbm>>
      %dma_wait3A_58 = arith.constant 0 : i32
      %dma_wait3A_59 = tpu.memref_slice %arg2[%add3A_55, %dma_wait3A_58] : memref<196608x128xf32, #tpu.memory_space<hbm>> -> memref<128x128xf32, #tpu.memory_space<hbm>>
      tpu.wait_dma2 semaphore(%arg12 : memref<!tpu.dma_semaphore, #tpu.memory_space<semaphore_mem>>) src(%dma_wait3A_59 : memref<128x128xf32, #tpu.memory_space<hbm>>) dst(%arg8 : memref<128x128xf32, #tpu.memory_space<vmem>>)
      "tpu.region"() ({
        %run_scoped3A = tpu.sem_alloc : memref<!tpu.dma_semaphore, #tpu.memory_space<semaphore_mem>>
        %dma_start3A_85 = arith.constant 0 : i32
        %dma_start3A_86 = tpu.memref_slice %arg6[%add3A_52, %dma_start3A_85] : memref<48x128xi32, #tpu.memory_space<vmem>> -> memref<1x128xi32, #tpu.memory_space<vmem>>
        %dma_start3A_87 = tpu.memref_squeeze %dma_start3A_86 : memref<1x128xi32, #tpu.memory_space<vmem>> -> memref<128xi32, #tpu.memory_space<vmem>>
        %dma_start3A_88 = arith.constant 0 : i32
        %dma_start3A_89 = arith.constant 0 : i32
        %dma_start3A_90 = tpu.memref_slice %arg10[%dma_start3A_88, %dma_start3A_89] : memref<5120x128xf32, #tpu.memory_space<vmem_shared>> -> memref<5120x128xf32, #tpu.memory_space<vmem_shared>>
        tpu.enqueue_indirect_dma source(%arg8 : memref<128x128xf32, #tpu.memory_space<vmem>>) target(%dma_start3A_90 : memref<5120x128xf32, #tpu.memory_space<vmem_shared>>) offsets(%dma_start3A_87 : memref<128xi32, #tpu.memory_space<vmem>>) semaphore(%run_scoped3A : memref<!tpu.dma_semaphore, #tpu.memory_space<semaphore_mem>>) {add = true}
        %dma_wait3A_91 = arith.constant 0 : i32
        %dma_wait3A_92 = tpu.memref_slice %arg6[%add3A_52, %dma_wait3A_91] : memref<48x128xi32, #tpu.memory_space<vmem>> -> memref<1x128xi32, #tpu.memory_space<vmem>>
        %dma_wait3A_93 = tpu.memref_squeeze %dma_wait3A_92 : memref<1x128xi32, #tpu.memory_space<vmem>> -> memref<128xi32, #tpu.memory_space<vmem>>
        %dma_wait3A_94 = arith.constant 0 : i32
        %dma_wait3A_95 = arith.constant 0 : i32
        %dma_wait3A_96 = tpu.memref_slice %arg10[%dma_wait3A_94, %dma_wait3A_95] : memref<5120x128xf32, #tpu.memory_space<vmem_shared>> -> memref<5120x128xf32, #tpu.memory_space<vmem_shared>>
        tpu.wait_indirect_dma semaphore(%run_scoped3A : memref<!tpu.dma_semaphore, #tpu.memory_space<semaphore_mem>>) src(%arg8 : memref<128x128xf32, #tpu.memory_space<vmem>>) dst(%dma_wait3A_96 : memref<5120x128xf32, #tpu.memory_space<vmem_shared>>)
        tpu.yield
      }) : () -> ()
      %add3A_60 = arith.constant 3 : i32
      %add3A_61 = arith.addi %add3A_52, %add3A_60 : i32
      %lt3A_62 = arith.constant 48 : i32
      %lt3A_63 = arith.cmpi slt, %add3A_61, %lt3A_62 : i32
      %convert_element_type3A_64 = arith.extui %lt3A_63 : i1 to i32
      %cond3A_65 = arith.constant 0 : i32
      %cond3A_66 = arith.cmpi ne, %convert_element_type3A_64, %cond3A_65 : i32
      scf.if %cond3A_66 {
        %mul3A_85 = arith.constant 128 : i32
        %mul3A_86 = arith.muli %add3A_61, %mul3A_85 : i32
        %add3A_87 = arith.addi %mul3A_6, %mul3A_86 : i32
        %dma_start3A_88 = arith.constant 0 : i32
        %dma_start3A_89 = tpu.memref_slice %arg2[%add3A_87, %dma_start3A_88] : memref<196608x128xf32, #tpu.memory_space<hbm>> -> memref<128x128xf32, #tpu.memory_space<hbm>>
        %dma_start3A_90 = arith.constant 0 : i32
        %dma_start3A_91 = tpu.memref_slice %arg2[%add3A_87, %dma_start3A_90] : memref<196608x128xf32, #tpu.memory_space<hbm>> -> memref<128x128xf32, #tpu.memory_space<hbm>>
        tpu.enqueue_dma source(%dma_start3A_91 : memref<128x128xf32, #tpu.memory_space<hbm>>) target(%arg8 : memref<128x128xf32, #tpu.memory_space<vmem>>) target_semaphore(%arg12 : memref<!tpu.dma_semaphore, #tpu.memory_space<semaphore_mem>>)
      } else {
      }
      %mul3A_67 = arith.constant 3 : i32
      %mul3A_68 = arith.muli %scan3A_34, %mul3A_67 : i32
      %add3A_69 = arith.constant 2 : i32
      %add3A_70 = arith.addi %mul3A_68, %add3A_69 : i32
      %mul3A_71 = arith.constant 128 : i32
      %mul3A_72 = arith.muli %add3A_70, %mul3A_71 : i32
      %add3A_73 = arith.addi %mul3A_6, %mul3A_72 : i32
      %dma_wait3A_74 = arith.constant 0 : i32
      %dma_wait3A_75 = tpu.memref_slice %arg2[%add3A_73, %dma_wait3A_74] : memref<196608x128xf32, #tpu.memory_space<hbm>> -> memref<128x128xf32, #tpu.memory_space<hbm>>
      %dma_wait3A_76 = arith.constant 0 : i32
      %dma_wait3A_77 = tpu.memref_slice %arg2[%add3A_73, %dma_wait3A_76] : memref<196608x128xf32, #tpu.memory_space<hbm>> -> memref<128x128xf32, #tpu.memory_space<hbm>>
      tpu.wait_dma2 semaphore(%arg13 : memref<!tpu.dma_semaphore, #tpu.memory_space<semaphore_mem>>) src(%dma_wait3A_77 : memref<128x128xf32, #tpu.memory_space<hbm>>) dst(%arg9 : memref<128x128xf32, #tpu.memory_space<vmem>>)
      "tpu.region"() ({
        %run_scoped3A = tpu.sem_alloc : memref<!tpu.dma_semaphore, #tpu.memory_space<semaphore_mem>>
        %dma_start3A_85 = arith.constant 0 : i32
        %dma_start3A_86 = tpu.memref_slice %arg6[%add3A_70, %dma_start3A_85] : memref<48x128xi32, #tpu.memory_space<vmem>> -> memref<1x128xi32, #tpu.memory_space<vmem>>
        %dma_start3A_87 = tpu.memref_squeeze %dma_start3A_86 : memref<1x128xi32, #tpu.memory_space<vmem>> -> memref<128xi32, #tpu.memory_space<vmem>>
        %dma_start3A_88 = arith.constant 0 : i32
        %dma_start3A_89 = arith.constant 0 : i32
        %dma_start3A_90 = tpu.memref_slice %arg10[%dma_start3A_88, %dma_start3A_89] : memref<5120x128xf32, #tpu.memory_space<vmem_shared>> -> memref<5120x128xf32, #tpu.memory_space<vmem_shared>>
        tpu.enqueue_indirect_dma source(%arg9 : memref<128x128xf32, #tpu.memory_space<vmem>>) target(%dma_start3A_90 : memref<5120x128xf32, #tpu.memory_space<vmem_shared>>) offsets(%dma_start3A_87 : memref<128xi32, #tpu.memory_space<vmem>>) semaphore(%run_scoped3A : memref<!tpu.dma_semaphore, #tpu.memory_space<semaphore_mem>>) {add = true}
        %dma_wait3A_91 = arith.constant 0 : i32
        %dma_wait3A_92 = tpu.memref_slice %arg6[%add3A_70, %dma_wait3A_91] : memref<48x128xi32, #tpu.memory_space<vmem>> -> memref<1x128xi32, #tpu.memory_space<vmem>>
        %dma_wait3A_93 = tpu.memref_squeeze %dma_wait3A_92 : memref<1x128xi32, #tpu.memory_space<vmem>> -> memref<128xi32, #tpu.memory_space<vmem>>
        %dma_wait3A_94 = arith.constant 0 : i32
        %dma_wait3A_95 = arith.constant 0 : i32
        %dma_wait3A_96 = tpu.memref_slice %arg10[%dma_wait3A_94, %dma_wait3A_95] : memref<5120x128xf32, #tpu.memory_space<vmem_shared>> -> memref<5120x128xf32, #tpu.memory_space<vmem_shared>>
        tpu.wait_indirect_dma semaphore(%run_scoped3A : memref<!tpu.dma_semaphore, #tpu.memory_space<semaphore_mem>>) src(%arg9 : memref<128x128xf32, #tpu.memory_space<vmem>>) dst(%dma_wait3A_96 : memref<5120x128xf32, #tpu.memory_space<vmem_shared>>)
        tpu.yield
      }) : () -> ()
      %add3A_78 = arith.constant 3 : i32
      %add3A_79 = arith.addi %add3A_70, %add3A_78 : i32
      %lt3A_80 = arith.constant 48 : i32
      %lt3A_81 = arith.cmpi slt, %add3A_79, %lt3A_80 : i32
      %convert_element_type3A_82 = arith.extui %lt3A_81 : i1 to i32
      %cond3A_83 = arith.constant 0 : i32
      %cond3A_84 = arith.cmpi ne, %convert_element_type3A_82, %cond3A_83 : i32
      scf.if %cond3A_84 {
        %mul3A_85 = arith.constant 128 : i32
        %mul3A_86 = arith.muli %add3A_79, %mul3A_85 : i32
        %add3A_87 = arith.addi %mul3A_6, %mul3A_86 : i32
        %dma_start3A_88 = arith.constant 0 : i32
        %dma_start3A_89 = tpu.memref_slice %arg2[%add3A_87, %dma_start3A_88] : memref<196608x128xf32, #tpu.memory_space<hbm>> -> memref<128x128xf32, #tpu.memory_space<hbm>>
        %dma_start3A_90 = arith.constant 0 : i32
        %dma_start3A_91 = tpu.memref_slice %arg2[%add3A_87, %dma_start3A_90] : memref<196608x128xf32, #tpu.memory_space<hbm>> -> memref<128x128xf32, #tpu.memory_space<hbm>>
        tpu.enqueue_dma source(%dma_start3A_91 : memref<128x128xf32, #tpu.memory_space<hbm>>) target(%arg9 : memref<128x128xf32, #tpu.memory_space<vmem>>) target_semaphore(%arg13 : memref<!tpu.dma_semaphore, #tpu.memory_space<semaphore_mem>>)
      } else {
      }
    }
    %scan3A_28 = arith.constant 16 : i32
    %barrier3A_29 = arith.constant 0 : index
    tpu.barrier barrier_id(%barrier3A_29)
    %mul3A_30 = arith.constant 320 : i32
    %mul3A_31 = arith.muli %arg1, %mul3A_30 : i32
    %mul3A_32 = arith.constant 320 : i32
    %mul3A_33 = arith.muli %arg1, %mul3A_32 : i32
    "tpu.region"() ({
      %run_scoped3A = tpu.sem_alloc : memref<!tpu.dma_semaphore, #tpu.memory_space<semaphore_mem>>
      %dma_start3A_34 = arith.constant 0 : i32
      %dma_start3A_35 = tpu.memref_slice %arg5[%arg0, %mul3A_33, %dma_start3A_34] : memref<2x5120x128xf32, #tpu.memory_space<hbm>> -> memref<1x320x128xf32, #tpu.memory_space<hbm>>
      %dma_start3A_36 = tpu.memref_squeeze %dma_start3A_35 : memref<1x320x128xf32, #tpu.memory_space<hbm>> -> memref<320x128xf32, #tpu.memory_space<hbm>>
      %dma_start3A_37 = arith.constant 0 : i32
      %dma_start3A_38 = tpu.memref_slice %arg10[%mul3A_31, %dma_start3A_37] : memref<5120x128xf32, #tpu.memory_space<vmem_shared>> -> memref<320x128xf32, #tpu.memory_space<vmem_shared>>
      tpu.enqueue_dma source(%dma_start3A_38 : memref<320x128xf32, #tpu.memory_space<vmem_shared>>) target(%dma_start3A_36 : memref<320x128xf32, #tpu.memory_space<hbm>>) target_semaphore(%run_scoped3A : memref<!tpu.dma_semaphore, #tpu.memory_space<semaphore_mem>>)
      %dma_wait3A = arith.constant 0 : i32
      %dma_wait3A_39 = tpu.memref_slice %arg5[%arg0, %mul3A_33, %dma_wait3A] : memref<2x5120x128xf32, #tpu.memory_space<hbm>> -> memref<1x320x128xf32, #tpu.memory_space<hbm>>
      %dma_wait3A_40 = tpu.memref_squeeze %dma_wait3A_39 : memref<1x320x128xf32, #tpu.memory_space<hbm>> -> memref<320x128xf32, #tpu.memory_space<hbm>>
      %dma_wait3A_41 = arith.constant 0 : i32
      %dma_wait3A_42 = tpu.memref_slice %arg10[%mul3A_31, %dma_wait3A_41] : memref<5120x128xf32, #tpu.memory_space<vmem_shared>> -> memref<320x128xf32, #tpu.memory_space<vmem_shared>>
      tpu.wait_dma2 semaphore(%run_scoped3A : memref<!tpu.dma_semaphore, #tpu.memory_space<semaphore_mem>>) src(%dma_wait3A_42 : memref<320x128xf32, #tpu.memory_space<vmem_shared>>) dst(%dma_wait3A_40 : memref<320x128xf32, #tpu.memory_space<hbm>>)
      tpu.yield
    }) : () -> ()
    return
  }
}

#map = affine_map<(d0, d1) -> (0, 0)>
#map1 = affine_map<(d0, d1) -> (0, 0, 0)>
module attributes {stable_mosaic.version = 14 : i64} {
  func.func @scscatter(%arg0: i32, %arg1: i32, %arg2: memref<196608x128xf32, #tpu.memory_space<hbm>>, %arg3: memref<1536x128xi32, #tpu.memory_space<hbm>>, %arg4: memref<320x128xf32, #tpu.memory_space<hbm>>, %arg5: memref<2x5120x128xf32, #tpu.memory_space<hbm>>, %arg6: memref<48x128xi32, #tpu.memory_space<vmem>>, %arg7: memref<128x128xf32, #tpu.memory_space<vmem>>, %arg8: memref<128x128xf32, #tpu.memory_space<vmem>>, %arg9: memref<128x128xf32, #tpu.memory_space<vmem>>, %arg10: memref<5120x128xf32, #tpu.memory_space<vmem_shared>>, %arg11: memref<!tpu.dma_semaphore, #tpu.memory_space<semaphore_mem>>, %arg12: memref<!tpu.dma_semaphore, #tpu.memory_space<semaphore_mem>>, %arg13: memref<!tpu.dma_semaphore, #tpu.memory_space<semaphore_mem>>) attributes {dimension_semantics = [#tpu.dimension_semantics<core_parallel>, #tpu.dimension_semantics<subcore_parallel>], iteration_bounds = array<i64: 2, 16>, scalar_prefetch = 0 : i64, scratch_operands = 8 : i64, tpu.core_type = #tpu.core_type<sc_vector_subcore>, window_params = [{transform_indices = #map}, {transform_indices = #map}, {transform_indices = #map}, {transform_indices = #map1}]} {
    %mul3A = arith.constant 2 : i32
    %mul3A_0 = arith.muli %arg1, %mul3A : i32
    %add3A = arith.addi %mul3A_0, %arg0 : i32
    %mul3A_1 = arith.constant 320 : i32
    %mul3A_2 = arith.muli %arg1, %mul3A_1 : i32
    "tpu.region"() ({
      %run_scoped3A = tpu.sem_alloc : memref<!tpu.dma_semaphore, #tpu.memory_space<semaphore_mem>>
      %dma_start3A_34 = arith.constant 0 : i32
      %dma_start3A_35 = tpu.memref_slice %arg10[%mul3A_2, %dma_start3A_34] : memref<5120x128xf32, #tpu.memory_space<vmem_shared>> -> memref<320x128xf32, #tpu.memory_space<vmem_shared>>
      tpu.enqueue_dma source(%arg4 : memref<320x128xf32, #tpu.memory_space<hbm>>) target(%dma_start3A_35 : memref<320x128xf32, #tpu.memory_space<vmem_shared>>) target_semaphore(%run_scoped3A : memref<!tpu.dma_semaphore, #tpu.memory_space<semaphore_mem>>)
      %dma_wait3A = arith.constant 0 : i32
      %dma_wait3A_36 = tpu.memref_slice %arg10[%mul3A_2, %dma_wait3A] : memref<5120x128xf32, #tpu.memory_space<vmem_shared>> -> memref<320x128xf32, #tpu.memory_space<vmem_shared>>
      tpu.wait_dma2 semaphore(%run_scoped3A : memref<!tpu.dma_semaphore, #tpu.memory_space<semaphore_mem>>) src(%arg4 : memref<320x128xf32, #tpu.memory_space<hbm>>) dst(%dma_wait3A_36 : memref<320x128xf32, #tpu.memory_space<vmem_shared>>)
      tpu.yield
    }) : () -> ()
    %mul3A_3 = arith.constant 48 : i32
    %mul3A_4 = arith.muli %add3A, %mul3A_3 : i32
    "tpu.region"() ({
      %run_scoped3A = tpu.sem_alloc : memref<!tpu.dma_semaphore, #tpu.memory_space<semaphore_mem>>
      %dma_start3A_34 = arith.constant 0 : i32
      %dma_start3A_35 = tpu.memref_slice %arg3[%mul3A_4, %dma_start3A_34] : memref<1536x128xi32, #tpu.memory_space<hbm>> -> memref<48x128xi32, #tpu.memory_space<hbm>>
      %dma_start3A_36 = arith.constant 0 : i32
      %dma_start3A_37 = tpu.memref_slice %arg3[%mul3A_4, %dma_start3A_36] : memref<1536x128xi32, #tpu.memory_space<hbm>> -> memref<48x128xi32, #tpu.memory_space<hbm>>
      tpu.enqueue_dma source(%dma_start3A_37 : memref<48x128xi32, #tpu.memory_space<hbm>>) target(%arg6 : memref<48x128xi32, #tpu.memory_space<vmem>>) target_semaphore(%run_scoped3A : memref<!tpu.dma_semaphore, #tpu.memory_space<semaphore_mem>>)
      %dma_wait3A = arith.constant 0 : i32
      %dma_wait3A_38 = tpu.memref_slice %arg3[%mul3A_4, %dma_wait3A] : memref<1536x128xi32, #tpu.memory_space<hbm>> -> memref<48x128xi32, #tpu.memory_space<hbm>>
      %dma_wait3A_39 = arith.constant 0 : i32
      %dma_wait3A_40 = tpu.memref_slice %arg3[%mul3A_4, %dma_wait3A_39] : memref<1536x128xi32, #tpu.memory_space<hbm>> -> memref<48x128xi32, #tpu.memory_space<hbm>>
      tpu.wait_dma2 semaphore(%run_scoped3A : memref<!tpu.dma_semaphore, #tpu.memory_space<semaphore_mem>>) src(%dma_wait3A_40 : memref<48x128xi32, #tpu.memory_space<hbm>>) dst(%arg6 : memref<48x128xi32, #tpu.memory_space<vmem>>)
      tpu.yield
    }) : () -> ()
    %barrier3A = arith.constant 0 : index
    tpu.barrier barrier_id(%barrier3A)
    %mul3A_5 = arith.constant 6144 : i32
    %mul3A_6 = arith.muli %add3A, %mul3A_5 : i32
    %add3A_7 = arith.constant 0 : i32
    %add3A_8 = arith.addi %mul3A_6, %add3A_7 : i32
    %dma_start3A = arith.constant 0 : i32
    %dma_start3A_9 = tpu.memref_slice %arg2[%add3A_8, %dma_start3A] : memref<196608x128xf32, #tpu.memory_space<hbm>> -> memref<128x128xf32, #tpu.memory_space<hbm>>
    %dma_start3A_10 = arith.constant 0 : i32
    %dma_start3A_11 = tpu.memref_slice %arg2[%add3A_8, %dma_start3A_10] : memref<196608x128xf32, #tpu.memory_space<hbm>> -> memref<128x128xf32, #tpu.memory_space<hbm>>
    tpu.enqueue_dma source(%dma_start3A_11 : memref<128x128xf32, #tpu.memory_space<hbm>>) target(%arg7 : memref<128x128xf32, #tpu.memory_space<vmem>>) target_semaphore(%arg11 : memref<!tpu.dma_semaphore, #tpu.memory_space<semaphore_mem>>)
    %add3A_12 = arith.constant 128 : i32
    %add3A_13 = arith.addi %mul3A_6, %add3A_12 : i32
    %dma_start3A_14 = arith.constant 0 : i32
    %dma_start3A_15 = tpu.memref_slice %arg2[%add3A_13, %dma_start3A_14] : memref<196608x128xf32, #tpu.memory_space<hbm>> -> memref<128x128xf32, #tpu.memory_space<hbm>>
    %dma_start3A_16 = arith.constant 0 : i32
    %dma_start3A_17 = tpu.memref_slice %arg2[%add3A_13, %dma_start3A_16] : memref<196608x128xf32, #tpu.memory_space<hbm>> -> memref<128x128xf32, #tpu.memory_space<hbm>>
    tpu.enqueue_dma source(%dma_start3A_17 : memref<128x128xf32, #tpu.memory_space<hbm>>) target(%arg8 : memref<128x128xf32, #tpu.memory_space<vmem>>) target_semaphore(%arg12 : memref<!tpu.dma_semaphore, #tpu.memory_space<semaphore_mem>>)
    %add3A_18 = arith.constant 256 : i32
    %add3A_19 = arith.addi %mul3A_6, %add3A_18 : i32
    %dma_start3A_20 = arith.constant 0 : i32
    %dma_start3A_21 = tpu.memref_slice %arg2[%add3A_19, %dma_start3A_20] : memref<196608x128xf32, #tpu.memory_space<hbm>> -> memref<128x128xf32, #tpu.memory_space<hbm>>
    %dma_start3A_22 = arith.constant 0 : i32
    %dma_start3A_23 = tpu.memref_slice %arg2[%add3A_19, %dma_start3A_22] : memref<196608x128xf32, #tpu.memory_space<hbm>> -> memref<128x128xf32, #tpu.memory_space<hbm>>
    tpu.enqueue_dma source(%dma_start3A_23 : memref<128x128xf32, #tpu.memory_space<hbm>>) target(%arg9 : memref<128x128xf32, #tpu.memory_space<vmem>>) target_semaphore(%arg13 : memref<!tpu.dma_semaphore, #tpu.memory_space<semaphore_mem>>)
    %scan3A = arith.constant 0 : i32
    %scan3A_24 = arith.constant 0 : i32
    %scan3A_25 = arith.constant 16 : i32
    %scan3A_26 = arith.addi %scan3A_24, %scan3A_25 : i32
    %scan3A_27 = arith.constant 1 : i32
    scf.for %scan3A_34 = %scan3A_24 to %scan3A_26 step %scan3A_27  : i32 {
      %mul3A_35 = arith.constant 3 : i32
      %mul3A_36 = arith.muli %scan3A_34, %mul3A_35 : i32
      %add3A_37 = arith.constant 0 : i32
      %add3A_38 = arith.addi %mul3A_36, %add3A_37 : i32
      %mul3A_39 = arith.constant 128 : i32
      %mul3A_40 = arith.muli %add3A_38, %mul3A_39 : i32
      %add3A_41 = arith.addi %mul3A_6, %mul3A_40 : i32
      %dma_wait3A = arith.constant 0 : i32
      %dma_wait3A_42 = tpu.memref_slice %arg2[%add3A_41, %dma_wait3A] : memref<196608x128xf32, #tpu.memory_space<hbm>> -> memref<128x128xf32, #tpu.memory_space<hbm>>
      %dma_wait3A_43 = arith.constant 0 : i32
      %dma_wait3A_44 = tpu.memref_slice %arg2[%add3A_41, %dma_wait3A_43] : memref<196608x128xf32, #tpu.memory_space<hbm>> -> memref<128x128xf32, #tpu.memory_space<hbm>>
      tpu.wait_dma2 semaphore(%arg11 : memref<!tpu.dma_semaphore, #tpu.memory_space<semaphore_mem>>) src(%dma_wait3A_44 : memref<128x128xf32, #tpu.memory_space<hbm>>) dst(%arg7 : memref<128x128xf32, #tpu.memory_space<vmem>>)
      "tpu.region"() ({
        %run_scoped3A = tpu.sem_alloc : memref<!tpu.dma_semaphore, #tpu.memory_space<semaphore_mem>>
        %dma_start3A_85 = arith.constant 0 : i32
        %dma_start3A_86 = tpu.memref_slice %arg6[%add3A_38, %dma_start3A_85] : memref<48x128xi32, #tpu.memory_space<vmem>> -> memref<1x128xi32, #tpu.memory_space<vmem>>
        %dma_start3A_87 = tpu.memref_squeeze %dma_start3A_86 : memref<1x128xi32, #tpu.memory_space<vmem>> -> memref<128xi32, #tpu.memory_space<vmem>>
        %dma_start3A_88 = arith.constant 0 : i32
        %dma_start3A_89 = arith.constant 0 : i32
        %dma_start3A_90 = tpu.memref_slice %arg10[%dma_start3A_88, %dma_start3A_89] : memref<5120x128xf32, #tpu.memory_space<vmem_shared>> -> memref<5120x128xf32, #tpu.memory_space<vmem_shared>>
        tpu.enqueue_indirect_dma source(%arg7 : memref<128x128xf32, #tpu.memory_space<vmem>>) target(%dma_start3A_90 : memref<5120x128xf32, #tpu.memory_space<vmem_shared>>) offsets(%dma_start3A_87 : memref<128xi32, #tpu.memory_space<vmem>>) semaphore(%run_scoped3A : memref<!tpu.dma_semaphore, #tpu.memory_space<semaphore_mem>>) {add = true}
        %dma_wait3A_91 = arith.constant 0 : i32
        %dma_wait3A_92 = tpu.memref_slice %arg6[%add3A_38, %dma_wait3A_91] : memref<48x128xi32, #tpu.memory_space<vmem>> -> memref<1x128xi32, #tpu.memory_space<vmem>>
        %dma_wait3A_93 = tpu.memref_squeeze %dma_wait3A_92 : memref<1x128xi32, #tpu.memory_space<vmem>> -> memref<128xi32, #tpu.memory_space<vmem>>
        %dma_wait3A_94 = arith.constant 0 : i32
        %dma_wait3A_95 = arith.constant 0 : i32
        %dma_wait3A_96 = tpu.memref_slice %arg10[%dma_wait3A_94, %dma_wait3A_95] : memref<5120x128xf32, #tpu.memory_space<vmem_shared>> -> memref<5120x128xf32, #tpu.memory_space<vmem_shared>>
        tpu.wait_indirect_dma semaphore(%run_scoped3A : memref<!tpu.dma_semaphore, #tpu.memory_space<semaphore_mem>>) src(%arg7 : memref<128x128xf32, #tpu.memory_space<vmem>>) dst(%dma_wait3A_96 : memref<5120x128xf32, #tpu.memory_space<vmem_shared>>)
        tpu.yield
      }) : () -> ()
      %add3A_45 = arith.constant 3 : i32
      %add3A_46 = arith.addi %add3A_38, %add3A_45 : i32
      %lt3A = arith.constant 48 : i32
      %lt3A_47 = arith.cmpi slt, %add3A_46, %lt3A : i32
      %convert_element_type3A = arith.extui %lt3A_47 : i1 to i32
      %cond3A = arith.constant 0 : i32
      %cond3A_48 = arith.cmpi ne, %convert_element_type3A, %cond3A : i32
      scf.if %cond3A_48 {
        %mul3A_85 = arith.constant 128 : i32
        %mul3A_86 = arith.muli %add3A_46, %mul3A_85 : i32
        %add3A_87 = arith.addi %mul3A_6, %mul3A_86 : i32
        %dma_start3A_88 = arith.constant 0 : i32
        %dma_start3A_89 = tpu.memref_slice %arg2[%add3A_87, %dma_start3A_88] : memref<196608x128xf32, #tpu.memory_space<hbm>> -> memref<128x128xf32, #tpu.memory_space<hbm>>
        %dma_start3A_90 = arith.constant 0 : i32
        %dma_start3A_91 = tpu.memref_slice %arg2[%add3A_87, %dma_start3A_90] : memref<196608x128xf32, #tpu.memory_space<hbm>> -> memref<128x128xf32, #tpu.memory_space<hbm>>
        tpu.enqueue_dma source(%dma_start3A_91 : memref<128x128xf32, #tpu.memory_space<hbm>>) target(%arg7 : memref<128x128xf32, #tpu.memory_space<vmem>>) target_semaphore(%arg11 : memref<!tpu.dma_semaphore, #tpu.memory_space<semaphore_mem>>)
      } else {
      }
      %mul3A_49 = arith.constant 3 : i32
      %mul3A_50 = arith.muli %scan3A_34, %mul3A_49 : i32
      %add3A_51 = arith.constant 1 : i32
      %add3A_52 = arith.addi %mul3A_50, %add3A_51 : i32
      %mul3A_53 = arith.constant 128 : i32
      %mul3A_54 = arith.muli %add3A_52, %mul3A_53 : i32
      %add3A_55 = arith.addi %mul3A_6, %mul3A_54 : i32
      %dma_wait3A_56 = arith.constant 0 : i32
      %dma_wait3A_57 = tpu.memref_slice %arg2[%add3A_55, %dma_wait3A_56] : memref<196608x128xf32, #tpu.memory_space<hbm>> -> memref<128x128xf32, #tpu.memory_space<hbm>>
      %dma_wait3A_58 = arith.constant 0 : i32
      %dma_wait3A_59 = tpu.memref_slice %arg2[%add3A_55, %dma_wait3A_58] : memref<196608x128xf32, #tpu.memory_space<hbm>> -> memref<128x128xf32, #tpu.memory_space<hbm>>
      tpu.wait_dma2 semaphore(%arg12 : memref<!tpu.dma_semaphore, #tpu.memory_space<semaphore_mem>>) src(%dma_wait3A_59 : memref<128x128xf32, #tpu.memory_space<hbm>>) dst(%arg8 : memref<128x128xf32, #tpu.memory_space<vmem>>)
      "tpu.region"() ({
        %run_scoped3A = tpu.sem_alloc : memref<!tpu.dma_semaphore, #tpu.memory_space<semaphore_mem>>
        %dma_start3A_85 = arith.constant 0 : i32
        %dma_start3A_86 = tpu.memref_slice %arg6[%add3A_52, %dma_start3A_85] : memref<48x128xi32, #tpu.memory_space<vmem>> -> memref<1x128xi32, #tpu.memory_space<vmem>>
        %dma_start3A_87 = tpu.memref_squeeze %dma_start3A_86 : memref<1x128xi32, #tpu.memory_space<vmem>> -> memref<128xi32, #tpu.memory_space<vmem>>
        %dma_start3A_88 = arith.constant 0 : i32
        %dma_start3A_89 = arith.constant 0 : i32
        %dma_start3A_90 = tpu.memref_slice %arg10[%dma_start3A_88, %dma_start3A_89] : memref<5120x128xf32, #tpu.memory_space<vmem_shared>> -> memref<5120x128xf32, #tpu.memory_space<vmem_shared>>
        tpu.enqueue_indirect_dma source(%arg8 : memref<128x128xf32, #tpu.memory_space<vmem>>) target(%dma_start3A_90 : memref<5120x128xf32, #tpu.memory_space<vmem_shared>>) offsets(%dma_start3A_87 : memref<128xi32, #tpu.memory_space<vmem>>) semaphore(%run_scoped3A : memref<!tpu.dma_semaphore, #tpu.memory_space<semaphore_mem>>) {add = true}
        %dma_wait3A_91 = arith.constant 0 : i32
        %dma_wait3A_92 = tpu.memref_slice %arg6[%add3A_52, %dma_wait3A_91] : memref<48x128xi32, #tpu.memory_space<vmem>> -> memref<1x128xi32, #tpu.memory_space<vmem>>
        %dma_wait3A_93 = tpu.memref_squeeze %dma_wait3A_92 : memref<1x128xi32, #tpu.memory_space<vmem>> -> memref<128xi32, #tpu.memory_space<vmem>>
        %dma_wait3A_94 = arith.constant 0 : i32
        %dma_wait3A_95 = arith.constant 0 : i32
        %dma_wait3A_96 = tpu.memref_slice %arg10[%dma_wait3A_94, %dma_wait3A_95] : memref<5120x128xf32, #tpu.memory_space<vmem_shared>> -> memref<5120x128xf32, #tpu.memory_space<vmem_shared>>
        tpu.wait_indirect_dma semaphore(%run_scoped3A : memref<!tpu.dma_semaphore, #tpu.memory_space<semaphore_mem>>) src(%arg8 : memref<128x128xf32, #tpu.memory_space<vmem>>) dst(%dma_wait3A_96 : memref<5120x128xf32, #tpu.memory_space<vmem_shared>>)
        tpu.yield
      }) : () -> ()
      %add3A_60 = arith.constant 3 : i32
      %add3A_61 = arith.addi %add3A_52, %add3A_60 : i32
      %lt3A_62 = arith.constant 48 : i32
      %lt3A_63 = arith.cmpi slt, %add3A_61, %lt3A_62 : i32
      %convert_element_type3A_64 = arith.extui %lt3A_63 : i1 to i32
      %cond3A_65 = arith.constant 0 : i32
      %cond3A_66 = arith.cmpi ne, %convert_element_type3A_64, %cond3A_65 : i32
      scf.if %cond3A_66 {
        %mul3A_85 = arith.constant 128 : i32
        %mul3A_86 = arith.muli %add3A_61, %mul3A_85 : i32
        %add3A_87 = arith.addi %mul3A_6, %mul3A_86 : i32
        %dma_start3A_88 = arith.constant 0 : i32
        %dma_start3A_89 = tpu.memref_slice %arg2[%add3A_87, %dma_start3A_88] : memref<196608x128xf32, #tpu.memory_space<hbm>> -> memref<128x128xf32, #tpu.memory_space<hbm>>
        %dma_start3A_90 = arith.constant 0 : i32
        %dma_start3A_91 = tpu.memref_slice %arg2[%add3A_87, %dma_start3A_90] : memref<196608x128xf32, #tpu.memory_space<hbm>> -> memref<128x128xf32, #tpu.memory_space<hbm>>
        tpu.enqueue_dma source(%dma_start3A_91 : memref<128x128xf32, #tpu.memory_space<hbm>>) target(%arg8 : memref<128x128xf32, #tpu.memory_space<vmem>>) target_semaphore(%arg12 : memref<!tpu.dma_semaphore, #tpu.memory_space<semaphore_mem>>)
      } else {
      }
      %mul3A_67 = arith.constant 3 : i32
      %mul3A_68 = arith.muli %scan3A_34, %mul3A_67 : i32
      %add3A_69 = arith.constant 2 : i32
      %add3A_70 = arith.addi %mul3A_68, %add3A_69 : i32
      %mul3A_71 = arith.constant 128 : i32
      %mul3A_72 = arith.muli %add3A_70, %mul3A_71 : i32
      %add3A_73 = arith.addi %mul3A_6, %mul3A_72 : i32
      %dma_wait3A_74 = arith.constant 0 : i32
      %dma_wait3A_75 = tpu.memref_slice %arg2[%add3A_73, %dma_wait3A_74] : memref<196608x128xf32, #tpu.memory_space<hbm>> -> memref<128x128xf32, #tpu.memory_space<hbm>>
      %dma_wait3A_76 = arith.constant 0 : i32
      %dma_wait3A_77 = tpu.memref_slice %arg2[%add3A_73, %dma_wait3A_76] : memref<196608x128xf32, #tpu.memory_space<hbm>> -> memref<128x128xf32, #tpu.memory_space<hbm>>
      tpu.wait_dma2 semaphore(%arg13 : memref<!tpu.dma_semaphore, #tpu.memory_space<semaphore_mem>>) src(%dma_wait3A_77 : memref<128x128xf32, #tpu.memory_space<hbm>>) dst(%arg9 : memref<128x128xf32, #tpu.memory_space<vmem>>)
      "tpu.region"() ({
        %run_scoped3A = tpu.sem_alloc : memref<!tpu.dma_semaphore, #tpu.memory_space<semaphore_mem>>
        %dma_start3A_85 = arith.constant 0 : i32
        %dma_start3A_86 = tpu.memref_slice %arg6[%add3A_70, %dma_start3A_85] : memref<48x128xi32, #tpu.memory_space<vmem>> -> memref<1x128xi32, #tpu.memory_space<vmem>>
        %dma_start3A_87 = tpu.memref_squeeze %dma_start3A_86 : memref<1x128xi32, #tpu.memory_space<vmem>> -> memref<128xi32, #tpu.memory_space<vmem>>
        %dma_start3A_88 = arith.constant 0 : i32
        %dma_start3A_89 = arith.constant 0 : i32
        %dma_start3A_90 = tpu.memref_slice %arg10[%dma_start3A_88, %dma_start3A_89] : memref<5120x128xf32, #tpu.memory_space<vmem_shared>> -> memref<5120x128xf32, #tpu.memory_space<vmem_shared>>
        tpu.enqueue_indirect_dma source(%arg9 : memref<128x128xf32, #tpu.memory_space<vmem>>) target(%dma_start3A_90 : memref<5120x128xf32, #tpu.memory_space<vmem_shared>>) offsets(%dma_start3A_87 : memref<128xi32, #tpu.memory_space<vmem>>) semaphore(%run_scoped3A : memref<!tpu.dma_semaphore, #tpu.memory_space<semaphore_mem>>) {add = true}
        %dma_wait3A_91 = arith.constant 0 : i32
        %dma_wait3A_92 = tpu.memref_slice %arg6[%add3A_70, %dma_wait3A_91] : memref<48x128xi32, #tpu.memory_space<vmem>> -> memref<1x128xi32, #tpu.memory_space<vmem>>
        %dma_wait3A_93 = tpu.memref_squeeze %dma_wait3A_92 : memref<1x128xi32, #tpu.memory_space<vmem>> -> memref<128xi32, #tpu.memory_space<vmem>>
        %dma_wait3A_94 = arith.constant 0 : i32
        %dma_wait3A_95 = arith.constant 0 : i32
        %dma_wait3A_96 = tpu.memref_slice %arg10[%dma_wait3A_94, %dma_wait3A_95] : memref<5120x128xf32, #tpu.memory_space<vmem_shared>> -> memref<5120x128xf32, #tpu.memory_space<vmem_shared>>
        tpu.wait_indirect_dma semaphore(%run_scoped3A : memref<!tpu.dma_semaphore, #tpu.memory_space<semaphore_mem>>) src(%arg9 : memref<128x128xf32, #tpu.memory_space<vmem>>) dst(%dma_wait3A_96 : memref<5120x128xf32, #tpu.memory_space<vmem_shared>>)
        tpu.yield
      }) : () -> ()
      %add3A_78 = arith.constant 3 : i32
      %add3A_79 = arith.addi %add3A_70, %add3A_78 : i32
      %lt3A_80 = arith.constant 48 : i32
      %lt3A_81 = arith.cmpi slt, %add3A_79, %lt3A_80 : i32
      %convert_element_type3A_82 = arith.extui %lt3A_81 : i1 to i32
      %cond3A_83 = arith.constant 0 : i32
      %cond3A_84 = arith.cmpi ne, %convert_element_type3A_82, %cond3A_83 : i32
      scf.if %cond3A_84 {
        %mul3A_85 = arith.constant 128 : i32
        %mul3A_86 = arith.muli %add3A_79, %mul3A_85 : i32
        %add3A_87 = arith.addi %mul3A_6, %mul3A_86 : i32
        %dma_start3A_88 = arith.constant 0 : i32
        %dma_start3A_89 = tpu.memref_slice %arg2[%add3A_87, %dma_start3A_88] : memref<196608x128xf32, #tpu.memory_space<hbm>> -> memref<128x128xf32, #tpu.memory_space<hbm>>
        %dma_start3A_90 = arith.constant 0 : i32
        %dma_start3A_91 = tpu.memref_slice %arg2[%add3A_87, %dma_start3A_90] : memref<196608x128xf32, #tpu.memory_space<hbm>> -> memref<128x128xf32, #tpu.memory_space<hbm>>
        tpu.enqueue_dma source(%dma_start3A_91 : memref<128x128xf32, #tpu.memory_space<hbm>>) target(%arg9 : memref<128x128xf32, #tpu.memory_space<vmem>>) target_semaphore(%arg13 : memref<!tpu.dma_semaphore, #tpu.memory_space<semaphore_mem>>)
      } else {
      }
    }
    %scan3A_28 = arith.constant 16 : i32
    %barrier3A_29 = arith.constant 0 : index
    tpu.barrier barrier_id(%barrier3A_29)
    %mul3A_30 = arith.constant 320 : i32
    %mul3A_31 = arith.muli %arg1, %mul3A_30 : i32
    %mul3A_32 = arith.constant 320 : i32
    %mul3A_33 = arith.muli %arg1, %mul3A_32 : i32
    "tpu.region"() ({
      %run_scoped3A = tpu.sem_alloc : memref<!tpu.dma_semaphore, #tpu.memory_space<semaphore_mem>>
      %dma_start3A_34 = arith.constant 0 : i32
      %dma_start3A_35 = tpu.memref_slice %arg5[%arg0, %mul3A_33, %dma_start3A_34] : memref<2x5120x128xf32, #tpu.memory_space<hbm>> -> memref<1x320x128xf32, #tpu.memory_space<hbm>>
      %dma_start3A_36 = tpu.memref_squeeze %dma_start3A_35 : memref<1x320x128xf32, #tpu.memory_space<hbm>> -> memref<320x128xf32, #tpu.memory_space<hbm>>
      %dma_start3A_37 = arith.constant 0 : i32
      %dma_start3A_38 = tpu.memref_slice %arg10[%mul3A_31, %dma_start3A_37] : memref<5120x128xf32, #tpu.memory_space<vmem_shared>> -> memref<320x128xf32, #tpu.memory_space<vmem_shared>>
      tpu.enqueue_dma source(%dma_start3A_38 : memref<320x128xf32, #tpu.memory_space<vmem_shared>>) target(%dma_start3A_36 : memref<320x128xf32, #tpu.memory_space<hbm>>) target_semaphore(%run_scoped3A : memref<!tpu.dma_semaphore, #tpu.memory_space<semaphore_mem>>)
      %dma_wait3A = arith.constant 0 : i32
      %dma_wait3A_39 = tpu.memref_slice %arg5[%arg0, %mul3A_33, %dma_wait3A] : memref<2x5120x128xf32, #tpu.memory_space<hbm>> -> memref<1x320x128xf32, #tpu.memory_space<hbm>>
      %dma_wait3A_40 = tpu.memref_squeeze %dma_wait3A_39 : memref<1x320x128xf32, #tpu.memory_space<hbm>> -> memref<320x128xf32, #tpu.memory_space<hbm>>
      %dma_wait3A_41 = arith.constant 0 : i32
      %dma_wait3A_42 = tpu.memref_slice %arg10[%mul3A_31, %dma_wait3A_41] : memref<5120x128xf32, #tpu.memory_space<vmem_shared>> -> memref<320x128xf32, #tpu.memory_space<vmem_shared>>
      tpu.wait_dma2 semaphore(%run_scoped3A : memref<!tpu.dma_semaphore, #tpu.memory_space<semaphore_mem>>) src(%dma_wait3A_42 : memref<320x128xf32, #tpu.memory_space<vmem_shared>>) dst(%dma_wait3A_40 : memref<320x128xf32, #tpu.memory_space<hbm>>)
      tpu.yield
    }) : () -> ()
    return
  }
}

module attributes {stable_mosaic.version = 14 : i64} {
  func.func @_mask_body(%arg0: i32, %arg1: i32, %arg2: memref<256x128xf32, #tpu.memory_space<vmem>>, %arg3: memref<8x512xf32, #tpu.memory_space<vmem>>, %arg4: memref<256x512xi8, #tpu.memory_space<vmem>>) attributes {dimension_semantics = [#tpu.dimension_semantics<arbitrary>, #tpu.dimension_semantics<arbitrary>], iteration_bounds = array<i64: 20, 10>, scalar_prefetch = 0 : i64, scratch_operands = 0 : i64, tpu.core_type = #tpu.core_type<tc>, window_params = [{transform_indices = @transform_0, window_bounds = array<i64: 256, 128>}, {transform_indices = @transform_1, window_bounds = array<i64: 8, 512>}, {transform_indices = @transform_2, window_bounds = array<i64: 256, 512>}]} {
    %get3A = arith.constant 0 : index
    %get3A_0 = arith.constant 0 : index
    %get3A_1 = vector.load %arg2[%get3A, %get3A_0] : memref<256x128xf32, #tpu.memory_space<vmem>>, vector<256x1xf32>
    %get3A_2 = arith.constant 0 : index
    %get3A_3 = arith.constant 1 : index
    %get3A_4 = vector.load %arg2[%get3A_2, %get3A_3] : memref<256x128xf32, #tpu.memory_space<vmem>>, vector<256x1xf32>
    %get3A_5 = arith.constant 0 : index
    %get3A_6 = arith.constant 0 : index
    %get3A_7 = vector.load %arg3[%get3A_5, %get3A_6] : memref<8x512xf32, #tpu.memory_space<vmem>>, vector<1x512xf32>
    %get3A_8 = arith.constant 1 : index
    %get3A_9 = arith.constant 0 : index
    %get3A_10 = vector.load %arg3[%get3A_8, %get3A_9] : memref<8x512xf32, #tpu.memory_space<vmem>>, vector<1x512xf32>
    %sub3A = vector.broadcast %get3A_1 : vector<256x1xf32> to vector<256x512xf32>
    %sub3A_11 = vector.broadcast %get3A_7 : vector<1x512xf32> to vector<256x512xf32>
    %sub3A_12 = arith.subf %sub3A, %sub3A_11 : vector<256x512xf32>
    %sub3A_13 = vector.broadcast %get3A_4 : vector<256x1xf32> to vector<256x512xf32>
    %sub3A_14 = vector.broadcast %get3A_10 : vector<1x512xf32> to vector<256x512xf32>
    %sub3A_15 = arith.subf %sub3A_13, %sub3A_14 : vector<256x512xf32>
    %mul3A = arith.mulf %sub3A_12, %sub3A_12 : vector<256x512xf32>
    %mul3A_16 = arith.mulf %sub3A_15, %sub3A_15 : vector<256x512xf32>
    %add3A = arith.addf %mul3A, %mul3A_16 : vector<256x512xf32>
    %le3A = arith.constant 2.025000e-03 : f32
    %le3A_17 = vector.broadcast %le3A : f32 to vector<256x512xf32>
    %le3A_18 = arith.cmpf ole, %add3A, %le3A_17 : vector<256x512xf32>
    %convert_element_type3A = arith.extui %le3A_18 : vector<256x512xi1> to vector<256x512xi8>
    %swap3A = arith.constant 0 : index
    %swap3A_19 = arith.constant 0 : index
    %swap3A_20 = vector.load %arg4[%swap3A, %swap3A_19] : memref<256x512xi8, #tpu.memory_space<vmem>>, vector<256x512xi8>
    tpu.vector_store %arg4[%swap3A, %swap3A_19], %convert_element_type3A {strides = array<i32>} : memref<256x512xi8, #tpu.memory_space<vmem>>, vector<256x512xi8>,
    return
  }
  func.func @transform_0(%arg0: i32, %arg1: i32) -> (i32, i32) {
    %c0_i32 = arith.constant 0 : i32
    %c0_i32_0 = arith.constant 0 : i32
    return %arg0, %c0_i32 : i32, i32
  }
  func.func @transform_1(%arg0: i32, %arg1: i32) -> (i32, i32) {
    %c0_i32 = arith.constant 0 : i32
    %c0_i32_0 = arith.constant 0 : i32
    return %c0_i32, %arg1 : i32, i32
  }
  func.func @transform_2(%arg0: i32, %arg1: i32) -> (i32, i32) {
    %c0_i32 = arith.constant 0 : i32
    return %arg0, %arg1 : i32, i32
  }
}

module attributes {stable_mosaic.version = 14 : i64} {
  func.func @_pre_body(%arg0: i32, %arg1: memref<512x128xf32, #tpu.memory_space<vmem>>, %arg2: memref<512x128xf32, #tpu.memory_space<vmem>>, %arg3: memref<512x128xf32, #tpu.memory_space<vmem>>, %arg4: memref<512x128xf32, #tpu.memory_space<vmem>>, %arg5: memref<128x128xf32, #tpu.memory_space<vmem>>, %arg6: memref<1x128xf32, #tpu.memory_space<vmem>>, %arg7: memref<1x128xf32, #tpu.memory_space<vmem>>, %arg8: memref<128x128xf32, #tpu.memory_space<vmem>>, %arg9: memref<128x128xf32, #tpu.memory_space<vmem>>, %arg10: memref<128x128xf32, #tpu.memory_space<vmem>>, %arg11: memref<1x128xf32, #tpu.memory_space<vmem>>, %arg12: memref<512x128xf32, #tpu.memory_space<vmem>>, %arg13: memref<512x128xf32, #tpu.memory_space<vmem>>, %arg14: memref<512x128xf32, #tpu.memory_space<vmem>>, %arg15: memref<512x128xf32, #tpu.memory_space<vmem>>) attributes {dimension_semantics = [#tpu.dimension_semantics<arbitrary>], iteration_bounds = array<i64: 10>, scalar_prefetch = 0 : i64, scratch_operands = 0 : i64, tpu.core_type = #tpu.core_type<tc>, window_params = [{transform_indices = @transform_0, window_bounds = array<i64: 512, 128>}, {transform_indices = @transform_1, window_bounds = array<i64: 512, 128>}, {transform_indices = @transform_2, window_bounds = array<i64: 512, 128>}, {transform_indices = @transform_3, window_bounds = array<i64: 512, 128>}, {pipeline_mode = #tpu.pipeline_mode<synchronous>, transform_indices = @transform_4, window_bounds = array<i64: 128, 128>}, {pipeline_mode = #tpu.pipeline_mode<synchronous>, transform_indices = @transform_5, window_bounds = array<i64: 1, 128>}, {pipeline_mode = #tpu.pipeline_mode<synchronous>, transform_indices = @transform_6, window_bounds = array<i64: 1, 128>}, {pipeline_mode = #tpu.pipeline_mode<synchronous>, transform_indices = @transform_7, window_bounds = array<i64: 128, 128>}, {pipeline_mode = #tpu.pipeline_mode<synchronous>, transform_indices = @transform_8, window_bounds = array<i64: 128, 128>}, {pipeline_mode = #tpu.pipeline_mode<synchronous>, transform_indices = @transform_9, window_bounds = array<i64: 128, 128>}, {pipeline_mode = #tpu.pipeline_mode<synchronous>, transform_indices = @transform_10, window_bounds = array<i64: 1, 128>}, {transform_indices = @transform_11, window_bounds = array<i64: 512, 128>}, {transform_indices = @transform_12, window_bounds = array<i64: 512, 128>}, {transform_indices = @transform_13, window_bounds = array<i64: 512, 128>}, {transform_indices = @transform_14, window_bounds = array<i64: 512, 128>}]} {
    %get3A = arith.constant 0 : index
    %get3A_0 = arith.constant 0 : index
    %get3A_1 = vector.load %arg1[%get3A, %get3A_0] : memref<512x128xf32, #tpu.memory_space<vmem>>, vector<512x128xf32>
    %get3A_2 = arith.constant 0 : index
    %get3A_3 = arith.constant 0 : index
    %get3A_4 = vector.load %arg5[%get3A_2, %get3A_3] : memref<128x128xf32, #tpu.memory_space<vmem>>, vector<128x128xf32>
    %dot_general3A = arith.constant dense<0.000000e+00> : vector<512x128xf32>
    %dot_general3A_5 = tpu.matmul %get3A_1, %get3A_4, %dot_general3A {dimension_numbers = #tpu.dot_dimension_numbers<[1], [0], [0], [1], [0, 0, 1, 1], [], []>, precision = #tpu.contract_precision<fp32>, transpose_lhs_hint = false} : vector<512x128xf32>, vector<128x128xf32>, vector<512x128xf32> -> vector<512x128xf32>
    %get3A_6 = arith.constant 0 : index
    %get3A_7 = arith.constant 0 : index
    %get3A_8 = vector.load %arg6[%get3A_6, %get3A_7] : memref<1x128xf32, #tpu.memory_space<vmem>>, vector<1x128xf32>
    %get3A_9 = arith.constant 0 : index
    %get3A_10 = arith.constant 0 : index
    %get3A_11 = vector.load %arg7[%get3A_9, %get3A_10] : memref<1x128xf32, #tpu.memory_space<vmem>>, vector<1x128xf32>
    %reduce_sum3A = arith.constant dense<0.000000e+00> : vector<512xf32>
    %reduce_sum3A_12 = vector.multi_reduction <add>, %dot_general3A_5, %reduce_sum3A [1] : vector<512x128xf32> to vector<512xf32>
    %broadcast_in_dim3A = vector.shape_cast %reduce_sum3A_12 : vector<512xf32> to vector<512x1xf32>
    %div3A = arith.constant 1.280000e+02 : f32
    %div3A_13 = vector.broadcast %div3A : f32 to vector<512x1xf32>
    %div3A_14 = arith.divf %broadcast_in_dim3A, %div3A_13 : vector<512x1xf32>
    %sub3A = vector.broadcast %div3A_14 : vector<512x1xf32> to vector<512x128xf32>
    %sub3A_15 = arith.subf %dot_general3A_5, %sub3A : vector<512x128xf32>
    %integer_pow3A = arith.mulf %sub3A_15, %sub3A_15 : vector<512x128xf32>
    %reduce_sum3A_16 = arith.constant dense<0.000000e+00> : vector<512xf32>
    %reduce_sum3A_17 = vector.multi_reduction <add>, %integer_pow3A, %reduce_sum3A_16 [1] : vector<512x128xf32> to vector<512xf32>
    %broadcast_in_dim3A_18 = vector.shape_cast %reduce_sum3A_17 : vector<512xf32> to vector<512x1xf32>
    %div3A_19 = arith.constant 1.280000e+02 : f32
    %div3A_20 = vector.broadcast %div3A_19 : f32 to vector<512x1xf32>
    %div3A_21 = arith.divf %broadcast_in_dim3A_18, %div3A_20 : vector<512x1xf32>
    %sub3A_22 = vector.broadcast %div3A_14 : vector<512x1xf32> to vector<512x128xf32>
    %sub3A_23 = arith.subf %dot_general3A_5, %sub3A_22 : vector<512x128xf32>
    %add3A = arith.constant 9.99999974E-6 : f32
    %add3A_24 = vector.broadcast %add3A : f32 to vector<512x1xf32>
    %add3A_25 = arith.addf %div3A_21, %add3A_24 : vector<512x1xf32>
    %sqrt3A = math.sqrt %add3A_25 : vector<512x1xf32>
    %div3A_26 = vector.broadcast %sqrt3A : vector<512x1xf32> to vector<512x128xf32>
    %div3A_27 = arith.divf %sub3A_23, %div3A_26 : vector<512x128xf32>
    %mul3A = vector.broadcast %get3A_8 : vector<1x128xf32> to vector<512x128xf32>
    %mul3A_28 = arith.mulf %div3A_27, %mul3A : vector<512x128xf32>
    %add3A_29 = vector.broadcast %get3A_11 : vector<1x128xf32> to vector<512x128xf32>
    %add3A_30 = arith.addf %mul3A_28, %add3A_29 : vector<512x128xf32>
    %max3A = arith.constant 0.000000e+00 : f32
    %max3A_31 = vector.broadcast %max3A : f32 to vector<512x128xf32>
    %max3A_32 = arith.maximumf %add3A_30, %max3A_31 : vector<512x128xf32>
    %get3A_33 = arith.constant 0 : index
    %get3A_34 = arith.constant 0 : index
    %get3A_35 = vector.load %arg2[%get3A_33, %get3A_34] : memref<512x128xf32, #tpu.memory_space<vmem>>, vector<512x128xf32>
    %get3A_36 = arith.constant 0 : index
    %get3A_37 = arith.constant 0 : index
    %get3A_38 = vector.load %arg8[%get3A_36, %get3A_37] : memref<128x128xf32, #tpu.memory_space<vmem>>, vector<128x128xf32>
    %dot_general3A_39 = arith.constant dense<0.000000e+00> : vector<512x128xf32>
    %dot_general3A_40 = tpu.matmul %get3A_35, %get3A_38, %dot_general3A_39 {dimension_numbers = #tpu.dot_dimension_numbers<[1], [0], [0], [1], [0, 0, 1, 1], [], []>, precision = #tpu.contract_precision<fp32>, transpose_lhs_hint = false} : vector<512x128xf32>, vector<128x128xf32>, vector<512x128xf32> -> vector<512x128xf32>
    %swap3A = arith.constant 0 : index
    %swap3A_41 = arith.constant 0 : index
    %swap3A_42 = vector.load %arg12[%swap3A, %swap3A_41] : memref<512x128xf32, #tpu.memory_space<vmem>>, vector<512x128xf32>
    tpu.vector_store %arg12[%swap3A, %swap3A_41], %dot_general3A_40 {strides = array<i32>} : memref<512x128xf32, #tpu.memory_space<vmem>>, vector<512x128xf32>,
    %get3A_43 = arith.constant 0 : index
    %get3A_44 = arith.constant 0 : index
    %get3A_45 = vector.load %arg9[%get3A_43, %get3A_44] : memref<128x128xf32, #tpu.memory_space<vmem>>, vector<128x128xf32>
    %dot_general3A_46 = arith.constant dense<0.000000e+00> : vector<512x128xf32>
    %dot_general3A_47 = tpu.matmul %max3A_32, %get3A_45, %dot_general3A_46 {dimension_numbers = #tpu.dot_dimension_numbers<[1], [0], [0], [1], [0, 0, 1, 1], [], []>, precision = #tpu.contract_precision<fp32>, transpose_lhs_hint = false} : vector<512x128xf32>, vector<128x128xf32>, vector<512x128xf32> -> vector<512x128xf32>
    %swap3A_48 = arith.constant 0 : index
    %swap3A_49 = arith.constant 0 : index
    %swap3A_50 = vector.load %arg13[%swap3A_48, %swap3A_49] : memref<512x128xf32, #tpu.memory_space<vmem>>, vector<512x128xf32>
    tpu.vector_store %arg13[%swap3A_48, %swap3A_49], %dot_general3A_47 {strides = array<i32>} : memref<512x128xf32, #tpu.memory_space<vmem>>, vector<512x128xf32>,
    %get3A_51 = arith.constant 0 : index
    %get3A_52 = arith.constant 0 : index
    %get3A_53 = vector.load %arg11[%get3A_51, %get3A_52] : memref<1x128xf32, #tpu.memory_space<vmem>>, vector<1x128xf32>
    %get3A_54 = arith.constant 0 : index
    %get3A_55 = arith.constant 0 : index
    %get3A_56 = vector.load %arg4[%get3A_54, %get3A_55] : memref<512x128xf32, #tpu.memory_space<vmem>>, vector<512x128xf32>
    %get3A_57 = arith.constant 0 : index
    %get3A_58 = arith.constant 0 : index
    %get3A_59 = vector.load %arg8[%get3A_57, %get3A_58] : memref<128x128xf32, #tpu.memory_space<vmem>>, vector<128x128xf32>
    %dot_general3A_60 = arith.constant dense<0.000000e+00> : vector<512x128xf32>
    %dot_general3A_61 = tpu.matmul %get3A_56, %get3A_59, %dot_general3A_60 {dimension_numbers = #tpu.dot_dimension_numbers<[1], [0], [0], [1], [0, 0, 1, 1], [], []>, precision = #tpu.contract_precision<fp32>, transpose_lhs_hint = false} : vector<512x128xf32>, vector<128x128xf32>, vector<512x128xf32> -> vector<512x128xf32>
    %sub3A_62 = vector.broadcast %get3A_53 : vector<1x128xf32> to vector<512x128xf32>
    %sub3A_63 = arith.subf %sub3A_62, %dot_general3A_61 : vector<512x128xf32>
    %swap3A_64 = arith.constant 0 : index
    %swap3A_65 = arith.constant 0 : index
    %swap3A_66 = vector.load %arg14[%swap3A_64, %swap3A_65] : memref<512x128xf32, #tpu.memory_space<vmem>>, vector<512x128xf32>
    tpu.vector_store %arg14[%swap3A_64, %swap3A_65], %sub3A_63 {strides = array<i32>} : memref<512x128xf32, #tpu.memory_space<vmem>>, vector<512x128xf32>,
    %get3A_67 = arith.constant 0 : index
    %get3A_68 = arith.constant 0 : index
    %get3A_69 = vector.load %arg3[%get3A_67, %get3A_68] : memref<512x128xf32, #tpu.memory_space<vmem>>, vector<512x128xf32>
    %get3A_70 = arith.constant 0 : index
    %get3A_71 = arith.constant 0 : index
    %get3A_72 = vector.load %arg10[%get3A_70, %get3A_71] : memref<128x128xf32, #tpu.memory_space<vmem>>, vector<128x128xf32>
    %dot_general3A_73 = arith.constant dense<0.000000e+00> : vector<512x128xf32>
    %dot_general3A_74 = tpu.matmul %get3A_69, %get3A_72, %dot_general3A_73 {dimension_numbers = #tpu.dot_dimension_numbers<[1], [0], [0], [1], [0, 0, 1, 1], [], []>, precision = #tpu.contract_precision<fp32>, transpose_lhs_hint = false} : vector<512x128xf32>, vector<128x128xf32>, vector<512x128xf32> -> vector<512x128xf32>
    %swap3A_75 = arith.constant 0 : index
    %swap3A_76 = arith.constant 0 : index
    %swap3A_77 = vector.load %arg15[%swap3A_75, %swap3A_76] : memref<512x128xf32, #tpu.memory_space<vmem>>, vector<512x128xf32>
    tpu.vector_store %arg15[%swap3A_75, %swap3A_76], %dot_general3A_74 {strides = array<i32>} : memref<512x128xf32, #tpu.memory_space<vmem>>, vector<512x128xf32>,
    return
  }
  func.func @transform_0(%arg0: i32) -> (i32, i32) {
    %c0_i32 = arith.constant 0 : i32
    %c0_i32_0 = arith.constant 0 : i32
    return %arg0, %c0_i32 : i32, i32
  }
  func.func @transform_1(%arg0: i32) -> (i32, i32) {
    %c0_i32 = arith.constant 0 : i32
    %c0_i32_0 = arith.constant 0 : i32
    return %arg0, %c0_i32 : i32, i32
  }
  func.func @transform_2(%arg0: i32) -> (i32, i32) {
    %c0_i32 = arith.constant 0 : i32
    %c0_i32_0 = arith.constant 0 : i32
    return %arg0, %c0_i32 : i32, i32
  }
  func.func @transform_3(%arg0: i32) -> (i32, i32) {
    %c0_i32 = arith.constant 0 : i32
    %c0_i32_0 = arith.constant 0 : i32
    return %arg0, %c0_i32 : i32, i32
  }
  func.func @transform_4(%arg0: i32) -> (i32, i32) {
    %c0_i32 = arith.constant 0 : i32
    %c0_i32_0 = arith.constant 0 : i32
    %c0_i32_1 = arith.constant 0 : i32
    return %c0_i32, %c0_i32_0 : i32, i32
  }
  func.func @transform_5(%arg0: i32) -> (i32, i32) {
    %c0_i32 = arith.constant 0 : i32
    %c0_i32_0 = arith.constant 0 : i32
    %c0_i32_1 = arith.constant 0 : i32
    return %c0_i32, %c0_i32_0 : i32, i32
  }
  func.func @transform_6(%arg0: i32) -> (i32, i32) {
    %c0_i32 = arith.constant 0 : i32
    %c0_i32_0 = arith.constant 0 : i32
    %c0_i32_1 = arith.constant 0 : i32
    return %c0_i32, %c0_i32_0 : i32, i32
  }
  func.func @transform_7(%arg0: i32) -> (i32, i32) {
    %c0_i32 = arith.constant 0 : i32
    %c0_i32_0 = arith.constant 0 : i32
    %c0_i32_1 = arith.constant 0 : i32
    return %c0_i32, %c0_i32_0 : i32, i32
  }
  func.func @transform_8(%arg0: i32) -> (i32, i32) {
    %c0_i32 = arith.constant 0 : i32
    %c0_i32_0 = arith.constant 0 : i32
    %c0_i32_1 = arith.constant 0 : i32
    return %c0_i32, %c0_i32_0 : i32, i32
  }
  func.func @transform_9(%arg0: i32) -> (i32, i32) {
    %c0_i32 = arith.constant 0 : i32
    %c0_i32_0 = arith.constant 0 : i32
    %c0_i32_1 = arith.constant 0 : i32
    return %c0_i32, %c0_i32_0 : i32, i32
  }
  func.func @transform_10(%arg0: i32) -> (i32, i32) {
    %c0_i32 = arith.constant 0 : i32
    %c0_i32_0 = arith.constant 0 : i32
    %c0_i32_1 = arith.constant 0 : i32
    return %c0_i32, %c0_i32_0 : i32, i32
  }
  func.func @transform_11(%arg0: i32) -> (i32, i32) {
    %c0_i32 = arith.constant 0 : i32
    %c0_i32_0 = arith.constant 0 : i32
    return %arg0, %c0_i32 : i32, i32
  }
  func.func @transform_12(%arg0: i32) -> (i32, i32) {
    %c0_i32 = arith.constant 0 : i32
    %c0_i32_0 = arith.constant 0 : i32
    return %arg0, %c0_i32 : i32, i32
  }
  func.func @transform_13(%arg0: i32) -> (i32, i32) {
    %c0_i32 = arith.constant 0 : i32
    %c0_i32_0 = arith.constant 0 : i32
    return %arg0, %c0_i32 : i32, i32
  }
  func.func @transform_14(%arg0: i32) -> (i32, i32) {
    %c0_i32 = arith.constant 0 : i32
    %c0_i32_0 = arith.constant 0 : i32
    return %arg0, %c0_i32 : i32, i32
  }
}

module attributes {stable_mosaic.version = 14 : i64} {
  func.func @_edge_body(%arg0: i32, %arg1: memref<4x512x128xf32, #tpu.memory_space<vmem>>, %arg2: memref<128x128xf32, #tpu.memory_space<vmem>>, %arg3: memref<128x128xf32, #tpu.memory_space<vmem>>, %arg4: memref<128x128xf32, #tpu.memory_space<vmem>>, %arg5: memref<1x128xf32, #tpu.memory_space<vmem>>, %arg6: memref<1x128xf32, #tpu.memory_space<vmem>>, %arg7: memref<1x128xf32, #tpu.memory_space<vmem>>, %arg8: memref<1x128xf32, #tpu.memory_space<vmem>>, %arg9: memref<512x128xf32, #tpu.memory_space<vmem>>) attributes {dimension_semantics = [#tpu.dimension_semantics<arbitrary>], iteration_bounds = array<i64: 384>, scalar_prefetch = 0 : i64, scratch_operands = 0 : i64, tpu.core_type = #tpu.core_type<tc>, window_params = [{transform_indices = @transform_0, window_bounds = array<i64: 4, 512, 128>}, {pipeline_mode = #tpu.pipeline_mode<synchronous>, transform_indices = @transform_1, window_bounds = array<i64: 128, 128>}, {pipeline_mode = #tpu.pipeline_mode<synchronous>, transform_indices = @transform_2, window_bounds = array<i64: 128, 128>}, {pipeline_mode = #tpu.pipeline_mode<synchronous>, transform_indices = @transform_3, window_bounds = array<i64: 128, 128>}, {pipeline_mode = #tpu.pipeline_mode<synchronous>, transform_indices = @transform_4, window_bounds = array<i64: 1, 128>}, {pipeline_mode = #tpu.pipeline_mode<synchronous>, transform_indices = @transform_5, window_bounds = array<i64: 1, 128>}, {pipeline_mode = #tpu.pipeline_mode<synchronous>, transform_indices = @transform_6, window_bounds = array<i64: 1, 128>}, {pipeline_mode = #tpu.pipeline_mode<synchronous>, transform_indices = @transform_7, window_bounds = array<i64: 1, 128>}, {transform_indices = @transform_8, window_bounds = array<i64: 512, 128>}]} {
    %get3A = arith.constant 0 : index
    %get3A_0 = arith.constant 0 : index
    %get3A_1 = arith.constant 0 : index
    %get3A_2 = vector.load %arg1[%get3A, %get3A_0, %get3A_1] : memref<4x512x128xf32, #tpu.memory_space<vmem>>, vector<1x512x128xf32>
    %get3A_3 = vector.shape_cast %get3A_2 : vector<1x512x128xf32> to vector<512x128xf32>
    %get3A_4 = arith.constant 2 : index
    %get3A_5 = arith.constant 0 : index
    %get3A_6 = arith.constant 0 : index
    %get3A_7 = vector.load %arg1[%get3A_4, %get3A_5, %get3A_6] : memref<4x512x128xf32, #tpu.memory_space<vmem>>, vector<1x512x128xf32>
    %get3A_8 = vector.shape_cast %get3A_7 : vector<1x512x128xf32> to vector<512x128xf32>
    %add3A = arith.addf %get3A_3, %get3A_8 : vector<512x128xf32>
    %max3A = arith.constant 0.000000e+00 : f32
    %max3A_9 = vector.broadcast %max3A : f32 to vector<512x128xf32>
    %max3A_10 = arith.maximumf %add3A, %max3A_9 : vector<512x128xf32>
    %get3A_11 = arith.constant 0 : index
    %get3A_12 = arith.constant 0 : index
    %get3A_13 = vector.load %arg2[%get3A_11, %get3A_12] : memref<128x128xf32, #tpu.memory_space<vmem>>, vector<128x128xf32>
    %dot_general3A = arith.constant dense<0.000000e+00> : vector<512x128xf32>
    %dot_general3A_14 = tpu.matmul %max3A_10, %get3A_13, %dot_general3A {dimension_numbers = #tpu.dot_dimension_numbers<[1], [0], [0], [1], [0, 0, 1, 1], [], []>, transpose_lhs_hint = false} : vector<512x128xf32>, vector<128x128xf32>, vector<512x128xf32> -> vector<512x128xf32>
    %get3A_15 = arith.constant 0 : index
    %get3A_16 = arith.constant 0 : index
    %get3A_17 = vector.load %arg5[%get3A_15, %get3A_16] : memref<1x128xf32, #tpu.memory_space<vmem>>, vector<1x128xf32>
    %get3A_18 = arith.constant 0 : index
    %get3A_19 = arith.constant 0 : index
    %get3A_20 = vector.load %arg6[%get3A_18, %get3A_19] : memref<1x128xf32, #tpu.memory_space<vmem>>, vector<1x128xf32>
    %reduce_sum3A = arith.constant dense<0.000000e+00> : vector<512xf32>
    %reduce_sum3A_21 = vector.multi_reduction <add>, %dot_general3A_14, %reduce_sum3A [1] : vector<512x128xf32> to vector<512xf32>
    %broadcast_in_dim3A = vector.shape_cast %reduce_sum3A_21 : vector<512xf32> to vector<512x1xf32>
    %div3A = arith.constant 1.280000e+02 : f32
    %div3A_22 = vector.broadcast %div3A : f32 to vector<512x1xf32>
    %div3A_23 = arith.divf %broadcast_in_dim3A, %div3A_22 : vector<512x1xf32>
    %sub3A = vector.broadcast %div3A_23 : vector<512x1xf32> to vector<512x128xf32>
    %sub3A_24 = arith.subf %dot_general3A_14, %sub3A : vector<512x128xf32>
    %integer_pow3A = arith.mulf %sub3A_24, %sub3A_24 : vector<512x128xf32>
    %reduce_sum3A_25 = arith.constant dense<0.000000e+00> : vector<512xf32>
    %reduce_sum3A_26 = vector.multi_reduction <add>, %integer_pow3A, %reduce_sum3A_25 [1] : vector<512x128xf32> to vector<512xf32>
    %broadcast_in_dim3A_27 = vector.shape_cast %reduce_sum3A_26 : vector<512xf32> to vector<512x1xf32>
    %div3A_28 = arith.constant 1.280000e+02 : f32
    %div3A_29 = vector.broadcast %div3A_28 : f32 to vector<512x1xf32>
    %div3A_30 = arith.divf %broadcast_in_dim3A_27, %div3A_29 : vector<512x1xf32>
    %sub3A_31 = vector.broadcast %div3A_23 : vector<512x1xf32> to vector<512x128xf32>
    %sub3A_32 = arith.subf %dot_general3A_14, %sub3A_31 : vector<512x128xf32>
    %add3A_33 = arith.constant 9.99999974E-6 : f32
    %add3A_34 = vector.broadcast %add3A_33 : f32 to vector<512x1xf32>
    %add3A_35 = arith.addf %div3A_30, %add3A_34 : vector<512x1xf32>
    %sqrt3A = math.sqrt %add3A_35 : vector<512x1xf32>
    %div3A_36 = vector.broadcast %sqrt3A : vector<512x1xf32> to vector<512x128xf32>
    %div3A_37 = arith.divf %sub3A_32, %div3A_36 : vector<512x128xf32>
    %mul3A = vector.broadcast %get3A_17 : vector<1x128xf32> to vector<512x128xf32>
    %mul3A_38 = arith.mulf %div3A_37, %mul3A : vector<512x128xf32>
    %add3A_39 = vector.broadcast %get3A_20 : vector<1x128xf32> to vector<512x128xf32>
    %add3A_40 = arith.addf %mul3A_38, %add3A_39 : vector<512x128xf32>
    %max3A_41 = arith.constant 0.000000e+00 : f32
    %max3A_42 = vector.broadcast %max3A_41 : f32 to vector<512x128xf32>
    %max3A_43 = arith.maximumf %add3A_40, %max3A_42 : vector<512x128xf32>
    %get3A_44 = arith.constant 0 : index
    %get3A_45 = arith.constant 0 : index
    %get3A_46 = vector.load %arg3[%get3A_44, %get3A_45] : memref<128x128xf32, #tpu.memory_space<vmem>>, vector<128x128xf32>
    %dot_general3A_47 = arith.constant dense<0.000000e+00> : vector<512x128xf32>
    %dot_general3A_48 = tpu.matmul %max3A_43, %get3A_46, %dot_general3A_47 {dimension_numbers = #tpu.dot_dimension_numbers<[1], [0], [0], [1], [0, 0, 1, 1], [], []>, transpose_lhs_hint = false} : vector<512x128xf32>, vector<128x128xf32>, vector<512x128xf32> -> vector<512x128xf32>
    %get3A_49 = arith.constant 1 : index
    %get3A_50 = arith.constant 0 : index
    %get3A_51 = arith.constant 0 : index
    %get3A_52 = vector.load %arg1[%get3A_49, %get3A_50, %get3A_51] : memref<4x512x128xf32, #tpu.memory_space<vmem>>, vector<1x512x128xf32>
    %get3A_53 = vector.shape_cast %get3A_52 : vector<1x512x128xf32> to vector<512x128xf32>
    %add3A_54 = arith.addf %dot_general3A_48, %get3A_53 : vector<512x128xf32>
    %get3A_55 = arith.constant 3 : index
    %get3A_56 = arith.constant 0 : index
    %get3A_57 = arith.constant 0 : index
    %get3A_58 = vector.load %arg1[%get3A_55, %get3A_56, %get3A_57] : memref<4x512x128xf32, #tpu.memory_space<vmem>>, vector<1x512x128xf32>
    %get3A_59 = vector.shape_cast %get3A_58 : vector<1x512x128xf32> to vector<512x128xf32>
    %add3A_60 = arith.addf %add3A_54, %get3A_59 : vector<512x128xf32>
    %get3A_61 = arith.constant 0 : index
    %get3A_62 = arith.constant 0 : index
    %get3A_63 = vector.load %arg7[%get3A_61, %get3A_62] : memref<1x128xf32, #tpu.memory_space<vmem>>, vector<1x128xf32>
    %get3A_64 = arith.constant 0 : index
    %get3A_65 = arith.constant 0 : index
    %get3A_66 = vector.load %arg8[%get3A_64, %get3A_65] : memref<1x128xf32, #tpu.memory_space<vmem>>, vector<1x128xf32>
    %reduce_sum3A_67 = arith.constant dense<0.000000e+00> : vector<512xf32>
    %reduce_sum3A_68 = vector.multi_reduction <add>, %add3A_60, %reduce_sum3A_67 [1] : vector<512x128xf32> to vector<512xf32>
    %broadcast_in_dim3A_69 = vector.shape_cast %reduce_sum3A_68 : vector<512xf32> to vector<512x1xf32>
    %div3A_70 = arith.constant 1.280000e+02 : f32
    %div3A_71 = vector.broadcast %div3A_70 : f32 to vector<512x1xf32>
    %div3A_72 = arith.divf %broadcast_in_dim3A_69, %div3A_71 : vector<512x1xf32>
    %sub3A_73 = vector.broadcast %div3A_72 : vector<512x1xf32> to vector<512x128xf32>
    %sub3A_74 = arith.subf %add3A_60, %sub3A_73 : vector<512x128xf32>
    %integer_pow3A_75 = arith.mulf %sub3A_74, %sub3A_74 : vector<512x128xf32>
    %reduce_sum3A_76 = arith.constant dense<0.000000e+00> : vector<512xf32>
    %reduce_sum3A_77 = vector.multi_reduction <add>, %integer_pow3A_75, %reduce_sum3A_76 [1] : vector<512x128xf32> to vector<512xf32>
    %broadcast_in_dim3A_78 = vector.shape_cast %reduce_sum3A_77 : vector<512xf32> to vector<512x1xf32>
    %div3A_79 = arith.constant 1.280000e+02 : f32
    %div3A_80 = vector.broadcast %div3A_79 : f32 to vector<512x1xf32>
    %div3A_81 = arith.divf %broadcast_in_dim3A_78, %div3A_80 : vector<512x1xf32>
    %sub3A_82 = vector.broadcast %div3A_72 : vector<512x1xf32> to vector<512x128xf32>
    %sub3A_83 = arith.subf %add3A_60, %sub3A_82 : vector<512x128xf32>
    %add3A_84 = arith.constant 9.99999974E-6 : f32
    %add3A_85 = vector.broadcast %add3A_84 : f32 to vector<512x1xf32>
    %add3A_86 = arith.addf %div3A_81, %add3A_85 : vector<512x1xf32>
    %sqrt3A_87 = math.sqrt %add3A_86 : vector<512x1xf32>
    %div3A_88 = vector.broadcast %sqrt3A_87 : vector<512x1xf32> to vector<512x128xf32>
    %div3A_89 = arith.divf %sub3A_83, %div3A_88 : vector<512x128xf32>
    %mul3A_90 = vector.broadcast %get3A_63 : vector<1x128xf32> to vector<512x128xf32>
    %mul3A_91 = arith.mulf %div3A_89, %mul3A_90 : vector<512x128xf32>
    %add3A_92 = vector.broadcast %get3A_66 : vector<1x128xf32> to vector<512x128xf32>
    %add3A_93 = arith.addf %mul3A_91, %add3A_92 : vector<512x128xf32>
    %max3A_94 = arith.constant 0.000000e+00 : f32
    %max3A_95 = vector.broadcast %max3A_94 : f32 to vector<512x128xf32>
    %max3A_96 = arith.maximumf %add3A_93, %max3A_95 : vector<512x128xf32>
    %get3A_97 = arith.constant 0 : index
    %get3A_98 = arith.constant 0 : index
    %get3A_99 = vector.load %arg4[%get3A_97, %get3A_98] : memref<128x128xf32, #tpu.memory_space<vmem>>, vector<128x128xf32>
    %dot_general3A_100 = arith.constant dense<0.000000e+00> : vector<512x128xf32>
    %dot_general3A_101 = tpu.matmul %max3A_96, %get3A_99, %dot_general3A_100 {dimension_numbers = #tpu.dot_dimension_numbers<[1], [0], [0], [1], [0, 0, 1, 1], [], []>, transpose_lhs_hint = false} : vector<512x128xf32>, vector<128x128xf32>, vector<512x128xf32> -> vector<512x128xf32>
    %swap3A = arith.constant 0 : index
    %swap3A_102 = arith.constant 0 : index
    %swap3A_103 = vector.load %arg9[%swap3A, %swap3A_102] : memref<512x128xf32, #tpu.memory_space<vmem>>, vector<512x128xf32>
    tpu.vector_store %arg9[%swap3A, %swap3A_102], %dot_general3A_101 {strides = array<i32>} : memref<512x128xf32, #tpu.memory_space<vmem>>, vector<512x128xf32>,
    return
  }
  func.func @transform_0(%arg0: i32) -> (i32, i32, i32) {
    %c0_i32 = arith.constant 0 : i32
    %c0_i32_0 = arith.constant 0 : i32
    %c0_i32_1 = arith.constant 0 : i32
    return %c0_i32, %arg0, %c0_i32_0 : i32, i32, i32
  }
  func.func @transform_1(%arg0: i32) -> (i32, i32) {
    %c0_i32 = arith.constant 0 : i32
    %c0_i32_0 = arith.constant 0 : i32
    %c0_i32_1 = arith.constant 0 : i32
    return %c0_i32, %c0_i32_0 : i32, i32
  }
  func.func @transform_2(%arg0: i32) -> (i32, i32) {
    %c0_i32 = arith.constant 0 : i32
    %c0_i32_0 = arith.constant 0 : i32
    %c0_i32_1 = arith.constant 0 : i32
    return %c0_i32, %c0_i32_0 : i32, i32
  }
  func.func @transform_3(%arg0: i32) -> (i32, i32) {
    %c0_i32 = arith.constant 0 : i32
    %c0_i32_0 = arith.constant 0 : i32
    %c0_i32_1 = arith.constant 0 : i32
    return %c0_i32, %c0_i32_0 : i32, i32
  }
  func.func @transform_4(%arg0: i32) -> (i32, i32) {
    %c0_i32 = arith.constant 0 : i32
    %c0_i32_0 = arith.constant 0 : i32
    %c0_i32_1 = arith.constant 0 : i32
    return %c0_i32, %c0_i32_0 : i32, i32
  }
  func.func @transform_5(%arg0: i32) -> (i32, i32) {
    %c0_i32 = arith.constant 0 : i32
    %c0_i32_0 = arith.constant 0 : i32
    %c0_i32_1 = arith.constant 0 : i32
    return %c0_i32, %c0_i32_0 : i32, i32
  }
  func.func @transform_6(%arg0: i32) -> (i32, i32) {
    %c0_i32 = arith.constant 0 : i32
    %c0_i32_0 = arith.constant 0 : i32
    %c0_i32_1 = arith.constant 0 : i32
    return %c0_i32, %c0_i32_0 : i32, i32
  }
  func.func @transform_7(%arg0: i32) -> (i32, i32) {
    %c0_i32 = arith.constant 0 : i32
    %c0_i32_0 = arith.constant 0 : i32
    %c0_i32_1 = arith.constant 0 : i32
    return %c0_i32, %c0_i32_0 : i32, i32
  }
  func.func @transform_8(%arg0: i32) -> (i32, i32) {
    %c0_i32 = arith.constant 0 : i32
    %c0_i32_0 = arith.constant 0 : i32
    return %arg0, %c0_i32 : i32, i32
  }
}

module attributes {stable_mosaic.version = 14 : i64} {
  func.func @_post_body(%arg0: i32, %arg1: memref<512x128xf32, #tpu.memory_space<vmem>>, %arg2: memref<512x128xf32, #tpu.memory_space<vmem>>, %arg3: memref<512x128xf32, #tpu.memory_space<vmem>>, %arg4: memref<128x128xf32, #tpu.memory_space<vmem>>, %arg5: memref<1x128xf32, #tpu.memory_space<vmem>>, %arg6: memref<1x128xf32, #tpu.memory_space<vmem>>, %arg7: memref<128x128xf32, #tpu.memory_space<vmem>>, %arg8: memref<1x128xf32, #tpu.memory_space<vmem>>, %arg9: memref<1x128xf32, #tpu.memory_space<vmem>>, %arg10: memref<512x128xf32, #tpu.memory_space<vmem>>) attributes {dimension_semantics = [#tpu.dimension_semantics<arbitrary>], iteration_bounds = array<i64: 10>, scalar_prefetch = 0 : i64, scratch_operands = 0 : i64, tpu.core_type = #tpu.core_type<tc>, window_params = [{transform_indices = @transform_0, window_bounds = array<i64: 512, 128>}, {transform_indices = @transform_1, window_bounds = array<i64: 512, 128>}, {transform_indices = @transform_2, window_bounds = array<i64: 512, 128>}, {pipeline_mode = #tpu.pipeline_mode<synchronous>, transform_indices = @transform_3, window_bounds = array<i64: 128, 128>}, {pipeline_mode = #tpu.pipeline_mode<synchronous>, transform_indices = @transform_4, window_bounds = array<i64: 1, 128>}, {pipeline_mode = #tpu.pipeline_mode<synchronous>, transform_indices = @transform_5, window_bounds = array<i64: 1, 128>}, {pipeline_mode = #tpu.pipeline_mode<synchronous>, transform_indices = @transform_6, window_bounds = array<i64: 128, 128>}, {pipeline_mode = #tpu.pipeline_mode<synchronous>, transform_indices = @transform_7, window_bounds = array<i64: 1, 128>}, {pipeline_mode = #tpu.pipeline_mode<synchronous>, transform_indices = @transform_8, window_bounds = array<i64: 1, 128>}, {transform_indices = @transform_9, window_bounds = array<i64: 512, 128>}]} {
    %get3A = arith.constant 0 : index
    %get3A_0 = arith.constant 0 : index
    %get3A_1 = vector.load %arg1[%get3A, %get3A_0] : memref<512x128xf32, #tpu.memory_space<vmem>>, vector<512x128xf32>
    %get3A_2 = arith.constant 0 : index
    %get3A_3 = arith.constant 0 : index
    %get3A_4 = vector.load %arg4[%get3A_2, %get3A_3] : memref<128x128xf32, #tpu.memory_space<vmem>>, vector<128x128xf32>
    %dot_general3A = arith.constant dense<0.000000e+00> : vector<512x128xf32>
    %dot_general3A_5 = tpu.matmul %get3A_1, %get3A_4, %dot_general3A {dimension_numbers = #tpu.dot_dimension_numbers<[1], [0], [0], [1], [0, 0, 1, 1], [], []>, precision = #tpu.contract_precision<fp32>, transpose_lhs_hint = false} : vector<512x128xf32>, vector<128x128xf32>, vector<512x128xf32> -> vector<512x128xf32>
    %get3A_6 = arith.constant 0 : index
    %get3A_7 = arith.constant 0 : index
    %get3A_8 = vector.load %arg2[%get3A_6, %get3A_7] : memref<512x128xf32, #tpu.memory_space<vmem>>, vector<512x128xf32>
    %add3A = arith.addf %dot_general3A_5, %get3A_8 : vector<512x128xf32>
    %get3A_9 = arith.constant 0 : index
    %get3A_10 = arith.constant 0 : index
    %get3A_11 = vector.load %arg3[%get3A_9, %get3A_10] : memref<512x128xf32, #tpu.memory_space<vmem>>, vector<512x128xf32>
    %add3A_12 = arith.addf %add3A, %get3A_11 : vector<512x128xf32>
    %get3A_13 = arith.constant 0 : index
    %get3A_14 = arith.constant 0 : index
    %get3A_15 = vector.load %arg5[%get3A_13, %get3A_14] : memref<1x128xf32, #tpu.memory_space<vmem>>, vector<1x128xf32>
    %get3A_16 = arith.constant 0 : index
    %get3A_17 = arith.constant 0 : index
    %get3A_18 = vector.load %arg6[%get3A_16, %get3A_17] : memref<1x128xf32, #tpu.memory_space<vmem>>, vector<1x128xf32>
    %reduce_sum3A = arith.constant dense<0.000000e+00> : vector<512xf32>
    %reduce_sum3A_19 = vector.multi_reduction <add>, %add3A_12, %reduce_sum3A [1] : vector<512x128xf32> to vector<512xf32>
    %broadcast_in_dim3A = vector.shape_cast %reduce_sum3A_19 : vector<512xf32> to vector<512x1xf32>
    %div3A = arith.constant 1.280000e+02 : f32
    %div3A_20 = vector.broadcast %div3A : f32 to vector<512x1xf32>
    %div3A_21 = arith.divf %broadcast_in_dim3A, %div3A_20 : vector<512x1xf32>
    %sub3A = vector.broadcast %div3A_21 : vector<512x1xf32> to vector<512x128xf32>
    %sub3A_22 = arith.subf %add3A_12, %sub3A : vector<512x128xf32>
    %integer_pow3A = arith.mulf %sub3A_22, %sub3A_22 : vector<512x128xf32>
    %reduce_sum3A_23 = arith.constant dense<0.000000e+00> : vector<512xf32>
    %reduce_sum3A_24 = vector.multi_reduction <add>, %integer_pow3A, %reduce_sum3A_23 [1] : vector<512x128xf32> to vector<512xf32>
    %broadcast_in_dim3A_25 = vector.shape_cast %reduce_sum3A_24 : vector<512xf32> to vector<512x1xf32>
    %div3A_26 = arith.constant 1.280000e+02 : f32
    %div3A_27 = vector.broadcast %div3A_26 : f32 to vector<512x1xf32>
    %div3A_28 = arith.divf %broadcast_in_dim3A_25, %div3A_27 : vector<512x1xf32>
    %sub3A_29 = vector.broadcast %div3A_21 : vector<512x1xf32> to vector<512x128xf32>
    %sub3A_30 = arith.subf %add3A_12, %sub3A_29 : vector<512x128xf32>
    %add3A_31 = arith.constant 9.99999974E-6 : f32
    %add3A_32 = vector.broadcast %add3A_31 : f32 to vector<512x1xf32>
    %add3A_33 = arith.addf %div3A_28, %add3A_32 : vector<512x1xf32>
    %sqrt3A = math.sqrt %add3A_33 : vector<512x1xf32>
    %div3A_34 = vector.broadcast %sqrt3A : vector<512x1xf32> to vector<512x128xf32>
    %div3A_35 = arith.divf %sub3A_30, %div3A_34 : vector<512x128xf32>
    %mul3A = vector.broadcast %get3A_15 : vector<1x128xf32> to vector<512x128xf32>
    %mul3A_36 = arith.mulf %div3A_35, %mul3A : vector<512x128xf32>
    %add3A_37 = vector.broadcast %get3A_18 : vector<1x128xf32> to vector<512x128xf32>
    %add3A_38 = arith.addf %mul3A_36, %add3A_37 : vector<512x128xf32>
    %max3A = arith.constant 0.000000e+00 : f32
    %max3A_39 = vector.broadcast %max3A : f32 to vector<512x128xf32>
    %max3A_40 = arith.maximumf %add3A_38, %max3A_39 : vector<512x128xf32>
    %get3A_41 = arith.constant 0 : index
    %get3A_42 = arith.constant 0 : index
    %get3A_43 = vector.load %arg7[%get3A_41, %get3A_42] : memref<128x128xf32, #tpu.memory_space<vmem>>, vector<128x128xf32>
    %dot_general3A_44 = arith.constant dense<0.000000e+00> : vector<512x128xf32>
    %dot_general3A_45 = tpu.matmul %max3A_40, %get3A_43, %dot_general3A_44 {dimension_numbers = #tpu.dot_dimension_numbers<[1], [0], [0], [1], [0, 0, 1, 1], [], []>, precision = #tpu.contract_precision<fp32>, transpose_lhs_hint = false} : vector<512x128xf32>, vector<128x128xf32>, vector<512x128xf32> -> vector<512x128xf32>
    %get3A_46 = arith.constant 0 : index
    %get3A_47 = arith.constant 0 : index
    %get3A_48 = vector.load %arg8[%get3A_46, %get3A_47] : memref<1x128xf32, #tpu.memory_space<vmem>>, vector<1x128xf32>
    %get3A_49 = arith.constant 0 : index
    %get3A_50 = arith.constant 0 : index
    %get3A_51 = vector.load %arg9[%get3A_49, %get3A_50] : memref<1x128xf32, #tpu.memory_space<vmem>>, vector<1x128xf32>
    %reduce_sum3A_52 = arith.constant dense<0.000000e+00> : vector<512xf32>
    %reduce_sum3A_53 = vector.multi_reduction <add>, %dot_general3A_45, %reduce_sum3A_52 [1] : vector<512x128xf32> to vector<512xf32>
    %broadcast_in_dim3A_54 = vector.shape_cast %reduce_sum3A_53 : vector<512xf32> to vector<512x1xf32>
    %div3A_55 = arith.constant 1.280000e+02 : f32
    %div3A_56 = vector.broadcast %div3A_55 : f32 to vector<512x1xf32>
    %div3A_57 = arith.divf %broadcast_in_dim3A_54, %div3A_56 : vector<512x1xf32>
    %sub3A_58 = vector.broadcast %div3A_57 : vector<512x1xf32> to vector<512x128xf32>
    %sub3A_59 = arith.subf %dot_general3A_45, %sub3A_58 : vector<512x128xf32>
    %integer_pow3A_60 = arith.mulf %sub3A_59, %sub3A_59 : vector<512x128xf32>
    %reduce_sum3A_61 = arith.constant dense<0.000000e+00> : vector<512xf32>
    %reduce_sum3A_62 = vector.multi_reduction <add>, %integer_pow3A_60, %reduce_sum3A_61 [1] : vector<512x128xf32> to vector<512xf32>
    %broadcast_in_dim3A_63 = vector.shape_cast %reduce_sum3A_62 : vector<512xf32> to vector<512x1xf32>
    %div3A_64 = arith.constant 1.280000e+02 : f32
    %div3A_65 = vector.broadcast %div3A_64 : f32 to vector<512x1xf32>
    %div3A_66 = arith.divf %broadcast_in_dim3A_63, %div3A_65 : vector<512x1xf32>
    %sub3A_67 = vector.broadcast %div3A_57 : vector<512x1xf32> to vector<512x128xf32>
    %sub3A_68 = arith.subf %dot_general3A_45, %sub3A_67 : vector<512x128xf32>
    %add3A_69 = arith.constant 9.99999974E-6 : f32
    %add3A_70 = vector.broadcast %add3A_69 : f32 to vector<512x1xf32>
    %add3A_71 = arith.addf %div3A_66, %add3A_70 : vector<512x1xf32>
    %sqrt3A_72 = math.sqrt %add3A_71 : vector<512x1xf32>
    %div3A_73 = vector.broadcast %sqrt3A_72 : vector<512x1xf32> to vector<512x128xf32>
    %div3A_74 = arith.divf %sub3A_68, %div3A_73 : vector<512x128xf32>
    %mul3A_75 = vector.broadcast %get3A_48 : vector<1x128xf32> to vector<512x128xf32>
    %mul3A_76 = arith.mulf %div3A_74, %mul3A_75 : vector<512x128xf32>
    %add3A_77 = vector.broadcast %get3A_51 : vector<1x128xf32> to vector<512x128xf32>
    %add3A_78 = arith.addf %mul3A_76, %add3A_77 : vector<512x128xf32>
    %add3A_79 = arith.addf %add3A_78, %get3A_1 : vector<512x128xf32>
    %max3A_80 = arith.constant 0.000000e+00 : f32
    %max3A_81 = vector.broadcast %max3A_80 : f32 to vector<512x128xf32>
    %max3A_82 = arith.maximumf %add3A_79, %max3A_81 : vector<512x128xf32>
    %swap3A = arith.constant 0 : index
    %swap3A_83 = arith.constant 0 : index
    %swap3A_84 = vector.load %arg10[%swap3A, %swap3A_83] : memref<512x128xf32, #tpu.memory_space<vmem>>, vector<512x128xf32>
    tpu.vector_store %arg10[%swap3A, %swap3A_83], %max3A_82 {strides = array<i32>} : memref<512x128xf32, #tpu.memory_space<vmem>>, vector<512x128xf32>,
    return
  }
  func.func @transform_0(%arg0: i32) -> (i32, i32) {
    %c0_i32 = arith.constant 0 : i32
    %c0_i32_0 = arith.constant 0 : i32
    return %arg0, %c0_i32 : i32, i32
  }
  func.func @transform_1(%arg0: i32) -> (i32, i32) {
    %c0_i32 = arith.constant 0 : i32
    %c0_i32_0 = arith.constant 0 : i32
    return %arg0, %c0_i32 : i32, i32
  }
  func.func @transform_2(%arg0: i32) -> (i32, i32) {
    %c0_i32 = arith.constant 0 : i32
    %c0_i32_0 = arith.constant 0 : i32
    return %arg0, %c0_i32 : i32, i32
  }
  func.func @transform_3(%arg0: i32) -> (i32, i32) {
    %c0_i32 = arith.constant 0 : i32
    %c0_i32_0 = arith.constant 0 : i32
    %c0_i32_1 = arith.constant 0 : i32
    return %c0_i32, %c0_i32_0 : i32, i32
  }
  func.func @transform_4(%arg0: i32) -> (i32, i32) {
    %c0_i32 = arith.constant 0 : i32
    %c0_i32_0 = arith.constant 0 : i32
    %c0_i32_1 = arith.constant 0 : i32
    return %c0_i32, %c0_i32_0 : i32, i32
  }
  func.func @transform_5(%arg0: i32) -> (i32, i32) {
    %c0_i32 = arith.constant 0 : i32
    %c0_i32_0 = arith.constant 0 : i32
    %c0_i32_1 = arith.constant 0 : i32
    return %c0_i32, %c0_i32_0 : i32, i32
  }
  func.func @transform_6(%arg0: i32) -> (i32, i32) {
    %c0_i32 = arith.constant 0 : i32
    %c0_i32_0 = arith.constant 0 : i32
    %c0_i32_1 = arith.constant 0 : i32
    return %c0_i32, %c0_i32_0 : i32, i32
  }
  func.func @transform_7(%arg0: i32) -> (i32, i32) {
    %c0_i32 = arith.constant 0 : i32
    %c0_i32_0 = arith.constant 0 : i32
    %c0_i32_1 = arith.constant 0 : i32
    return %c0_i32, %c0_i32_0 : i32, i32
  }
  func.func @transform_8(%arg0: i32) -> (i32, i32) {
    %c0_i32 = arith.constant 0 : i32
    %c0_i32_0 = arith.constant 0 : i32
    %c0_i32_1 = arith.constant 0 : i32
    return %c0_i32, %c0_i32_0 : i32, i32
  }
  func.func @transform_9(%arg0: i32) -> (i32, i32) {
    %c0_i32 = arith.constant 0 : i32
    %c0_i32_0 = arith.constant 0 : i32
    return %arg0, %c0_i32 : i32, i32
  }
}

</mosaic_0001>

<sc_bundles>
// kernel: scatter_offload_async_start
scs
__scs_entry_jumppad:
0x0: {  	(pc) =	sbr.rel $0x88, $3  }
0x1: {  	(tag) =	ssettag $0x0;
	lr =	simm.s32 $0x1  }
0x2: {  	[smem:$0x3F8B] =	sst lr;
	_ =	strace $0xD0000000  }
0x3: {  	_ = 	snop  }
0x4: {  	_ = 	snop  }
0x5: {  	_ = 	snop  }
0x6: {  	_ = 	snop  }
0x7: {  	_ = 	snop  }
__scs_overlays_trampoline_lowered:
0x8: {  	[smem:$0x3F9A] =	sst s0  }
0x9: {  	[smem:$0x3F9B] =	sst s1  }
0xa: {  	[smem:$0x3F9C] =	sst s2  }
0xb: {  	[smem:$0x3F9D] =	sst s3  }
0xc: {  	[smem:$0x3F9E] =	sst s4  }
0xd: {  	[smem:$0x3F9F] =	sst s5  }
0xe: {  	[smem:$0x3FA0] =	sst s6  }
0xf: {  	[smem:$0x3FA1] =	sst s7  }
0x10: {  	[smem:$0x3FA2] =	sst s8  }
0x11: {  	[smem:$0x3FA3] =	sst s9;
	s0 =	simm.s32 @!p0 $0x0  }
0x12: {  	s1 =	sld [smem:$0x3F89];
	s0 =	simm.s32 @p0 $0x1  }
0x13: {  	[smem:$0x3FA4] =	sst s0;
	s0 =	simm.s32 @!p1 $0x0  }
0x14: {  	s2 =	sld [smem:$0x3F88];
	s0 =	simm.s32 @p1 $0x1  }
0x15: {  	[smem:$0x3FA5] =	sst s0;
	s0 =	simm.s32 @!p2 $0x0  }
0x16: {  	s3 =	sld [smem:$0x3FDB];
	s0 =	simm.s32 @p2 $0x1  }
0x17: {  	s4 =	simm.s32 $0x1BF5;
	[smem:$0x3FA7] =	sst s0  }
0x18: {  	s0 =	sld [smem:$0x3F8A];
	_ =	swait.ge [sflag:s4], $0x0  }
0x19: {  	s7 =	sld [smem:$0x3F8B]  }
0x1a: {  	s8 =	sadd.s32 $0xFFFFE003, lr  }
0x1b: {  	s9 =	sadd.s32 $0xFFFFFEF7, lr;
	s5 =	simm.s32 $0xFFFFFFFF;
	p2 =	slt.u32 s8, $0xFFFFF086  }
0x1c: {  	p1 =	slt.u32 s9, $0xF7A;
	s5 =	simm.s32 @!p2 $0x0  }
0x1d: {  	s5 =	simm.s32 @p1 $0x1;
	p0 =	seq.s32 s7, s2  }
0x1e: {  	s7 =	smul.u32 @!p0 $0xF7A, s2;
	p2 =	seq.s32 @!p0 s5, $0x0  }
0x1f: {  	s9 =	smul.u32 $0xF7A, s1;
	s8 =	simm.s32 @!p0 $0x1BF5;
	p2 =	por !p2, p0  }
0x20: {  	[sflag:s8] =	ssyncset.s32 @!p0 $0xFFFFF086;
	s6 =	sadd.s32 @!p0 s3, s7;
	s7 =	simm.s32 @!p0 $0x108  }
0x21: {  	s3 =	sadd.s32 s3, s9;
	s6 =	sadd.s32 @!p0 $0x88, s6;
	s7 =	simm.s32 @p2 $0x1082  }
0x22: {  	[simem:s7], [sflag:s8] =	dma.local @!p0 [hbm:s6], $0xF7A  }
0x23: {  	s9 =	sor.u32 $0xD0000000, s2;
	s6 =	simm.s32 $0x108;
	_ =	swait.ge @!p0 [sflag:s8], $0x0  }
0x24: {  	s3 =	sadd.s32 $0x88, s3;
	s6 =	simm.s32 @!p1 $0x1082;
	[sflag:s4] =	ssyncset.s32 $0xFFFFF086  }
0x25: {  	[simem:s6], [sflag:s4] =	dma.local [hbm:s3], $0xF7A  }
0x26: {  	[smem:$0x3F8B] =	sst s1;
	(tag) =	ssettag s2;
	_ =	strace s9  }
0x27: {  	s1 =	sld [smem:$0x3F9B]  }
0x28: {  	s2 =	sld [smem:$0x3F9C]  }
0x29: {  	s4 =	sld [smem:$0x3F9E]  }
0x2a: {  	p0 =	seq.s32 s5, $0x0;
	s5 =	sld [smem:$0x3F9F]  }
0x2b: {  	s6 =	sld [smem:$0x3FA0]  }
0x2c: {  	s7 =	sld [smem:$0x3FA1]  }
0x2d: {  	s3 =	simm.s32 $0x108;
	s8 =	sld [smem:$0x3FA2]  }
0x2e: {  	s3 =	simm.s32 @!p0 $0x1082;
	s9 =	sld [smem:$0x3FA3]  }
0x2f: {  	lr =	sadd.s32 s0, s3;
	s0 =	sld [smem:$0x3F9A]  }
0x30: {  	s3 =	sld [smem:$0x3F9D]  }
0x31: {  	[smem:$0x3FA6] =	sst s10  }
0x32: {  	s10 =	sld [smem:$0x3FA4];
	_ =	sdelay $0x3  }
0x33: {  	p0 =	seq.s32 s10, $0x1;
	s10 =	sld [smem:$0x3FA6];
	_ =	sdelay $0x3  }
0x34: {  	[smem:$0x3FA6] =	sst s10  }
0x35: {  	s10 =	sld [smem:$0x3FA5];
	_ =	sdelay $0x3  }
0x36: {  	p1 =	seq.s32 s10, $0x1;
	s10 =	sld [smem:$0x3FA6];
	_ =	sdelay $0x3  }
0x37: {  	[smem:$0x3FA6] =	sst s10  }
0x38: {  	s10 =	sld [smem:$0x3FA7]  }
0x39: {  	_ = 	snop;
	(pc) =	sbr.ind lr, $3  }
0x3a: {  	_ = 	snop  }
0x3b: {  	_ = 	snop  }
0x3c: {  	p2 =	seq.s32 s10, $0x1;
	s10 =	sld [smem:$0x3FA6]  }
0x3d: {  	_ =	shalt  }
0x3e: {  	_ =	shalt  }
0x3f: {  	_ =	shalt  }
0x40: {  	_ =	shalt  }
0x41: {  	_ =	shalt  }
0x42: {  	_ =	shalt  }
0x43: {  	_ =	shalt  }
0x44: {  	_ =	shalt  }
0x45: {  	_ =	shalt  }
0x46: {  	_ =	shalt  }
0x47: {  	_ =	shalt  }
0x48: {  	_ =	shalt  }
0x49: {  	_ =	shalt  }
0x4a: {  	_ =	shalt  }
0x4b: {  	_ =	shalt  }
0x4c: {  	_ =	shalt  }
0x4d: {  	_ =	shalt  }
0x4e: {  	_ =	shalt  }
0x4f: {  	_ =	shalt  }
0x50: {  	_ =	shalt  }
0x51: {  	_ =	shalt  }
0x52: {  	_ =	shalt  }
0x53: {  	_ =	shalt  }
0x54: {  	_ =	shalt  }
0x55: {  	_ =	shalt  }
0x56: {  	_ =	shalt  }
0x57: {  	_ =	shalt  }
0x58: {  	_ =	shalt  }
0x59: {  	_ =	shalt  }
0x5a: {  	_ =	shalt  }
0x5b: {  	_ =	shalt  }
0x5c: {  	_ =	shalt  }
0x5d: {  	_ =	shalt  }
0x5e: {  	_ =	shalt  }
0x5f: {  	_ =	shalt  }
0x60: {  	_ =	shalt  }
0x61: {  	_ =	shalt  }
0x62: {  	_ =	shalt  }
0x63: {  	_ =	shalt  }
0x64: {  	_ =	shalt  }
0x65: {  	_ =	shalt  }
0x66: {  	_ =	shalt  }
0x67: {  	_ =	shalt  }
0x68: {  	_ =	shalt  }
0x69: {  	_ =	shalt  }
0x6a: {  	_ =	shalt  }
0x6b: {  	_ =	shalt  }
0x6c: {  	_ =	shalt  }
0x6d: {  	_ =	shalt  }
0x6e: {  	_ =	shalt  }
0x6f: {  	_ =	shalt  }
0x70: {  	_ =	shalt  }
0x71: {  	_ =	shalt  }
0x72: {  	_ =	shalt  }
0x73: {  	_ =	shalt  }
0x74: {  	_ =	shalt  }
0x75: {  	_ =	shalt  }
0x76: {  	_ =	shalt  }
0x77: {  	_ =	shalt  }
0x78: {  	_ =	shalt  }
0x79: {  	_ =	shalt  }
0x7a: {  	_ =	shalt  }
0x7b: {  	_ =	shalt  }
0x7c: {  	_ =	shalt  }
0x7d: {  	_ =	shalt  }
0x7e: {  	_ =	shalt  }
0x7f: {  	_ =	shalt  }
0x80: {  	_ =	shalt  }
0x81: {  	_ =	shalt  }
0x82: {  	_ =	shalt  }
0x83: {  	_ =	shalt  }
0x84: {  	_ =	shalt  }
0x85: {  	_ =	shalt  }
0x86: {  	_ =	shalt  }
0x87: {  	_ =	shalt  }
.Lfunc_end0:
.L_simem_size_0:
called_computation_lowered:
.L_overlay_start_0:
0x88: {  	s0 =	sld [smem:$0x3FD9]  }
0x89: {  	s1 =	sld [smem:$0x3FFE];
	_ =	sdelay $0x3  }
0x8a: {  	s0 =	sadd.s32 s1, s0  }
0x8b: {  	[smem:$0x3FB2] =	sst s0  }
0x8c: {  	_ = 	snop  }
0x8d: {  	s0 =	sld [smem:$0x3FD0];
	(tm) =	ssettm $0x1  }
0x8e: {  	s16 =	sld [smem:$0x3FFB];
	_ =	sdelay $0x3  }
0x8f: {  	_ =	strace s16  }
0x90: {  	s1 =	sld [smem:$0x3FFC];
	_ =	sdelay $0x3  }
0x91: {  	_ =	strace s1  }
0x92: {  	s1 =	sld [smem:$0x3FFD];
	_ =	sdelay $0x3  }
0x93: {  	_ =	strace s1  }
0x94: {  	_ =	strace $0x8FFFFFFF  }
0x95: {  	s17 =	sld [smem:$0x3FDB];
	_ =	sdelay $0x1  }
0x96: {  	s2 =	simm.s32 $_scs_section_size  }
0x97: {  	s3 =	simm.s32 $_size__tile_overlayer_lowered;
	s4 =	simm.s32 $_tile_overlayer_lowered  }
0x98: {  	s20 =	simm.s32 $0x1BFF;
	s19 =	sshll.u32 s4, $0x1;
	s1 =	sadd.s32 s2, s17  }
0x99: {  	s5 =	simm.s32 $0x0;
	s18 =	sshll.u32 s3, $0x1;
	s3 =	sadd.s32 s19, s1  }
0x9a: {  	[timem:s5], [sflag:s20] =	dma.local [hbm:s3], s18  }
0x9b: {  	_ =	swait.ge [sflag:s20], s18  }
0x9c: {  	s2 =	ssub.s32 $0x0, s18;
	[sflag:s20] =	ssyncset.done $0x0  }
0x9d: {  	[sflag:s20] =	ssyncadd.s32 s2;
	_ =	sdelay $0x1  }
0x9e: {  	s21 =	simm.s32 $0x1B8B  }
0x9f: {  	_ =	swait.ge [sflag:s21], $0x1  }
0xa0: {  	[sflag:s21] =	ssyncset.done $0x0  }
0xa1: {  	s23 =	simm.s32 $0x1B8E;
	s22 =	sld [smem:$0x3FFE];
	[sflag:s21] =	ssyncadd.s32 $0xFFFFFFFF  }
0xa2: {  	s24 =	simm.s32 $execute0_lowered;
	[smem:$0x3FD2] =	sst s23  }
0xa3: {  	s3 =	sshll.u32 s24, $0x1;
	_ =	strace $0x8000004C;
	[dreg:$0x1] =	wrdreg $0xFFFFFFFF  }
0xa4: {  	s25 =	simm.s32 $_size_execute0_lowered;
	s1 =	sadd.s32 s1, s3;
	[dreg:$0x0] =	wrdreg $0x0  }
0xa5: {  	s3 =	sshll.u32 s25, $0x1;
	[dreg:$0x2] =	wrdreg s1  }
0xa6: {  	[dreg:$0x3] =	wrdreg s3  }
0xa7: {  	[dreg:$0x4] =	wrdreg $0xC0  }
0xa8: {  	_ =	task [dreg:s5], $0x5FFFF  }
0xa9: {  	[dreg:$0x1] =	wrdreg $0xFFFFFFFF  }
0xaa: {  	[dreg:$0x0] =	wrdreg $0x60  }
0xab: {  	[dreg:$0x2] =	wrdreg s0  }
0xac: {  	[dreg:$0x3] =	wrdreg s22  }
0xad: {  	[dreg:$0x4] =	wrdreg $0x9  }
0xae: {  	_ =	task.clear_ibuf [dreg:s5], $0x5FFFF;
	_ =	strace $0x9000004C  }
0xaf: {  	s26 =	simm.s32 $0x9;
	_ =	strace $0x8000004E  }
0xb0: {  	_ =	swait.ge [sflag:s26], $0x1  }
0xb1: {  	[sflag:s26] =	ssyncadd.s32 $0xFFFFFFFF  }
0xb2: {  	_ =	strace $0x9000004E  }
0xb3: {  	_ =	sfence  }
0xb4: {  	s28 =	sld [smem:$0x0];
	_ =	sdelay $0x1  }
0xb5: {  	s29 =	srdreg.scid  }
0xb6: {  	s30 =	sshll.u32 s29, $0xD;
	s31 =	sshrl.u32 s29, $0x2  }
0xb7: {  	s2 =	sand.u32 $0x4000, s30;
	s1 =	sand.u32 $0x1, s29;
	s0 =	sadd.s32 s31, s28  }
0xb8: {  	s1 =	sor.u32 s2, s1;
	s0 =	sshll.u32 s0, $0x11  }
0xb9: {  	s0 =	sor.u32 s0, s1  }
0xba: {  	s0 =	sadd.s32 $0x8F2B, s0  }
0xbb: {  	[sflag:s0] =	ssyncadd.remote.s32 $0x1  }
0xbc: {  	_ =	sfence.sel $0xFFFF  }
0xbd: {  	[dreg:$0x0] =	wrdreg $0xFFFFFFFF;
	(pc) =	sbr.abs _section_cstart, $3  }
0xbe: {  	[dreg:$0x1] =	wrdreg $0xFFFFFFFF  }
0xbf: {  	_ =	task.clear_ibuf [dreg:s5], $0x2FFFF;
	_ =	strace $0x9FFFFFFF  }
0xc0: {  	(tm) =	ssettm $0x7FFFFFFF  }
0xc1: {  	_ =	shalt  }
tec
execute0_lowered:
.L_overlay_start_1:
0x0: {  	(tag) =	ssettag $0x1  }
0x1: {  	s1 =	rddreg [dreg:$0x0]  }
0x2: {  	s5 =	rddreg [dreg:$0x1]  }
0x3: {  	s0 =	rddreg [dreg:$0x2];
	s3 =	stileid.u32  }
0x4: {  	_ =	strace $0x8000004D;
	s2 =	simm.s32 $0x3E;
	p0 =	sne.s32 s3, $0x0  }
0x5: {  	[sflag:s2] =	ssyncpa.u1 $0x0;
	s4 =	simm.s32 @!p0 $0x1C3E;
	s6 =	simm.s32 @!p0 $0x0  }
0x6: {  	[spmem:s6], [sflag:s4] =	dma.local @!p0 [hbm:s1], $0x6000  }
0x7: {  	s4 =	simm.s32 @!p0 $0x3E  }
0x8: {  	_ =	swait.ge @!p0 [sflag:s4], $0x6000  }
0x9: {  	s3 =	smul.u32 $0x190000, s3;
	[sflag:s4] =	ssyncset.done @!p0 $0x0  }
.Ltmp0:
0xa: {  	s7 =	simm.s32 $0x2;
	[sflag:s4] =	ssyncadd.s32 @!p0 $0xFFFFA000;
	(pc) =	sbr.rel .LBB2_1-.Ltmp0, $4  }
0xb: {  	s8 =	simm.s32 $0x0;
	s9 =	simm.s32 $0x0;
	[bflag:$0x0] =	sbarrier.arrive $0xFFFF  }
0xc: {  	s6 =	sadd.s32 $0x190000, s3;
	[sflag:s2] =	ssyncpa.u1 $0x1;
	s2 =	simm.s32 $0x1  }
0xd: {  	s10 =	smov.u32 s3;
	s4 =	sadd.s32 $0xE2A00, s5;
	[sflag:s2] =	ssyncpa.u1 $0x0  }
0xe: {  	vm0 =	vmmov $0xffff;
	s5 =	sadd.s32 $0x402A00, s5;
	(ifvalue) =	ssetifvalue $0x30000;
	[sflag:s7] =	ssyncpa.u1 $0x0  }
.LBB2_5:
0xf: {  	s9 =	sadd.s32 $0x1, s9  }
0x10: {  	p2 =	sne.s32 s9, $0xC9  }
.Ltmp1:
0x11: {  	_ = 	snop;
	(pc) =	sbr.rel @!p2 .LBB2_6-.Ltmp1, $4  }
0x12: {  	_ = 	snop  }
0x13: {  	s11 =	sadd.s32 $0x2000, s10  }
0x14: {  	s10 =	smov.u32 s3;
	p1 =	slt.s32 s11, s6  }
0x15: {  	s10 =	smov.u32 @p1 s11  }
.LBB2_1:
0x16: {  	p1 =	seq.s32 s9, $0xC8  }
0x17: {  	s11 =	sshll.u32 @!p1 s9, $0xD;
	p2 =	seq.s32 @!p1 s9, $0x0  }
0x18: {  	s11 =	sand.u32 @!p1 $0x2000, s11;
	p2 =	por p1, !p2  }
.Ltmp2:
0x19: {  	s13 =	sshrl.u32 @!p1 s10, $0x3;
	s12 =	sxor.u32 @!p1 $0x2000, s11;
	(pc) =	sbr.rel @!p2 .LBB2_5-.Ltmp2, $4  }
0x1a: {  	s16 =	sand.u32 @!p1 $0x7, s10;
	s14 =	sadd.s32 @!p1 s4, s13;
	s15 =	sadd.s32 @!p1 $0x3000, s12  }
0x1b: {  	[tilespmem:s15], [sflag:$0x2] =	stream.linear.gather @!p1 [hbm4b:s14+s16], $0x2000, $0x38;
	[tilespmem:$0xB000] =	vst v63  }
0x1c: {  	s13 =	sadd.s32 @!p1 s5, s13;
	s12 =	sadd.s32 @!p1 $0x7000, s12  }
0x1d: {  	[tilespmem:s12], [sflag:$0x2] =	stream.linear.gather @!p1 [hbm4b:s13+s16], $0x2000, $0x38;
	[tilespmem:$0xB000] =	vst v63  }
0x1e: {  	_ =	swait.ge [sflag:s7], $0x4000  }
0x1f: {  	s11 =	simm.s32 @p1 $0x0;
	[sflag:s7] =	ssyncset.done $0x0  }
0x20: {  	s13 =	sadd.s32 $0x3000, s11;
	[sflag:s7] =	ssyncadd.s32 $0xFFFFC000  }
0x21: {  	v0 =	vld.msk [tilespmem:s13+$0x0 ss:$0x1], $0xffff;
	_ =	sdelay $0x4  }
0x22: {  	v0 =	vmin.u32 v0, $0x30000;
	_ =	sdelay $0x3  }
0x23: {  	s12 =	simm.s32 $0x0;
	s11 =	sadd.s32 $0x7000, s11;
	s13 =	sadd.s32 $0x10, s13  }
0x24: {  	[spmem:s8] =	stream.indirect_vreg.scatter.add.s32 [tilespmem:s11], [sflag:$0x1], $0x1, v0, vm0, $0x4038;
	[tilespmem:$0xB000] =	vst v63  }
.LBB2_3:
0x25: {  	v0 =	vld.msk [tilespmem:s13+$0x0 ss:$0x1], $0xffff;
	s12 =	sadd.s32 $0x10, s12  }
0x26: {  	p1 =	slt.u32 s12, $0x1FF0;
	_ =	sdelay $0x4  }
0x27: {  	v0 =	vmin.u32 v0, $0x30000  }
.Ltmp3:
0x28: {  	(pc) =	sbr.rel @p1 .LBB2_3-.Ltmp3, $3  }
0x29: {  	_ =	sdelay $0x1  }
0x2a: {  	s13 =	sadd.s32 $0x10, s13;
	s11 =	sadd.s32 $0x10, s11  }
0x2b: {  	[spmem:s8] =	stream.indirect_vreg.scatter.add.s32 [tilespmem:s11], [sflag:$0x1], $0x1, v0, vm0, $0x4038;
	[tilespmem:$0xB000] =	vst v63  }
.Ltmp4:
0x2c: {  	(pc) =	sbr.rel .LBB2_5-.Ltmp4, $4  }
0x2d: {  	_ = 	snop  }
0x2e: {  	_ =	swait.ge [sflag:s2], $0x2000  }
0x2f: {  	[sflag:s2] =	ssyncset.done $0x0  }
0x30: {  	[sflag:s2] =	ssyncadd.s32 $0xFFFFE000  }
.LBB2_6:
0x31: {  	_ =	sfence.sel $0x180000  }
0x32: {  	s2 =	simm.s32 $0x2;
	[bflag:$0x0] =	sbarrier.arrive $0xFFFF  }
0x33: {  	s30 =	simm.s32 $0x1;
	[sflag:s2] =	ssyncpa.u1 $0x1  }
0x34: {  	[sflag:s30] =	ssyncpa.u1 $0x1  }
0x35: {  	_ =	sfence.stream.spmem  }
0x36: {  	s31 =	simm.s32 $0x3D;
	[bflag:$0x0] =	sbarrier.arrive $0xFFFF  }
0x37: {  	s2 =	simm.s32 @p0 $0x3D;
	[sflag:s31] =	ssyncpa.u1 $0x0  }
0x38: {  	[sflag:s2] =	ssyncpa.u1 @p0 $0x1  }
0x39: {  	[bflag:$0x0] =	sbarrier.arrive @p0 $0xFFFF  }
0x3a: {  	_ =	strace @p0 $0x9000004D  }
0x3b: {  	s3 =	simm.s32 @!p0 $0x1C3D;
	s2 =	simm.s32 @!p0 $0x0;
	[bflag:$0x2] =	sbarrier.arrive @p0 $0xFFFF  }
0x3c: {  	[hbm:s1], [sflag:s3] =	dma.local @!p0 [spmem:s2], $0x6000  }
0x3d: {  	s1 =	simm.s32 @!p0 $0x3D  }
0x3e: {  	_ =	swait.ge @!p0 [sflag:s1], $0x6000  }
0x3f: {  	[sflag:s1] =	ssyncset.done @!p0 $0x0  }
0x40: {  	[sflag:s1] =	ssyncadd.s32 @!p0 $0xFFFFA000  }
0x41: {  	[sflag:s1] =	ssyncpa.u1 @!p0 $0x1  }
0x42: {  	[bflag:$0x0] =	sbarrier.arrive @!p0 $0xFFFF  }
0x43: {  	_ =	strace @!p0 $0x9000004D  }
0x44: {  	s0 =	sadd.s32 @!p0 $0x100000, s0;
	[bflag:$0x2] =	sbarrier.arrive @!p0 $0xFFFF  }
0x45: {  	[sflag:s0] =	ssyncadd.tile.s32 @!p0 $0x1;
	_ =	shalt  }
.Lfunc_end2:
_tile_overlayer_lowered:
.L_overlay_start_2:
0x46: {  	(tag) =	ssettag $0x2  }
0x47: {  	s0 =	rddreg [dreg:$0x0];
	s2 =	stileid.u32  }
0x48: {  	s1 =	rddreg [dreg:$0x1];
	p0 =	sne.s32 s2, $0x0  }
0x49: {  	s3 =	rddreg [dreg:$0x2];
	[bflag:$0x3] =	sbarrier.arrive $0xFFFF;
	s2 =	simm.s32 @!p0 $0x1C01  }
0x4a: {  	[timem:s3], [sflag:s2] =	dma.local @!p0 [hbm:s0], s1  }
0x4b: {  	s0 =	simm.s32 @!p0 $0x1  }
0x4c: {  	_ =	swait.ge @!p0 [sflag:s0], s1  }
0x4d: {  	s1 =	ssub.s32 @!p0 $0x0, s1;
	[sflag:s0] =	ssyncset.done @!p0 $0x0  }
0x4e: {  	[sflag:s0] =	ssyncadd.s32 @!p0 s1  }
0x4f: {  	[bflag:$0x3] =	sbarrier.arrive $0xFFFF  }
0x50: {  	_ =	shalt  }

// kernel: scgather.4.cloned.1.call-start
scs
__scs_entry_jumppad:
0x0: {  	(pc) =	sbr.rel $0x88, $3  }
0x1: {  	(tag) =	ssettag $0x0;
	lr =	simm.s32 $0x1  }
0x2: {  	[smem:$0x3F8B] =	sst lr;
	_ =	strace $0xD0000000  }
0x3: {  	_ = 	snop  }
0x4: {  	_ = 	snop  }
0x5: {  	_ = 	snop  }
0x6: {  	_ = 	snop  }
0x7: {  	_ = 	snop  }
__scs_overlays_trampoline_lowered:
0x8: {  	[smem:$0x3F9A] =	sst s0  }
0x9: {  	[smem:$0x3F9B] =	sst s1  }
0xa: {  	[smem:$0x3F9C] =	sst s2  }
0xb: {  	[smem:$0x3F9D] =	sst s3  }
0xc: {  	[smem:$0x3F9E] =	sst s4  }
0xd: {  	[smem:$0x3F9F] =	sst s5  }
0xe: {  	[smem:$0x3FA0] =	sst s6  }
0xf: {  	[smem:$0x3FA1] =	sst s7  }
0x10: {  	[smem:$0x3FA2] =	sst s8  }
0x11: {  	[smem:$0x3FA3] =	sst s9;
	s0 =	simm.s32 @!p0 $0x0  }
0x12: {  	s1 =	sld [smem:$0x3F89];
	s0 =	simm.s32 @p0 $0x1  }
0x13: {  	[smem:$0x3FA4] =	sst s0;
	s0 =	simm.s32 @!p1 $0x0  }
0x14: {  	s2 =	sld [smem:$0x3F88];
	s0 =	simm.s32 @p1 $0x1  }
0x15: {  	[smem:$0x3FA5] =	sst s0;
	s0 =	simm.s32 @!p2 $0x0  }
0x16: {  	s3 =	sld [smem:$0x3FDB];
	s0 =	simm.s32 @p2 $0x1  }
0x17: {  	s4 =	simm.s32 $0x1BF5;
	[smem:$0x3FA7] =	sst s0  }
0x18: {  	s0 =	sld [smem:$0x3F8A];
	_ =	swait.ge [sflag:s4], $0x0  }
0x19: {  	s7 =	sld [smem:$0x3F8B]  }
0x1a: {  	s8 =	sadd.s32 $0xFFFFE003, lr  }
0x1b: {  	s9 =	sadd.s32 $0xFFFFFEF7, lr;
	s5 =	simm.s32 $0xFFFFFFFF;
	p2 =	slt.u32 s8, $0xFFFFF086  }
0x1c: {  	p1 =	slt.u32 s9, $0xF7A;
	s5 =	simm.s32 @!p2 $0x0  }
0x1d: {  	s5 =	simm.s32 @p1 $0x1;
	p0 =	seq.s32 s7, s2  }
0x1e: {  	s7 =	smul.u32 @!p0 $0xF7A, s2;
	p2 =	seq.s32 @!p0 s5, $0x0  }
0x1f: {  	s9 =	smul.u32 $0xF7A, s1;
	s8 =	simm.s32 @!p0 $0x1BF5;
	p2 =	por !p2, p0  }
0x20: {  	[sflag:s8] =	ssyncset.s32 @!p0 $0xFFFFF086;
	s6 =	sadd.s32 @!p0 s3, s7;
	s7 =	simm.s32 @!p0 $0x108  }
0x21: {  	s3 =	sadd.s32 s3, s9;
	s6 =	sadd.s32 @!p0 $0x88, s6;
	s7 =	simm.s32 @p2 $0x1082  }
0x22: {  	[simem:s7], [sflag:s8] =	dma.local @!p0 [hbm:s6], $0xF7A  }
0x23: {  	s9 =	sor.u32 $0xD0000000, s2;
	s6 =	simm.s32 $0x108;
	_ =	swait.ge @!p0 [sflag:s8], $0x0  }
0x24: {  	s3 =	sadd.s32 $0x88, s3;
	s6 =	simm.s32 @!p1 $0x1082;
	[sflag:s4] =	ssyncset.s32 $0xFFFFF086  }
0x25: {  	[simem:s6], [sflag:s4] =	dma.local [hbm:s3], $0xF7A  }
0x26: {  	[smem:$0x3F8B] =	sst s1;
	(tag) =	ssettag s2;
	_ =	strace s9  }
0x27: {  	s1 =	sld [smem:$0x3F9B]  }
0x28: {  	s2 =	sld [smem:$0x3F9C]  }
0x29: {  	s4 =	sld [smem:$0x3F9E]  }
0x2a: {  	p0 =	seq.s32 s5, $0x0;
	s5 =	sld [smem:$0x3F9F]  }
0x2b: {  	s6 =	sld [smem:$0x3FA0]  }
0x2c: {  	s7 =	sld [smem:$0x3FA1]  }
0x2d: {  	s3 =	simm.s32 $0x108;
	s8 =	sld [smem:$0x3FA2]  }
0x2e: {  	s3 =	simm.s32 @!p0 $0x1082;
	s9 =	sld [smem:$0x3FA3]  }
0x2f: {  	lr =	sadd.s32 s0, s3;
	s0 =	sld [smem:$0x3F9A]  }
0x30: {  	s3 =	sld [smem:$0x3F9D]  }
0x31: {  	[smem:$0x3FA6] =	sst s10  }
0x32: {  	s10 =	sld [smem:$0x3FA4];
	_ =	sdelay $0x3  }
0x33: {  	p0 =	seq.s32 s10, $0x1;
	s10 =	sld [smem:$0x3FA6];
	_ =	sdelay $0x3  }
0x34: {  	[smem:$0x3FA6] =	sst s10  }
0x35: {  	s10 =	sld [smem:$0x3FA5];
	_ =	sdelay $0x3  }
0x36: {  	p1 =	seq.s32 s10, $0x1;
	s10 =	sld [smem:$0x3FA6];
	_ =	sdelay $0x3  }
0x37: {  	[smem:$0x3FA6] =	sst s10  }
0x38: {  	s10 =	sld [smem:$0x3FA7]  }
0x39: {  	_ = 	snop;
	(pc) =	sbr.ind lr, $3  }
0x3a: {  	_ = 	snop  }
0x3b: {  	_ = 	snop  }
0x3c: {  	p2 =	seq.s32 s10, $0x1;
	s10 =	sld [smem:$0x3FA6]  }
0x3d: {  	_ =	shalt  }
0x3e: {  	_ =	shalt  }
0x3f: {  	_ =	shalt  }
0x40: {  	_ =	shalt  }
0x41: {  	_ =	shalt  }
0x42: {  	_ =	shalt  }
0x43: {  	_ =	shalt  }
0x44: {  	_ =	shalt  }
0x45: {  	_ =	shalt  }
0x46: {  	_ =	shalt  }
0x47: {  	_ =	shalt  }
0x48: {  	_ =	shalt  }
0x49: {  	_ =	shalt  }
0x4a: {  	_ =	shalt  }
0x4b: {  	_ =	shalt  }
0x4c: {  	_ =	shalt  }
0x4d: {  	_ =	shalt  }
0x4e: {  	_ =	shalt  }
0x4f: {  	_ =	shalt  }
0x50: {  	_ =	shalt  }
0x51: {  	_ =	shalt  }
0x52: {  	_ =	shalt  }
0x53: {  	_ =	shalt  }
0x54: {  	_ =	shalt  }
0x55: {  	_ =	shalt  }
0x56: {  	_ =	shalt  }
0x57: {  	_ =	shalt  }
0x58: {  	_ =	shalt  }
0x59: {  	_ =	shalt  }
0x5a: {  	_ =	shalt  }
0x5b: {  	_ =	shalt  }
0x5c: {  	_ =	shalt  }
0x5d: {  	_ =	shalt  }
0x5e: {  	_ =	shalt  }
0x5f: {  	_ =	shalt  }
0x60: {  	_ =	shalt  }
0x61: {  	_ =	shalt  }
0x62: {  	_ =	shalt  }
0x63: {  	_ =	shalt  }
0x64: {  	_ =	shalt  }
0x65: {  	_ =	shalt  }
0x66: {  	_ =	shalt  }
0x67: {  	_ =	shalt  }
0x68: {  	_ =	shalt  }
0x69: {  	_ =	shalt  }
0x6a: {  	_ =	shalt  }
0x6b: {  	_ =	shalt  }
0x6c: {  	_ =	shalt  }
0x6d: {  	_ =	shalt  }
0x6e: {  	_ =	shalt  }
0x6f: {  	_ =	shalt  }
0x70: {  	_ =	shalt  }
0x71: {  	_ =	shalt  }
0x72: {  	_ =	shalt  }
0x73: {  	_ =	shalt  }
0x74: {  	_ =	shalt  }
0x75: {  	_ =	shalt  }
0x76: {  	_ =	shalt  }
0x77: {  	_ =	shalt  }
0x78: {  	_ =	shalt  }
0x79: {  	_ =	shalt  }
0x7a: {  	_ =	shalt  }
0x7b: {  	_ =	shalt  }
0x7c: {  	_ =	shalt  }
0x7d: {  	_ =	shalt  }
0x7e: {  	_ =	shalt  }
0x7f: {  	_ =	shalt  }
0x80: {  	_ =	shalt  }
0x81: {  	_ =	shalt  }
0x82: {  	_ =	shalt  }
0x83: {  	_ =	shalt  }
0x84: {  	_ =	shalt  }
0x85: {  	_ =	shalt  }
0x86: {  	_ =	shalt  }
0x87: {  	_ =	shalt  }
.Lfunc_end0:
.L_simem_size_0:
called_computation.3_lowered:
.L_overlay_start_0:
0x88: {  	s2 =	sld [smem:$0x3FD9]  }
0x89: {  	s3 =	sld [smem:$0x3FFE];
	_ =	sdelay $0x1  }
0x8a: {  	s1 =	srdreg.scid  }
0x8b: {  	s0 =	sand.u32 $0x1, s1  }
0x8c: {  	s16 =	sshll.u32 s0, $0xA;
	s2 =	sadd.s32 s3, s2  }
0x8d: {  	s2 =	sadd.s32 s2, s16  }
0x8e: {  	[smem:$0x3FB2] =	sst s2  }
0x8f: {  	_ = 	snop  }
0x90: {  	(tm) =	ssettm $0x1  }
0x91: {  	s17 =	sld [smem:$0x3FFB];
	_ =	sdelay $0x3  }
0x92: {  	_ =	strace s17  }
0x93: {  	s2 =	sld [smem:$0x3FFC];
	_ =	sdelay $0x3  }
0x94: {  	_ =	strace s2  }
0x95: {  	s2 =	sld [smem:$0x3FFD];
	_ =	sdelay $0x3  }
0x96: {  	_ =	strace s2  }
0x97: {  	_ =	strace $0x8FFFFFFF  }
0x98: {  	s18 =	sld [smem:$0x3FDB];
	_ =	sdelay $0x1  }
0x99: {  	s19 =	simm.s32 $_scs_section_size  }
0x9a: {  	s4 =	simm.s32 $_size__tile_overlayer_lowered;
	s5 =	simm.s32 $_tile_overlayer_lowered  }
0x9b: {  	s22 =	simm.s32 $0x1BFF;
	s21 =	sshll.u32 s5, $0x1;
	s2 =	sadd.s32 s19, s18  }
0x9c: {  	s6 =	simm.s32 $0x0;
	s20 =	sshll.u32 s4, $0x1;
	s4 =	sadd.s32 s21, s2  }
0x9d: {  	[timem:s6], [sflag:s22] =	dma.local [hbm:s4], s20  }
0x9e: {  	_ =	swait.ge [sflag:s22], s20  }
0x9f: {  	s3 =	ssub.s32 $0x0, s20;
	[sflag:s22] =	ssyncset.done $0x0  }
0xa0: {  	[sflag:s22] =	ssyncadd.s32 s3;
	_ =	sdelay $0x1  }
0xa1: {  	s23 =	simm.s32 $0x1B8B  }
0xa2: {  	_ =	swait.ge [sflag:s23], $0x1  }
0xa3: {  	[sflag:s23] =	ssyncset.done $0x0  }
0xa4: {  	s25 =	simm.s32 $0x1B8E;
	s24 =	sld [smem:$0x3FFE];
	[sflag:s23] =	ssyncadd.s32 $0xFFFFFFFF  }
0xa5: {  	s26 =	simm.s32 $execute0_lowered;
	[smem:$0x3FD2] =	sst s25  }
0xa6: {  	s4 =	sshll.u32 s26, $0x1;
	_ =	strace $0x8000004F;
	[dreg:$0x1] =	wrdreg $0xFFFFFFFF  }
0xa7: {  	s28 =	simm.s32 $_size_execute0_lowered;
	s2 =	sadd.s32 s2, s4;
	[dreg:$0x0] =	wrdreg $0x0  }
0xa8: {  	s4 =	sshll.u32 s28, $0x1;
	[dreg:$0x2] =	wrdreg s2  }
0xa9: {  	[dreg:$0x3] =	wrdreg s4  }
0xaa: {  	[dreg:$0x4] =	wrdreg $0xC0  }
0xab: {  	_ =	task [dreg:s6], $0x5FFFF  }
0xac: {  	[dreg:$0x1] =	wrdreg $0xFFFFFFFF  }
0xad: {  	[dreg:$0x0] =	wrdreg $0x60  }
0xae: {  	[dreg:$0x2] =	wrdreg s24  }
0xaf: {  	[dreg:$0x3] =	wrdreg $0x120000  }
0xb0: {  	[dreg:$0x4] =	wrdreg $0x9  }
0xb1: {  	_ =	task.clear_ibuf [dreg:s6], $0x5FFFF;
	_ =	strace $0x9000004F  }
0xb2: {  	s29 =	simm.s32 $0x9;
	_ =	strace $0x80000051  }
0xb3: {  	_ =	swait.ge [sflag:s29], $0x1  }
0xb4: {  	[sflag:s29] =	ssyncadd.s32 $0xFFFFFFFF  }
0xb5: {  	_ =	strace $0x90000051  }
0xb6: {  	_ =	sfence  }
0xb7: {  	s30 =	sld [smem:$0x0];
	_ =	sdelay $0x2  }
0xb8: {  	s31 =	sshll.u32 s1, $0xD;
	s1 =	sshrl.u32 s1, $0x2  }
0xb9: {  	s3 =	sand.u32 $0x4000, s31;
	s1 =	sadd.s32 s1, s30  }
0xba: {  	s0 =	sor.u32 s3, s0;
	s1 =	sshll.u32 s1, $0x11  }
0xbb: {  	s0 =	sor.u32 s1, s0  }
0xbc: {  	s0 =	sadd.s32 $0x8F2B, s0  }
0xbd: {  	[sflag:s0] =	ssyncadd.remote.s32 $0x1  }
0xbe: {  	_ =	sfence.sel $0xFFFF  }
0xbf: {  	[dreg:$0x0] =	wrdreg $0xFFFFFFFF;
	(pc) =	sbr.abs _section_cstart, $3  }
0xc0: {  	[dreg:$0x1] =	wrdreg $0xFFFFFFFF  }
0xc1: {  	_ =	task.clear_ibuf [dreg:s6], $0x2FFFF;
	_ =	strace $0x9FFFFFFF  }
0xc2: {  	(tm) =	ssettm $0x7FFFFFFF  }
0xc3: {  	_ =	shalt  }
tec
execute0_lowered:
.L_overlay_start_1:
0x0: {  	(tag) =	ssettag $0x1  }
0x1: {  	s0 =	rddreg [dreg:$0x0]  }
0x2: {  	s1 =	rddreg [dreg:$0x1];
	s3 =	simm.s32 $0x0;
	s12 =	stileid.u32  }
0x3: {  	s4 =	srdreg.scid;
	s28 =	simm.s32 $0x1;
	s29 =	simm.s32 $0xE000  }
0x4: {  	s30 =	simm.s32 $0x2;
	s31 =	simm.s32 $0x3;
	s6 =	smul.u32 $0x600, s12  }
0x5: {  	[smem:$0x7FF] =	sst s3;
	s2 =	sadd.s32 $0x762000, s0;
	s10 =	smul.u32 $0x28000, s12  }
0x6: {  	s5 =	sadd.s32 $0x776000, s0;
	s4 =	sand.u32 $0x1, s4;
	s18 =	smul.u32 $0x180000, s12  }
0x7: {  	s7 =	sadd.s32 $0x78A000, s0;
	s16 =	sadd.s32 $0x79E000, s0;
	s21 =	smul.u32 $0x1400, s12  }
0x8: {  	_ =	strace $0x80000050;
	s8 =	ssub.s32 $0x2, s4;
	s17 =	smul.u32 $0x1800000, s4  }
0x9: {  	p0 =	seq.s32 s4, $0x0;
	s6 =	sadd.s32 s6, s0;
	s9 =	sshrl.u32 s8, $0x1  }
0xa: {  	s0 =	sadd.s32 $0x7B2000, s0;
	s10 =	sshrl.u32 s10, $0x2;
	s23 =	sadd.s32 $0x174000, s18  }
0xb: {  	s14 =	sadd.s32 $0x178000, s18;
	s5 =	smov.u32 @p0 s2;
	s16 =	smov.u32 @p0 s7  }
0xc: {  	s8 =	ssub.s32 s8, s9;
	s11 =	sadd.s32 $0x20A00, s6;
	s6 =	sadd.s32 $0x1AA00, s6  }
0xd: {  	s20 =	sadd.s32 s10, s1;
	s22 =	sadd.s32 $0x3000000, s17;
	[dreg:$0x3] =	wrdreg s11  }
0xe: {  	s19 =	sadd.s32 s18, s17;
	s24 =	sadd.s32 s17, s23;
	[dreg:$0x4] =	wrdreg s6  }
0xf: {  	s9 =	sadd.s32 s17, s14;
	s16 =	sadd.s32 s16, s21;
	[dreg:$0x5] =	wrdreg s20  }
0x10: {  	s13 =	sadd.s32 s18, s22;
	s8 =	smax.u32 s8, $0x1;
	s25 =	sshrl.u32 s24, $0x3  }
0x11: {  	s26 =	sshrl.u32 s19, $0x3;
	s15 =	sadd.s32 s22, s23;
	s6 =	sadd.s32 s22, s14  }
0x12: {  	s18 =	sor.u32 $0x4000, s19;
	s20 =	sor.u32 $0x8000, s19;
	s22 =	sadd.s32 $0x3004000, s19  }
0x13: {  	s23 =	sadd.s32 $0x3000000, s19;
	s24 =	sadd.s32 $0x3008000, s19;
	[dreg:$0x6] =	wrdreg s8  }
0x14: {  	s8 =	sadd.s32 s0, s25;
	s15 =	sshrl.u32 s15, $0x3;
	s13 =	sshrl.u32 s13, $0x3  }
0x15: {  	s6 =	sshrl.u32 s6, $0x3;
	s2 =	sshrl.u32 s18, $0x3;
	s25 =	sshrl.u32 s23, $0x3  }
0x16: {  	s23 =	simm.s32 $0x3000;
	[dreg:$0x7] =	wrdreg s8;
	s8 =	sshrl.u32 s9, $0x3  }
0x17: {  	s9 =	sadd.s32 s26, s0;
	s12 =	sadd.s32 s0, s15;
	s17 =	sadd.s32 s0, s13  }
0x18: {  	s13 =	sadd.s32 s0, s6;
	s15 =	sadd.s32 s5, s21;
	s21 =	sshrl.u32 s20, $0x3  }
0x19: {  	s26 =	sshrl.u32 s24, $0x3;
	s20 =	sadd.s32 s25, s0;
	s24 =	simm.s32 $0x80  }
0x1a: {  	s25 =	simm.s32 $0x6000;
	s10 =	sadd.s32 s0, s8;
	s11 =	sadd.s32 $0x2F800, s9  }
0x1b: {  	s14 =	sadd.s32 $0x2F800, s17;
	s17 =	sadd.s32 s2, s0;
	s18 =	sadd.s32 s21, s0  }
0x1c: {  	s2 =	sshrl.u32 s22, $0x3;
	s21 =	sadd.s32 s26, s0;
	s22 =	simm.s32 $0x4  }
0x1d: {  	s26 =	simm.s32 $0xA000;
	s19 =	sadd.s32 s2, s0;
	s2 =	simm.s32 $0x0  }
.LBB2_1:
0x1e: {  	s0 =	rddreg [dreg:$0x3]  }
0x1f: {  	[tilespmem:s3], [sflag:$0x4] =	stream.linear.gather [hbm4b:s0+s3], $0x3000, $0x38;
	[tilespmem:$0x1C000] =	vst v63  }
0x20: {  	_ =	swait.ge [sflag:s22], $0x3000  }
0x21: {  	[sflag:s22] =	ssyncset.done $0x0  }
0x22: {  	s6 =	rddreg [dreg:$0x4];
	[sflag:s22] =	ssyncadd.s32 $0xFFFFD000  }
0x23: {  	[tilespmem:s23], [sflag:$0x4] =	stream.linear.gather [hbm4b:s6+s3], $0x3000, $0x38;
	[tilespmem:$0x1C000] =	vst v63  }
0x24: {  	s7 =	stileid.u32;
	_ =	swait.ge [sflag:s22], $0x3000  }
0x25: {  	s0 =	sshll.u32 s7, $0x6;
	[sflag:s22] =	ssyncset.done $0x0;
	s4 =	rddreg [dreg:$0x5]  }
0x26: {  	s0 =	sor.u32 $0x1C04, s0;
	[sflag:s22] =	ssyncadd.s32 $0xFFFFD000;
	s4 =	sshrl.u32 s4, $0x3  }
0x27: {  	[spmem:s4], [sflag:s0] =	dma.local [hbm:s15], $0x1400  }
0x28: {  	_ =	swait.ge [sflag:s22], $0x1400  }
0x29: {  	[sflag:s22] =	ssyncset.done $0x0  }
0x2a: {  	[sflag:s22] =	ssyncadd.s32 $0xFFFFEC00  }
0x2b: {  	[bflag:$0x0] =	sbarrier.arrive $0xFFFF  }
0x2c: {  	[tilespmem:s25], [sflag:$0x1] =	stream.indirect.gather [spmem:s1], $0x80, s3, s24, $0xb8;
	[tilespmem:$0x1C000] =	vst v63  }
0x2d: {  	_ = 	snop  }
0x2e: {  	[tilespmem:s26], [sflag:$0x2] =	stream.indirect.gather [spmem:s1], $0x80, s24, s24, $0xb8;
	[tilespmem:$0x1C000] =	vst v63  }
0x2f: {  	_ =	swait.ge [sflag:s28], $0x4000  }
0x30: {  	[sflag:s28] =	ssyncset.done $0x0  }
0x31: {  	s5 =	sadd.s32 $0x0, s9;
	[sflag:s28] =	ssyncadd.s32 $0xFFFFC000  }
0x32: {  	[hbm4b:s5+s3] =	stream.linear.scatter [tilespmem:s25], [sflag:$0x4], $0x4000, $0x38;
	[tilespmem:$0x1C000] =	vst v63  }
0x33: {  	_ =	swait.ge [sflag:s22], $0x4000  }
0x34: {  	[sflag:s22] =	ssyncset.done $0x0  }
0x35: {  	s8 =	simm.s32 $0x100;
	[sflag:s22] =	ssyncadd.s32 $0xFFFFC000  }
0x36: {  	[tilespmem:s29], [sflag:$0x3] =	stream.indirect.gather [spmem:s1], $0x80, s8, s24, $0xb8;
	[tilespmem:$0x1C000] =	vst v63  }
0x37: {  	_ =	swait.ge [sflag:s30], $0x4000  }
0x38: {  	[sflag:s30] =	ssyncset.done $0x0  }
0x39: {  	s6 =	sadd.s32 $0x0, s17;
	[sflag:s30] =	ssyncadd.s32 $0xFFFFC000  }
0x3a: {  	[hbm4b:s6+s3] =	stream.linear.scatter [tilespmem:s26], [sflag:$0x4], $0x4000, $0x38;
	[tilespmem:$0x1C000] =	vst v63  }
0x3b: {  	_ =	swait.ge [sflag:s22], $0x4000  }
0x3c: {  	[sflag:s22] =	ssyncset.done $0x0  }
0x3d: {  	s7 =	simm.s32 $0x180;
	[sflag:s22] =	ssyncadd.s32 $0xFFFFC000  }
0x3e: {  	[tilespmem:s25], [sflag:$0x1] =	stream.indirect.gather [spmem:s1], $0x80, s7, s24, $0xb8;
	[tilespmem:$0x1C000] =	vst v63  }
0x3f: {  	_ =	swait.ge [sflag:s31], $0x4000  }
0x40: {  	[sflag:s31] =	ssyncset.done $0x0  }
0x41: {  	s8 =	sadd.s32 $0x0, s18;
	[sflag:s31] =	ssyncadd.s32 $0xFFFFC000  }
0x42: {  	[hbm4b:s8+s3] =	stream.linear.scatter [tilespmem:s29], [sflag:$0x4], $0x4000, $0x38;
	[tilespmem:$0x1C000] =	vst v63  }
0x43: {  	_ =	swait.ge [sflag:s22], $0x4000  }
0x44: {  	s5 =	simm.s32 $0x1800;
	[sflag:s22] =	ssyncset.done $0x0  }
0x45: {  	s6 =	simm.s32 $0x280;
	s7 =	simm.s32 $0x200;
	[sflag:s22] =	ssyncadd.s32 $0xFFFFC000  }
.LBB2_2:
0x46: {  	[tilespmem:s26], [sflag:$0x2] =	stream.indirect.gather [spmem:s1], $0x80, s7, s24, $0xb8;
	[tilespmem:$0x1C000] =	vst v63  }
0x47: {  	s7 =	smov.u32 s5  }
0x48: {  	p0 =	sne.s32 s5, $0x2D000;
	s5 =	sadd.s32 $0x1800, s5;
	_ =	swait.ge [sflag:s28], $0x4000  }
0x49: {  	[sflag:s28] =	ssyncset.done $0x0  }
0x4a: {  	s8 =	sadd.s32 s7, s9;
	[sflag:s28] =	ssyncadd.s32 $0xFFFFC000  }
0x4b: {  	[hbm4b:s8+s3] =	stream.linear.scatter [tilespmem:s25], [sflag:$0x4], $0x4000, $0x38;
	[tilespmem:$0x1C000] =	vst v63  }
0x4c: {  	_ =	swait.ge [sflag:s22], $0x4000  }
0x4d: {  	[sflag:s22] =	ssyncset.done $0x0  }
0x4e: {  	[sflag:s22] =	ssyncadd.s32 $0xFFFFC000  }
0x4f: {  	[tilespmem:s29], [sflag:$0x3] =	stream.indirect.gather [spmem:s1], $0x80, s6, s24, $0xb8;
	[tilespmem:$0x1C000] =	vst v63  }
0x50: {  	_ =	swait.ge [sflag:s30], $0x4000  }
0x51: {  	[sflag:s30] =	ssyncset.done $0x0  }
0x52: {  	s8 =	sadd.s32 s7, s17;
	[sflag:s30] =	ssyncadd.s32 $0xFFFFC000  }
0x53: {  	[hbm4b:s8+s3] =	stream.linear.scatter [tilespmem:s26], [sflag:$0x4], $0x4000, $0x38;
	[tilespmem:$0x1C000] =	vst v63  }
0x54: {  	_ =	swait.ge [sflag:s22], $0x4000  }
0x55: {  	[sflag:s22] =	ssyncset.done $0x0  }
0x56: {  	s8 =	sadd.s32 $0x80, s6;
	[sflag:s22] =	ssyncadd.s32 $0xFFFFC000  }
0x57: {  	[tilespmem:s25], [sflag:$0x1] =	stream.indirect.gather [spmem:s1], $0x80, s8, s24, $0xb8;
	[tilespmem:$0x1C000] =	vst v63  }
0x58: {  	_ =	swait.ge [sflag:s31], $0x4000  }
0x59: {  	[sflag:s31] =	ssyncset.done $0x0  }
.Ltmp0:
0x5a: {  	s7 =	sadd.s32 s7, s18;
	[sflag:s31] =	ssyncadd.s32 $0xFFFFC000;
	(pc) =	sbr.rel @p0 .LBB2_2-.Ltmp0, $4  }
0x5b: {  	[hbm4b:s7+s3] =	stream.linear.scatter [tilespmem:s29], [sflag:$0x4], $0x4000, $0x38;
	[tilespmem:$0x1C000] =	vst v63  }
0x5c: {  	_ =	swait.ge [sflag:s22], $0x4000  }
0x5d: {  	[sflag:s22] =	ssyncset.done $0x0  }
0x5e: {  	s7 =	sadd.s32 $0x100, s6;
	s6 =	sadd.s32 $0x180, s6;
	[sflag:s22] =	ssyncadd.s32 $0xFFFFC000  }
0x5f: {  	[tilespmem:s26], [sflag:$0x2] =	stream.indirect.gather [spmem:s1], $0x80, s7, s24, $0xb8;
	[tilespmem:$0x1C000] =	vst v63  }
0x60: {  	_ =	swait.ge [sflag:s28], $0x4000  }
0x61: {  	[sflag:s28] =	ssyncset.done $0x0  }
0x62: {  	s5 =	simm.s32 $0x0;
	s6 =	rddreg [dreg:$0x7];
	[sflag:s28] =	ssyncadd.s32 $0xFFFFC000  }
0x63: {  	[hbm4b:s6+s5] =	stream.linear.scatter [tilespmem:s25], [sflag:$0x4], $0x4000, $0x38;
	[tilespmem:$0x1C000] =	vst v63  }
0x64: {  	_ =	swait.ge [sflag:s22], $0x4000  }
0x65: {  	[sflag:s22] =	ssyncset.done $0x0  }
0x66: {  	s7 =	simm.s32 $0x2F80;
	[sflag:s22] =	ssyncadd.s32 $0xFFFFC000  }
0x67: {  	[tilespmem:s29], [sflag:$0x3] =	stream.indirect.gather [spmem:s1], $0x80, s7, s24, $0xb8;
	[tilespmem:$0x1C000] =	vst v63  }
0x68: {  	_ =	swait.ge [sflag:s30], $0x4000  }
0x69: {  	[sflag:s30] =	ssyncset.done $0x0  }
0x6a: {  	[sflag:s30] =	ssyncadd.s32 $0xFFFFC000  }
0x6b: {  	[hbm4b:s10+s5] =	stream.linear.scatter [tilespmem:s26], [sflag:$0x4], $0x4000, $0x38;
	[tilespmem:$0x1C000] =	vst v63  }
0x6c: {  	_ =	swait.ge [sflag:s22], $0x4000  }
0x6d: {  	[sflag:s22] =	ssyncset.done $0x0  }
0x6e: {  	[sflag:s22] =	ssyncadd.s32 $0xFFFFC000  }
0x6f: {  	_ =	swait.ge [sflag:s31], $0x4000  }
0x70: {  	[sflag:s31] =	ssyncset.done $0x0  }
0x71: {  	[sflag:s31] =	ssyncadd.s32 $0xFFFFC000  }
0x72: {  	[hbm4b:s11+s5] =	stream.linear.scatter [tilespmem:s29], [sflag:$0x4], $0x4000, $0x38;
	[tilespmem:$0x1C000] =	vst v63  }
0x73: {  	_ =	swait.ge [sflag:s22], $0x4000  }
0x74: {  	[sflag:s22] =	ssyncset.done $0x0  }
0x75: {  	[sflag:s22] =	ssyncadd.s32 $0xFFFFC000  }
0x76: {  	[bflag:$0x0] =	sbarrier.arrive $0xFFFF  }
0x77: {  	[spmem:s4], [sflag:s0] =	dma.local [hbm:s16], $0x1400  }
0x78: {  	_ =	swait.ge [sflag:s22], $0x1400  }
0x79: {  	[sflag:s22] =	ssyncset.done $0x0  }
0x7a: {  	[sflag:s22] =	ssyncadd.s32 $0xFFFFEC00  }
0x7b: {  	[bflag:$0x0] =	sbarrier.arrive $0xFFFF  }
0x7c: {  	[tilespmem:s25], [sflag:$0x1] =	stream.indirect.gather [spmem:s1], $0x80, s23, s24, $0xb8;
	[tilespmem:$0x1C000] =	vst v63  }
0x7d: {  	s8 =	simm.s32 $0x3080  }
0x7e: {  	[tilespmem:s26], [sflag:$0x2] =	stream.indirect.gather [spmem:s1], $0x80, s8, s24, $0xb8;
	[tilespmem:$0x1C000] =	vst v63  }
0x7f: {  	_ =	swait.ge [sflag:s28], $0x4000  }
0x80: {  	[sflag:s28] =	ssyncset.done $0x0  }
0x81: {  	s4 =	sadd.s32 $0x0, s20;
	[sflag:s28] =	ssyncadd.s32 $0xFFFFC000  }
0x82: {  	[hbm4b:s4+s3] =	stream.linear.scatter [tilespmem:s25], [sflag:$0x4], $0x4000, $0x38;
	[tilespmem:$0x1C000] =	vst v63  }
0x83: {  	_ =	swait.ge [sflag:s22], $0x4000  }
0x84: {  	[sflag:s22] =	ssyncset.done $0x0  }
0x85: {  	s5 =	simm.s32 $0x3100;
	[sflag:s22] =	ssyncadd.s32 $0xFFFFC000  }
0x86: {  	[tilespmem:s29], [sflag:$0x3] =	stream.indirect.gather [spmem:s1], $0x80, s5, s24, $0xb8;
	[tilespmem:$0x1C000] =	vst v63  }
0x87: {  	_ =	swait.ge [sflag:s30], $0x4000  }
0x88: {  	[sflag:s30] =	ssyncset.done $0x0  }
0x89: {  	s6 =	sadd.s32 $0x0, s19;
	[sflag:s30] =	ssyncadd.s32 $0xFFFFC000  }
0x8a: {  	[hbm4b:s6+s3] =	stream.linear.scatter [tilespmem:s26], [sflag:$0x4], $0x4000, $0x38;
	[tilespmem:$0x1C000] =	vst v63  }
0x8b: {  	_ =	swait.ge [sflag:s22], $0x4000  }
0x8c: {  	[sflag:s22] =	ssyncset.done $0x0  }
0x8d: {  	s7 =	simm.s32 $0x3180;
	[sflag:s22] =	ssyncadd.s32 $0xFFFFC000  }
0x8e: {  	[tilespmem:s25], [sflag:$0x1] =	stream.indirect.gather [spmem:s1], $0x80, s7, s24, $0xb8;
	[tilespmem:$0x1C000] =	vst v63  }
0x8f: {  	_ =	swait.ge [sflag:s31], $0x4000  }
0x90: {  	[sflag:s31] =	ssyncset.done $0x0  }
0x91: {  	s8 =	sadd.s32 $0x0, s21;
	[sflag:s31] =	ssyncadd.s32 $0xFFFFC000  }
0x92: {  	[hbm4b:s8+s3] =	stream.linear.scatter [tilespmem:s29], [sflag:$0x4], $0x4000, $0x38;
	[tilespmem:$0x1C000] =	vst v63  }
0x93: {  	_ =	swait.ge [sflag:s22], $0x4000  }
0x94: {  	s0 =	simm.s32 $0x1800;
	[sflag:s22] =	ssyncset.done $0x0  }
0x95: {  	s4 =	simm.s32 $0x3280;
	s5 =	simm.s32 $0x3200;
	[sflag:s22] =	ssyncadd.s32 $0xFFFFC000  }
.LBB2_4:
0x96: {  	[tilespmem:s26], [sflag:$0x2] =	stream.indirect.gather [spmem:s1], $0x80, s5, s24, $0xb8;
	[tilespmem:$0x1C000] =	vst v63  }
0x97: {  	s5 =	smov.u32 s0  }
0x98: {  	p0 =	sne.s32 s0, $0x2D000;
	s0 =	sadd.s32 $0x1800, s0;
	_ =	swait.ge [sflag:s28], $0x4000  }
0x99: {  	[sflag:s28] =	ssyncset.done $0x0  }
0x9a: {  	s6 =	sadd.s32 s5, s20;
	[sflag:s28] =	ssyncadd.s32 $0xFFFFC000  }
0x9b: {  	[hbm4b:s6+s3] =	stream.linear.scatter [tilespmem:s25], [sflag:$0x4], $0x4000, $0x38;
	[tilespmem:$0x1C000] =	vst v63  }
0x9c: {  	_ =	swait.ge [sflag:s22], $0x4000  }
0x9d: {  	[sflag:s22] =	ssyncset.done $0x0  }
0x9e: {  	[sflag:s22] =	ssyncadd.s32 $0xFFFFC000  }
0x9f: {  	[tilespmem:s29], [sflag:$0x3] =	stream.indirect.gather [spmem:s1], $0x80, s4, s24, $0xb8;
	[tilespmem:$0x1C000] =	vst v63  }
0xa0: {  	_ =	swait.ge [sflag:s30], $0x4000  }
0xa1: {  	[sflag:s30] =	ssyncset.done $0x0  }
0xa2: {  	s6 =	sadd.s32 s5, s19;
	[sflag:s30] =	ssyncadd.s32 $0xFFFFC000  }
0xa3: {  	[hbm4b:s6+s3] =	stream.linear.scatter [tilespmem:s26], [sflag:$0x4], $0x4000, $0x38;
	[tilespmem:$0x1C000] =	vst v63  }
0xa4: {  	_ =	swait.ge [sflag:s22], $0x4000  }
0xa5: {  	[sflag:s22] =	ssyncset.done $0x0  }
0xa6: {  	s6 =	sadd.s32 $0x80, s4;
	[sflag:s22] =	ssyncadd.s32 $0xFFFFC000  }
0xa7: {  	[tilespmem:s25], [sflag:$0x1] =	stream.indirect.gather [spmem:s1], $0x80, s6, s24, $0xb8;
	[tilespmem:$0x1C000] =	vst v63  }
0xa8: {  	_ =	swait.ge [sflag:s31], $0x4000  }
0xa9: {  	[sflag:s31] =	ssyncset.done $0x0  }
.Ltmp1:
0xaa: {  	s5 =	sadd.s32 s5, s21;
	[sflag:s31] =	ssyncadd.s32 $0xFFFFC000;
	(pc) =	sbr.rel @p0 .LBB2_4-.Ltmp1, $4  }
0xab: {  	[hbm4b:s5+s3] =	stream.linear.scatter [tilespmem:s29], [sflag:$0x4], $0x4000, $0x38;
	[tilespmem:$0x1C000] =	vst v63  }
0xac: {  	_ =	swait.ge [sflag:s22], $0x4000  }
0xad: {  	[sflag:s22] =	ssyncset.done $0x0  }
0xae: {  	s5 =	sadd.s32 $0x100, s4;
	s4 =	sadd.s32 $0x180, s4;
	[sflag:s22] =	ssyncadd.s32 $0xFFFFC000  }
0xaf: {  	[tilespmem:s26], [sflag:$0x2] =	stream.indirect.gather [spmem:s1], $0x80, s5, s24, $0xb8;
	[tilespmem:$0x1C000] =	vst v63  }
0xb0: {  	_ =	swait.ge [sflag:s28], $0x4000  }
0xb1: {  	[sflag:s28] =	ssyncset.done $0x0  }
0xb2: {  	[sflag:s28] =	ssyncadd.s32 $0xFFFFC000  }
0xb3: {  	[hbm4b:s12+s3] =	stream.linear.scatter [tilespmem:s25], [sflag:$0x4], $0x4000, $0x38;
	[tilespmem:$0x1C000] =	vst v63  }
0xb4: {  	_ =	swait.ge [sflag:s22], $0x4000  }
0xb5: {  	[sflag:s22] =	ssyncset.done $0x0  }
0xb6: {  	s0 =	simm.s32 $0x5F80;
	[sflag:s22] =	ssyncadd.s32 $0xFFFFC000  }
0xb7: {  	[tilespmem:s29], [sflag:$0x3] =	stream.indirect.gather [spmem:s1], $0x80, s0, s24, $0xb8;
	[tilespmem:$0x1C000] =	vst v63  }
0xb8: {  	_ =	swait.ge [sflag:s30], $0x4000  }
0xb9: {  	[sflag:s30] =	ssyncset.done $0x0  }
0xba: {  	[sflag:s30] =	ssyncadd.s32 $0xFFFFC000  }
0xbb: {  	[hbm4b:s13+s3] =	stream.linear.scatter [tilespmem:s26], [sflag:$0x4], $0x4000, $0x38;
	[tilespmem:$0x1C000] =	vst v63  }
0xbc: {  	_ =	swait.ge [sflag:s22], $0x4000  }
0xbd: {  	[sflag:s22] =	ssyncset.done $0x0  }
0xbe: {  	[sflag:s22] =	ssyncadd.s32 $0xFFFFC000  }
0xbf: {  	_ =	swait.ge [sflag:s31], $0x4000  }
0xc0: {  	[sflag:s31] =	ssyncset.done $0x0  }
0xc1: {  	[sflag:s31] =	ssyncadd.s32 $0xFFFFC000  }
0xc2: {  	[hbm4b:s14+s3] =	stream.linear.scatter [tilespmem:s29], [sflag:$0x4], $0x4000, $0x38;
	[tilespmem:$0x1C000] =	vst v63  }
0xc3: {  	_ =	swait.ge [sflag:s22], $0x4000  }
0xc4: {  	s2 =	sadd.s32 $0x1, s2;
	s8 =	rddreg [dreg:$0x6]  }
0xc5: {  	p0 =	sne.s32 s2, s8  }
.Ltmp2:
0xc6: {  	_ = 	snop;
	(pc) =	sbr.rel @p0 .LBB2_1-.Ltmp2, $3  }
0xc7: {  	_ =	sdelay $0x1  }
0xc8: {  	[sflag:s22] =	ssyncset.done $0x0  }
0xc9: {  	[sflag:s22] =	ssyncadd.s32 $0xFFFFC000  }
0xca: {  	_ =	sfence.sel $0x180000  }
0xcb: {  	[bflag:$0x0] =	sbarrier.arrive $0xFFFF  }
0xcc: {  	_ =	strace $0x90000050  }
0xcd: {  	s0 =	stileid.u32;
	[bflag:$0x2] =	sbarrier.arrive $0xFFFF  }
0xce: {  	p0 =	sne.s32 s0, $0x0;
	s0 =	rddreg [dreg:$0x2]  }
0xcf: {  	s0 =	sadd.s32 @!p0 $0x100000, s0  }
0xd0: {  	[sflag:s0] =	ssyncadd.tile.s32 @!p0 $0x1;
	_ =	shalt  }
.Lfunc_end2:
_tile_overlayer_lowered:
.L_overlay_start_2:
0xd1: {  	(tag) =	ssettag $0x2  }
0xd2: {  	s0 =	rddreg [dreg:$0x0];
	s2 =	stileid.u32  }
0xd3: {  	s1 =	rddreg [dreg:$0x1];
	p0 =	sne.s32 s2, $0x0  }
0xd4: {  	s3 =	rddreg [dreg:$0x2];
	[bflag:$0x3] =	sbarrier.arrive $0xFFFF;
	s2 =	simm.s32 @!p0 $0x1C04  }
0xd5: {  	[timem:s3], [sflag:s2] =	dma.local @!p0 [hbm:s0], s1  }
0xd6: {  	s0 =	simm.s32 @!p0 $0x4  }
0xd7: {  	_ =	swait.ge @!p0 [sflag:s0], s1  }
0xd8: {  	s1 =	ssub.s32 @!p0 $0x0, s1;
	[sflag:s0] =	ssyncset.done @!p0 $0x0  }
0xd9: {  	[sflag:s0] =	ssyncadd.s32 @!p0 s1  }
0xda: {  	[bflag:$0x3] =	sbarrier.arrive $0xFFFF  }
0xdb: {  	_ =	shalt  }

// kernel: scgather.7.cloned.1.call-start
scs
__scs_entry_jumppad:
0x0: {  	(pc) =	sbr.rel $0x88, $3  }
0x1: {  	(tag) =	ssettag $0x0;
	lr =	simm.s32 $0x1  }
0x2: {  	[smem:$0x3F8B] =	sst lr;
	_ =	strace $0xD0000000  }
0x3: {  	_ = 	snop  }
0x4: {  	_ = 	snop  }
0x5: {  	_ = 	snop  }
0x6: {  	_ = 	snop  }
0x7: {  	_ = 	snop  }
__scs_overlays_trampoline_lowered:
0x8: {  	[smem:$0x3F9A] =	sst s0  }
0x9: {  	[smem:$0x3F9B] =	sst s1  }
0xa: {  	[smem:$0x3F9C] =	sst s2  }
0xb: {  	[smem:$0x3F9D] =	sst s3  }
0xc: {  	[smem:$0x3F9E] =	sst s4  }
0xd: {  	[smem:$0x3F9F] =	sst s5  }
0xe: {  	[smem:$0x3FA0] =	sst s6  }
0xf: {  	[smem:$0x3FA1] =	sst s7  }
0x10: {  	[smem:$0x3FA2] =	sst s8  }
0x11: {  	[smem:$0x3FA3] =	sst s9;
	s0 =	simm.s32 @!p0 $0x0  }
0x12: {  	s1 =	sld [smem:$0x3F89];
	s0 =	simm.s32 @p0 $0x1  }
0x13: {  	[smem:$0x3FA4] =	sst s0;
	s0 =	simm.s32 @!p1 $0x0  }
0x14: {  	s2 =	sld [smem:$0x3F88];
	s0 =	simm.s32 @p1 $0x1  }
0x15: {  	[smem:$0x3FA5] =	sst s0;
	s0 =	simm.s32 @!p2 $0x0  }
0x16: {  	s3 =	sld [smem:$0x3FDB];
	s0 =	simm.s32 @p2 $0x1  }
0x17: {  	s4 =	simm.s32 $0x1BF5;
	[smem:$0x3FA7] =	sst s0  }
0x18: {  	s0 =	sld [smem:$0x3F8A];
	_ =	swait.ge [sflag:s4], $0x0  }
0x19: {  	s7 =	sld [smem:$0x3F8B]  }
0x1a: {  	s8 =	sadd.s32 $0xFFFFE003, lr  }
0x1b: {  	s9 =	sadd.s32 $0xFFFFFEF7, lr;
	s5 =	simm.s32 $0xFFFFFFFF;
	p2 =	slt.u32 s8, $0xFFFFF086  }
0x1c: {  	p1 =	slt.u32 s9, $0xF7A;
	s5 =	simm.s32 @!p2 $0x0  }
0x1d: {  	s5 =	simm.s32 @p1 $0x1;
	p0 =	seq.s32 s7, s2  }
0x1e: {  	s7 =	smul.u32 @!p0 $0xF7A, s2;
	p2 =	seq.s32 @!p0 s5, $0x0  }
0x1f: {  	s9 =	smul.u32 $0xF7A, s1;
	s8 =	simm.s32 @!p0 $0x1BF5;
	p2 =	por !p2, p0  }
0x20: {  	[sflag:s8] =	ssyncset.s32 @!p0 $0xFFFFF086;
	s6 =	sadd.s32 @!p0 s3, s7;
	s7 =	simm.s32 @!p0 $0x108  }
0x21: {  	s3 =	sadd.s32 s3, s9;
	s6 =	sadd.s32 @!p0 $0x88, s6;
	s7 =	simm.s32 @p2 $0x1082  }
0x22: {  	[simem:s7], [sflag:s8] =	dma.local @!p0 [hbm:s6], $0xF7A  }
0x23: {  	s9 =	sor.u32 $0xD0000000, s2;
	s6 =	simm.s32 $0x108;
	_ =	swait.ge @!p0 [sflag:s8], $0x0  }
0x24: {  	s3 =	sadd.s32 $0x88, s3;
	s6 =	simm.s32 @!p1 $0x1082;
	[sflag:s4] =	ssyncset.s32 $0xFFFFF086  }
0x25: {  	[simem:s6], [sflag:s4] =	dma.local [hbm:s3], $0xF7A  }
0x26: {  	[smem:$0x3F8B] =	sst s1;
	(tag) =	ssettag s2;
	_ =	strace s9  }
0x27: {  	s1 =	sld [smem:$0x3F9B]  }
0x28: {  	s2 =	sld [smem:$0x3F9C]  }
0x29: {  	s4 =	sld [smem:$0x3F9E]  }
0x2a: {  	p0 =	seq.s32 s5, $0x0;
	s5 =	sld [smem:$0x3F9F]  }
0x2b: {  	s6 =	sld [smem:$0x3FA0]  }
0x2c: {  	s7 =	sld [smem:$0x3FA1]  }
0x2d: {  	s3 =	simm.s32 $0x108;
	s8 =	sld [smem:$0x3FA2]  }
0x2e: {  	s3 =	simm.s32 @!p0 $0x1082;
	s9 =	sld [smem:$0x3FA3]  }
0x2f: {  	lr =	sadd.s32 s0, s3;
	s0 =	sld [smem:$0x3F9A]  }
0x30: {  	s3 =	sld [smem:$0x3F9D]  }
0x31: {  	[smem:$0x3FA6] =	sst s10  }
0x32: {  	s10 =	sld [smem:$0x3FA4];
	_ =	sdelay $0x3  }
0x33: {  	p0 =	seq.s32 s10, $0x1;
	s10 =	sld [smem:$0x3FA6];
	_ =	sdelay $0x3  }
0x34: {  	[smem:$0x3FA6] =	sst s10  }
0x35: {  	s10 =	sld [smem:$0x3FA5];
	_ =	sdelay $0x3  }
0x36: {  	p1 =	seq.s32 s10, $0x1;
	s10 =	sld [smem:$0x3FA6];
	_ =	sdelay $0x3  }
0x37: {  	[smem:$0x3FA6] =	sst s10  }
0x38: {  	s10 =	sld [smem:$0x3FA7]  }
0x39: {  	_ = 	snop;
	(pc) =	sbr.ind lr, $3  }
0x3a: {  	_ = 	snop  }
0x3b: {  	_ = 	snop  }
0x3c: {  	p2 =	seq.s32 s10, $0x1;
	s10 =	sld [smem:$0x3FA6]  }
0x3d: {  	_ =	shalt  }
0x3e: {  	_ =	shalt  }
0x3f: {  	_ =	shalt  }
0x40: {  	_ =	shalt  }
0x41: {  	_ =	shalt  }
0x42: {  	_ =	shalt  }
0x43: {  	_ =	shalt  }
0x44: {  	_ =	shalt  }
0x45: {  	_ =	shalt  }
0x46: {  	_ =	shalt  }
0x47: {  	_ =	shalt  }
0x48: {  	_ =	shalt  }
0x49: {  	_ =	shalt  }
0x4a: {  	_ =	shalt  }
0x4b: {  	_ =	shalt  }
0x4c: {  	_ =	shalt  }
0x4d: {  	_ =	shalt  }
0x4e: {  	_ =	shalt  }
0x4f: {  	_ =	shalt  }
0x50: {  	_ =	shalt  }
0x51: {  	_ =	shalt  }
0x52: {  	_ =	shalt  }
0x53: {  	_ =	shalt  }
0x54: {  	_ =	shalt  }
0x55: {  	_ =	shalt  }
0x56: {  	_ =	shalt  }
0x57: {  	_ =	shalt  }
0x58: {  	_ =	shalt  }
0x59: {  	_ =	shalt  }
0x5a: {  	_ =	shalt  }
0x5b: {  	_ =	shalt  }
0x5c: {  	_ =	shalt  }
0x5d: {  	_ =	shalt  }
0x5e: {  	_ =	shalt  }
0x5f: {  	_ =	shalt  }
0x60: {  	_ =	shalt  }
0x61: {  	_ =	shalt  }
0x62: {  	_ =	shalt  }
0x63: {  	_ =	shalt  }
0x64: {  	_ =	shalt  }
0x65: {  	_ =	shalt  }
0x66: {  	_ =	shalt  }
0x67: {  	_ =	shalt  }
0x68: {  	_ =	shalt  }
0x69: {  	_ =	shalt  }
0x6a: {  	_ =	shalt  }
0x6b: {  	_ =	shalt  }
0x6c: {  	_ =	shalt  }
0x6d: {  	_ =	shalt  }
0x6e: {  	_ =	shalt  }
0x6f: {  	_ =	shalt  }
0x70: {  	_ =	shalt  }
0x71: {  	_ =	shalt  }
0x72: {  	_ =	shalt  }
0x73: {  	_ =	shalt  }
0x74: {  	_ =	shalt  }
0x75: {  	_ =	shalt  }
0x76: {  	_ =	shalt  }
0x77: {  	_ =	shalt  }
0x78: {  	_ =	shalt  }
0x79: {  	_ =	shalt  }
0x7a: {  	_ =	shalt  }
0x7b: {  	_ =	shalt  }
0x7c: {  	_ =	shalt  }
0x7d: {  	_ =	shalt  }
0x7e: {  	_ =	shalt  }
0x7f: {  	_ =	shalt  }
0x80: {  	_ =	shalt  }
0x81: {  	_ =	shalt  }
0x82: {  	_ =	shalt  }
0x83: {  	_ =	shalt  }
0x84: {  	_ =	shalt  }
0x85: {  	_ =	shalt  }
0x86: {  	_ =	shalt  }
0x87: {  	_ =	shalt  }
.Lfunc_end0:
.L_simem_size_0:
called_computation.5_lowered:
.L_overlay_start_0:
0x88: {  	s2 =	sld [smem:$0x3FD9]  }
0x89: {  	s3 =	sld [smem:$0x3FFE];
	_ =	sdelay $0x1  }
0x8a: {  	s1 =	srdreg.scid  }
0x8b: {  	s0 =	sand.u32 $0x1, s1  }
0x8c: {  	s16 =	sshll.u32 s0, $0xA;
	s2 =	sadd.s32 s3, s2  }
0x8d: {  	s2 =	sadd.s32 s2, s16  }
0x8e: {  	[smem:$0x3FB2] =	sst s2  }
0x8f: {  	_ = 	snop  }
0x90: {  	(tm) =	ssettm $0x1  }
0x91: {  	s17 =	sld [smem:$0x3FFB];
	_ =	sdelay $0x3  }
0x92: {  	_ =	strace s17  }
0x93: {  	s2 =	sld [smem:$0x3FFC];
	_ =	sdelay $0x3  }
0x94: {  	_ =	strace s2  }
0x95: {  	s2 =	sld [smem:$0x3FFD];
	_ =	sdelay $0x3  }
0x96: {  	_ =	strace s2  }
0x97: {  	_ =	strace $0x8FFFFFFF  }
0x98: {  	s18 =	sld [smem:$0x3FDB];
	_ =	sdelay $0x1  }
0x99: {  	s19 =	simm.s32 $_scs_section_size  }
0x9a: {  	s4 =	simm.s32 $_size__tile_overlayer_lowered;
	s5 =	simm.s32 $_tile_overlayer_lowered  }
0x9b: {  	s22 =	simm.s32 $0x1BFF;
	s21 =	sshll.u32 s5, $0x1;
	s2 =	sadd.s32 s19, s18  }
0x9c: {  	s6 =	simm.s32 $0x0;
	s20 =	sshll.u32 s4, $0x1;
	s4 =	sadd.s32 s21, s2  }
0x9d: {  	[timem:s6], [sflag:s22] =	dma.local [hbm:s4], s20  }
0x9e: {  	_ =	swait.ge [sflag:s22], s20  }
0x9f: {  	s3 =	ssub.s32 $0x0, s20;
	[sflag:s22] =	ssyncset.done $0x0  }
0xa0: {  	[sflag:s22] =	ssyncadd.s32 s3;
	_ =	sdelay $0x1  }
0xa1: {  	s23 =	simm.s32 $0x1B8B  }
0xa2: {  	_ =	swait.ge [sflag:s23], $0x1  }
0xa3: {  	[sflag:s23] =	ssyncset.done $0x0  }
0xa4: {  	s25 =	simm.s32 $0x1B8E;
	s24 =	sld [smem:$0x3FFE];
	[sflag:s23] =	ssyncadd.s32 $0xFFFFFFFF  }
0xa5: {  	s26 =	simm.s32 $execute0_lowered;
	[smem:$0x3FD2] =	sst s25  }
0xa6: {  	s4 =	sshll.u32 s26, $0x1;
	_ =	strace $0x80000055;
	[dreg:$0x1] =	wrdreg $0xFFFFFFFF  }
0xa7: {  	s28 =	simm.s32 $_size_execute0_lowered;
	s2 =	sadd.s32 s2, s4;
	[dreg:$0x0] =	wrdreg $0x0  }
0xa8: {  	s4 =	sshll.u32 s28, $0x1;
	[dreg:$0x2] =	wrdreg s2  }
0xa9: {  	[dreg:$0x3] =	wrdreg s4  }
0xaa: {  	[dreg:$0x4] =	wrdreg $0xC0  }
0xab: {  	_ =	task [dreg:s6], $0x5FFFF  }
0xac: {  	[dreg:$0x1] =	wrdreg $0xFFFFFFFF  }
0xad: {  	[dreg:$0x0] =	wrdreg $0x60  }
0xae: {  	[dreg:$0x2] =	wrdreg s24  }
0xaf: {  	[dreg:$0x3] =	wrdreg $0x120000  }
0xb0: {  	[dreg:$0x4] =	wrdreg $0x9  }
0xb1: {  	_ =	task.clear_ibuf [dreg:s6], $0x5FFFF;
	_ =	strace $0x90000055  }
0xb2: {  	s29 =	simm.s32 $0x9;
	_ =	strace $0x80000057  }
0xb3: {  	_ =	swait.ge [sflag:s29], $0x1  }
0xb4: {  	[sflag:s29] =	ssyncadd.s32 $0xFFFFFFFF  }
0xb5: {  	_ =	strace $0x90000057  }
0xb6: {  	_ =	sfence  }
0xb7: {  	s30 =	sld [smem:$0x0];
	_ =	sdelay $0x2  }
0xb8: {  	s31 =	sshll.u32 s1, $0xD;
	s1 =	sshrl.u32 s1, $0x2  }
0xb9: {  	s3 =	sand.u32 $0x4000, s31;
	s1 =	sadd.s32 s1, s30  }
0xba: {  	s0 =	sor.u32 s3, s0;
	s1 =	sshll.u32 s1, $0x11  }
0xbb: {  	s0 =	sor.u32 s1, s0  }
0xbc: {  	s0 =	sadd.s32 $0x8F2B, s0  }
0xbd: {  	[sflag:s0] =	ssyncadd.remote.s32 $0x1  }
0xbe: {  	_ =	sfence.sel $0xFFFF  }
0xbf: {  	[dreg:$0x0] =	wrdreg $0xFFFFFFFF;
	(pc) =	sbr.abs _section_cstart, $3  }
0xc0: {  	[dreg:$0x1] =	wrdreg $0xFFFFFFFF  }
0xc1: {  	_ =	task.clear_ibuf [dreg:s6], $0x2FFFF;
	_ =	strace $0x9FFFFFFF  }
0xc2: {  	(tm) =	ssettm $0x7FFFFFFF  }
0xc3: {  	_ =	shalt  }
tec
execute0_lowered:
.L_overlay_start_1:
0x0: {  	(tag) =	ssettag $0x1  }
0x1: {  	s0 =	rddreg [dreg:$0x0]  }
0x2: {  	s1 =	rddreg [dreg:$0x1];
	s3 =	simm.s32 $0x0;
	s12 =	stileid.u32  }
0x3: {  	s4 =	srdreg.scid;
	s28 =	simm.s32 $0x1;
	s29 =	simm.s32 $0xE000  }
0x4: {  	s30 =	simm.s32 $0x2;
	s31 =	simm.s32 $0x3;
	s6 =	smul.u32 $0x600, s12  }
0x5: {  	[smem:$0x7FF] =	sst s3;
	s5 =	sadd.s32 $0x74C200, s0;
	s10 =	smul.u32 $0x28000, s12  }
0x6: {  	s2 =	sadd.s32 $0x6A00, s0;
	s7 =	sadd.s32 $0x329600, s0;
	s18 =	smul.u32 $0x180000, s12  }
0x7: {  	s4 =	sand.u32 $0x1, s4;
	s16 =	sadd.s32 $0x33D600, s0;
	s21 =	smul.u32 $0x1400, s12  }
0x8: {  	_ =	strace $0x80000056;
	s8 =	ssub.s32 $0x2, s4;
	s17 =	smul.u32 $0x1800000, s4  }
0x9: {  	p0 =	seq.s32 s4, $0x0;
	s6 =	sadd.s32 s6, s0;
	s9 =	sshrl.u32 s8, $0x1  }
0xa: {  	s0 =	sadd.s32 $0x760A00, s0;
	s10 =	sshrl.u32 s10, $0x2;
	s23 =	sadd.s32 $0x174000, s18  }
0xb: {  	s14 =	sadd.s32 $0x178000, s18;
	s5 =	smov.u32 @p0 s2;
	s16 =	smov.u32 @p0 s7  }
0xc: {  	s8 =	ssub.s32 s8, s9;
	s11 =	sadd.s32 $0x20A00, s6;
	s6 =	sadd.s32 $0x1AA00, s6  }
0xd: {  	s20 =	sadd.s32 s10, s1;
	s22 =	sadd.s32 $0x3000000, s17;
	[dreg:$0x3] =	wrdreg s11  }
0xe: {  	s19 =	sadd.s32 s18, s17;
	s24 =	sadd.s32 s17, s23;
	[dreg:$0x4] =	wrdreg s6  }
0xf: {  	s9 =	sadd.s32 s17, s14;
	s16 =	sadd.s32 s16, s21;
	[dreg:$0x5] =	wrdreg s20  }
0x10: {  	s13 =	sadd.s32 s18, s22;
	s8 =	smax.u32 s8, $0x1;
	s25 =	sshrl.u32 s24, $0x3  }
0x11: {  	s26 =	sshrl.u32 s19, $0x3;
	s15 =	sadd.s32 s22, s23;
	s6 =	sadd.s32 s22, s14  }
0x12: {  	s18 =	sor.u32 $0x4000, s19;
	s20 =	sor.u32 $0x8000, s19;
	s22 =	sadd.s32 $0x3004000, s19  }
0x13: {  	s23 =	sadd.s32 $0x3000000, s19;
	s24 =	sadd.s32 $0x3008000, s19;
	[dreg:$0x6] =	wrdreg s8  }
0x14: {  	s8 =	sadd.s32 s0, s25;
	s15 =	sshrl.u32 s15, $0x3;
	s13 =	sshrl.u32 s13, $0x3  }
0x15: {  	s6 =	sshrl.u32 s6, $0x3;
	s2 =	sshrl.u32 s18, $0x3;
	s25 =	sshrl.u32 s23, $0x3  }
0x16: {  	s23 =	simm.s32 $0x3000;
	[dreg:$0x7] =	wrdreg s8;
	s8 =	sshrl.u32 s9, $0x3  }
0x17: {  	s9 =	sadd.s32 s26, s0;
	s12 =	sadd.s32 s0, s15;
	s17 =	sadd.s32 s0, s13  }
0x18: {  	s13 =	sadd.s32 s0, s6;
	s15 =	sadd.s32 s5, s21;
	s21 =	sshrl.u32 s20, $0x3  }
0x19: {  	s26 =	sshrl.u32 s24, $0x3;
	s20 =	sadd.s32 s25, s0;
	s24 =	simm.s32 $0x80  }
0x1a: {  	s25 =	simm.s32 $0x6000;
	s10 =	sadd.s32 s0, s8;
	s11 =	sadd.s32 $0x2F800, s9  }
0x1b: {  	s14 =	sadd.s32 $0x2F800, s17;
	s17 =	sadd.s32 s2, s0;
	s18 =	sadd.s32 s21, s0  }
0x1c: {  	s2 =	sshrl.u32 s22, $0x3;
	s21 =	sadd.s32 s26, s0;
	s22 =	simm.s32 $0x4  }
0x1d: {  	s26 =	simm.s32 $0xA000;
	s19 =	sadd.s32 s2, s0;
	s2 =	simm.s32 $0x0  }
.LBB2_1:
0x1e: {  	s0 =	rddreg [dreg:$0x3]  }
0x1f: {  	[tilespmem:s3], [sflag:$0x4] =	stream.linear.gather [hbm4b:s0+s3], $0x3000, $0x38;
	[tilespmem:$0x1C000] =	vst v63  }
0x20: {  	_ =	swait.ge [sflag:s22], $0x3000  }
0x21: {  	[sflag:s22] =	ssyncset.done $0x0  }
0x22: {  	s6 =	rddreg [dreg:$0x4];
	[sflag:s22] =	ssyncadd.s32 $0xFFFFD000  }
0x23: {  	[tilespmem:s23], [sflag:$0x4] =	stream.linear.gather [hbm4b:s6+s3], $0x3000, $0x38;
	[tilespmem:$0x1C000] =	vst v63  }
0x24: {  	s7 =	stileid.u32;
	_ =	swait.ge [sflag:s22], $0x3000  }
0x25: {  	s0 =	sshll.u32 s7, $0x6;
	[sflag:s22] =	ssyncset.done $0x0;
	s4 =	rddreg [dreg:$0x5]  }
0x26: {  	s0 =	sor.u32 $0x1C04, s0;
	[sflag:s22] =	ssyncadd.s32 $0xFFFFD000;
	s4 =	sshrl.u32 s4, $0x3  }
0x27: {  	[spmem:s4], [sflag:s0] =	dma.local [hbm:s15], $0x1400  }
0x28: {  	_ =	swait.ge [sflag:s22], $0x1400  }
0x29: {  	[sflag:s22] =	ssyncset.done $0x0  }
0x2a: {  	[sflag:s22] =	ssyncadd.s32 $0xFFFFEC00  }
0x2b: {  	[bflag:$0x0] =	sbarrier.arrive $0xFFFF  }
0x2c: {  	[tilespmem:s25], [sflag:$0x1] =	stream.indirect.gather [spmem:s1], $0x80, s3, s24, $0xb8;
	[tilespmem:$0x1C000] =	vst v63  }
0x2d: {  	_ = 	snop  }
0x2e: {  	[tilespmem:s26], [sflag:$0x2] =	stream.indirect.gather [spmem:s1], $0x80, s24, s24, $0xb8;
	[tilespmem:$0x1C000] =	vst v63  }
0x2f: {  	_ =	swait.ge [sflag:s28], $0x4000  }
0x30: {  	[sflag:s28] =	ssyncset.done $0x0  }
0x31: {  	s5 =	sadd.s32 $0x0, s9;
	[sflag:s28] =	ssyncadd.s32 $0xFFFFC000  }
0x32: {  	[hbm4b:s5+s3] =	stream.linear.scatter [tilespmem:s25], [sflag:$0x4], $0x4000, $0x38;
	[tilespmem:$0x1C000] =	vst v63  }
0x33: {  	_ =	swait.ge [sflag:s22], $0x4000  }
0x34: {  	[sflag:s22] =	ssyncset.done $0x0  }
0x35: {  	s8 =	simm.s32 $0x100;
	[sflag:s22] =	ssyncadd.s32 $0xFFFFC000  }
0x36: {  	[tilespmem:s29], [sflag:$0x3] =	stream.indirect.gather [spmem:s1], $0x80, s8, s24, $0xb8;
	[tilespmem:$0x1C000] =	vst v63  }
0x37: {  	_ =	swait.ge [sflag:s30], $0x4000  }
0x38: {  	[sflag:s30] =	ssyncset.done $0x0  }
0x39: {  	s6 =	sadd.s32 $0x0, s17;
	[sflag:s30] =	ssyncadd.s32 $0xFFFFC000  }
0x3a: {  	[hbm4b:s6+s3] =	stream.linear.scatter [tilespmem:s26], [sflag:$0x4], $0x4000, $0x38;
	[tilespmem:$0x1C000] =	vst v63  }
0x3b: {  	_ =	swait.ge [sflag:s22], $0x4000  }
0x3c: {  	[sflag:s22] =	ssyncset.done $0x0  }
0x3d: {  	s7 =	simm.s32 $0x180;
	[sflag:s22] =	ssyncadd.s32 $0xFFFFC000  }
0x3e: {  	[tilespmem:s25], [sflag:$0x1] =	stream.indirect.gather [spmem:s1], $0x80, s7, s24, $0xb8;
	[tilespmem:$0x1C000] =	vst v63  }
0x3f: {  	_ =	swait.ge [sflag:s31], $0x4000  }
0x40: {  	[sflag:s31] =	ssyncset.done $0x0  }
0x41: {  	s8 =	sadd.s32 $0x0, s18;
	[sflag:s31] =	ssyncadd.s32 $0xFFFFC000  }
0x42: {  	[hbm4b:s8+s3] =	stream.linear.scatter [tilespmem:s29], [sflag:$0x4], $0x4000, $0x38;
	[tilespmem:$0x1C000] =	vst v63  }
0x43: {  	_ =	swait.ge [sflag:s22], $0x4000  }
0x44: {  	s5 =	simm.s32 $0x1800;
	[sflag:s22] =	ssyncset.done $0x0  }
0x45: {  	s6 =	simm.s32 $0x280;
	s7 =	simm.s32 $0x200;
	[sflag:s22] =	ssyncadd.s32 $0xFFFFC000  }
.LBB2_2:
0x46: {  	[tilespmem:s26], [sflag:$0x2] =	stream.indirect.gather [spmem:s1], $0x80, s7, s24, $0xb8;
	[tilespmem:$0x1C000] =	vst v63  }
0x47: {  	s7 =	smov.u32 s5  }
0x48: {  	p0 =	sne.s32 s5, $0x2D000;
	s5 =	sadd.s32 $0x1800, s5;
	_ =	swait.ge [sflag:s28], $0x4000  }
0x49: {  	[sflag:s28] =	ssyncset.done $0x0  }
0x4a: {  	s8 =	sadd.s32 s7, s9;
	[sflag:s28] =	ssyncadd.s32 $0xFFFFC000  }
0x4b: {  	[hbm4b:s8+s3] =	stream.linear.scatter [tilespmem:s25], [sflag:$0x4], $0x4000, $0x38;
	[tilespmem:$0x1C000] =	vst v63  }
0x4c: {  	_ =	swait.ge [sflag:s22], $0x4000  }
0x4d: {  	[sflag:s22] =	ssyncset.done $0x0  }
0x4e: {  	[sflag:s22] =	ssyncadd.s32 $0xFFFFC000  }
0x4f: {  	[tilespmem:s29], [sflag:$0x3] =	stream.indirect.gather [spmem:s1], $0x80, s6, s24, $0xb8;
	[tilespmem:$0x1C000] =	vst v63  }
0x50: {  	_ =	swait.ge [sflag:s30], $0x4000  }
0x51: {  	[sflag:s30] =	ssyncset.done $0x0  }
0x52: {  	s8 =	sadd.s32 s7, s17;
	[sflag:s30] =	ssyncadd.s32 $0xFFFFC000  }
0x53: {  	[hbm4b:s8+s3] =	stream.linear.scatter [tilespmem:s26], [sflag:$0x4], $0x4000, $0x38;
	[tilespmem:$0x1C000] =	vst v63  }
0x54: {  	_ =	swait.ge [sflag:s22], $0x4000  }
0x55: {  	[sflag:s22] =	ssyncset.done $0x0  }
0x56: {  	s8 =	sadd.s32 $0x80, s6;
	[sflag:s22] =	ssyncadd.s32 $0xFFFFC000  }
0x57: {  	[tilespmem:s25], [sflag:$0x1] =	stream.indirect.gather [spmem:s1], $0x80, s8, s24, $0xb8;
	[tilespmem:$0x1C000] =	vst v63  }
0x58: {  	_ =	swait.ge [sflag:s31], $0x4000  }
0x59: {  	[sflag:s31] =	ssyncset.done $0x0  }
.Ltmp0:
0x5a: {  	s7 =	sadd.s32 s7, s18;
	[sflag:s31] =	ssyncadd.s32 $0xFFFFC000;
	(pc) =	sbr.rel @p0 .LBB2_2-.Ltmp0, $4  }
0x5b: {  	[hbm4b:s7+s3] =	stream.linear.scatter [tilespmem:s29], [sflag:$0x4], $0x4000, $0x38;
	[tilespmem:$0x1C000] =	vst v63  }
0x5c: {  	_ =	swait.ge [sflag:s22], $0x4000  }
0x5d: {  	[sflag:s22] =	ssyncset.done $0x0  }
0x5e: {  	s7 =	sadd.s32 $0x100, s6;
	s6 =	sadd.s32 $0x180, s6;
	[sflag:s22] =	ssyncadd.s32 $0xFFFFC000  }
0x5f: {  	[tilespmem:s26], [sflag:$0x2] =	stream.indirect.gather [spmem:s1], $0x80, s7, s24, $0xb8;
	[tilespmem:$0x1C000] =	vst v63  }
0x60: {  	_ =	swait.ge [sflag:s28], $0x4000  }
0x61: {  	[sflag:s28] =	ssyncset.done $0x0  }
0x62: {  	s5 =	simm.s32 $0x0;
	s6 =	rddreg [dreg:$0x7];
	[sflag:s28] =	ssyncadd.s32 $0xFFFFC000  }
0x63: {  	[hbm4b:s6+s5] =	stream.linear.scatter [tilespmem:s25], [sflag:$0x4], $0x4000, $0x38;
	[tilespmem:$0x1C000] =	vst v63  }
0x64: {  	_ =	swait.ge [sflag:s22], $0x4000  }
0x65: {  	[sflag:s22] =	ssyncset.done $0x0  }
0x66: {  	s7 =	simm.s32 $0x2F80;
	[sflag:s22] =	ssyncadd.s32 $0xFFFFC000  }
0x67: {  	[tilespmem:s29], [sflag:$0x3] =	stream.indirect.gather [spmem:s1], $0x80, s7, s24, $0xb8;
	[tilespmem:$0x1C000] =	vst v63  }
0x68: {  	_ =	swait.ge [sflag:s30], $0x4000  }
0x69: {  	[sflag:s30] =	ssyncset.done $0x0  }
0x6a: {  	[sflag:s30] =	ssyncadd.s32 $0xFFFFC000  }
0x6b: {  	[hbm4b:s10+s5] =	stream.linear.scatter [tilespmem:s26], [sflag:$0x4], $0x4000, $0x38;
	[tilespmem:$0x1C000] =	vst v63  }
0x6c: {  	_ =	swait.ge [sflag:s22], $0x4000  }
0x6d: {  	[sflag:s22] =	ssyncset.done $0x0  }
0x6e: {  	[sflag:s22] =	ssyncadd.s32 $0xFFFFC000  }
0x6f: {  	_ =	swait.ge [sflag:s31], $0x4000  }
0x70: {  	[sflag:s31] =	ssyncset.done $0x0  }
0x71: {  	[sflag:s31] =	ssyncadd.s32 $0xFFFFC000  }
0x72: {  	[hbm4b:s11+s5] =	stream.linear.scatter [tilespmem:s29], [sflag:$0x4], $0x4000, $0x38;
	[tilespmem:$0x1C000] =	vst v63  }
0x73: {  	_ =	swait.ge [sflag:s22], $0x4000  }
0x74: {  	[sflag:s22] =	ssyncset.done $0x0  }
0x75: {  	[sflag:s22] =	ssyncadd.s32 $0xFFFFC000  }
0x76: {  	[bflag:$0x0] =	sbarrier.arrive $0xFFFF  }
0x77: {  	[spmem:s4], [sflag:s0] =	dma.local [hbm:s16], $0x1400  }
0x78: {  	_ =	swait.ge [sflag:s22], $0x1400  }
0x79: {  	[sflag:s22] =	ssyncset.done $0x0  }
0x7a: {  	[sflag:s22] =	ssyncadd.s32 $0xFFFFEC00  }
0x7b: {  	[bflag:$0x0] =	sbarrier.arrive $0xFFFF  }
0x7c: {  	[tilespmem:s25], [sflag:$0x1] =	stream.indirect.gather [spmem:s1], $0x80, s23, s24, $0xb8;
	[tilespmem:$0x1C000] =	vst v63  }
0x7d: {  	s8 =	simm.s32 $0x3080  }
0x7e: {  	[tilespmem:s26], [sflag:$0x2] =	stream.indirect.gather [spmem:s1], $0x80, s8, s24, $0xb8;
	[tilespmem:$0x1C000] =	vst v63  }
0x7f: {  	_ =	swait.ge [sflag:s28], $0x4000  }
0x80: {  	[sflag:s28] =	ssyncset.done $0x0  }
0x81: {  	s4 =	sadd.s32 $0x0, s20;
	[sflag:s28] =	ssyncadd.s32 $0xFFFFC000  }
0x82: {  	[hbm4b:s4+s3] =	stream.linear.scatter [tilespmem:s25], [sflag:$0x4], $0x4000, $0x38;
	[tilespmem:$0x1C000] =	vst v63  }
0x83: {  	_ =	swait.ge [sflag:s22], $0x4000  }
0x84: {  	[sflag:s22] =	ssyncset.done $0x0  }
0x85: {  	s5 =	simm.s32 $0x3100;
	[sflag:s22] =	ssyncadd.s32 $0xFFFFC000  }
0x86: {  	[tilespmem:s29], [sflag:$0x3] =	stream.indirect.gather [spmem:s1], $0x80, s5, s24, $0xb8;
	[tilespmem:$0x1C000] =	vst v63  }
0x87: {  	_ =	swait.ge [sflag:s30], $0x4000  }
0x88: {  	[sflag:s30] =	ssyncset.done $0x0  }
0x89: {  	s6 =	sadd.s32 $0x0, s19;
	[sflag:s30] =	ssyncadd.s32 $0xFFFFC000  }
0x8a: {  	[hbm4b:s6+s3] =	stream.linear.scatter [tilespmem:s26], [sflag:$0x4], $0x4000, $0x38;
	[tilespmem:$0x1C000] =	vst v63  }
0x8b: {  	_ =	swait.ge [sflag:s22], $0x4000  }
0x8c: {  	[sflag:s22] =	ssyncset.done $0x0  }
0x8d: {  	s7 =	simm.s32 $0x3180;
	[sflag:s22] =	ssyncadd.s32 $0xFFFFC000  }
0x8e: {  	[tilespmem:s25], [sflag:$0x1] =	stream.indirect.gather [spmem:s1], $0x80, s7, s24, $0xb8;
	[tilespmem:$0x1C000] =	vst v63  }
0x8f: {  	_ =	swait.ge [sflag:s31], $0x4000  }
0x90: {  	[sflag:s31] =	ssyncset.done $0x0  }
0x91: {  	s8 =	sadd.s32 $0x0, s21;
	[sflag:s31] =	ssyncadd.s32 $0xFFFFC000  }
0x92: {  	[hbm4b:s8+s3] =	stream.linear.scatter [tilespmem:s29], [sflag:$0x4], $0x4000, $0x38;
	[tilespmem:$0x1C000] =	vst v63  }
0x93: {  	_ =	swait.ge [sflag:s22], $0x4000  }
0x94: {  	s0 =	simm.s32 $0x1800;
	[sflag:s22] =	ssyncset.done $0x0  }
0x95: {  	s4 =	simm.s32 $0x3280;
	s5 =	simm.s32 $0x3200;
	[sflag:s22] =	ssyncadd.s32 $0xFFFFC000  }
.LBB2_4:
0x96: {  	[tilespmem:s26], [sflag:$0x2] =	stream.indirect.gather [spmem:s1], $0x80, s5, s24, $0xb8;
	[tilespmem:$0x1C000] =	vst v63  }
0x97: {  	s5 =	smov.u32 s0  }
0x98: {  	p0 =	sne.s32 s0, $0x2D000;
	s0 =	sadd.s32 $0x1800, s0;
	_ =	swait.ge [sflag:s28], $0x4000  }
0x99: {  	[sflag:s28] =	ssyncset.done $0x0  }
0x9a: {  	s6 =	sadd.s32 s5, s20;
	[sflag:s28] =	ssyncadd.s32 $0xFFFFC000  }
0x9b: {  	[hbm4b:s6+s3] =	stream.linear.scatter [tilespmem:s25], [sflag:$0x4], $0x4000, $0x38;
	[tilespmem:$0x1C000] =	vst v63  }
0x9c: {  	_ =	swait.ge [sflag:s22], $0x4000  }
0x9d: {  	[sflag:s22] =	ssyncset.done $0x0  }
0x9e: {  	[sflag:s22] =	ssyncadd.s32 $0xFFFFC000  }
0x9f: {  	[tilespmem:s29], [sflag:$0x3] =	stream.indirect.gather [spmem:s1], $0x80, s4, s24, $0xb8;
	[tilespmem:$0x1C000] =	vst v63  }
0xa0: {  	_ =	swait.ge [sflag:s30], $0x4000  }
0xa1: {  	[sflag:s30] =	ssyncset.done $0x0  }
0xa2: {  	s6 =	sadd.s32 s5, s19;
	[sflag:s30] =	ssyncadd.s32 $0xFFFFC000  }
0xa3: {  	[hbm4b:s6+s3] =	stream.linear.scatter [tilespmem:s26], [sflag:$0x4], $0x4000, $0x38;
	[tilespmem:$0x1C000] =	vst v63  }
0xa4: {  	_ =	swait.ge [sflag:s22], $0x4000  }
0xa5: {  	[sflag:s22] =	ssyncset.done $0x0  }
0xa6: {  	s6 =	sadd.s32 $0x80, s4;
	[sflag:s22] =	ssyncadd.s32 $0xFFFFC000  }
0xa7: {  	[tilespmem:s25], [sflag:$0x1] =	stream.indirect.gather [spmem:s1], $0x80, s6, s24, $0xb8;
	[tilespmem:$0x1C000] =	vst v63  }
0xa8: {  	_ =	swait.ge [sflag:s31], $0x4000  }
0xa9: {  	[sflag:s31] =	ssyncset.done $0x0  }
.Ltmp1:
0xaa: {  	s5 =	sadd.s32 s5, s21;
	[sflag:s31] =	ssyncadd.s32 $0xFFFFC000;
	(pc) =	sbr.rel @p0 .LBB2_4-.Ltmp1, $4  }
0xab: {  	[hbm4b:s5+s3] =	stream.linear.scatter [tilespmem:s29], [sflag:$0x4], $0x4000, $0x38;
	[tilespmem:$0x1C000] =	vst v63  }
0xac: {  	_ =	swait.ge [sflag:s22], $0x4000  }
0xad: {  	[sflag:s22] =	ssyncset.done $0x0  }
0xae: {  	s5 =	sadd.s32 $0x100, s4;
	s4 =	sadd.s32 $0x180, s4;
	[sflag:s22] =	ssyncadd.s32 $0xFFFFC000  }
0xaf: {  	[tilespmem:s26], [sflag:$0x2] =	stream.indirect.gather [spmem:s1], $0x80, s5, s24, $0xb8;
	[tilespmem:$0x1C000] =	vst v63  }
0xb0: {  	_ =	swait.ge [sflag:s28], $0x4000  }
0xb1: {  	[sflag:s28] =	ssyncset.done $0x0  }
0xb2: {  	[sflag:s28] =	ssyncadd.s32 $0xFFFFC000  }
0xb3: {  	[hbm4b:s12+s3] =	stream.linear.scatter [tilespmem:s25], [sflag:$0x4], $0x4000, $0x38;
	[tilespmem:$0x1C000] =	vst v63  }
0xb4: {  	_ =	swait.ge [sflag:s22], $0x4000  }
0xb5: {  	[sflag:s22] =	ssyncset.done $0x0  }
0xb6: {  	s0 =	simm.s32 $0x5F80;
	[sflag:s22] =	ssyncadd.s32 $0xFFFFC000  }
0xb7: {  	[tilespmem:s29], [sflag:$0x3] =	stream.indirect.gather [spmem:s1], $0x80, s0, s24, $0xb8;
	[tilespmem:$0x1C000] =	vst v63  }
0xb8: {  	_ =	swait.ge [sflag:s30], $0x4000  }
0xb9: {  	[sflag:s30] =	ssyncset.done $0x0  }
0xba: {  	[sflag:s30] =	ssyncadd.s32 $0xFFFFC000  }
0xbb: {  	[hbm4b:s13+s3] =	stream.linear.scatter [tilespmem:s26], [sflag:$0x4], $0x4000, $0x38;
	[tilespmem:$0x1C000] =	vst v63  }
0xbc: {  	_ =	swait.ge [sflag:s22], $0x4000  }
0xbd: {  	[sflag:s22] =	ssyncset.done $0x0  }
0xbe: {  	[sflag:s22] =	ssyncadd.s32 $0xFFFFC000  }
0xbf: {  	_ =	swait.ge [sflag:s31], $0x4000  }
0xc0: {  	[sflag:s31] =	ssyncset.done $0x0  }
0xc1: {  	[sflag:s31] =	ssyncadd.s32 $0xFFFFC000  }
0xc2: {  	[hbm4b:s14+s3] =	stream.linear.scatter [tilespmem:s29], [sflag:$0x4], $0x4000, $0x38;
	[tilespmem:$0x1C000] =	vst v63  }
0xc3: {  	_ =	swait.ge [sflag:s22], $0x4000  }
0xc4: {  	s2 =	sadd.s32 $0x1, s2;
	s8 =	rddreg [dreg:$0x6]  }
0xc5: {  	p0 =	sne.s32 s2, s8  }
.Ltmp2:
0xc6: {  	_ = 	snop;
	(pc) =	sbr.rel @p0 .LBB2_1-.Ltmp2, $3  }
0xc7: {  	_ =	sdelay $0x1  }
0xc8: {  	[sflag:s22] =	ssyncset.done $0x0  }
0xc9: {  	[sflag:s22] =	ssyncadd.s32 $0xFFFFC000  }
0xca: {  	_ =	sfence.sel $0x180000  }
0xcb: {  	[bflag:$0x0] =	sbarrier.arrive $0xFFFF  }
0xcc: {  	_ =	strace $0x90000056  }
0xcd: {  	s0 =	stileid.u32;
	[bflag:$0x2] =	sbarrier.arrive $0xFFFF  }
0xce: {  	p0 =	sne.s32 s0, $0x0;
	s0 =	rddreg [dreg:$0x2]  }
0xcf: {  	s0 =	sadd.s32 @!p0 $0x100000, s0  }
0xd0: {  	[sflag:s0] =	ssyncadd.tile.s32 @!p0 $0x1;
	_ =	shalt  }
.Lfunc_end2:
_tile_overlayer_lowered:
.L_overlay_start_2:
0xd1: {  	(tag) =	ssettag $0x2  }
0xd2: {  	s0 =	rddreg [dreg:$0x0];
	s2 =	stileid.u32  }
0xd3: {  	s1 =	rddreg [dreg:$0x1];
	p0 =	sne.s32 s2, $0x0  }
0xd4: {  	s3 =	rddreg [dreg:$0x2];
	[bflag:$0x3] =	sbarrier.arrive $0xFFFF;
	s2 =	simm.s32 @!p0 $0x1C04  }
0xd5: {  	[timem:s3], [sflag:s2] =	dma.local @!p0 [hbm:s0], s1  }
0xd6: {  	s0 =	simm.s32 @!p0 $0x4  }
0xd7: {  	_ =	swait.ge @!p0 [sflag:s0], s1  }
0xd8: {  	s1 =	ssub.s32 @!p0 $0x0, s1;
	[sflag:s0] =	ssyncset.done @!p0 $0x0  }
0xd9: {  	[sflag:s0] =	ssyncadd.s32 @!p0 s1  }
0xda: {  	[bflag:$0x3] =	sbarrier.arrive $0xFFFF  }
0xdb: {  	_ =	shalt  }

// kernel: scscatter.4.cloned.1.call-start
scs
__scs_entry_jumppad:
0x0: {  	(pc) =	sbr.rel $0x88, $3  }
0x1: {  	(tag) =	ssettag $0x0;
	lr =	simm.s32 $0x1  }
0x2: {  	[smem:$0x3F8B] =	sst lr;
	_ =	strace $0xD0000000  }
0x3: {  	_ = 	snop  }
0x4: {  	_ = 	snop  }
0x5: {  	_ = 	snop  }
0x6: {  	_ = 	snop  }
0x7: {  	_ = 	snop  }
__scs_overlays_trampoline_lowered:
0x8: {  	[smem:$0x3F9A] =	sst s0  }
0x9: {  	[smem:$0x3F9B] =	sst s1  }
0xa: {  	[smem:$0x3F9C] =	sst s2  }
0xb: {  	[smem:$0x3F9D] =	sst s3  }
0xc: {  	[smem:$0x3F9E] =	sst s4  }
0xd: {  	[smem:$0x3F9F] =	sst s5  }
0xe: {  	[smem:$0x3FA0] =	sst s6  }
0xf: {  	[smem:$0x3FA1] =	sst s7  }
0x10: {  	[smem:$0x3FA2] =	sst s8  }
0x11: {  	[smem:$0x3FA3] =	sst s9;
	s0 =	simm.s32 @!p0 $0x0  }
0x12: {  	s1 =	sld [smem:$0x3F89];
	s0 =	simm.s32 @p0 $0x1  }
0x13: {  	[smem:$0x3FA4] =	sst s0;
	s0 =	simm.s32 @!p1 $0x0  }
0x14: {  	s2 =	sld [smem:$0x3F88];
	s0 =	simm.s32 @p1 $0x1  }
0x15: {  	[smem:$0x3FA5] =	sst s0;
	s0 =	simm.s32 @!p2 $0x0  }
0x16: {  	s3 =	sld [smem:$0x3FDB];
	s0 =	simm.s32 @p2 $0x1  }
0x17: {  	s4 =	simm.s32 $0x1BF5;
	[smem:$0x3FA7] =	sst s0  }
0x18: {  	s0 =	sld [smem:$0x3F8A];
	_ =	swait.ge [sflag:s4], $0x0  }
0x19: {  	s7 =	sld [smem:$0x3F8B]  }
0x1a: {  	s8 =	sadd.s32 $0xFFFFE003, lr  }
0x1b: {  	s9 =	sadd.s32 $0xFFFFFEF7, lr;
	s5 =	simm.s32 $0xFFFFFFFF;
	p2 =	slt.u32 s8, $0xFFFFF086  }
0x1c: {  	p1 =	slt.u32 s9, $0xF7A;
	s5 =	simm.s32 @!p2 $0x0  }
0x1d: {  	s5 =	simm.s32 @p1 $0x1;
	p0 =	seq.s32 s7, s2  }
0x1e: {  	s7 =	smul.u32 @!p0 $0xF7A, s2;
	p2 =	seq.s32 @!p0 s5, $0x0  }
0x1f: {  	s9 =	smul.u32 $0xF7A, s1;
	s8 =	simm.s32 @!p0 $0x1BF5;
	p2 =	por !p2, p0  }
0x20: {  	[sflag:s8] =	ssyncset.s32 @!p0 $0xFFFFF086;
	s6 =	sadd.s32 @!p0 s3, s7;
	s7 =	simm.s32 @!p0 $0x108  }
0x21: {  	s3 =	sadd.s32 s3, s9;
	s6 =	sadd.s32 @!p0 $0x88, s6;
	s7 =	simm.s32 @p2 $0x1082  }
0x22: {  	[simem:s7], [sflag:s8] =	dma.local @!p0 [hbm:s6], $0xF7A  }
0x23: {  	s9 =	sor.u32 $0xD0000000, s2;
	s6 =	simm.s32 $0x108;
	_ =	swait.ge @!p0 [sflag:s8], $0x0  }
0x24: {  	s3 =	sadd.s32 $0x88, s3;
	s6 =	simm.s32 @!p1 $0x1082;
	[sflag:s4] =	ssyncset.s32 $0xFFFFF086  }
0x25: {  	[simem:s6], [sflag:s4] =	dma.local [hbm:s3], $0xF7A  }
0x26: {  	[smem:$0x3F8B] =	sst s1;
	(tag) =	ssettag s2;
	_ =	strace s9  }
0x27: {  	s1 =	sld [smem:$0x3F9B]  }
0x28: {  	s2 =	sld [smem:$0x3F9C]  }
0x29: {  	s4 =	sld [smem:$0x3F9E]  }
0x2a: {  	p0 =	seq.s32 s5, $0x0;
	s5 =	sld [smem:$0x3F9F]  }
0x2b: {  	s6 =	sld [smem:$0x3FA0]  }
0x2c: {  	s7 =	sld [smem:$0x3FA1]  }
0x2d: {  	s3 =	simm.s32 $0x108;
	s8 =	sld [smem:$0x3FA2]  }
0x2e: {  	s3 =	simm.s32 @!p0 $0x1082;
	s9 =	sld [smem:$0x3FA3]  }
0x2f: {  	lr =	sadd.s32 s0, s3;
	s0 =	sld [smem:$0x3F9A]  }
0x30: {  	s3 =	sld [smem:$0x3F9D]  }
0x31: {  	[smem:$0x3FA6] =	sst s10  }
0x32: {  	s10 =	sld [smem:$0x3FA4];
	_ =	sdelay $0x3  }
0x33: {  	p0 =	seq.s32 s10, $0x1;
	s10 =	sld [smem:$0x3FA6];
	_ =	sdelay $0x3  }
0x34: {  	[smem:$0x3FA6] =	sst s10  }
0x35: {  	s10 =	sld [smem:$0x3FA5];
	_ =	sdelay $0x3  }
0x36: {  	p1 =	seq.s32 s10, $0x1;
	s10 =	sld [smem:$0x3FA6];
	_ =	sdelay $0x3  }
0x37: {  	[smem:$0x3FA6] =	sst s10  }
0x38: {  	s10 =	sld [smem:$0x3FA7]  }
0x39: {  	_ = 	snop;
	(pc) =	sbr.ind lr, $3  }
0x3a: {  	_ = 	snop  }
0x3b: {  	_ = 	snop  }
0x3c: {  	p2 =	seq.s32 s10, $0x1;
	s10 =	sld [smem:$0x3FA6]  }
0x3d: {  	_ =	shalt  }
0x3e: {  	_ =	shalt  }
0x3f: {  	_ =	shalt  }
0x40: {  	_ =	shalt  }
0x41: {  	_ =	shalt  }
0x42: {  	_ =	shalt  }
0x43: {  	_ =	shalt  }
0x44: {  	_ =	shalt  }
0x45: {  	_ =	shalt  }
0x46: {  	_ =	shalt  }
0x47: {  	_ =	shalt  }
0x48: {  	_ =	shalt  }
0x49: {  	_ =	shalt  }
0x4a: {  	_ =	shalt  }
0x4b: {  	_ =	shalt  }
0x4c: {  	_ =	shalt  }
0x4d: {  	_ =	shalt  }
0x4e: {  	_ =	shalt  }
0x4f: {  	_ =	shalt  }
0x50: {  	_ =	shalt  }
0x51: {  	_ =	shalt  }
0x52: {  	_ =	shalt  }
0x53: {  	_ =	shalt  }
0x54: {  	_ =	shalt  }
0x55: {  	_ =	shalt  }
0x56: {  	_ =	shalt  }
0x57: {  	_ =	shalt  }
0x58: {  	_ =	shalt  }
0x59: {  	_ =	shalt  }
0x5a: {  	_ =	shalt  }
0x5b: {  	_ =	shalt  }
0x5c: {  	_ =	shalt  }
0x5d: {  	_ =	shalt  }
0x5e: {  	_ =	shalt  }
0x5f: {  	_ =	shalt  }
0x60: {  	_ =	shalt  }
0x61: {  	_ =	shalt  }
0x62: {  	_ =	shalt  }
0x63: {  	_ =	shalt  }
0x64: {  	_ =	shalt  }
0x65: {  	_ =	shalt  }
0x66: {  	_ =	shalt  }
0x67: {  	_ =	shalt  }
0x68: {  	_ =	shalt  }
0x69: {  	_ =	shalt  }
0x6a: {  	_ =	shalt  }
0x6b: {  	_ =	shalt  }
0x6c: {  	_ =	shalt  }
0x6d: {  	_ =	shalt  }
0x6e: {  	_ =	shalt  }
0x6f: {  	_ =	shalt  }
0x70: {  	_ =	shalt  }
0x71: {  	_ =	shalt  }
0x72: {  	_ =	shalt  }
0x73: {  	_ =	shalt  }
0x74: {  	_ =	shalt  }
0x75: {  	_ =	shalt  }
0x76: {  	_ =	shalt  }
0x77: {  	_ =	shalt  }
0x78: {  	_ =	shalt  }
0x79: {  	_ =	shalt  }
0x7a: {  	_ =	shalt  }
0x7b: {  	_ =	shalt  }
0x7c: {  	_ =	shalt  }
0x7d: {  	_ =	shalt  }
0x7e: {  	_ =	shalt  }
0x7f: {  	_ =	shalt  }
0x80: {  	_ =	shalt  }
0x81: {  	_ =	shalt  }
0x82: {  	_ =	shalt  }
0x83: {  	_ =	shalt  }
0x84: {  	_ =	shalt  }
0x85: {  	_ =	shalt  }
0x86: {  	_ =	shalt  }
0x87: {  	_ =	shalt  }
.Lfunc_end0:
.L_simem_size_0:
called_computation.4_lowered:
.L_overlay_start_0:
0x88: {  	s2 =	sld [smem:$0x3FD9]  }
0x89: {  	s3 =	sld [smem:$0x3FFE];
	_ =	sdelay $0x1  }
0x8a: {  	s1 =	srdreg.scid  }
0x8b: {  	s0 =	sand.u32 $0x1, s1  }
0x8c: {  	s17 =	sshll.u32 s0, $0xA;
	s2 =	sadd.s32 s3, s2  }
0x8d: {  	s2 =	sadd.s32 s2, s17  }
0x8e: {  	[smem:$0x3FB2] =	sst s2  }
0x8f: {  	_ = 	snop  }
0x90: {  	s2 =	sld [smem:$0x3FD0];
	(tm) =	ssettm $0x1  }
0x91: {  	s18 =	sld [smem:$0x3FFB];
	_ =	sdelay $0x3  }
0x92: {  	_ =	strace s18  }
0x93: {  	s3 =	sld [smem:$0x3FFC];
	_ =	sdelay $0x3  }
0x94: {  	_ =	strace s3  }
0x95: {  	s3 =	sld [smem:$0x3FFD];
	_ =	sdelay $0x3  }
0x96: {  	_ =	strace s3  }
0x97: {  	_ =	strace $0x8FFFFFFF  }
0x98: {  	s19 =	sld [smem:$0x3FDB];
	_ =	sdelay $0x1  }
0x99: {  	s4 =	simm.s32 $_scs_section_size  }
0x9a: {  	s5 =	simm.s32 $_size__tile_overlayer_lowered;
	s6 =	simm.s32 $_tile_overlayer_lowered  }
0x9b: {  	s22 =	simm.s32 $0x1BFF;
	s21 =	sshll.u32 s6, $0x1;
	s3 =	sadd.s32 s4, s19  }
0x9c: {  	s7 =	simm.s32 $0x0;
	s20 =	sshll.u32 s5, $0x1;
	s5 =	sadd.s32 s21, s3  }
0x9d: {  	[timem:s7], [sflag:s22] =	dma.local [hbm:s5], s20  }
0x9e: {  	_ =	swait.ge [sflag:s22], s20  }
0x9f: {  	s4 =	ssub.s32 $0x0, s20;
	[sflag:s22] =	ssyncset.done $0x0  }
0xa0: {  	[sflag:s22] =	ssyncadd.s32 s4;
	_ =	sdelay $0x1  }
0xa1: {  	s23 =	simm.s32 $0x1B8B  }
0xa2: {  	_ =	swait.ge [sflag:s23], $0x1  }
0xa3: {  	[sflag:s23] =	ssyncset.done $0x0  }
0xa4: {  	s25 =	simm.s32 $0x1B8E;
	s24 =	sld [smem:$0x3FFE];
	[sflag:s23] =	ssyncadd.s32 $0xFFFFFFFF  }
0xa5: {  	s26 =	simm.s32 $execute0_lowered;
	[smem:$0x3FD2] =	sst s25  }
0xa6: {  	s5 =	sshll.u32 s26, $0x1;
	_ =	strace $0x80000052;
	[dreg:$0x1] =	wrdreg $0xFFFFFFFF  }
0xa7: {  	s28 =	simm.s32 $_size_execute0_lowered;
	s3 =	sadd.s32 s3, s5;
	[dreg:$0x0] =	wrdreg $0x0  }
0xa8: {  	s5 =	sshll.u32 s28, $0x1;
	[dreg:$0x2] =	wrdreg s3  }
0xa9: {  	[dreg:$0x3] =	wrdreg s5  }
0xaa: {  	[dreg:$0x4] =	wrdreg $0xC0  }
0xab: {  	_ =	task [dreg:s7], $0x5FFFF  }
0xac: {  	[dreg:$0x1] =	wrdreg $0xFFFFFFFF  }
0xad: {  	[dreg:$0x0] =	wrdreg $0x60  }
0xae: {  	[dreg:$0x2] =	wrdreg s24  }
0xaf: {  	[dreg:$0x3] =	wrdreg s2  }
0xb0: {  	[dreg:$0x4] =	wrdreg $0xD8000  }
0xb1: {  	[dreg:$0x5] =	wrdreg $0x9  }
0xb2: {  	_ =	task.clear_ibuf [dreg:s7], $0x6FFFF;
	_ =	strace $0x90000052  }
0xb3: {  	s29 =	simm.s32 $0x9;
	_ =	strace $0x80000054  }
0xb4: {  	_ =	swait.ge [sflag:s29], $0x1  }
0xb5: {  	[sflag:s29] =	ssyncadd.s32 $0xFFFFFFFF  }
0xb6: {  	_ =	strace $0x90000054  }
0xb7: {  	_ =	sfence  }
0xb8: {  	s30 =	sld [smem:$0x0];
	_ =	sdelay $0x2  }
0xb9: {  	s31 =	sshll.u32 s1, $0xD;
	s1 =	sshrl.u32 s1, $0x2  }
0xba: {  	s3 =	sand.u32 $0x4000, s31;
	s1 =	sadd.s32 s1, s30  }
0xbb: {  	s0 =	sor.u32 s3, s0;
	s1 =	sshll.u32 s1, $0x11  }
0xbc: {  	s0 =	sor.u32 s1, s0  }
0xbd: {  	s0 =	sadd.s32 $0x8F2B, s0  }
0xbe: {  	[sflag:s0] =	ssyncadd.remote.s32 $0x1  }
0xbf: {  	_ =	sfence.sel $0xFFFF  }
0xc0: {  	[dreg:$0x0] =	wrdreg $0xFFFFFFFF;
	(pc) =	sbr.abs _section_cstart, $3  }
0xc1: {  	[dreg:$0x1] =	wrdreg $0xFFFFFFFF  }
0xc2: {  	_ =	task.clear_ibuf [dreg:s7], $0x2FFFF;
	_ =	strace $0x9FFFFFFF  }
0xc3: {  	(tm) =	ssettm $0x7FFFFFFF  }
tec
execute0_lowered:
.L_overlay_start_1:
0x0: {  	(tag) =	ssettag $0x1  }
0x1: {  	s0 =	rddreg [dreg:$0x0]  }
0x2: {  	s2 =	rddreg [dreg:$0x1]  }
0x3: {  	s1 =	rddreg [dreg:$0x2]  }
0x4: {  	s3 =	simm.s32 $0x0;
	s4 =	srdreg.scid;
	s14 =	stileid.u32  }
0x5: {  	s16 =	simm.s32 $0x4;
	s17 =	simm.s32 $0x1800;
	s18 =	simm.s32 $0x5800  }
0x6: {  	s19 =	simm.s32 $0x9800;
	s20 =	simm.s32 $0x1;
	s28 =	simm.s32 $0x0  }
0x7: {  	[smem:$0x7FF] =	sst s3;
	s5 =	sand.u32 $0x1, s4;
	s7 =	smul.u32 $0xA000, s14  }
0x8: {  	s12 =	sadd.s32 $0x28200, s0;
	s4 =	sadd.s32 $0x328200, s0;
	s22 =	smul.u32 $0x28000, s14  }
0x9: {  	s8 =	sshll.u32 s14, $0x1;
	s13 =	smul.u32 $0x180000, s14;
	s25 =	sshll.u32 s14, $0x6  }
0xa: {  	s6 =	smul.u32 $0xA0000, s5;
	_ =	strace $0x80000053;
	s21 =	sor.u32 s5, s8  }
0xb: {  	s9 =	ssub.s32 $0x2, s5;
	s26 =	smul.u32 $0xC0000, s5;
	s5 =	sor.u32 $0x1C04, s25  }
0xc: {  	s10 =	smul.u32 $0x300, s21;
	s23 =	sshrl.u32 s9, $0x1;
	s24 =	sshrl.u32 s22, $0x2  }
0xd: {  	s22 =	simm.s32 $0x2;
	s6 =	sadd.s32 s7, s6;
	s7 =	smul.u32 $0x18000, s21  }
0xe: {  	s11 =	ssub.s32 s9, s23;
	s15 =	sadd.s32 s24, s1;
	s29 =	sadd.s32 s26, s13  }
0xf: {  	s21 =	simm.s32 $0x80;
	s23 =	simm.s32 $0x3;
	s26 =	simm.s32 $0x1780  }
0x10: {  	s6 =	sshrl.u32 s6, $0x3;
	s11 =	smax.u32 s11, $0x1;
	s30 =	sor.u32 $0x14000, s29  }
0x11: {  	s13 =	sor.u32 $0x10000, s29;
	s14 =	sor.u32 $0xC000, s29;
	s15 =	sshrl.u32 s15, $0x3  }
0x12: {  	s0 =	sadd.s32 s6, s0;
	s6 =	sadd.s32 s2, s10;
	s7 =	sadd.s32 s12, s7  }
0x13: {  	s31 =	sshrl.u32 s13, $0x3;
	s14 =	sshrl.u32 s14, $0x3;
	s8 =	sadd.s32 $0x800, s7  }
0x14: {  	s9 =	sadd.s32 $0x1000, s7;
	s10 =	sadd.s32 $0x329600, s0;
	s0 =	sshrl.u32 s30, $0x3  }
0x15: {  	s13 =	sadd.s32 s31, s12;
	s14 =	sadd.s32 s14, s12;
	s2 =	sadd.s32 s0, s12  }
.LBB2_1:
0x16: {  	[spmem:s15], [sflag:s5] =	dma.local [hbm:s4], $0x1400  }
0x17: {  	_ =	swait.ge [sflag:s16], $0x1400  }
0x18: {  	[sflag:s16] =	ssyncset.done $0x0  }
0x19: {  	[sflag:s16] =	ssyncadd.s32 $0xFFFFEC00  }
0x1a: {  	[tilespmem:s3], [sflag:$0x4] =	stream.linear.gather [hbm4b:s6+s3], $0x1800, $0x38;
	[tilespmem:$0x17800] =	vst v63  }
0x1b: {  	_ =	swait.ge [sflag:s16], $0x1800  }
0x1c: {  	[sflag:s16] =	ssyncset.done $0x0  }
0x1d: {  	[sflag:s16] =	ssyncadd.s32 $0xFFFFE800  }
0x1e: {  	[bflag:$0x0] =	sbarrier.arrive $0xFFFF  }
0x1f: {  	[tilespmem:s17], [sflag:$0x1] =	stream.linear.gather [hbm4b:s7+s3], $0x4000, $0x38;
	[tilespmem:$0x17800] =	vst v63  }
0x20: {  	_ = 	snop  }
0x21: {  	[tilespmem:s18], [sflag:$0x2] =	stream.linear.gather [hbm4b:s8+s3], $0x4000, $0x38;
	[tilespmem:$0x17800] =	vst v63  }
0x22: {  	_ = 	snop  }
0x23: {  	[tilespmem:s19], [sflag:$0x3] =	stream.linear.gather [hbm4b:s9+s3], $0x4000, $0x38;
	[tilespmem:$0x17800] =	vst v63  }
0x24: {  	_ =	swait.ge [sflag:s20], $0x4000  }
0x25: {  	[sflag:s20] =	ssyncset.done $0x0  }
0x26: {  	s0 =	simm.s32 $0x0;
	[sflag:s20] =	ssyncadd.s32 $0xFFFFC000  }
0x27: {  	[spmem:s1] =	stream.indirect.scatter.add.f32 [tilespmem:s17], [sflag:$0x4], $0x80, s0, s21, $0xb8;
	[tilespmem:$0x17800] =	vst v63  }
0x28: {  	_ =	swait.ge [sflag:s16], $0x4000  }
0x29: {  	[sflag:s16] =	ssyncset.done $0x0  }
0x2a: {  	[sflag:s16] =	ssyncadd.s32 $0xFFFFC000  }
0x2b: {  	[tilespmem:s17], [sflag:$0x1] =	stream.linear.gather [hbm4b:s14+s3], $0x4000, $0x38;
	[tilespmem:$0x17800] =	vst v63  }
0x2c: {  	_ =	swait.ge [sflag:s22], $0x4000  }
0x2d: {  	[sflag:s22] =	ssyncset.done $0x0  }
0x2e: {  	s24 =	simm.s32 $0x80;
	[sflag:s22] =	ssyncadd.s32 $0xFFFFC000  }
0x2f: {  	[spmem:s1] =	stream.indirect.scatter.add.f32 [tilespmem:s18], [sflag:$0x4], $0x80, s24, s21, $0xb8;
	[tilespmem:$0x17800] =	vst v63  }
0x30: {  	_ =	swait.ge [sflag:s16], $0x4000  }
0x31: {  	[sflag:s16] =	ssyncset.done $0x0  }
0x32: {  	[sflag:s16] =	ssyncadd.s32 $0xFFFFC000  }
0x33: {  	[tilespmem:s18], [sflag:$0x2] =	stream.linear.gather [hbm4b:s13+s3], $0x4000, $0x38;
	[tilespmem:$0x17800] =	vst v63  }
0x34: {  	_ =	swait.ge [sflag:s23], $0x4000  }
0x35: {  	[sflag:s23] =	ssyncset.done $0x0  }
0x36: {  	s25 =	simm.s32 $0x100;
	[sflag:s23] =	ssyncadd.s32 $0xFFFFC000  }
0x37: {  	[spmem:s1] =	stream.indirect.scatter.add.f32 [tilespmem:s19], [sflag:$0x4], $0x80, s25, s21, $0xb8;
	[tilespmem:$0x17800] =	vst v63  }
0x38: {  	s29 =	simm.s32 $0x600;
	_ =	swait.ge [sflag:s16], $0x4000  }
0x39: {  	s30 =	sadd.s32 $0x1800, s14;
	s31 =	sadd.s32 $0x1800, s2;
	[sflag:s16] =	ssyncset.done $0x0  }
0x3a: {  	s12 =	smov.u32 s2;
	s0 =	sadd.s32 $0x1800, s13;
	[sflag:s16] =	ssyncadd.s32 $0xFFFFC000  }
.LBB2_2:
0x3b: {  	[tilespmem:s19], [sflag:$0x3] =	stream.linear.gather [hbm4b:s12+s3], $0x4000, $0x38;
	[tilespmem:$0x17800] =	vst v63  }
0x3c: {  	s24 =	smov.u32 s29;
	s12 =	smov.u32 s31  }
0x3d: {  	p0 =	sne.s32 s29, $0x5400;
	s29 =	sadd.s32 $0x600, s29;
	_ =	swait.ge [sflag:s20], $0x4000  }
0x3e: {  	[sflag:s20] =	ssyncset.done $0x0  }
0x3f: {  	s24 =	sshra.s32 s24, $0x2;
	[sflag:s20] =	ssyncadd.s32 $0xFFFFC000  }
0x40: {  	[spmem:s1] =	stream.indirect.scatter.add.f32 [tilespmem:s17], [sflag:$0x4], $0x80, s24, s21, $0xb8;
	[tilespmem:$0x17800] =	vst v63  }
0x41: {  	_ =	swait.ge [sflag:s16], $0x4000  }
0x42: {  	[sflag:s16] =	ssyncset.done $0x0  }
0x43: {  	[sflag:s16] =	ssyncadd.s32 $0xFFFFC000  }
0x44: {  	[tilespmem:s17], [sflag:$0x1] =	stream.linear.gather [hbm4b:s30+s3], $0x4000, $0x38;
	[tilespmem:$0x17800] =	vst v63  }
0x45: {  	_ =	swait.ge [sflag:s22], $0x4000  }
0x46: {  	[sflag:s22] =	ssyncset.done $0x0  }
0x47: {  	s25 =	sadd.s32 $0x80, s24;
	[sflag:s22] =	ssyncadd.s32 $0xFFFFC000  }
0x48: {  	[spmem:s1] =	stream.indirect.scatter.add.f32 [tilespmem:s18], [sflag:$0x4], $0x80, s25, s21, $0xb8;
	[tilespmem:$0x17800] =	vst v63  }
0x49: {  	_ =	swait.ge [sflag:s16], $0x4000  }
0x4a: {  	[sflag:s16] =	ssyncset.done $0x0  }
0x4b: {  	[sflag:s16] =	ssyncadd.s32 $0xFFFFC000  }
0x4c: {  	[tilespmem:s18], [sflag:$0x2] =	stream.linear.gather [hbm4b:s0+s3], $0x4000, $0x38;
	[tilespmem:$0x17800] =	vst v63  }
0x4d: {  	_ =	swait.ge [sflag:s23], $0x4000  }
0x4e: {  	[sflag:s23] =	ssyncset.done $0x0  }
.Ltmp0:
0x4f: {  	s24 =	sadd.s32 $0x100, s24;
	[sflag:s23] =	ssyncadd.s32 $0xFFFFC000;
	(pc) =	sbr.rel @p0 .LBB2_2-.Ltmp0, $4  }
0x50: {  	[spmem:s1] =	stream.indirect.scatter.add.f32 [tilespmem:s19], [sflag:$0x4], $0x80, s24, s21, $0xb8;
	[tilespmem:$0x17800] =	vst v63  }
0x51: {  	_ =	swait.ge [sflag:s16], $0x4000  }
0x52: {  	s30 =	sadd.s32 $0x1800, s30;
	[sflag:s16] =	ssyncset.done $0x0  }
0x53: {  	s31 =	sadd.s32 $0x1800, s31;
	s0 =	sadd.s32 $0x1800, s0;
	[sflag:s16] =	ssyncadd.s32 $0xFFFFC000  }
0x54: {  	[tilespmem:s19], [sflag:$0x3] =	stream.linear.gather [hbm4b:s12+s3], $0x4000, $0x38;
	[tilespmem:$0x17800] =	vst v63  }
0x55: {  	_ =	swait.ge [sflag:s20], $0x4000  }
0x56: {  	[sflag:s20] =	ssyncset.done $0x0  }
0x57: {  	s0 =	simm.s32 $0x1680;
	[sflag:s20] =	ssyncadd.s32 $0xFFFFC000  }
0x58: {  	[spmem:s1] =	stream.indirect.scatter.add.f32 [tilespmem:s17], [sflag:$0x4], $0x80, s0, s21, $0xb8;
	[tilespmem:$0x17800] =	vst v63  }
0x59: {  	_ =	swait.ge [sflag:s16], $0x4000  }
0x5a: {  	[sflag:s16] =	ssyncset.done $0x0  }
0x5b: {  	[sflag:s16] =	ssyncadd.s32 $0xFFFFC000  }
0x5c: {  	_ =	swait.ge [sflag:s22], $0x4000  }
0x5d: {  	[sflag:s22] =	ssyncset.done $0x0  }
0x5e: {  	s31 =	simm.s32 $0x1700;
	[sflag:s22] =	ssyncadd.s32 $0xFFFFC000  }
0x5f: {  	[spmem:s1] =	stream.indirect.scatter.add.f32 [tilespmem:s18], [sflag:$0x4], $0x80, s31, s21, $0xb8;
	[tilespmem:$0x17800] =	vst v63  }
0x60: {  	_ =	swait.ge [sflag:s16], $0x4000  }
0x61: {  	[sflag:s16] =	ssyncset.done $0x0  }
0x62: {  	[sflag:s16] =	ssyncadd.s32 $0xFFFFC000  }
0x63: {  	_ =	swait.ge [sflag:s23], $0x4000  }
0x64: {  	[sflag:s23] =	ssyncset.done $0x0  }
0x65: {  	[sflag:s23] =	ssyncadd.s32 $0xFFFFC000  }
0x66: {  	[spmem:s1] =	stream.indirect.scatter.add.f32 [tilespmem:s19], [sflag:$0x4], $0x80, s26, s21, $0xb8;
	[tilespmem:$0x17800] =	vst v63  }
0x67: {  	_ =	swait.ge [sflag:s16], $0x4000  }
0x68: {  	s28 =	sadd.s32 $0x1, s28;
	[sflag:s16] =	ssyncset.done $0x0  }
0x69: {  	p0 =	sne.s32 s28, s11;
	[sflag:s16] =	ssyncadd.s32 $0xFFFFC000  }
.Ltmp1:
0x6a: {  	[bflag:$0x0] =	sbarrier.arrive $0xFFFF;
	(pc) =	sbr.rel @p0 .LBB2_1-.Ltmp1, $4  }
0x6b: {  	[hbm:s10], [sflag:s5] =	dma.local [spmem:s15], $0x1400  }
0x6c: {  	_ =	swait.ge [sflag:s16], $0x1400  }
0x6d: {  	[sflag:s16] =	ssyncset.done $0x0  }
0x6e: {  	[sflag:s16] =	ssyncadd.s32 $0xFFFFEC00  }
0x6f: {  	_ =	sfence.sel $0x180000  }
0x70: {  	[bflag:$0x0] =	sbarrier.arrive $0xFFFF  }
0x71: {  	_ =	strace $0x90000053  }
0x72: {  	s0 =	stileid.u32;
	[bflag:$0x2] =	sbarrier.arrive $0xFFFF  }
0x73: {  	p0 =	sne.s32 s0, $0x0;
	s0 =	rddreg [dreg:$0x3]  }
0x74: {  	s0 =	sadd.s32 @!p0 $0x100000, s0  }
0x75: {  	[sflag:s0] =	ssyncadd.tile.s32 @!p0 $0x1;
	_ =	shalt  }
.Lfunc_end2:
_tile_overlayer_lowered:
.L_overlay_start_2:
0x76: {  	(tag) =	ssettag $0x2  }
0x77: {  	s0 =	rddreg [dreg:$0x0];
	s2 =	stileid.u32  }
0x78: {  	s1 =	rddreg [dreg:$0x1];
	p0 =	sne.s32 s2, $0x0  }
0x79: {  	s3 =	rddreg [dreg:$0x2];
	[bflag:$0x3] =	sbarrier.arrive $0xFFFF;
	s2 =	simm.s32 @!p0 $0x1C04  }
0x7a: {  	[timem:s3], [sflag:s2] =	dma.local @!p0 [hbm:s0], s1  }
0x7b: {  	s0 =	simm.s32 @!p0 $0x4  }
0x7c: {  	_ =	swait.ge @!p0 [sflag:s0], s1  }
0x7d: {  	s1 =	ssub.s32 @!p0 $0x0, s1;
	[sflag:s0] =	ssyncset.done @!p0 $0x0  }
0x7e: {  	[sflag:s0] =	ssyncadd.s32 @!p0 s1  }
0x7f: {  	[bflag:$0x3] =	sbarrier.arrive $0xFFFF  }
0x80: {  	_ =	shalt  }

// kernel: scscatter.7.cloned.1.call-start
scs
__scs_entry_jumppad:
0x0: {  	(pc) =	sbr.rel $0x88, $3  }
0x1: {  	(tag) =	ssettag $0x0;
	lr =	simm.s32 $0x1  }
0x2: {  	[smem:$0x3F8B] =	sst lr;
	_ =	strace $0xD0000000  }
0x3: {  	_ = 	snop  }
0x4: {  	_ = 	snop  }
0x5: {  	_ = 	snop  }
0x6: {  	_ = 	snop  }
0x7: {  	_ = 	snop  }
__scs_overlays_trampoline_lowered:
0x8: {  	[smem:$0x3F9A] =	sst s0  }
0x9: {  	[smem:$0x3F9B] =	sst s1  }
0xa: {  	[smem:$0x3F9C] =	sst s2  }
0xb: {  	[smem:$0x3F9D] =	sst s3  }
0xc: {  	[smem:$0x3F9E] =	sst s4  }
0xd: {  	[smem:$0x3F9F] =	sst s5  }
0xe: {  	[smem:$0x3FA0] =	sst s6  }
0xf: {  	[smem:$0x3FA1] =	sst s7  }
0x10: {  	[smem:$0x3FA2] =	sst s8  }
0x11: {  	[smem:$0x3FA3] =	sst s9;
	s0 =	simm.s32 @!p0 $0x0  }
0x12: {  	s1 =	sld [smem:$0x3F89];
	s0 =	simm.s32 @p0 $0x1  }
0x13: {  	[smem:$0x3FA4] =	sst s0;
	s0 =	simm.s32 @!p1 $0x0  }
0x14: {  	s2 =	sld [smem:$0x3F88];
	s0 =	simm.s32 @p1 $0x1  }
0x15: {  	[smem:$0x3FA5] =	sst s0;
	s0 =	simm.s32 @!p2 $0x0  }
0x16: {  	s3 =	sld [smem:$0x3FDB];
	s0 =	simm.s32 @p2 $0x1  }
0x17: {  	s4 =	simm.s32 $0x1BF5;
	[smem:$0x3FA7] =	sst s0  }
0x18: {  	s0 =	sld [smem:$0x3F8A];
	_ =	swait.ge [sflag:s4], $0x0  }
0x19: {  	s7 =	sld [smem:$0x3F8B]  }
0x1a: {  	s8 =	sadd.s32 $0xFFFFE003, lr  }
0x1b: {  	s9 =	sadd.s32 $0xFFFFFEF7, lr;
	s5 =	simm.s32 $0xFFFFFFFF;
	p2 =	slt.u32 s8, $0xFFFFF086  }
0x1c: {  	p1 =	slt.u32 s9, $0xF7A;
	s5 =	simm.s32 @!p2 $0x0  }
0x1d: {  	s5 =	simm.s32 @p1 $0x1;
	p0 =	seq.s32 s7, s2  }
0x1e: {  	s7 =	smul.u32 @!p0 $0xF7A, s2;
	p2 =	seq.s32 @!p0 s5, $0x0  }
0x1f: {  	s9 =	smul.u32 $0xF7A, s1;
	s8 =	simm.s32 @!p0 $0x1BF5;
	p2 =	por !p2, p0  }
0x20: {  	[sflag:s8] =	ssyncset.s32 @!p0 $0xFFFFF086;
	s6 =	sadd.s32 @!p0 s3, s7;
	s7 =	simm.s32 @!p0 $0x108  }
0x21: {  	s3 =	sadd.s32 s3, s9;
	s6 =	sadd.s32 @!p0 $0x88, s6;
	s7 =	simm.s32 @p2 $0x1082  }
0x22: {  	[simem:s7], [sflag:s8] =	dma.local @!p0 [hbm:s6], $0xF7A  }
0x23: {  	s9 =	sor.u32 $0xD0000000, s2;
	s6 =	simm.s32 $0x108;
	_ =	swait.ge @!p0 [sflag:s8], $0x0  }
0x24: {  	s3 =	sadd.s32 $0x88, s3;
	s6 =	simm.s32 @!p1 $0x1082;
	[sflag:s4] =	ssyncset.s32 $0xFFFFF086  }
0x25: {  	[simem:s6], [sflag:s4] =	dma.local [hbm:s3], $0xF7A  }
0x26: {  	[smem:$0x3F8B] =	sst s1;
	(tag) =	ssettag s2;
	_ =	strace s9  }
0x27: {  	s1 =	sld [smem:$0x3F9B]  }
0x28: {  	s2 =	sld [smem:$0x3F9C]  }
0x29: {  	s4 =	sld [smem:$0x3F9E]  }
0x2a: {  	p0 =	seq.s32 s5, $0x0;
	s5 =	sld [smem:$0x3F9F]  }
0x2b: {  	s6 =	sld [smem:$0x3FA0]  }
0x2c: {  	s7 =	sld [smem:$0x3FA1]  }
0x2d: {  	s3 =	simm.s32 $0x108;
	s8 =	sld [smem:$0x3FA2]  }
0x2e: {  	s3 =	simm.s32 @!p0 $0x1082;
	s9 =	sld [smem:$0x3FA3]  }
0x2f: {  	lr =	sadd.s32 s0, s3;
	s0 =	sld [smem:$0x3F9A]  }
0x30: {  	s3 =	sld [smem:$0x3F9D]  }
0x31: {  	[smem:$0x3FA6] =	sst s10  }
0x32: {  	s10 =	sld [smem:$0x3FA4];
	_ =	sdelay $0x3  }
0x33: {  	p0 =	seq.s32 s10, $0x1;
	s10 =	sld [smem:$0x3FA6];
	_ =	sdelay $0x3  }
0x34: {  	[smem:$0x3FA6] =	sst s10  }
0x35: {  	s10 =	sld [smem:$0x3FA5];
	_ =	sdelay $0x3  }
0x36: {  	p1 =	seq.s32 s10, $0x1;
	s10 =	sld [smem:$0x3FA6];
	_ =	sdelay $0x3  }
0x37: {  	[smem:$0x3FA6] =	sst s10  }
0x38: {  	s10 =	sld [smem:$0x3FA7]  }
0x39: {  	_ = 	snop;
	(pc) =	sbr.ind lr, $3  }
0x3a: {  	_ = 	snop  }
0x3b: {  	_ = 	snop  }
0x3c: {  	p2 =	seq.s32 s10, $0x1;
	s10 =	sld [smem:$0x3FA6]  }
0x3d: {  	_ =	shalt  }
0x3e: {  	_ =	shalt  }
0x3f: {  	_ =	shalt  }
0x40: {  	_ =	shalt  }
0x41: {  	_ =	shalt  }
0x42: {  	_ =	shalt  }
0x43: {  	_ =	shalt  }
0x44: {  	_ =	shalt  }
0x45: {  	_ =	shalt  }
0x46: {  	_ =	shalt  }
0x47: {  	_ =	shalt  }
0x48: {  	_ =	shalt  }
0x49: {  	_ =	shalt  }
0x4a: {  	_ =	shalt  }
0x4b: {  	_ =	shalt  }
0x4c: {  	_ =	shalt  }
0x4d: {  	_ =	shalt  }
0x4e: {  	_ =	shalt  }
0x4f: {  	_ =	shalt  }
0x50: {  	_ =	shalt  }
0x51: {  	_ =	shalt  }
0x52: {  	_ =	shalt  }
0x53: {  	_ =	shalt  }
0x54: {  	_ =	shalt  }
0x55: {  	_ =	shalt  }
0x56: {  	_ =	shalt  }
0x57: {  	_ =	shalt  }
0x58: {  	_ =	shalt  }
0x59: {  	_ =	shalt  }
0x5a: {  	_ =	shalt  }
0x5b: {  	_ =	shalt  }
0x5c: {  	_ =	shalt  }
0x5d: {  	_ =	shalt  }
0x5e: {  	_ =	shalt  }
0x5f: {  	_ =	shalt  }
0x60: {  	_ =	shalt  }
0x61: {  	_ =	shalt  }
0x62: {  	_ =	shalt  }
0x63: {  	_ =	shalt  }
0x64: {  	_ =	shalt  }
0x65: {  	_ =	shalt  }
0x66: {  	_ =	shalt  }
0x67: {  	_ =	shalt  }
0x68: {  	_ =	shalt  }
0x69: {  	_ =	shalt  }
0x6a: {  	_ =	shalt  }
0x6b: {  	_ =	shalt  }
0x6c: {  	_ =	shalt  }
0x6d: {  	_ =	shalt  }
0x6e: {  	_ =	shalt  }
0x6f: {  	_ =	shalt  }
0x70: {  	_ =	shalt  }
0x71: {  	_ =	shalt  }
0x72: {  	_ =	shalt  }
0x73: {  	_ =	shalt  }
0x74: {  	_ =	shalt  }
0x75: {  	_ =	shalt  }
0x76: {  	_ =	shalt  }
0x77: {  	_ =	shalt  }
0x78: {  	_ =	shalt  }
0x79: {  	_ =	shalt  }
0x7a: {  	_ =	shalt  }
0x7b: {  	_ =	shalt  }
0x7c: {  	_ =	shalt  }
0x7d: {  	_ =	shalt  }
0x7e: {  	_ =	shalt  }
0x7f: {  	_ =	shalt  }
0x80: {  	_ =	shalt  }
0x81: {  	_ =	shalt  }
0x82: {  	_ =	shalt  }
0x83: {  	_ =	shalt  }
0x84: {  	_ =	shalt  }
0x85: {  	_ =	shalt  }
0x86: {  	_ =	shalt  }
0x87: {  	_ =	shalt  }
.Lfunc_end0:
.L_simem_size_0:
called_computation.6_lowered:
.L_overlay_start_0:
0x88: {  	s2 =	sld [smem:$0x3FD9]  }
0x89: {  	s3 =	sld [smem:$0x3FFE];
	_ =	sdelay $0x1  }
0x8a: {  	s1 =	srdreg.scid  }
0x8b: {  	s0 =	sand.u32 $0x1, s1  }
0x8c: {  	s17 =	sshll.u32 s0, $0xA;
	s2 =	sadd.s32 s3, s2  }
0x8d: {  	s2 =	sadd.s32 s2, s17  }
0x8e: {  	[smem:$0x3FB2] =	sst s2  }
0x8f: {  	_ = 	snop  }
0x90: {  	s2 =	sld [smem:$0x3FD0];
	(tm) =	ssettm $0x1  }
0x91: {  	s18 =	sld [smem:$0x3FFB];
	_ =	sdelay $0x3  }
0x92: {  	_ =	strace s18  }
0x93: {  	s3 =	sld [smem:$0x3FFC];
	_ =	sdelay $0x3  }
0x94: {  	_ =	strace s3  }
0x95: {  	s3 =	sld [smem:$0x3FFD];
	_ =	sdelay $0x3  }
0x96: {  	_ =	strace s3  }
0x97: {  	_ =	strace $0x8FFFFFFF  }
0x98: {  	s19 =	sld [smem:$0x3FDB];
	_ =	sdelay $0x1  }
0x99: {  	s4 =	simm.s32 $_scs_section_size  }
0x9a: {  	s5 =	simm.s32 $_size__tile_overlayer_lowered;
	s6 =	simm.s32 $_tile_overlayer_lowered  }
0x9b: {  	s22 =	simm.s32 $0x1BFF;
	s21 =	sshll.u32 s6, $0x1;
	s3 =	sadd.s32 s4, s19  }
0x9c: {  	s7 =	simm.s32 $0x0;
	s20 =	sshll.u32 s5, $0x1;
	s5 =	sadd.s32 s21, s3  }
0x9d: {  	[timem:s7], [sflag:s22] =	dma.local [hbm:s5], s20  }
0x9e: {  	_ =	swait.ge [sflag:s22], s20  }
0x9f: {  	s4 =	ssub.s32 $0x0, s20;
	[sflag:s22] =	ssyncset.done $0x0  }
0xa0: {  	[sflag:s22] =	ssyncadd.s32 s4;
	_ =	sdelay $0x1  }
0xa1: {  	s23 =	simm.s32 $0x1B8B  }
0xa2: {  	_ =	swait.ge [sflag:s23], $0x1  }
0xa3: {  	[sflag:s23] =	ssyncset.done $0x0  }
0xa4: {  	s25 =	simm.s32 $0x1B8E;
	s24 =	sld [smem:$0x3FFE];
	[sflag:s23] =	ssyncadd.s32 $0xFFFFFFFF  }
0xa5: {  	s26 =	simm.s32 $execute0_lowered;
	[smem:$0x3FD2] =	sst s25  }
0xa6: {  	s5 =	sshll.u32 s26, $0x1;
	_ =	strace $0x80000058;
	[dreg:$0x1] =	wrdreg $0xFFFFFFFF  }
0xa7: {  	s28 =	simm.s32 $_size_execute0_lowered;
	s3 =	sadd.s32 s3, s5;
	[dreg:$0x0] =	wrdreg $0x0  }
0xa8: {  	s5 =	sshll.u32 s28, $0x1;
	[dreg:$0x2] =	wrdreg s3  }
0xa9: {  	[dreg:$0x3] =	wrdreg s5  }
0xaa: {  	[dreg:$0x4] =	wrdreg $0xC0  }
0xab: {  	_ =	task [dreg:s7], $0x5FFFF  }
0xac: {  	[dreg:$0x1] =	wrdreg $0xFFFFFFFF  }
0xad: {  	[dreg:$0x0] =	wrdreg $0x60  }
0xae: {  	[dreg:$0x2] =	wrdreg s24  }
0xaf: {  	[dreg:$0x3] =	wrdreg s2  }
0xb0: {  	[dreg:$0x4] =	wrdreg $0xD8000  }
0xb1: {  	[dreg:$0x5] =	wrdreg $0x9  }
0xb2: {  	_ =	task.clear_ibuf [dreg:s7], $0x6FFFF;
	_ =	strace $0x90000058  }
0xb3: {  	s29 =	simm.s32 $0x9;
	_ =	strace $0x8000005A  }
0xb4: {  	_ =	swait.ge [sflag:s29], $0x1  }
0xb5: {  	[sflag:s29] =	ssyncadd.s32 $0xFFFFFFFF  }
0xb6: {  	_ =	strace $0x9000005A  }
0xb7: {  	_ =	sfence  }
0xb8: {  	s30 =	sld [smem:$0x0];
	_ =	sdelay $0x2  }
0xb9: {  	s31 =	sshll.u32 s1, $0xD;
	s1 =	sshrl.u32 s1, $0x2  }
0xba: {  	s3 =	sand.u32 $0x4000, s31;
	s1 =	sadd.s32 s1, s30  }
0xbb: {  	s0 =	sor.u32 s3, s0;
	s1 =	sshll.u32 s1, $0x11  }
0xbc: {  	s0 =	sor.u32 s1, s0  }
0xbd: {  	s0 =	sadd.s32 $0x8F2B, s0  }
0xbe: {  	[sflag:s0] =	ssyncadd.remote.s32 $0x1  }
0xbf: {  	_ =	sfence.sel $0xFFFF  }
0xc0: {  	[dreg:$0x0] =	wrdreg $0xFFFFFFFF;
	(pc) =	sbr.abs _section_cstart, $3  }
0xc1: {  	[dreg:$0x1] =	wrdreg $0xFFFFFFFF  }
0xc2: {  	_ =	task.clear_ibuf [dreg:s7], $0x2FFFF;
	_ =	strace $0x9FFFFFFF  }
0xc3: {  	(tm) =	ssettm $0x7FFFFFFF  }
tec
execute0_lowered:
.L_overlay_start_1:
0x0: {  	(tag) =	ssettag $0x1  }
0x1: {  	s0 =	rddreg [dreg:$0x0]  }
0x2: {  	s2 =	rddreg [dreg:$0x1]  }
0x3: {  	s1 =	rddreg [dreg:$0x2]  }
0x4: {  	s3 =	simm.s32 $0x0;
	s4 =	srdreg.scid;
	s14 =	stileid.u32  }
0x5: {  	s16 =	simm.s32 $0x4;
	s17 =	simm.s32 $0x1800;
	s18 =	simm.s32 $0x5800  }
0x6: {  	s19 =	simm.s32 $0x9800;
	s20 =	simm.s32 $0x1;
	s28 =	simm.s32 $0x0  }
0x7: {  	[smem:$0x7FF] =	sst s3;
	s5 =	sand.u32 $0x1, s4;
	s7 =	smul.u32 $0xA000, s14  }
0x8: {  	s12 =	sadd.s32 $0x6A00, s0;
	s4 =	sadd.s32 $0x328200, s0;
	s22 =	smul.u32 $0x28000, s14  }
0x9: {  	s8 =	sshll.u32 s14, $0x1;
	s13 =	smul.u32 $0x180000, s14;
	s25 =	sshll.u32 s14, $0x6  }
0xa: {  	s6 =	smul.u32 $0xA0000, s5;
	_ =	strace $0x80000059;
	s21 =	sor.u32 s5, s8  }
0xb: {  	s9 =	ssub.s32 $0x2, s5;
	s26 =	smul.u32 $0xC0000, s5;
	s5 =	sor.u32 $0x1C04, s25  }
0xc: {  	s10 =	smul.u32 $0x300, s21;
	s23 =	sshrl.u32 s9, $0x1;
	s24 =	sshrl.u32 s22, $0x2  }
0xd: {  	s22 =	simm.s32 $0x2;
	s6 =	sadd.s32 s7, s6;
	s7 =	smul.u32 $0x18000, s21  }
0xe: {  	s11 =	ssub.s32 s9, s23;
	s15 =	sadd.s32 s24, s1;
	s29 =	sadd.s32 s26, s13  }
0xf: {  	s21 =	simm.s32 $0x80;
	s23 =	simm.s32 $0x3;
	s26 =	simm.s32 $0x1780  }
0x10: {  	s6 =	sshrl.u32 s6, $0x3;
	s11 =	smax.u32 s11, $0x1;
	s30 =	sor.u32 $0x14000, s29  }
0x11: {  	s13 =	sor.u32 $0x10000, s29;
	s14 =	sor.u32 $0xC000, s29;
	s15 =	sshrl.u32 s15, $0x3  }
0x12: {  	s0 =	sadd.s32 s6, s0;
	s6 =	sadd.s32 s2, s10;
	s7 =	sadd.s32 s12, s7  }
0x13: {  	s31 =	sshrl.u32 s13, $0x3;
	s14 =	sshrl.u32 s14, $0x3;
	s8 =	sadd.s32 $0x800, s7  }
0x14: {  	s9 =	sadd.s32 $0x1000, s7;
	s10 =	sadd.s32 $0x329600, s0;
	s0 =	sshrl.u32 s30, $0x3  }
0x15: {  	s13 =	sadd.s32 s31, s12;
	s14 =	sadd.s32 s14, s12;
	s2 =	sadd.s32 s0, s12  }
.LBB2_1:
0x16: {  	[spmem:s15], [sflag:s5] =	dma.local [hbm:s4], $0x1400  }
0x17: {  	_ =	swait.ge [sflag:s16], $0x1400  }
0x18: {  	[sflag:s16] =	ssyncset.done $0x0  }
0x19: {  	[sflag:s16] =	ssyncadd.s32 $0xFFFFEC00  }
0x1a: {  	[tilespmem:s3], [sflag:$0x4] =	stream.linear.gather [hbm4b:s6+s3], $0x1800, $0x38;
	[tilespmem:$0x17800] =	vst v63  }
0x1b: {  	_ =	swait.ge [sflag:s16], $0x1800  }
0x1c: {  	[sflag:s16] =	ssyncset.done $0x0  }
0x1d: {  	[sflag:s16] =	ssyncadd.s32 $0xFFFFE800  }
0x1e: {  	[bflag:$0x0] =	sbarrier.arrive $0xFFFF  }
0x1f: {  	[tilespmem:s17], [sflag:$0x1] =	stream.linear.gather [hbm4b:s7+s3], $0x4000, $0x38;
	[tilespmem:$0x17800] =	vst v63  }
0x20: {  	_ = 	snop  }
0x21: {  	[tilespmem:s18], [sflag:$0x2] =	stream.linear.gather [hbm4b:s8+s3], $0x4000, $0x38;
	[tilespmem:$0x17800] =	vst v63  }
0x22: {  	_ = 	snop  }
0x23: {  	[tilespmem:s19], [sflag:$0x3] =	stream.linear.gather [hbm4b:s9+s3], $0x4000, $0x38;
	[tilespmem:$0x17800] =	vst v63  }
0x24: {  	_ =	swait.ge [sflag:s20], $0x4000  }
0x25: {  	[sflag:s20] =	ssyncset.done $0x0  }
0x26: {  	s0 =	simm.s32 $0x0;
	[sflag:s20] =	ssyncadd.s32 $0xFFFFC000  }
0x27: {  	[spmem:s1] =	stream.indirect.scatter.add.f32 [tilespmem:s17], [sflag:$0x4], $0x80, s0, s21, $0xb8;
	[tilespmem:$0x17800] =	vst v63  }
0x28: {  	_ =	swait.ge [sflag:s16], $0x4000  }
0x29: {  	[sflag:s16] =	ssyncset.done $0x0  }
0x2a: {  	[sflag:s16] =	ssyncadd.s32 $0xFFFFC000  }
0x2b: {  	[tilespmem:s17], [sflag:$0x1] =	stream.linear.gather [hbm4b:s14+s3], $0x4000, $0x38;
	[tilespmem:$0x17800] =	vst v63  }
0x2c: {  	_ =	swait.ge [sflag:s22], $0x4000  }
0x2d: {  	[sflag:s22] =	ssyncset.done $0x0  }
0x2e: {  	s24 =	simm.s32 $0x80;
	[sflag:s22] =	ssyncadd.s32 $0xFFFFC000  }
0x2f: {  	[spmem:s1] =	stream.indirect.scatter.add.f32 [tilespmem:s18], [sflag:$0x4], $0x80, s24, s21, $0xb8;
	[tilespmem:$0x17800] =	vst v63  }
0x30: {  	_ =	swait.ge [sflag:s16], $0x4000  }
0x31: {  	[sflag:s16] =	ssyncset.done $0x0  }
0x32: {  	[sflag:s16] =	ssyncadd.s32 $0xFFFFC000  }
0x33: {  	[tilespmem:s18], [sflag:$0x2] =	stream.linear.gather [hbm4b:s13+s3], $0x4000, $0x38;
	[tilespmem:$0x17800] =	vst v63  }
0x34: {  	_ =	swait.ge [sflag:s23], $0x4000  }
0x35: {  	[sflag:s23] =	ssyncset.done $0x0  }
0x36: {  	s25 =	simm.s32 $0x100;
	[sflag:s23] =	ssyncadd.s32 $0xFFFFC000  }
0x37: {  	[spmem:s1] =	stream.indirect.scatter.add.f32 [tilespmem:s19], [sflag:$0x4], $0x80, s25, s21, $0xb8;
	[tilespmem:$0x17800] =	vst v63  }
0x38: {  	s29 =	simm.s32 $0x600;
	_ =	swait.ge [sflag:s16], $0x4000  }
0x39: {  	s30 =	sadd.s32 $0x1800, s14;
	s31 =	sadd.s32 $0x1800, s2;
	[sflag:s16] =	ssyncset.done $0x0  }
0x3a: {  	s12 =	smov.u32 s2;
	s0 =	sadd.s32 $0x1800, s13;
	[sflag:s16] =	ssyncadd.s32 $0xFFFFC000  }
.LBB2_2:
0x3b: {  	[tilespmem:s19], [sflag:$0x3] =	stream.linear.gather [hbm4b:s12+s3], $0x4000, $0x38;
	[tilespmem:$0x17800] =	vst v63  }
0x3c: {  	s24 =	smov.u32 s29;
	s12 =	smov.u32 s31  }
0x3d: {  	p0 =	sne.s32 s29, $0x5400;
	s29 =	sadd.s32 $0x600, s29;
	_ =	swait.ge [sflag:s20], $0x4000  }
0x3e: {  	[sflag:s20] =	ssyncset.done $0x0  }
0x3f: {  	s24 =	sshra.s32 s24, $0x2;
	[sflag:s20] =	ssyncadd.s32 $0xFFFFC000  }
0x40: {  	[spmem:s1] =	stream.indirect.scatter.add.f32 [tilespmem:s17], [sflag:$0x4], $0x80, s24, s21, $0xb8;
	[tilespmem:$0x17800] =	vst v63  }
0x41: {  	_ =	swait.ge [sflag:s16], $0x4000  }
0x42: {  	[sflag:s16] =	ssyncset.done $0x0  }
0x43: {  	[sflag:s16] =	ssyncadd.s32 $0xFFFFC000  }
0x44: {  	[tilespmem:s17], [sflag:$0x1] =	stream.linear.gather [hbm4b:s30+s3], $0x4000, $0x38;
	[tilespmem:$0x17800] =	vst v63  }
0x45: {  	_ =	swait.ge [sflag:s22], $0x4000  }
0x46: {  	[sflag:s22] =	ssyncset.done $0x0  }
0x47: {  	s25 =	sadd.s32 $0x80, s24;
	[sflag:s22] =	ssyncadd.s32 $0xFFFFC000  }
0x48: {  	[spmem:s1] =	stream.indirect.scatter.add.f32 [tilespmem:s18], [sflag:$0x4], $0x80, s25, s21, $0xb8;
	[tilespmem:$0x17800] =	vst v63  }
0x49: {  	_ =	swait.ge [sflag:s16], $0x4000  }
0x4a: {  	[sflag:s16] =	ssyncset.done $0x0  }
0x4b: {  	[sflag:s16] =	ssyncadd.s32 $0xFFFFC000  }
0x4c: {  	[tilespmem:s18], [sflag:$0x2] =	stream.linear.gather [hbm4b:s0+s3], $0x4000, $0x38;
	[tilespmem:$0x17800] =	vst v63  }
0x4d: {  	_ =	swait.ge [sflag:s23], $0x4000  }
0x4e: {  	[sflag:s23] =	ssyncset.done $0x0  }
.Ltmp0:
0x4f: {  	s24 =	sadd.s32 $0x100, s24;
	[sflag:s23] =	ssyncadd.s32 $0xFFFFC000;
	(pc) =	sbr.rel @p0 .LBB2_2-.Ltmp0, $4  }
0x50: {  	[spmem:s1] =	stream.indirect.scatter.add.f32 [tilespmem:s19], [sflag:$0x4], $0x80, s24, s21, $0xb8;
	[tilespmem:$0x17800] =	vst v63  }
0x51: {  	_ =	swait.ge [sflag:s16], $0x4000  }
0x52: {  	s30 =	sadd.s32 $0x1800, s30;
	[sflag:s16] =	ssyncset.done $0x0  }
0x53: {  	s31 =	sadd.s32 $0x1800, s31;
	s0 =	sadd.s32 $0x1800, s0;
	[sflag:s16] =	ssyncadd.s32 $0xFFFFC000  }
0x54: {  	[tilespmem:s19], [sflag:$0x3] =	stream.linear.gather [hbm4b:s12+s3], $0x4000, $0x38;
	[tilespmem:$0x17800] =	vst v63  }
0x55: {  	_ =	swait.ge [sflag:s20], $0x4000  }
0x56: {  	[sflag:s20] =	ssyncset.done $0x0  }
0x57: {  	s0 =	simm.s32 $0x1680;
	[sflag:s20] =	ssyncadd.s32 $0xFFFFC000  }
0x58: {  	[spmem:s1] =	stream.indirect.scatter.add.f32 [tilespmem:s17], [sflag:$0x4], $0x80, s0, s21, $0xb8;
	[tilespmem:$0x17800] =	vst v63  }
0x59: {  	_ =	swait.ge [sflag:s16], $0x4000  }
0x5a: {  	[sflag:s16] =	ssyncset.done $0x0  }
0x5b: {  	[sflag:s16] =	ssyncadd.s32 $0xFFFFC000  }
0x5c: {  	_ =	swait.ge [sflag:s22], $0x4000  }
0x5d: {  	[sflag:s22] =	ssyncset.done $0x0  }
0x5e: {  	s31 =	simm.s32 $0x1700;
	[sflag:s22] =	ssyncadd.s32 $0xFFFFC000  }
0x5f: {  	[spmem:s1] =	stream.indirect.scatter.add.f32 [tilespmem:s18], [sflag:$0x4], $0x80, s31, s21, $0xb8;
	[tilespmem:$0x17800] =	vst v63  }
0x60: {  	_ =	swait.ge [sflag:s16], $0x4000  }
0x61: {  	[sflag:s16] =	ssyncset.done $0x0  }
0x62: {  	[sflag:s16] =	ssyncadd.s32 $0xFFFFC000  }
0x63: {  	_ =	swait.ge [sflag:s23], $0x4000  }
0x64: {  	[sflag:s23] =	ssyncset.done $0x0  }
0x65: {  	[sflag:s23] =	ssyncadd.s32 $0xFFFFC000  }
0x66: {  	[spmem:s1] =	stream.indirect.scatter.add.f32 [tilespmem:s19], [sflag:$0x4], $0x80, s26, s21, $0xb8;
	[tilespmem:$0x17800] =	vst v63  }
0x67: {  	_ =	swait.ge [sflag:s16], $0x4000  }
0x68: {  	s28 =	sadd.s32 $0x1, s28;
	[sflag:s16] =	ssyncset.done $0x0  }
0x69: {  	p0 =	sne.s32 s28, s11;
	[sflag:s16] =	ssyncadd.s32 $0xFFFFC000  }
.Ltmp1:
0x6a: {  	[bflag:$0x0] =	sbarrier.arrive $0xFFFF;
	(pc) =	sbr.rel @p0 .LBB2_1-.Ltmp1, $4  }
0x6b: {  	[hbm:s10], [sflag:s5] =	dma.local [spmem:s15], $0x1400  }
0x6c: {  	_ =	swait.ge [sflag:s16], $0x1400  }
0x6d: {  	[sflag:s16] =	ssyncset.done $0x0  }
0x6e: {  	[sflag:s16] =	ssyncadd.s32 $0xFFFFEC00  }
0x6f: {  	_ =	sfence.sel $0x180000  }
0x70: {  	[bflag:$0x0] =	sbarrier.arrive $0xFFFF  }
0x71: {  	_ =	strace $0x90000059  }
0x72: {  	s0 =	stileid.u32;
	[bflag:$0x2] =	sbarrier.arrive $0xFFFF  }
0x73: {  	p0 =	sne.s32 s0, $0x0;
	s0 =	rddreg [dreg:$0x3]  }
0x74: {  	s0 =	sadd.s32 @!p0 $0x100000, s0  }
0x75: {  	[sflag:s0] =	ssyncadd.tile.s32 @!p0 $0x1;
	_ =	shalt  }
.Lfunc_end2:
_tile_overlayer_lowered:
.L_overlay_start_2:
0x76: {  	(tag) =	ssettag $0x2  }
0x77: {  	s0 =	rddreg [dreg:$0x0];
	s2 =	stileid.u32  }
0x78: {  	s1 =	rddreg [dreg:$0x1];
	p0 =	sne.s32 s2, $0x0  }
0x79: {  	s3 =	rddreg [dreg:$0x2];
	[bflag:$0x3] =	sbarrier.arrive $0xFFFF;
	s2 =	simm.s32 @!p0 $0x1C04  }
0x7a: {  	[timem:s3], [sflag:s2] =	dma.local @!p0 [hbm:s0], s1  }
0x7b: {  	s0 =	simm.s32 @!p0 $0x4  }
0x7c: {  	_ =	swait.ge @!p0 [sflag:s0], s1  }
0x7d: {  	s1 =	ssub.s32 @!p0 $0x0, s1;
	[sflag:s0] =	ssyncset.done @!p0 $0x0  }
0x7e: {  	[sflag:s0] =	ssyncadd.s32 @!p0 s1  }
0x7f: {  	[bflag:$0x3] =	sbarrier.arrive $0xFFFF  }
0x80: {  	_ =	shalt  }

// kernel: sparse-core-data-format-call.1.cloned.1.call-start
scs
called_computation.2_lowered:
.L_overlay_start_0:
0x0: {  	s1 =	sld [smem:$0x3FD9]  }
0x1: {  	s2 =	sld [smem:$0x3FFE];
	_ =	sdelay $0x1  }
0x2: {  	s3 =	srdreg.scid  }
0x3: {  	s0 =	sand.u32 $0x1, s3  }
0x4: {  	s17 =	sshll.u32 s0, $0xA;
	s1 =	sadd.s32 s2, s1  }
0x5: {  	s1 =	sadd.s32 s1, s17  }
0x6: {  	[smem:$0x3FB2] =	sst s1  }
0x7: {  	_ = 	snop  }
0x8: {  	(tm) =	ssettm $0x1  }
0x9: {  	s18 =	sld [smem:$0x3FFB];
	_ =	sdelay $0x3  }
0xa: {  	_ =	strace s18  }
0xb: {  	s1 =	sld [smem:$0x3FFC];
	_ =	sdelay $0x3  }
0xc: {  	_ =	strace s1  }
0xd: {  	s1 =	sld [smem:$0x3FFD];
	_ =	sdelay $0x3  }
0xe: {  	_ =	strace s1  }
0xf: {  	_ =	strace $0x8FFFFFFF  }
0x10: {  	s19 =	sld [smem:$0x3FDB];
	_ =	sdelay $0x1  }
0x11: {  	s20 =	simm.s32 $_scs_section_size  }
0x12: {  	s4 =	simm.s32 $_size__tile_overlayer_lowered;
	s5 =	simm.s32 $_tile_overlayer_lowered  }
0x13: {  	s23 =	simm.s32 $0x1BFF;
	s22 =	sshll.u32 s5, $0x1;
	s1 =	sadd.s32 s20, s19  }
0x14: {  	s6 =	simm.s32 $0x0;
	s21 =	sshll.u32 s4, $0x1;
	s4 =	sadd.s32 s22, s1  }
0x15: {  	[timem:s6], [sflag:s23] =	dma.local [hbm:s4], s21  }
0x16: {  	_ =	swait.ge [sflag:s23], s21  }
0x17: {  	s2 =	ssub.s32 $0x0, s21;
	[sflag:s23] =	ssyncset.done $0x0  }
0x18: {  	[sflag:s23] =	ssyncadd.s32 s2;
	_ =	sdelay $0x1  }
0x19: {  	s24 =	simm.s32 $0x1B8B  }
0x1a: {  	_ =	swait.ge [sflag:s24], $0x1  }
0x1b: {  	[sflag:s24] =	ssyncset.done $0x0  }
0x1c: {  	s26 =	simm.s32 $0x1B8E;
	s25 =	sld [smem:$0x3FFE];
	[sflag:s24] =	ssyncadd.s32 $0xFFFFFFFF  }
0x1d: {  	s27 =	simm.s32 $execute0_lowered;
	[smem:$0x3FD2] =	sst s26  }
0x1e: {  	s4 =	sshll.u32 s27, $0x1;
	_ =	strace $0x80000046;
	[dreg:$0x1] =	wrdreg $0xFFFFFFFF  }
0x1f: {  	s28 =	simm.s32 $_size_execute0_lowered;
	s1 =	sadd.s32 s1, s4;
	[dreg:$0x0] =	wrdreg $0x0  }
0x20: {  	s4 =	sshll.u32 s28, $0x1;
	[dreg:$0x2] =	wrdreg s1  }
0x21: {  	[dreg:$0x3] =	wrdreg s4  }
0x22: {  	[dreg:$0x4] =	wrdreg $0xC0  }
0x23: {  	_ =	task [dreg:s6], $0x5FFFF  }
0x24: {  	[dreg:$0x1] =	wrdreg $0xFFFFFFFF  }
0x25: {  	[dreg:$0x0] =	wrdreg $0x60  }
0x26: {  	[dreg:$0x2] =	wrdreg s25  }
0x27: {  	[dreg:$0x3] =	wrdreg $0x9  }
0x28: {  	_ =	task.clear_ibuf [dreg:s6], $0x4FFFF;
	_ =	strace $0x90000046  }
0x29: {  	s29 =	simm.s32 $0x9;
	_ =	strace $0x80000048  }
0x2a: {  	_ =	swait.ge [sflag:s29], $0x1  }
0x2b: {  	[sflag:s29] =	ssyncadd.s32 $0xFFFFFFFF  }
0x2c: {  	_ =	strace $0x90000048  }
0x2d: {  	_ =	sfence  }
0x2e: {  	s30 =	sld [smem:$0x0];
	_ =	sdelay $0x2  }
0x2f: {  	s31 =	sshll.u32 s3, $0xD;
	s3 =	sshrl.u32 s3, $0x2  }
0x30: {  	s2 =	sand.u32 $0x4000, s31;
	s1 =	sadd.s32 s3, s30  }
0x31: {  	s0 =	sor.u32 s2, s0;
	s1 =	sshll.u32 s1, $0x11  }
0x32: {  	s0 =	sor.u32 s1, s0  }
0x33: {  	s0 =	sadd.s32 $0x8F2B, s0  }
0x34: {  	[sflag:s0] =	ssyncadd.remote.s32 $0x1  }
0x35: {  	_ =	sfence.sel $0xFFFF  }
0x36: {  	[dreg:$0x0] =	wrdreg $0xFFFFFFFF;
	(pc) =	sbr.abs _section_cstart, $3  }
0x37: {  	[dreg:$0x1] =	wrdreg $0xFFFFFFFF  }
0x38: {  	_ =	task.clear_ibuf [dreg:s6], $0x2FFFF;
	_ =	strace $0x9FFFFFFF  }
0x39: {  	(tm) =	ssettm $0x7FFFFFFF  }
tec
execute0_lowered:
.L_overlay_start_1:
0x0: {  	(tag) =	ssettag $0x1  }
0x1: {  	s0 =	srdreg.scid  }
0x2: {  	s1 =	sshll.u32 s0, $0x4  }
0x3: {  	s4 =	rddreg [dreg:$0x0];
	s0 =	stileid.u32;
	s1 =	sand.u32 $0x10, s1  }
0x4: {  	s7 =	simm.s32 $0x1;
	s8 =	simm.s32 $0x2;
	s2 =	sor.u32 s0, s1  }
0x5: {  	s11 =	simm.s32 $0x0;
	s10 =	simm.s32 $0x0;
	s2 =	sshll.u32 s2, $0x7  }
0x6: {  	s3 =	sadd.s32 $0x402A00, s4;
	s4 =	sadd.s32 $0xE2A00, s4;
	s6 =	ssub.s32 $0x32000, s2  }
.Ltmp0:
0x7: {  	s1 =	rddreg [dreg:$0x1];
	s5 =	sand.u32 $0xF80, s6;
	(pc) =	sbr.rel .LBB1_1-.Ltmp0, $4  }
0x8: {  	_ =	strace $0x80000047;
	s9 =	smov.u32 s2;
	p0 =	sne.s32 s5, $0x0  }
0x9: {  	s6 =	sshrl.u32 s6, $0xC;
	s5 =	simm.s32 $0x1;
	s7 =	simm.s32 @!p0 $0x0  }
0xa: {  	[sflag:s5] =	ssyncpa.u1 $0x0;
	p0 =	por $0x0, $0x0;
	s6 =	sadd.s32 s7, s6  }
0xb: {  	[sflag:s8] =	ssyncpa.u1 $0x0;
	s8 =	simm.s32 $0x190000;
	s7 =	sadd.s32 $0x1, s6  }
.LBB1_4:
0xc: {  	v5 =	vld [tilespmem:s15+$0xFFFFFFD0];
	[tilespmem:s14+$0x2040 ss:$0x81] =	vst.msk $0xffff, v3;
	s17 =	sshll.u32 s11, $0x3  }
0xd: {  	v58 =	vld [tilespmem:s15+$0xFFFFFFE0];
	[tilespmem:s14+$0x2850 ss:$0x81] =	vst.msk $0xffff, v4;
	s25 =	sand.u32 $0x7F, s11;
	s18 =	sand.u32 $0xFFFFFC00, s17  }
0xe: {  	s16 =	sshra.s32 s16, $0x2;
	v59 =	vld [tilespmem:s15+$0xFFFFFFF0];
	[tilespmem:s14+$0x3060 ss:$0x81] =	vst.msk $0xffff, v2;
	s11 =	sor.u32 s25, s18  }
0xf: {  	v60 =	vld [tilespmem:s15+$0x0];
	[tilespmem:s14+$0x0 ss:$0x81] =	vst.msk $0xffff, v0;
	s13 =	sadd.s32 s16, s13;
	s26 =	smulhi.u32 $0x51EB851F, s11  }
0x10: {  	v61 =	vld [tilespmem:s15+$0x10];
	s27 =	smulhi.u32 $0x51EB851F, s17;
	[tilespmem:s13+$0x3870 ss:$0x81] =	vst.msk $0xffff, v1  }
0x11: {  	v62 =	vld [tilespmem:s15+$0x20];
	[tilespmem:s13+$0x810 ss:$0x81] =	vst.msk $0xffff, v5;
	s14 =	sshrl.u32 s26, $0x10  }
0x12: {  	v63 =	vld [tilespmem:s15+$0xFFFFFFC0];
	s28 =	sshrl.u32 s27, $0x10;
	[tilespmem:s13+$0x1020 ss:$0x81] =	vst.msk $0xffff, v58;
	s14 =	smul.u32 $0x32000, s14  }
0x13: {  	s15 =	sand.u32 $0x7F, s28;
	[tilespmem:s13+$0x1830 ss:$0x81] =	vst.msk $0xffff, v59  }
0x14: {  	[tilespmem:s13+$0x2040 ss:$0x81] =	vst.msk $0xffff, v60;
	s29 =	smul.u32 $0x6400, s15;
	s11 =	ssub.s32 s11, s14  }
0x15: {  	[tilespmem:s13+$0x2850 ss:$0x81] =	vst.msk $0xffff, v61;
	s30 =	sand.u32 $0x7, s11  }
0x16: {  	[tilespmem:s13+$0x3060 ss:$0x81] =	vst.msk $0xffff, v62;
	s14 =	sadd.s32 s4, s29;
	s11 =	sshrl.u32 s11, $0x3;
	s15 =	sshll.u32 s30, $0x12  }
0x17: {  	[tilespmem:s13+$0x0 ss:$0x81] =	vst.msk $0xffff, v63;
	s11 =	sadd.s32 s11, s14;
	s31 =	sor.u32 $0x400, s15  }
0x18: {  	[hbm4b:s11+s31] =	stream.strided.scatter [tilespmem:s12], [sflag:$0x2], $0x4000, s8, s31, $0x20;
	[tilespmem:$0x10100] =	vst v63  }
.LBB1_5:
0x19: {  	s13 =	sadd.s32 $0x1000, s9  }
0x1a: {  	p2 =	sgt.s32 s13, $0x31FFF  }
0x1b: {  	s13 =	smov.u32 @p2 s2;
	p2 =	sne.s32 s10, s7  }
.Ltmp1:
0x1c: {  	p1 =	slt.u32 s10, $0x2;
	(pc) =	sbr.rel @!p2 .LBB1_6-.Ltmp1, $4  }
0x1d: {  	s12 =	simm.s32 @!p1 $0x2  }
0x1e: {  	s14 =	sadd.s32 $0x1, s10;
	_ =	swait.ge @!p1 [sflag:s12], $0x4000  }
0x1f: {  	s11 =	smov.u32 s9;
	p0 =	por !p0, !p0;
	[sflag:s12] =	ssyncset.done @!p1 $0x0  }
0x20: {  	s10 =	smov.u32 s14;
	s9 =	smov.u32 s13;
	[sflag:s12] =	ssyncadd.s32 @!p1 $0xFFFFC000  }
.LBB1_1:
0x21: {  	p1 =	sge.u32 s10, s6  }
0x22: {  	s12 =	sand.u32 @!p1 $0x1FFFFFF, s9  }
0x23: {  	s13 =	smulhi.u32 @!p1 $0x147AE15, s12;
	_ =	sdelay $0x1  }
0x24: {  	s13 =	sshrl.u32 @!p1 s13, $0xA  }
0x25: {  	s13 =	smul.u32 @!p1 $0x32000, s13;
	_ =	sdelay $0x1  }
0x26: {  	s14 =	sxor.u32 @!p1 $0xFFFFFFFF, s10;
	s12 =	ssub.s32 @!p1 s12, s13  }
0x27: {  	s31 =	sadd.s32 $0xFFFFFFFF, s10;
	s13 =	sshll.u32 @!p1 s14, $0xE;
	s12 =	sshll.u32 @!p1 s12, $0x4  }
0x28: {  	s14 =	simm.s32 @!p1 $0x0;
	s13 =	sand.u32 @!p1 $0x4000, s13;
	s12 =	sadd.s32 @!p1 s3, s12  }
0x29: {  	[tilespmem:s13], [sflag:$0x1] =	stream.linear.gather @!p1 [hbm4b:s12+s14], $0x4000, $0x38;
	[tilespmem:$0x10100] =	vst v63  }
0x2a: {  	p1 =	sge.u32 s31, s6  }
.Ltmp2:
0x2b: {  	_ = 	snop;
	(pc) =	sbr.rel @p1 .LBB1_5-.Ltmp2, $1  }
0x2c: {  	_ =	sdelay $0x3  }
0x2d: {  	s12 =	simm.s32 $0x1  }
0x2e: {  	_ =	swait.ge [sflag:s5], $0x4000;
	s12 =	simm.s32 @!p0 $0x0  }
0x2f: {  	[sflag:s5] =	ssyncset.done $0x0;
	s13 =	sshll.u32 s12, $0xE  }
0x30: {  	[sflag:s5] =	ssyncadd.s32 $0xFFFFC000;
	s15 =	sor.u32 $0x40, s13  }
0x31: {  	s12 =	smul.u32 $0x10200, s12;
	v0 =	vld [tilespmem:s15+$0x30]  }
0x32: {  	v1 =	vld [tilespmem:s15+$0xFFFFFFD0]  }
0x33: {  	s12 =	sshrl.u32 s12, $0x2;
	v5 =	vld [tilespmem:s15+$0xFFFFFFE0]  }
0x34: {  	v6 =	vld [tilespmem:s15+$0xFFFFFFF0];
	s13 =	sor.u32 $0x8000, s12  }
0x35: {  	s31 =	sand.u32 $0x1, s10;
	v3 =	vld [tilespmem:s15+$0x0];
	s14 =	sadd.s32 $0x0, s13  }
0x36: {  	v4 =	vld [tilespmem:s15+$0x10];
	s12 =	smul.u32 $0x10200, s31;
	[tilespmem:s14+$0x3870 ss:$0x81] =	vst.msk $0xffff, v0  }
0x37: {  	v2 =	vld [tilespmem:s15+$0x20];
	[tilespmem:s14+$0x810 ss:$0x81] =	vst.msk $0xffff, v1  }
0x38: {  	s12 =	sshrl.u32 s12, $0x2;
	v0 =	vld [tilespmem:s15+$0xFFFFFFC0];
	[tilespmem:s14+$0x1020 ss:$0x81] =	vst.msk $0xffff, v5;
	s15 =	sadd.s32 $0x80, s15  }
0x39: {  	s16 =	simm.s32 $0x4;
	s17 =	simm.s32 $0x8;
	s12 =	sor.u32 $0x8000, s12;
	[tilespmem:s14+$0x1830 ss:$0x81] =	vst.msk $0xffff, v6;
	v1 =	vld [tilespmem:s15+$0x30]  }
.LBB1_3:
0x3a: {  	p1 =	sne.s32 s17, $0x1FC;
	v5 =	vld [tilespmem:s15+$0xFFFFFFD0];
	[tilespmem:s14+$0x2040 ss:$0x81] =	vst.msk $0xffff, v3  }
0x3b: {  	v6 =	vld [tilespmem:s15+$0xFFFFFFE0];
	[tilespmem:s14+$0x2850 ss:$0x81] =	vst.msk $0xffff, v4  }
0x3c: {  	s18 =	sshra.s32 s16, $0x2;
	s16 =	smov.u32 s17;
	v7 =	vld [tilespmem:s15+$0xFFFFFFF0];
	[tilespmem:s14+$0x3060 ss:$0x81] =	vst.msk $0xffff, v2  }
.Ltmp3:
0x3d: {  	v3 =	vld [tilespmem:s15+$0x0];
	[tilespmem:s14+$0x0 ss:$0x81] =	vst.msk $0xffff, v0;
	s14 =	sadd.s32 s18, s13;
	(pc) =	sbr.rel @p1 .LBB1_3-.Ltmp3, $4  }
0x3e: {  	v4 =	vld [tilespmem:s15+$0x10];
	[tilespmem:s14+$0x3870 ss:$0x81] =	vst.msk $0xffff, v1  }
0x3f: {  	[tilespmem:s14+$0x810 ss:$0x81] =	vst.msk $0xffff, v5;
	v2 =	vld [tilespmem:s15+$0x20]  }
0x40: {  	v0 =	vld [tilespmem:s15+$0xFFFFFFC0];
	[tilespmem:s14+$0x1020 ss:$0x81] =	vst.msk $0xffff, v6;
	s15 =	sadd.s32 $0x80, s15  }
0x41: {  	s17 =	sadd.s32 $0x4, s17;
	v1 =	vld [tilespmem:s15+$0x30];
	[tilespmem:s14+$0x1830 ss:$0x81] =	vst.msk $0xffff, v7  }
.Ltmp4:
0x42: {  	_ = 	snop;
	(pc) =	sbr.rel .LBB1_4-.Ltmp4, $1  }
0x43: {  	_ =	sdelay $0x3  }
.LBB1_6:
0x44: {  	_ =	sfence.sel $0x180000  }
0x45: {  	s2 =	simm.s32 $0x1;
	[bflag:$0x0] =	sbarrier.arrive $0xFFFF  }
0x46: {  	s31 =	simm.s32 $0x2;
	[sflag:s2] =	ssyncpa.u1 $0x1  }
0x47: {  	[sflag:s31] =	ssyncpa.u1 $0x1  }
0x48: {  	p0 =	sne.s32 s0, $0x0;
	_ =	strace $0x90000047  }
0x49: {  	s0 =	sadd.s32 @!p0 $0x100000, s1;
	[bflag:$0x2] =	sbarrier.arrive $0xFFFF  }
0x4a: {  	[sflag:s0] =	ssyncadd.tile.s32 @!p0 $0x1;
	_ =	shalt  }
.Lfunc_end1:
_tile_overlayer_lowered:
.L_overlay_start_2:
0x4b: {  	(tag) =	ssettag $0x2  }
0x4c: {  	s0 =	rddreg [dreg:$0x0];
	s2 =	stileid.u32  }
0x4d: {  	s1 =	rddreg [dreg:$0x1];
	p0 =	sne.s32 s2, $0x0  }
0x4e: {  	s3 =	rddreg [dreg:$0x2];
	[bflag:$0x3] =	sbarrier.arrive $0xFFFF;
	s2 =	simm.s32 @!p0 $0x1C01  }
0x4f: {  	[timem:s3], [sflag:s2] =	dma.local @!p0 [hbm:s0], s1  }
0x50: {  	s0 =	simm.s32 @!p0 $0x1  }
0x51: {  	_ =	swait.ge @!p0 [sflag:s0], s1  }
0x52: {  	s1 =	ssub.s32 @!p0 $0x0, s1;
	[sflag:s0] =	ssyncset.done @!p0 $0x0  }
0x53: {  	[sflag:s0] =	ssyncadd.s32 @!p0 s1  }
0x54: {  	[bflag:$0x3] =	sbarrier.arrive $0xFFFF  }
0x55: {  	_ =	shalt  }

// kernel: sparse-core-data-format-call.cloned.1.call-start
scs
called_computation.1_lowered:
.L_overlay_start_0:
0x0: {  	s1 =	sld [smem:$0x3FD9]  }
0x1: {  	s2 =	sld [smem:$0x3FFE];
	_ =	sdelay $0x1  }
0x2: {  	s3 =	srdreg.scid  }
0x3: {  	s0 =	sand.u32 $0x1, s3  }
0x4: {  	s17 =	sshll.u32 s0, $0xA;
	s1 =	sadd.s32 s2, s1  }
0x5: {  	s1 =	sadd.s32 s1, s17  }
0x6: {  	[smem:$0x3FB2] =	sst s1  }
0x7: {  	_ = 	snop  }
0x8: {  	(tm) =	ssettm $0x1  }
0x9: {  	s18 =	sld [smem:$0x3FFB];
	_ =	sdelay $0x3  }
0xa: {  	_ =	strace s18  }
0xb: {  	s1 =	sld [smem:$0x3FFC];
	_ =	sdelay $0x3  }
0xc: {  	_ =	strace s1  }
0xd: {  	s1 =	sld [smem:$0x3FFD];
	_ =	sdelay $0x3  }
0xe: {  	_ =	strace s1  }
0xf: {  	_ =	strace $0x8FFFFFFF  }
0x10: {  	s19 =	sld [smem:$0x3FDB];
	_ =	sdelay $0x1  }
0x11: {  	s20 =	simm.s32 $_scs_section_size  }
0x12: {  	s4 =	simm.s32 $_size__tile_overlayer_lowered;
	s5 =	simm.s32 $_tile_overlayer_lowered  }
0x13: {  	s23 =	simm.s32 $0x1BFF;
	s22 =	sshll.u32 s5, $0x1;
	s1 =	sadd.s32 s20, s19  }
0x14: {  	s6 =	simm.s32 $0x0;
	s21 =	sshll.u32 s4, $0x1;
	s4 =	sadd.s32 s22, s1  }
0x15: {  	[timem:s6], [sflag:s23] =	dma.local [hbm:s4], s21  }
0x16: {  	_ =	swait.ge [sflag:s23], s21  }
0x17: {  	s2 =	ssub.s32 $0x0, s21;
	[sflag:s23] =	ssyncset.done $0x0  }
0x18: {  	[sflag:s23] =	ssyncadd.s32 s2;
	_ =	sdelay $0x1  }
0x19: {  	s24 =	simm.s32 $0x1B8B  }
0x1a: {  	_ =	swait.ge [sflag:s24], $0x1  }
0x1b: {  	[sflag:s24] =	ssyncset.done $0x0  }
0x1c: {  	s26 =	simm.s32 $0x1B8E;
	s25 =	sld [smem:$0x3FFE];
	[sflag:s24] =	ssyncadd.s32 $0xFFFFFFFF  }
0x1d: {  	s27 =	simm.s32 $execute0_lowered;
	[smem:$0x3FD2] =	sst s26  }
0x1e: {  	s4 =	sshll.u32 s27, $0x1;
	_ =	strace $0x80000049;
	[dreg:$0x1] =	wrdreg $0xFFFFFFFF  }
0x1f: {  	s28 =	simm.s32 $_size_execute0_lowered;
	s1 =	sadd.s32 s1, s4;
	[dreg:$0x0] =	wrdreg $0x0  }
0x20: {  	s4 =	sshll.u32 s28, $0x1;
	[dreg:$0x2] =	wrdreg s1  }
0x21: {  	[dreg:$0x3] =	wrdreg s4  }
0x22: {  	[dreg:$0x4] =	wrdreg $0xC0  }
0x23: {  	_ =	task [dreg:s6], $0x5FFFF  }
0x24: {  	[dreg:$0x1] =	wrdreg $0xFFFFFFFF  }
0x25: {  	[dreg:$0x0] =	wrdreg $0x60  }
0x26: {  	[dreg:$0x2] =	wrdreg s25  }
0x27: {  	[dreg:$0x3] =	wrdreg $0x9  }
0x28: {  	_ =	task.clear_ibuf [dreg:s6], $0x4FFFF;
	_ =	strace $0x90000049  }
0x29: {  	s29 =	simm.s32 $0x9;
	_ =	strace $0x8000004B  }
0x2a: {  	_ =	swait.ge [sflag:s29], $0x1  }
0x2b: {  	[sflag:s29] =	ssyncadd.s32 $0xFFFFFFFF  }
0x2c: {  	_ =	strace $0x9000004B  }
0x2d: {  	_ =	sfence  }
0x2e: {  	s30 =	sld [smem:$0x0];
	_ =	sdelay $0x2  }
0x2f: {  	s31 =	sshll.u32 s3, $0xD;
	s3 =	sshrl.u32 s3, $0x2  }
0x30: {  	s2 =	sand.u32 $0x4000, s31;
	s1 =	sadd.s32 s3, s30  }
0x31: {  	s0 =	sor.u32 s2, s0;
	s1 =	sshll.u32 s1, $0x11  }
0x32: {  	s0 =	sor.u32 s1, s0  }
0x33: {  	s0 =	sadd.s32 $0x8F2B, s0  }
0x34: {  	[sflag:s0] =	ssyncadd.remote.s32 $0x1  }
0x35: {  	_ =	sfence.sel $0xFFFF  }
0x36: {  	[dreg:$0x0] =	wrdreg $0xFFFFFFFF;
	(pc) =	sbr.abs _section_cstart, $3  }
0x37: {  	[dreg:$0x1] =	wrdreg $0xFFFFFFFF  }
0x38: {  	_ =	task.clear_ibuf [dreg:s6], $0x2FFFF;
	_ =	strace $0x9FFFFFFF  }
0x39: {  	(tm) =	ssettm $0x7FFFFFFF  }
tec
execute0_lowered:
.L_overlay_start_1:
0x0: {  	(tag) =	ssettag $0x1  }
0x1: {  	s0 =	srdreg.scid  }
0x2: {  	s5 =	rddreg [dreg:$0x0];
	s1 =	sshll.u32 s0, $0x4  }
0x3: {  	s4 =	simm.s32 $0x1;
	s0 =	stileid.u32;
	s1 =	sand.u32 $0x10, s1  }
0x4: {  	s8 =	simm.s32 $0x2;
	s12 =	simm.s32 $0x0;
	s2 =	sor.u32 s0, s1  }
0x5: {  	s11 =	simm.s32 $0x0;
	s9 =	simm.s32 $0x0;
	s2 =	sshll.u32 s2, $0x7  }
0x6: {  	s10 =	simm.s32 $0x0;
	s3 =	sadd.s32 $0x402A00, s5;
	s6 =	ssub.s32 $0x32000, s2  }
.Ltmp0:
0x7: {  	s1 =	rddreg [dreg:$0x1];
	s7 =	sand.u32 $0xF80, s6;
	(pc) =	sbr.rel .LBB1_1-.Ltmp0, $4  }
0x8: {  	_ =	strace $0x8000004A;
	p0 =	sne.s32 s7, $0x0;
	s7 =	simm.s32 $0x1  }
0x9: {  	[sflag:s4] =	ssyncpa.u1 $0x0;
	s6 =	sshrl.u32 s6, $0xC;
	s7 =	simm.s32 @!p0 $0x0  }
0xa: {  	s5 =	sadd.s32 $0xE2A00, s5;
	[sflag:s8] =	ssyncpa.u1 $0x0;
	s6 =	sadd.s32 s7, s6  }
0xb: {  	s8 =	smov.u32 s2;
	p0 =	por $0x0, $0x0;
	s7 =	sadd.s32 $0x1, s6  }
.LBB1_4:
0xc: {  	s12 =	sshll.u32 s12, $0x7;
	s18 =	sshll.u32 s11, $0x3  }
0xd: {  	v5 =	vld [tilespmem:s16+$0xFFFFFFD0];
	[tilespmem:s15+$0x2040 ss:$0x81] =	vst.msk $0xffff, v4;
	s19 =	sand.u32 $0xFFFFFC00, s12;
	s18 =	sand.u32 $0xFFFFFC00, s18  }
0xe: {  	v58 =	vld [tilespmem:s16+$0xFFFFFFE0];
	[tilespmem:s15+$0x2850 ss:$0x81] =	vst.msk $0xffff, v3;
	s12 =	sand.u32 $0x380, s12;
	s18 =	sadd.s32 s18, s19  }
0xf: {  	s17 =	sshra.s32 s17, $0x2;
	v59 =	vld [tilespmem:s16+$0xFFFFFFF0];
	[tilespmem:s15+$0x3060 ss:$0x81] =	vst.msk $0xffff, v2;
	s12 =	sor.u32 s12, s18  }
0x10: {  	v60 =	vld [tilespmem:s16+$0x0];
	[tilespmem:s15+$0x0 ss:$0x81] =	vst.msk $0xffff, v0;
	s14 =	sadd.s32 s17, s14;
	s12 =	sshrl.u32 s12, $0x7  }
0x11: {  	v61 =	vld [tilespmem:s16+$0x10];
	[tilespmem:s14+$0x3870 ss:$0x81] =	vst.msk $0xffff, v1;
	s28 =	smulhi.u32 $0x147AE15, s12  }
0x12: {  	v62 =	vld [tilespmem:s16+$0x20];
	[tilespmem:s14+$0x810 ss:$0x81] =	vst.msk $0xffff, v5  }
0x13: {  	v63 =	vld [tilespmem:s16+$0xFFFFFFC0];
	[tilespmem:s14+$0x1020 ss:$0x81] =	vst.msk $0xffff, v58;
	s15 =	sshrl.u32 s28, $0xA  }
0x14: {  	[tilespmem:s14+$0x1830 ss:$0x81] =	vst.msk $0xffff, v59;
	s15 =	smul.u32 $0x32000, s15  }
0x15: {  	s29 =	sshrl.u32 s11, $0x3;
	[tilespmem:s14+$0x2040 ss:$0x81] =	vst.msk $0xffff, v60  }
0x16: {  	s30 =	sand.u32 $0xF, s29;
	[tilespmem:s14+$0x2850 ss:$0x81] =	vst.msk $0xffff, v61;
	s12 =	ssub.s32 s12, s15  }
0x17: {  	[tilespmem:s14+$0x3060 ss:$0x81] =	vst.msk $0xffff, v62;
	s15 =	sadd.s32 s5, s30;
	s12 =	sshll.u32 s12, $0x4  }
0x18: {  	s31 =	sand.u32 $0x7, s11;
	[tilespmem:s14+$0x0 ss:$0x81] =	vst.msk $0xffff, v63;
	s12 =	sadd.s32 s12, s15  }
0x19: {  	[hbm4b:s12+s31] =	stream.linear.scatter [tilespmem:s13], [sflag:$0x2], $0x4000, $0x20;
	[tilespmem:$0x10100] =	vst v63  }
.LBB1_5:
0x1a: {  	s13 =	sadd.s32 $0x1000, s8  }
0x1b: {  	s11 =	sadd.s32 $0x80, s9;
	s15 =	smov.u32 s9;
	p2 =	sgt.s32 s13, $0x31FFF  }
0x1c: {  	s15 =	smov.u32 @p2 s11  }
0x1d: {  	s13 =	smov.u32 @p2 s2;
	p2 =	sgt.s32 s15, $0x7F  }
0x1e: {  	s15 =	simm.s32 @p2 $0x0;
	p2 =	sne.s32 s10, s7  }
.Ltmp1:
0x1f: {  	p1 =	slt.u32 s10, $0x2;
	(pc) =	sbr.rel @!p2 .LBB1_6-.Ltmp1, $4  }
0x20: {  	s14 =	simm.s32 @!p1 $0x2  }
0x21: {  	s12 =	smov.u32 s8;
	p0 =	por !p0, !p0;
	_ =	swait.ge @!p1 [sflag:s14], $0x4000  }
0x22: {  	s11 =	smov.u32 s9;
	[sflag:s14] =	ssyncset.done @!p1 $0x0;
	s8 =	smov.u32 s13  }
0x23: {  	s10 =	sadd.s32 $0x1, s10;
	[sflag:s14] =	ssyncadd.s32 @!p1 $0xFFFFC000;
	s9 =	smov.u32 s15  }
.LBB1_1:
0x24: {  	p1 =	sge.u32 s10, s6  }
0x25: {  	s13 =	sshrl.u32 @!p1 s9, $0x3  }
0x26: {  	s14 =	sshll.u32 @!p1 s8, $0x3;
	s15 =	sshll.u32 @!p1 s9, $0x7;
	s13 =	smul.u32 @!p1 $0x190000, s13  }
0x27: {  	s16 =	sand.u32 @!p1 $0x7F, s8;
	s14 =	sand.u32 @!p1 $0xFFFFFC00, s14;
	s15 =	sand.u32 @!p1 $0x380, s15  }
0x28: {  	s13 =	sadd.s32 @!p1 s13, s14;
	s14 =	sor.u32 @!p1 s16, s15  }
0x29: {  	s14 =	sor.u32 @!p1 s13, s14  }
0x2a: {  	s15 =	smulhi.u32 @!p1 $0x51EB851F, s14;
	_ =	sdelay $0x1  }
0x2b: {  	s13 =	smulhi.u32 @!p1 $0x51EB851F, s13;
	s15 =	sshrl.u32 @!p1 s15, $0x10  }
0x2c: {  	s15 =	smul.u32 @!p1 $0x32000, s15  }
0x2d: {  	s31 =	sadd.s32 $0xFFFFFFFF, s10;
	s16 =	sxor.u32 @!p1 $0xFFFFFFFF, s10;
	s13 =	sshrl.u32 @!p1 s13, $0x10  }
0x2e: {  	s16 =	sshll.u32 @!p1 s16, $0xE;
	s13 =	sand.u32 @!p1 $0x7F, s13;
	s14 =	ssub.s32 @!p1 s14, s15  }
0x2f: {  	s13 =	smul.u32 @!p1 $0x6400, s13;
	s15 =	sshrl.u32 @!p1 s14, $0x3;
	s14 =	sand.u32 @!p1 $0x7, s14  }
0x30: {  	s16 =	sand.u32 @!p1 $0x4000, s16;
	s15 =	sadd.s32 @!p1 s3, s15;
	s14 =	sshll.u32 @!p1 s14, $0x12  }
0x31: {  	s13 =	sadd.s32 @!p1 s13, s15;
	s14 =	sor.u32 @!p1 $0x400, s14;
	s15 =	simm.s32 @!p1 $0x190000  }
0x32: {  	[tilespmem:s16], [sflag:$0x1] =	stream.strided.gather @!p1 [hbm4b:s13+s14], $0x4000, s15, s14, $0x38;
	[tilespmem:$0x10100] =	vst v63  }
0x33: {  	p1 =	sge.u32 s31, s6  }
.Ltmp2:
0x34: {  	_ = 	snop;
	(pc) =	sbr.rel @p1 .LBB1_5-.Ltmp2, $1  }
0x35: {  	_ =	sdelay $0x3  }
0x36: {  	s13 =	simm.s32 $0x1  }
0x37: {  	_ =	swait.ge [sflag:s4], $0x4000;
	s13 =	simm.s32 @!p0 $0x0  }
0x38: {  	[sflag:s4] =	ssyncset.done $0x0;
	s14 =	sshll.u32 s13, $0xE  }
0x39: {  	[sflag:s4] =	ssyncadd.s32 $0xFFFFC000;
	s16 =	sor.u32 $0x40, s14  }
0x3a: {  	s13 =	smul.u32 $0x10200, s13;
	v0 =	vld [tilespmem:s16+$0x30]  }
0x3b: {  	v1 =	vld [tilespmem:s16+$0xFFFFFFD0]  }
0x3c: {  	s13 =	sshrl.u32 s13, $0x2;
	v5 =	vld [tilespmem:s16+$0xFFFFFFE0]  }
0x3d: {  	v6 =	vld [tilespmem:s16+$0xFFFFFFF0];
	s14 =	sor.u32 $0x8000, s13  }
0x3e: {  	s31 =	sand.u32 $0x1, s10;
	v4 =	vld [tilespmem:s16+$0x0];
	s15 =	sadd.s32 $0x0, s14  }
0x3f: {  	v3 =	vld [tilespmem:s16+$0x10];
	s13 =	smul.u32 $0x10200, s31;
	[tilespmem:s15+$0x3870 ss:$0x81] =	vst.msk $0xffff, v0  }
0x40: {  	v2 =	vld [tilespmem:s16+$0x20];
	[tilespmem:s15+$0x810 ss:$0x81] =	vst.msk $0xffff, v1  }
0x41: {  	s13 =	sshrl.u32 s13, $0x2;
	v0 =	vld [tilespmem:s16+$0xFFFFFFC0];
	[tilespmem:s15+$0x1020 ss:$0x81] =	vst.msk $0xffff, v5;
	s16 =	sadd.s32 $0x80, s16  }
0x42: {  	s17 =	simm.s32 $0x4;
	s18 =	simm.s32 $0x8;
	s13 =	sor.u32 $0x8000, s13;
	[tilespmem:s15+$0x1830 ss:$0x81] =	vst.msk $0xffff, v6;
	v1 =	vld [tilespmem:s16+$0x30]  }
.LBB1_3:
0x43: {  	p1 =	sne.s32 s18, $0x1FC;
	v5 =	vld [tilespmem:s16+$0xFFFFFFD0];
	[tilespmem:s15+$0x2040 ss:$0x81] =	vst.msk $0xffff, v4  }
0x44: {  	v6 =	vld [tilespmem:s16+$0xFFFFFFE0];
	[tilespmem:s15+$0x2850 ss:$0x81] =	vst.msk $0xffff, v3  }
0x45: {  	s19 =	sshra.s32 s17, $0x2;
	s17 =	smov.u32 s18;
	v7 =	vld [tilespmem:s16+$0xFFFFFFF0];
	[tilespmem:s15+$0x3060 ss:$0x81] =	vst.msk $0xffff, v2  }
.Ltmp3:
0x46: {  	v4 =	vld [tilespmem:s16+$0x0];
	[tilespmem:s15+$0x0 ss:$0x81] =	vst.msk $0xffff, v0;
	s15 =	sadd.s32 s19, s14;
	(pc) =	sbr.rel @p1 .LBB1_3-.Ltmp3, $4  }
0x47: {  	v3 =	vld [tilespmem:s16+$0x10];
	[tilespmem:s15+$0x3870 ss:$0x81] =	vst.msk $0xffff, v1  }
0x48: {  	[tilespmem:s15+$0x810 ss:$0x81] =	vst.msk $0xffff, v5;
	v2 =	vld [tilespmem:s16+$0x20]  }
0x49: {  	v0 =	vld [tilespmem:s16+$0xFFFFFFC0];
	[tilespmem:s15+$0x1020 ss:$0x81] =	vst.msk $0xffff, v6;
	s16 =	sadd.s32 $0x80, s16  }
0x4a: {  	s18 =	sadd.s32 $0x4, s18;
	v1 =	vld [tilespmem:s16+$0x30];
	[tilespmem:s15+$0x1830 ss:$0x81] =	vst.msk $0xffff, v7  }
.Ltmp4:
0x4b: {  	_ = 	snop;
	(pc) =	sbr.rel .LBB1_4-.Ltmp4, $1  }
0x4c: {  	_ =	sdelay $0x3  }
.LBB1_6:
0x4d: {  	_ =	sfence.sel $0x180000  }
0x4e: {  	s2 =	simm.s32 $0x1;
	[bflag:$0x0] =	sbarrier.arrive $0xFFFF  }
0x4f: {  	s31 =	simm.s32 $0x2;
	[sflag:s2] =	ssyncpa.u1 $0x1  }
0x50: {  	[sflag:s31] =	ssyncpa.u1 $0x1  }
0x51: {  	p0 =	sne.s32 s0, $0x0;
	_ =	strace $0x9000004A  }
0x52: {  	s0 =	sadd.s32 @!p0 $0x100000, s1;
	[bflag:$0x2] =	sbarrier.arrive $0xFFFF  }
0x53: {  	[sflag:s0] =	ssyncadd.tile.s32 @!p0 $0x1;
	_ =	shalt  }
.Lfunc_end1:
_tile_overlayer_lowered:
.L_overlay_start_2:
0x54: {  	(tag) =	ssettag $0x2  }
0x55: {  	s0 =	rddreg [dreg:$0x0];
	s2 =	stileid.u32  }
0x56: {  	s1 =	rddreg [dreg:$0x1];
	p0 =	sne.s32 s2, $0x0  }
0x57: {  	s3 =	rddreg [dreg:$0x2];
	[bflag:$0x3] =	sbarrier.arrive $0xFFFF;
	s2 =	simm.s32 @!p0 $0x1C01  }
0x58: {  	[timem:s3], [sflag:s2] =	dma.local @!p0 [hbm:s0], s1  }
0x59: {  	s0 =	simm.s32 @!p0 $0x1  }
0x5a: {  	_ =	swait.ge @!p0 [sflag:s0], s1  }
0x5b: {  	s1 =	ssub.s32 @!p0 $0x0, s1;
	[sflag:s0] =	ssyncset.done @!p0 $0x0  }
0x5c: {  	[sflag:s0] =	ssyncadd.s32 @!p0 s1  }
0x5d: {  	[bflag:$0x3] =	sbarrier.arrive $0xFFFF  }
0x5e: {  	_ =	shalt  }

</sc_bundles>
